<compile_context>
chip_gen: v7x
topology: tpu7x:2x2x1
jax: 0.10.2.dev20260603
libtpu: 0.0.44.dev20260713+nightly
codegen_flags: <defaults>
</compile_context>

<pallas_src>
import functools

import jax
import jax.numpy as jnp
from jax import lax
from jax.experimental import pallas as pl
from jax.experimental.pallas import tpu as pltpu
from jax.experimental.pallas import tpu_sc as plsc

N = 10000
E = 320000
D = 64

NC = 2
NS = 16
LANES = 16
CHUNK = 128
CPT = 79
EPT = CHUNK * CPT
EPAD = EPT * NC * NS
NPAD = 10240
ROWS_PER_TILE = NPAD // NS


def _init_body(f_ref, w1_ref, b1_ref, w2_ref, b2_ref, a0_ref, h0_ref, rst_ref):
    x = jnp.dot(f_ref[...], w1_ref[...], preferred_element_type=jnp.float32)
    x = jnp.maximum(x + b1_ref[...][None, :], 0.0)
    x = jnp.dot(x, w2_ref[...], preferred_element_type=jnp.float32)
    x = x + b2_ref[...][None, :]
    ss = jnp.sum(x * x, axis=0)
    h0 = x / jnp.maximum(jnp.sqrt(ss), 1e-8)[None, :]
    h0_ref[...] = h0
    rst_ref[...] = a0_ref[...][None, :] * h0


def _init_call(features, W1, b1, W2, b2, a0):
    return pl.pallas_call(
        _init_body,
        out_shape=(
            jax.ShapeDtypeStruct((N, D), jnp.float32),
            jax.ShapeDtypeStruct((N, D), jnp.float32),
        ),
    )(features, W1, b1, W2, b2, a0)


def _spmm_body(h_hbm, src_hbm, dst_hbm, w_hbm, out_hbm,
               src_v, dst_v, w_v, rows_v, zero_v, acc_sh, sem):
    cid = lax.axis_index("c")
    sid = lax.axis_index("s")
    tid = cid * NS + sid

    def zrow(i, _):
        for c4 in range(D // LANES):
            zero_v[i, pl.ds(c4 * LANES, LANES)] = jnp.zeros((LANES,), jnp.float32)
        return 0
    lax.fori_loop(0, ROWS_PER_TILE, zrow, 0)
    pltpu.sync_copy(zero_v, acc_sh.at[pl.ds(sid * ROWS_PER_TILE, ROWS_PER_TILE)])
    plsc.subcore_barrier()

    def chunk_body(k, _):
        off = tid * EPT + k * CHUNK
        pltpu.sync_copy(src_hbm.at[pl.ds(off, CHUNK)], src_v)
        pltpu.sync_copy(dst_hbm.at[pl.ds(off, CHUNK)], dst_v)
        pltpu.sync_copy(w_hbm.at[pl.ds(off, CHUNK)], w_v)
        pltpu.async_copy(h_hbm.at[src_v], rows_v, sem).wait()

        def mul_body(j, _):
            wj = plsc.load_gather(w_v, [jnp.full((LANES,), j, jnp.int32)])
            for c4 in range(D // LANES):
                sl = pl.ds(c4 * LANES, LANES)
                rows_v[j, sl] = rows_v[j, sl] * wj
            return 0
        lax.fori_loop(0, CHUNK, mul_body, 0)

        pltpu.sync_copy(rows_v, acc_sh.at[dst_v], add=True)
        return 0

    lax.fori_loop(0, CPT, chunk_body, 0)
    plsc.subcore_barrier()

    r0 = sid * ROWS_PER_TILE
    pltpu.sync_copy(acc_sh.at[pl.ds(r0, ROWS_PER_TILE)],
                    out_hbm.at[cid, pl.ds(r0, ROWS_PER_TILE)])


@functools.partial(
    pl.kernel,
    out_type=jax.ShapeDtypeStruct((NC, NPAD, D), jnp.float32),
    mesh=plsc.VectorSubcoreMesh(core_axis_name="c", subcore_axis_name="s"),
    compiler_params=pltpu.CompilerParams(
        needs_layout_passes=False, use_tc_tiling_on_sc=False),
    scratch_types=[
        pltpu.VMEM((CHUNK,), jnp.int32),
        pltpu.VMEM((CHUNK,), jnp.int32),
        pltpu.VMEM((CHUNK,), jnp.float32),
        pltpu.VMEM((CHUNK, D), jnp.float32),
        pltpu.VMEM((ROWS_PER_TILE, D), jnp.float32),
        pltpu.VMEM_SHARED((NPAD, D), jnp.float32),
        pltpu.SemaphoreType.DMA,
    ],
)
def _spmm_call(h_hbm, src_hbm, dst_hbm, w_hbm, out_hbm,
               src_v, dst_v, w_v, rows_v, zero_v, acc_sh, sem):
    _spmm_body(h_hbm, src_hbm, dst_hbm, w_hbm, out_hbm,
               src_v, dst_v, w_v, rows_v, zero_v, acc_sh, sem)


def _hop_body(p_ref, last_ref, second_ref, acc_ref, ai_ref, h_ref, out_ref):
    r = p_ref[0, :N] + p_ref[1, :N]
    last = last_ref[...]
    second = second_ref[...]
    t1 = jnp.sum(r * last, axis=0)
    r = r - t1[None, :] * last
    t2 = jnp.sum(r * second, axis=0)
    r = r - t2[None, :] * second
    nrm = jnp.sqrt(jnp.sum(r * r, axis=0))
    h = r / jnp.maximum(nrm, 1e-8)[None, :]
    h_ref[...] = h
    out_ref[...] = acc_ref[...] + ai_ref[...][None, :] * h


def _hop_call(p, last, second, acc, ai):
    return pl.pallas_call(
        _hop_body,
        out_shape=(
            jax.ShapeDtypeStruct((N, D), jnp.float32),
            jax.ShapeDtypeStruct((N, D), jnp.float32),
        ),
    )(p, last, second, acc, ai)


def kernel(features, edge_index, norm_A, W1, b1, W2, b2, alpha):
    K = alpha.shape[1] - 1
    pad = EPAD - E
    src = jnp.concatenate([edge_index[0], jnp.zeros((pad,), jnp.int32)])
    dst = jnp.concatenate([edge_index[1], jnp.zeros((pad,), jnp.int32)])
    w = jnp.concatenate([norm_A, jnp.zeros((pad,), jnp.float32)])

    h0, rst = _init_call(features, W1, b1, W2, b2, alpha[:, 0])
    last = h0
    second = jnp.zeros_like(h0)
    for i in range(1, K + 1):
        p = _spmm_call(last, src, dst, w)
        h_new, rst = _hop_call(p, last, second, rst, alpha[:, i])
        second = last
        last = h_new
    return rst

# --- scband reference (transcript-rebuilt; emitter-appended) ---
"""Pipeline reference for scband-normal-nnv2-9345848836277 (READ-ONLY COPY).

The authoritative reference and input builder live on the scoring server;
editing this copy changes nothing except your own understanding.
"""

import jax, jax.numpy as jnp
import numpy as np

N = 10000
E = 320000
D_IN = 128
D_HID = 256
D_OUT = 64
K = 10


def setup_inputs(seed: int = 0):
    key = jax.random.key(seed)
    ks = jax.random.split(key, 8)
    features = jax.random.normal(ks[0], (N, D_IN), dtype=jnp.float32)
    edge_index = jax.random.randint(ks[1], (2, E), 0, N, dtype=jnp.int32)
    norm_A = jax.random.uniform(ks[2], (E,), dtype=jnp.float32) * 0.1
    W1 = jax.random.normal(ks[3], (D_IN, D_HID), dtype=jnp.float32) * 0.05
    b1 = jnp.zeros((D_HID,), dtype=jnp.float32)
    W2 = jax.random.normal(ks[4], (D_HID, D_OUT), dtype=jnp.float32) * 0.05
    b2 = jnp.zeros((D_OUT,), dtype=jnp.float32)
    alpha = jnp.zeros((D_OUT, K + 1), dtype=jnp.float32).at[:, 0].set(1.0)
    return {"features": features, "edge_index": edge_index, "norm_A": norm_A,
            "W1": W1, "b1": b1, "W2": W2, "b2": b2, "alpha": alpha}


def _spmm(edge_index, norm_A, h):
    # sparse A @ h : gather from src nodes, weight by norm_A, scatter-add to dst nodes
    src = edge_index[0]
    dst = edge_index[1]
    msg = norm_A[:, None] * jnp.take(h, src, axis=0)
    return jnp.zeros_like(h).at[dst].add(msg)


def _normal_basis_conv(edge_index, norm_A, last_h, second_last_h):
    # NormalBasisConv (OptBasisGNN): three-term recurrence with per-channel
    # Gram-Schmidt against last two basis vectors, then column-normalize.
    rst = _spmm(edge_index, norm_A, last_h)
    t = jnp.einsum('nh,nh->h', rst, last_h)
    rst = rst - t[None, :] * last_h
    t = jnp.einsum('nh,nh->h', rst, second_last_h)
    rst = rst - t[None, :] * second_last_h
    rst = rst / jnp.maximum(jnp.linalg.norm(rst, axis=0), 1e-8)
    return rst


def reference(features, edge_index, norm_A, W1, b1, W2, b2, alpha):
    # dropout probs are 0.0 -> identity
    x = features @ W1 + b1
    x = jnp.maximum(x, 0.0)  # act_fn = relu
    x = x @ W2 + b2
    h0 = x / jnp.maximum(jnp.linalg.norm(x, axis=0), 1e-8)
    rst = alpha[:, 0][None, :] * h0
    last_h = h0
    second_last_h = jnp.zeros_like(h0)
    for i in range(1, K + 1):
        h_i = _normal_basis_conv(edge_index, norm_A, last_h, second_last_h)
        rst = rst + alpha[:, i][None, :] * h_i
        second_last_h = last_h
        last_h = h_i
    return rst

if __name__ == "__main__":
    import jax
    _d = setup_inputs()
    print(jax.jit(kernel)(*tuple(_d.values())))

</pallas_src>

<mosaic_0001>
#map = affine_map<(d0, d1) -> (0, 0)>
#map1 = affine_map<(d0, d1) -> (0)>
#map2 = affine_map<(d0, d1) -> (0, 0, 0)>
module attributes {stable_mosaic.version = 14 : i64} {
  func.func @_spmm_call(%arg0: i32, %arg1: i32, %arg2: memref<10000x64xf32, #tpu.memory_space<hbm>>, %arg3: memref<323584xi32, #tpu.memory_space<hbm>>, %arg4: memref<323584xi32, #tpu.memory_space<hbm>>, %arg5: memref<323584xf32, #tpu.memory_space<hbm>>, %arg6: memref<2x10240x64xf32, #tpu.memory_space<hbm>>, %arg7: memref<128xi32, #tpu.memory_space<vmem>>, %arg8: memref<128xi32, #tpu.memory_space<vmem>>, %arg9: memref<128xf32, #tpu.memory_space<vmem>>, %arg10: memref<128x64xf32, #tpu.memory_space<vmem>>, %arg11: memref<640x64xf32, #tpu.memory_space<vmem>>, %arg12: memref<10240x64xf32, #tpu.memory_space<vmem_shared>>, %arg13: memref<!tpu.dma_semaphore, #tpu.memory_space<semaphore_mem>>) attributes {dimension_semantics = [#tpu.dimension_semantics<core_parallel>, #tpu.dimension_semantics<subcore_parallel>], iteration_bounds = array<i64: 2, 16>, scalar_prefetch = 0 : i64, scratch_operands = 7 : i64, tpu.core_type = #tpu.core_type<sc_vector_subcore>, window_params = [{transform_indices = #map}, {transform_indices = #map1}, {transform_indices = #map1}, {transform_indices = #map1}, {transform_indices = #map2}]} {
    %mul3A = arith.constant 16 : i32
    %mul3A_0 = arith.muli %arg0, %mul3A : i32
    %add3A = arith.addi %mul3A_0, %arg1 : i32
    %scan3A = arith.constant 0 : i32
    %scan3A_1 = arith.constant 0 : i32
    %scan3A_2 = arith.constant 640 : i32
    %scan3A_3 = arith.addi %scan3A_1, %scan3A_2 : i32
    %scan3A_4 = arith.constant 1 : i32
    %scan3A_5 = scf.for %scan3A_19 = %scan3A_1 to %scan3A_3 step %scan3A_4 iter_args(%scan3A_20 = %scan3A) -> (i32)  : i32 {
      %broadcast_in_dim3A = arith.constant 0.000000e+00 : f32
      %broadcast_in_dim3A_21 = vector.broadcast %broadcast_in_dim3A : f32 to vector<16xf32>
      %swap3A = arith.index_cast %scan3A_19 : i32 to index
      %swap3A_22 = arith.constant 0 : index
      %swap3A_23 = tpu.vector_load %arg11[%swap3A, %swap3A_22] {strides = array<i32>} : memref<640x64xf32, #tpu.memory_space<vmem>>, vector<16xf32>,
      tpu.vector_store %arg11[%swap3A, %swap3A_22], %broadcast_in_dim3A_21 {strides = array<i32>} : memref<640x64xf32, #tpu.memory_space<vmem>>, vector<16xf32>,
      %broadcast_in_dim3A_24 = arith.constant 0.000000e+00 : f32
      %broadcast_in_dim3A_25 = vector.broadcast %broadcast_in_dim3A_24 : f32 to vector<16xf32>
      %swap3A_26 = arith.index_cast %scan3A_19 : i32 to index
      %swap3A_27 = arith.constant 16 : index
      %swap3A_28 = tpu.vector_load %arg11[%swap3A_26, %swap3A_27] {strides = array<i32>} : memref<640x64xf32, #tpu.memory_space<vmem>>, vector<16xf32>,
      tpu.vector_store %arg11[%swap3A_26, %swap3A_27], %broadcast_in_dim3A_25 {strides = array<i32>} : memref<640x64xf32, #tpu.memory_space<vmem>>, vector<16xf32>,
      %broadcast_in_dim3A_29 = arith.constant 0.000000e+00 : f32
      %broadcast_in_dim3A_30 = vector.broadcast %broadcast_in_dim3A_29 : f32 to vector<16xf32>
      %swap3A_31 = arith.index_cast %scan3A_19 : i32 to index
      %swap3A_32 = arith.constant 32 : index
      %swap3A_33 = tpu.vector_load %arg11[%swap3A_31, %swap3A_32] {strides = array<i32>} : memref<640x64xf32, #tpu.memory_space<vmem>>, vector<16xf32>,
      tpu.vector_store %arg11[%swap3A_31, %swap3A_32], %broadcast_in_dim3A_30 {strides = array<i32>} : memref<640x64xf32, #tpu.memory_space<vmem>>, vector<16xf32>,
      %broadcast_in_dim3A_34 = arith.constant 0.000000e+00 : f32
      %broadcast_in_dim3A_35 = vector.broadcast %broadcast_in_dim3A_34 : f32 to vector<16xf32>
      %swap3A_36 = arith.index_cast %scan3A_19 : i32 to index
      %swap3A_37 = arith.constant 48 : index
      %swap3A_38 = tpu.vector_load %arg11[%swap3A_36, %swap3A_37] {strides = array<i32>} : memref<640x64xf32, #tpu.memory_space<vmem>>, vector<16xf32>,
      tpu.vector_store %arg11[%swap3A_36, %swap3A_37], %broadcast_in_dim3A_35 {strides = array<i32>} : memref<640x64xf32, #tpu.memory_space<vmem>>, vector<16xf32>,
      %scan3A_39 = arith.constant 0 : i32
      scf.yield %scan3A_39 : i32
    }
    %scan3A_6 = arith.constant 640 : i32
    %mul3A_7 = arith.constant 640 : i32
    %mul3A_8 = arith.muli %arg1, %mul3A_7 : i32
    "tpu.region"() ({
      %run_scoped3A = tpu.sem_alloc : memref<!tpu.dma_semaphore, #tpu.memory_space<semaphore_mem>>
      %dma_start3A = arith.constant 0 : i32
      %dma_start3A_19 = tpu.memref_slice %arg12[%mul3A_8, %dma_start3A] : memref<10240x64xf32, #tpu.memory_space<vmem_shared>> -> memref<640x64xf32, #tpu.memory_space<vmem_shared>>
      %dma_start3A_20 = arith.constant 0 : i32
      %dma_start3A_21 = tpu.memref_slice %arg12[%mul3A_8, %dma_start3A_20] : memref<10240x64xf32, #tpu.memory_space<vmem_shared>> -> memref<640x64xf32, #tpu.memory_space<vmem_shared>>
      tpu.enqueue_dma source(%arg11 : memref<640x64xf32, #tpu.memory_space<vmem>>) target(%dma_start3A_21 : memref<640x64xf32, #tpu.memory_space<vmem_shared>>) target_semaphore(%run_scoped3A : memref<!tpu.dma_semaphore, #tpu.memory_space<semaphore_mem>>)
      %dma_wait3A = arith.constant 0 : i32
      %dma_wait3A_22 = tpu.memref_slice %arg12[%mul3A_8, %dma_wait3A] : memref<10240x64xf32, #tpu.memory_space<vmem_shared>> -> memref<640x64xf32, #tpu.memory_space<vmem_shared>>
      %dma_wait3A_23 = arith.constant 0 : i32
      %dma_wait3A_24 = tpu.memref_slice %arg12[%mul3A_8, %dma_wait3A_23] : memref<10240x64xf32, #tpu.memory_space<vmem_shared>> -> memref<640x64xf32, #tpu.memory_space<vmem_shared>>
      tpu.wait_dma2 semaphore(%run_scoped3A : memref<!tpu.dma_semaphore, #tpu.memory_space<semaphore_mem>>) src(%arg11 : memref<640x64xf32, #tpu.memory_space<vmem>>) dst(%dma_wait3A_24 : memref<640x64xf32, #tpu.memory_space<vmem_shared>>)
      tpu.yield
    }) : () -> ()
    %barrier3A = arith.constant 0 : index
    tpu.barrier barrier_id(%barrier3A)
    %scan3A_9 = arith.constant 0 : i32
    %scan3A_10 = arith.constant 0 : i32
    %scan3A_11 = arith.constant 79 : i32
    %scan3A_12 = arith.addi %scan3A_10, %scan3A_11 : i32
    %scan3A_13 = arith.constant 1 : i32
    %scan3A_14 = scf.for %scan3A_19 = %scan3A_10 to %scan3A_12 step %scan3A_13 iter_args(%scan3A_20 = %scan3A_9) -> (i32)  : i32 {
      %mul3A_21 = arith.constant 10112 : i32
      %mul3A_22 = arith.muli %add3A, %mul3A_21 : i32
      %mul3A_23 = arith.constant 128 : i32
      %mul3A_24 = arith.muli %scan3A_19, %mul3A_23 : i32
      %add3A_25 = arith.addi %mul3A_22, %mul3A_24 : i32
      "tpu.region"() ({
        %run_scoped3A = tpu.sem_alloc : memref<!tpu.dma_semaphore, #tpu.memory_space<semaphore_mem>>
        %dma_start3A_38 = tpu.memref_slice %arg3[%add3A_25] : memref<323584xi32, #tpu.memory_space<hbm>> -> memref<128xi32, #tpu.memory_space<hbm>>
        %dma_start3A_39 = tpu.memref_slice %arg3[%add3A_25] : memref<323584xi32, #tpu.memory_space<hbm>> -> memref<128xi32, #tpu.memory_space<hbm>>
        tpu.enqueue_dma source(%dma_start3A_39 : memref<128xi32, #tpu.memory_space<hbm>>) target(%arg7 : memref<128xi32, #tpu.memory_space<vmem>>) target_semaphore(%run_scoped3A : memref<!tpu.dma_semaphore, #tpu.memory_space<semaphore_mem>>)
        %dma_wait3A_40 = tpu.memref_slice %arg3[%add3A_25] : memref<323584xi32, #tpu.memory_space<hbm>> -> memref<128xi32, #tpu.memory_space<hbm>>
        %dma_wait3A_41 = tpu.memref_slice %arg3[%add3A_25] : memref<323584xi32, #tpu.memory_space<hbm>> -> memref<128xi32, #tpu.memory_space<hbm>>
        tpu.wait_dma2 semaphore(%run_scoped3A : memref<!tpu.dma_semaphore, #tpu.memory_space<semaphore_mem>>) src(%dma_wait3A_41 : memref<128xi32, #tpu.memory_space<hbm>>) dst(%arg7 : memref<128xi32, #tpu.memory_space<vmem>>)
        tpu.yield
      }) : () -> ()
      "tpu.region"() ({
        %run_scoped3A = tpu.sem_alloc : memref<!tpu.dma_semaphore, #tpu.memory_space<semaphore_mem>>
        %dma_start3A_38 = tpu.memref_slice %arg4[%add3A_25] : memref<323584xi32, #tpu.memory_space<hbm>> -> memref<128xi32, #tpu.memory_space<hbm>>
        %dma_start3A_39 = tpu.memref_slice %arg4[%add3A_25] : memref<323584xi32, #tpu.memory_space<hbm>> -> memref<128xi32, #tpu.memory_space<hbm>>
        tpu.enqueue_dma source(%dma_start3A_39 : memref<128xi32, #tpu.memory_space<hbm>>) target(%arg8 : memref<128xi32, #tpu.memory_space<vmem>>) target_semaphore(%run_scoped3A : memref<!tpu.dma_semaphore, #tpu.memory_space<semaphore_mem>>)
        %dma_wait3A_40 = tpu.memref_slice %arg4[%add3A_25] : memref<323584xi32, #tpu.memory_space<hbm>> -> memref<128xi32, #tpu.memory_space<hbm>>
        %dma_wait3A_41 = tpu.memref_slice %arg4[%add3A_25] : memref<323584xi32, #tpu.memory_space<hbm>> -> memref<128xi32, #tpu.memory_space<hbm>>
        tpu.wait_dma2 semaphore(%run_scoped3A : memref<!tpu.dma_semaphore, #tpu.memory_space<semaphore_mem>>) src(%dma_wait3A_41 : memref<128xi32, #tpu.memory_space<hbm>>) dst(%arg8 : memref<128xi32, #tpu.memory_space<vmem>>)
        tpu.yield
      }) : () -> ()
      "tpu.region"() ({
        %run_scoped3A = tpu.sem_alloc : memref<!tpu.dma_semaphore, #tpu.memory_space<semaphore_mem>>
        %dma_start3A_38 = tpu.memref_slice %arg5[%add3A_25] : memref<323584xf32, #tpu.memory_space<hbm>> -> memref<128xf32, #tpu.memory_space<hbm>>
        %dma_start3A_39 = tpu.memref_slice %arg5[%add3A_25] : memref<323584xf32, #tpu.memory_space<hbm>> -> memref<128xf32, #tpu.memory_space<hbm>>
        tpu.enqueue_dma source(%dma_start3A_39 : memref<128xf32, #tpu.memory_space<hbm>>) target(%arg9 : memref<128xf32, #tpu.memory_space<vmem>>) target_semaphore(%run_scoped3A : memref<!tpu.dma_semaphore, #tpu.memory_space<semaphore_mem>>)
        %dma_wait3A_40 = tpu.memref_slice %arg5[%add3A_25] : memref<323584xf32, #tpu.memory_space<hbm>> -> memref<128xf32, #tpu.memory_space<hbm>>
        %dma_wait3A_41 = tpu.memref_slice %arg5[%add3A_25] : memref<323584xf32, #tpu.memory_space<hbm>> -> memref<128xf32, #tpu.memory_space<hbm>>
        tpu.wait_dma2 semaphore(%run_scoped3A : memref<!tpu.dma_semaphore, #tpu.memory_space<semaphore_mem>>) src(%dma_wait3A_41 : memref<128xf32, #tpu.memory_space<hbm>>) dst(%arg9 : memref<128xf32, #tpu.memory_space<vmem>>)
        tpu.yield
      }) : () -> ()
      %dma_start3A = arith.constant 0 : i32
      %dma_start3A_26 = arith.constant 0 : i32
      %dma_start3A_27 = tpu.memref_slice %arg2[%dma_start3A, %dma_start3A_26] : memref<10000x64xf32, #tpu.memory_space<hbm>> -> memref<10000x64xf32, #tpu.memory_space<hbm>>
      tpu.enqueue_indirect_dma source(%dma_start3A_27 : memref<10000x64xf32, #tpu.memory_space<hbm>>) target(%arg10 : memref<128x64xf32, #tpu.memory_space<vmem>>) offsets(%arg7 : memref<128xi32, #tpu.memory_space<vmem>>) semaphore(%arg13 : memref<!tpu.dma_semaphore, #tpu.memory_space<semaphore_mem>>)
      %dma_wait3A = arith.constant 0 : i32
      %dma_wait3A_28 = arith.constant 0 : i32
      %dma_wait3A_29 = tpu.memref_slice %arg2[%dma_wait3A, %dma_wait3A_28] : memref<10000x64xf32, #tpu.memory_space<hbm>> -> memref<10000x64xf32, #tpu.memory_space<hbm>>
      tpu.wait_indirect_dma semaphore(%arg13 : memref<!tpu.dma_semaphore, #tpu.memory_space<semaphore_mem>>) src(%dma_wait3A_29 : memref<10000x64xf32, #tpu.memory_space<hbm>>) dst(%arg10 : memref<128x64xf32, #tpu.memory_space<vmem>>)
      %scan3A_30 = arith.constant 0 : i32
      %scan3A_31 = arith.constant 0 : i32
      %scan3A_32 = arith.constant 128 : i32
      %scan3A_33 = arith.addi %scan3A_31, %scan3A_32 : i32
      %scan3A_34 = arith.constant 1 : i32
      %scan3A_35 = scf.for %scan3A_38 = %scan3A_31 to %scan3A_33 step %scan3A_34 iter_args(%scan3A_39 = %scan3A_30) -> (i32)  : i32 {
        %broadcast_in_dim3A = vector.broadcast %scan3A_38 : i32 to vector<16xi32>
        %gather3A = tpu.vector_load_idx %arg9[%broadcast_in_dim3A] : memref<128xf32, #tpu.memory_space<vmem>>[vector<16xi32>], vector<16xf32>,
        %get3A = arith.index_cast %scan3A_38 : i32 to index
        %get3A_40 = arith.constant 0 : index
        %get3A_41 = tpu.vector_load %arg10[%get3A, %get3A_40] {strides = array<i32>} : memref<128x64xf32, #tpu.memory_space<vmem>>, vector<16xf32>,
        %mul3A_42 = arith.mulf %get3A_41, %gather3A : vector<16xf32>
        %swap3A = arith.index_cast %scan3A_38 : i32 to index
        %swap3A_43 = arith.constant 0 : index
        %swap3A_44 = tpu.vector_load %arg10[%swap3A, %swap3A_43] {strides = array<i32>} : memref<128x64xf32, #tpu.memory_space<vmem>>, vector<16xf32>,
        tpu.vector_store %arg10[%swap3A, %swap3A_43], %mul3A_42 {strides = array<i32>} : memref<128x64xf32, #tpu.memory_space<vmem>>, vector<16xf32>,
        %get3A_45 = arith.index_cast %scan3A_38 : i32 to index
        %get3A_46 = arith.constant 16 : index
        %get3A_47 = tpu.vector_load %arg10[%get3A_45, %get3A_46] {strides = array<i32>} : memref<128x64xf32, #tpu.memory_space<vmem>>, vector<16xf32>,
        %mul3A_48 = arith.mulf %get3A_47, %gather3A : vector<16xf32>
        %swap3A_49 = arith.index_cast %scan3A_38 : i32 to index
        %swap3A_50 = arith.constant 16 : index
        %swap3A_51 = tpu.vector_load %arg10[%swap3A_49, %swap3A_50] {strides = array<i32>} : memref<128x64xf32, #tpu.memory_space<vmem>>, vector<16xf32>,
        tpu.vector_store %arg10[%swap3A_49, %swap3A_50], %mul3A_48 {strides = array<i32>} : memref<128x64xf32, #tpu.memory_space<vmem>>, vector<16xf32>,
        %get3A_52 = arith.index_cast %scan3A_38 : i32 to index
        %get3A_53 = arith.constant 32 : index
        %get3A_54 = tpu.vector_load %arg10[%get3A_52, %get3A_53] {strides = array<i32>} : memref<128x64xf32, #tpu.memory_space<vmem>>, vector<16xf32>,
        %mul3A_55 = arith.mulf %get3A_54, %gather3A : vector<16xf32>
        %swap3A_56 = arith.index_cast %scan3A_38 : i32 to index
        %swap3A_57 = arith.constant 32 : index
        %swap3A_58 = tpu.vector_load %arg10[%swap3A_56, %swap3A_57] {strides = array<i32>} : memref<128x64xf32, #tpu.memory_space<vmem>>, vector<16xf32>,
        tpu.vector_store %arg10[%swap3A_56, %swap3A_57], %mul3A_55 {strides = array<i32>} : memref<128x64xf32, #tpu.memory_space<vmem>>, vector<16xf32>,
        %get3A_59 = arith.index_cast %scan3A_38 : i32 to index
        %get3A_60 = arith.constant 48 : index
        %get3A_61 = tpu.vector_load %arg10[%get3A_59, %get3A_60] {strides = array<i32>} : memref<128x64xf32, #tpu.memory_space<vmem>>, vector<16xf32>,
        %mul3A_62 = arith.mulf %get3A_61, %gather3A : vector<16xf32>
        %swap3A_63 = arith.index_cast %scan3A_38 : i32 to index
        %swap3A_64 = arith.constant 48 : index
        %swap3A_65 = tpu.vector_load %arg10[%swap3A_63, %swap3A_64] {strides = array<i32>} : memref<128x64xf32, #tpu.memory_space<vmem>>, vector<16xf32>,
        tpu.vector_store %arg10[%swap3A_63, %swap3A_64], %mul3A_62 {strides = array<i32>} : memref<128x64xf32, #tpu.memory_space<vmem>>, vector<16xf32>,
        %scan3A_66 = arith.constant 0 : i32
        scf.yield %scan3A_66 : i32
      }
      %scan3A_36 = arith.constant 128 : i32
      "tpu.region"() ({
        %run_scoped3A = tpu.sem_alloc : memref<!tpu.dma_semaphore, #tpu.memory_space<semaphore_mem>>
        %dma_start3A_38 = arith.constant 0 : i32
        %dma_start3A_39 = arith.constant 0 : i32
        %dma_start3A_40 = tpu.memref_slice %arg12[%dma_start3A_38, %dma_start3A_39] : memref<10240x64xf32, #tpu.memory_space<vmem_shared>> -> memref<10240x64xf32, #tpu.memory_space<vmem_shared>>
        tpu.enqueue_indirect_dma source(%arg10 : memref<128x64xf32, #tpu.memory_space<vmem>>) target(%dma_start3A_40 : memref<10240x64xf32, #tpu.memory_space<vmem_shared>>) offsets(%arg8 : memref<128xi32, #tpu.memory_space<vmem>>) semaphore(%run_scoped3A : memref<!tpu.dma_semaphore, #tpu.memory_space<semaphore_mem>>) {add = true}
        %dma_wait3A_41 = arith.constant 0 : i32
        %dma_wait3A_42 = arith.constant 0 : i32
        %dma_wait3A_43 = tpu.memref_slice %arg12[%dma_wait3A_41, %dma_wait3A_42] : memref<10240x64xf32, #tpu.memory_space<vmem_shared>> -> memref<10240x64xf32, #tpu.memory_space<vmem_shared>>
        tpu.wait_indirect_dma semaphore(%run_scoped3A : memref<!tpu.dma_semaphore, #tpu.memory_space<semaphore_mem>>) src(%arg10 : memref<128x64xf32, #tpu.memory_space<vmem>>) dst(%dma_wait3A_43 : memref<10240x64xf32, #tpu.memory_space<vmem_shared>>)
        tpu.yield
      }) : () -> ()
      %scan3A_37 = arith.constant 0 : i32
      scf.yield %scan3A_37 : i32
    }
    %scan3A_15 = arith.constant 79 : i32
    %barrier3A_16 = arith.constant 0 : index
    tpu.barrier barrier_id(%barrier3A_16)
    %mul3A_17 = arith.constant 640 : i32
    %mul3A_18 = arith.muli %arg1, %mul3A_17 : i32
    "tpu.region"() ({
      %run_scoped3A = tpu.sem_alloc : memref<!tpu.dma_semaphore, #tpu.memory_space<semaphore_mem>>
      %dma_start3A = arith.constant 0 : i32
      %dma_start3A_19 = tpu.memref_slice %arg6[%arg0, %mul3A_18, %dma_start3A] : memref<2x10240x64xf32, #tpu.memory_space<hbm>> -> memref<1x640x64xf32, #tpu.memory_space<hbm>>
      %dma_start3A_20 = tpu.memref_squeeze %dma_start3A_19 : memref<1x640x64xf32, #tpu.memory_space<hbm>> -> memref<640x64xf32, #tpu.memory_space<hbm>>
      %dma_start3A_21 = arith.constant 0 : i32
      %dma_start3A_22 = tpu.memref_slice %arg12[%mul3A_18, %dma_start3A_21] : memref<10240x64xf32, #tpu.memory_space<vmem_shared>> -> memref<640x64xf32, #tpu.memory_space<vmem_shared>>
      tpu.enqueue_dma source(%dma_start3A_22 : memref<640x64xf32, #tpu.memory_space<vmem_shared>>) target(%dma_start3A_20 : memref<640x64xf32, #tpu.memory_space<hbm>>) target_semaphore(%run_scoped3A : memref<!tpu.dma_semaphore, #tpu.memory_space<semaphore_mem>>)
      %dma_wait3A = arith.constant 0 : i32
      %dma_wait3A_23 = tpu.memref_slice %arg6[%arg0, %mul3A_18, %dma_wait3A] : memref<2x10240x64xf32, #tpu.memory_space<hbm>> -> memref<1x640x64xf32, #tpu.memory_space<hbm>>
      %dma_wait3A_24 = tpu.memref_squeeze %dma_wait3A_23 : memref<1x640x64xf32, #tpu.memory_space<hbm>> -> memref<640x64xf32, #tpu.memory_space<hbm>>
      %dma_wait3A_25 = arith.constant 0 : i32
      %dma_wait3A_26 = tpu.memref_slice %arg12[%mul3A_18, %dma_wait3A_25] : memref<10240x64xf32, #tpu.memory_space<vmem_shared>> -> memref<640x64xf32, #tpu.memory_space<vmem_shared>>
      tpu.wait_dma2 semaphore(%run_scoped3A : memref<!tpu.dma_semaphore, #tpu.memory_space<semaphore_mem>>) src(%dma_wait3A_26 : memref<640x64xf32, #tpu.memory_space<vmem_shared>>) dst(%dma_wait3A_24 : memref<640x64xf32, #tpu.memory_space<hbm>>)
      tpu.yield
    }) : () -> ()
    return
  }
}

#map = affine_map<(d0, d1) -> (0, 0)>
#map1 = affine_map<(d0, d1) -> (0)>
#map2 = affine_map<(d0, d1) -> (0, 0, 0)>
module attributes {stable_mosaic.version = 14 : i64} {
  func.func @_spmm_call(%arg0: i32, %arg1: i32, %arg2: memref<10000x64xf32, #tpu.memory_space<hbm>>, %arg3: memref<323584xi32, #tpu.memory_space<hbm>>, %arg4: memref<323584xi32, #tpu.memory_space<hbm>>, %arg5: memref<323584xf32, #tpu.memory_space<hbm>>, %arg6: memref<2x10240x64xf32, #tpu.memory_space<hbm>>, %arg7: memref<128xi32, #tpu.memory_space<vmem>>, %arg8: memref<128xi32, #tpu.memory_space<vmem>>, %arg9: memref<128xf32, #tpu.memory_space<vmem>>, %arg10: memref<128x64xf32, #tpu.memory_space<vmem>>, %arg11: memref<640x64xf32, #tpu.memory_space<vmem>>, %arg12: memref<10240x64xf32, #tpu.memory_space<vmem_shared>>, %arg13: memref<!tpu.dma_semaphore, #tpu.memory_space<semaphore_mem>>) attributes {dimension_semantics = [#tpu.dimension_semantics<core_parallel>, #tpu.dimension_semantics<subcore_parallel>], iteration_bounds = array<i64: 2, 16>, scalar_prefetch = 0 : i64, scratch_operands = 7 : i64, tpu.core_type = #tpu.core_type<sc_vector_subcore>, window_params = [{transform_indices = #map}, {transform_indices = #map1}, {transform_indices = #map1}, {transform_indices = #map1}, {transform_indices = #map2}]} {
    %mul3A = arith.constant 16 : i32
    %mul3A_0 = arith.muli %arg0, %mul3A : i32
    %add3A = arith.addi %mul3A_0, %arg1 : i32
    %scan3A = arith.constant 0 : i32
    %scan3A_1 = arith.constant 0 : i32
    %scan3A_2 = arith.constant 640 : i32
    %scan3A_3 = arith.addi %scan3A_1, %scan3A_2 : i32
    %scan3A_4 = arith.constant 1 : i32
    %scan3A_5 = scf.for %scan3A_19 = %scan3A_1 to %scan3A_3 step %scan3A_4 iter_args(%scan3A_20 = %scan3A) -> (i32)  : i32 {
      %broadcast_in_dim3A = arith.constant 0.000000e+00 : f32
      %broadcast_in_dim3A_21 = vector.broadcast %broadcast_in_dim3A : f32 to vector<16xf32>
      %swap3A = arith.index_cast %scan3A_19 : i32 to index
      %swap3A_22 = arith.constant 0 : index
      %swap3A_23 = tpu.vector_load %arg11[%swap3A, %swap3A_22] {strides = array<i32>} : memref<640x64xf32, #tpu.memory_space<vmem>>, vector<16xf32>,
      tpu.vector_store %arg11[%swap3A, %swap3A_22], %broadcast_in_dim3A_21 {strides = array<i32>} : memref<640x64xf32, #tpu.memory_space<vmem>>, vector<16xf32>,
      %broadcast_in_dim3A_24 = arith.constant 0.000000e+00 : f32
      %broadcast_in_dim3A_25 = vector.broadcast %broadcast_in_dim3A_24 : f32 to vector<16xf32>
      %swap3A_26 = arith.index_cast %scan3A_19 : i32 to index
      %swap3A_27 = arith.constant 16 : index
      %swap3A_28 = tpu.vector_load %arg11[%swap3A_26, %swap3A_27] {strides = array<i32>} : memref<640x64xf32, #tpu.memory_space<vmem>>, vector<16xf32>,
      tpu.vector_store %arg11[%swap3A_26, %swap3A_27], %broadcast_in_dim3A_25 {strides = array<i32>} : memref<640x64xf32, #tpu.memory_space<vmem>>, vector<16xf32>,
      %broadcast_in_dim3A_29 = arith.constant 0.000000e+00 : f32
      %broadcast_in_dim3A_30 = vector.broadcast %broadcast_in_dim3A_29 : f32 to vector<16xf32>
      %swap3A_31 = arith.index_cast %scan3A_19 : i32 to index
      %swap3A_32 = arith.constant 32 : index
      %swap3A_33 = tpu.vector_load %arg11[%swap3A_31, %swap3A_32] {strides = array<i32>} : memref<640x64xf32, #tpu.memory_space<vmem>>, vector<16xf32>,
      tpu.vector_store %arg11[%swap3A_31, %swap3A_32], %broadcast_in_dim3A_30 {strides = array<i32>} : memref<640x64xf32, #tpu.memory_space<vmem>>, vector<16xf32>,
      %broadcast_in_dim3A_34 = arith.constant 0.000000e+00 : f32
      %broadcast_in_dim3A_35 = vector.broadcast %broadcast_in_dim3A_34 : f32 to vector<16xf32>
      %swap3A_36 = arith.index_cast %scan3A_19 : i32 to index
      %swap3A_37 = arith.constant 48 : index
      %swap3A_38 = tpu.vector_load %arg11[%swap3A_36, %swap3A_37] {strides = array<i32>} : memref<640x64xf32, #tpu.memory_space<vmem>>, vector<16xf32>,
      tpu.vector_store %arg11[%swap3A_36, %swap3A_37], %broadcast_in_dim3A_35 {strides = array<i32>} : memref<640x64xf32, #tpu.memory_space<vmem>>, vector<16xf32>,
      %scan3A_39 = arith.constant 0 : i32
      scf.yield %scan3A_39 : i32
    }
    %scan3A_6 = arith.constant 640 : i32
    %mul3A_7 = arith.constant 640 : i32
    %mul3A_8 = arith.muli %arg1, %mul3A_7 : i32
    "tpu.region"() ({
      %run_scoped3A = tpu.sem_alloc : memref<!tpu.dma_semaphore, #tpu.memory_space<semaphore_mem>>
      %dma_start3A = arith.constant 0 : i32
      %dma_start3A_19 = tpu.memref_slice %arg12[%mul3A_8, %dma_start3A] : memref<10240x64xf32, #tpu.memory_space<vmem_shared>> -> memref<640x64xf32, #tpu.memory_space<vmem_shared>>
      %dma_start3A_20 = arith.constant 0 : i32
      %dma_start3A_21 = tpu.memref_slice %arg12[%mul3A_8, %dma_start3A_20] : memref<10240x64xf32, #tpu.memory_space<vmem_shared>> -> memref<640x64xf32, #tpu.memory_space<vmem_shared>>
      tpu.enqueue_dma source(%arg11 : memref<640x64xf32, #tpu.memory_space<vmem>>) target(%dma_start3A_21 : memref<640x64xf32, #tpu.memory_space<vmem_shared>>) target_semaphore(%run_scoped3A : memref<!tpu.dma_semaphore, #tpu.memory_space<semaphore_mem>>)
      %dma_wait3A = arith.constant 0 : i32
      %dma_wait3A_22 = tpu.memref_slice %arg12[%mul3A_8, %dma_wait3A] : memref<10240x64xf32, #tpu.memory_space<vmem_shared>> -> memref<640x64xf32, #tpu.memory_space<vmem_shared>>
      %dma_wait3A_23 = arith.constant 0 : i32
      %dma_wait3A_24 = tpu.memref_slice %arg12[%mul3A_8, %dma_wait3A_23] : memref<10240x64xf32, #tpu.memory_space<vmem_shared>> -> memref<640x64xf32, #tpu.memory_space<vmem_shared>>
      tpu.wait_dma2 semaphore(%run_scoped3A : memref<!tpu.dma_semaphore, #tpu.memory_space<semaphore_mem>>) src(%arg11 : memref<640x64xf32, #tpu.memory_space<vmem>>) dst(%dma_wait3A_24 : memref<640x64xf32, #tpu.memory_space<vmem_shared>>)
      tpu.yield
    }) : () -> ()
    %barrier3A = arith.constant 0 : index
    tpu.barrier barrier_id(%barrier3A)
    %scan3A_9 = arith.constant 0 : i32
    %scan3A_10 = arith.constant 0 : i32
    %scan3A_11 = arith.constant 79 : i32
    %scan3A_12 = arith.addi %scan3A_10, %scan3A_11 : i32
    %scan3A_13 = arith.constant 1 : i32
    %scan3A_14 = scf.for %scan3A_19 = %scan3A_10 to %scan3A_12 step %scan3A_13 iter_args(%scan3A_20 = %scan3A_9) -> (i32)  : i32 {
      %mul3A_21 = arith.constant 10112 : i32
      %mul3A_22 = arith.muli %add3A, %mul3A_21 : i32
      %mul3A_23 = arith.constant 128 : i32
      %mul3A_24 = arith.muli %scan3A_19, %mul3A_23 : i32
      %add3A_25 = arith.addi %mul3A_22, %mul3A_24 : i32
      "tpu.region"() ({
        %run_scoped3A = tpu.sem_alloc : memref<!tpu.dma_semaphore, #tpu.memory_space<semaphore_mem>>
        %dma_start3A_38 = tpu.memref_slice %arg3[%add3A_25] : memref<323584xi32, #tpu.memory_space<hbm>> -> memref<128xi32, #tpu.memory_space<hbm>>
        %dma_start3A_39 = tpu.memref_slice %arg3[%add3A_25] : memref<323584xi32, #tpu.memory_space<hbm>> -> memref<128xi32, #tpu.memory_space<hbm>>
        tpu.enqueue_dma source(%dma_start3A_39 : memref<128xi32, #tpu.memory_space<hbm>>) target(%arg7 : memref<128xi32, #tpu.memory_space<vmem>>) target_semaphore(%run_scoped3A : memref<!tpu.dma_semaphore, #tpu.memory_space<semaphore_mem>>)
        %dma_wait3A_40 = tpu.memref_slice %arg3[%add3A_25] : memref<323584xi32, #tpu.memory_space<hbm>> -> memref<128xi32, #tpu.memory_space<hbm>>
        %dma_wait3A_41 = tpu.memref_slice %arg3[%add3A_25] : memref<323584xi32, #tpu.memory_space<hbm>> -> memref<128xi32, #tpu.memory_space<hbm>>
        tpu.wait_dma2 semaphore(%run_scoped3A : memref<!tpu.dma_semaphore, #tpu.memory_space<semaphore_mem>>) src(%dma_wait3A_41 : memref<128xi32, #tpu.memory_space<hbm>>) dst(%arg7 : memref<128xi32, #tpu.memory_space<vmem>>)
        tpu.yield
      }) : () -> ()
      "tpu.region"() ({
        %run_scoped3A = tpu.sem_alloc : memref<!tpu.dma_semaphore, #tpu.memory_space<semaphore_mem>>
        %dma_start3A_38 = tpu.memref_slice %arg4[%add3A_25] : memref<323584xi32, #tpu.memory_space<hbm>> -> memref<128xi32, #tpu.memory_space<hbm>>
        %dma_start3A_39 = tpu.memref_slice %arg4[%add3A_25] : memref<323584xi32, #tpu.memory_space<hbm>> -> memref<128xi32, #tpu.memory_space<hbm>>
        tpu.enqueue_dma source(%dma_start3A_39 : memref<128xi32, #tpu.memory_space<hbm>>) target(%arg8 : memref<128xi32, #tpu.memory_space<vmem>>) target_semaphore(%run_scoped3A : memref<!tpu.dma_semaphore, #tpu.memory_space<semaphore_mem>>)
        %dma_wait3A_40 = tpu.memref_slice %arg4[%add3A_25] : memref<323584xi32, #tpu.memory_space<hbm>> -> memref<128xi32, #tpu.memory_space<hbm>>
        %dma_wait3A_41 = tpu.memref_slice %arg4[%add3A_25] : memref<323584xi32, #tpu.memory_space<hbm>> -> memref<128xi32, #tpu.memory_space<hbm>>
        tpu.wait_dma2 semaphore(%run_scoped3A : memref<!tpu.dma_semaphore, #tpu.memory_space<semaphore_mem>>) src(%dma_wait3A_41 : memref<128xi32, #tpu.memory_space<hbm>>) dst(%arg8 : memref<128xi32, #tpu.memory_space<vmem>>)
        tpu.yield
      }) : () -> ()
      "tpu.region"() ({
        %run_scoped3A = tpu.sem_alloc : memref<!tpu.dma_semaphore, #tpu.memory_space<semaphore_mem>>
        %dma_start3A_38 = tpu.memref_slice %arg5[%add3A_25] : memref<323584xf32, #tpu.memory_space<hbm>> -> memref<128xf32, #tpu.memory_space<hbm>>
        %dma_start3A_39 = tpu.memref_slice %arg5[%add3A_25] : memref<323584xf32, #tpu.memory_space<hbm>> -> memref<128xf32, #tpu.memory_space<hbm>>
        tpu.enqueue_dma source(%dma_start3A_39 : memref<128xf32, #tpu.memory_space<hbm>>) target(%arg9 : memref<128xf32, #tpu.memory_space<vmem>>) target_semaphore(%run_scoped3A : memref<!tpu.dma_semaphore, #tpu.memory_space<semaphore_mem>>)
        %dma_wait3A_40 = tpu.memref_slice %arg5[%add3A_25] : memref<323584xf32, #tpu.memory_space<hbm>> -> memref<128xf32, #tpu.memory_space<hbm>>
        %dma_wait3A_41 = tpu.memref_slice %arg5[%add3A_25] : memref<323584xf32, #tpu.memory_space<hbm>> -> memref<128xf32, #tpu.memory_space<hbm>>
        tpu.wait_dma2 semaphore(%run_scoped3A : memref<!tpu.dma_semaphore, #tpu.memory_space<semaphore_mem>>) src(%dma_wait3A_41 : memref<128xf32, #tpu.memory_space<hbm>>) dst(%arg9 : memref<128xf32, #tpu.memory_space<vmem>>)
        tpu.yield
      }) : () -> ()
      %dma_start3A = arith.constant 0 : i32
      %dma_start3A_26 = arith.constant 0 : i32
      %dma_start3A_27 = tpu.memref_slice %arg2[%dma_start3A, %dma_start3A_26] : memref<10000x64xf32, #tpu.memory_space<hbm>> -> memref<10000x64xf32, #tpu.memory_space<hbm>>
      tpu.enqueue_indirect_dma source(%dma_start3A_27 : memref<10000x64xf32, #tpu.memory_space<hbm>>) target(%arg10 : memref<128x64xf32, #tpu.memory_space<vmem>>) offsets(%arg7 : memref<128xi32, #tpu.memory_space<vmem>>) semaphore(%arg13 : memref<!tpu.dma_semaphore, #tpu.memory_space<semaphore_mem>>)
      %dma_wait3A = arith.constant 0 : i32
      %dma_wait3A_28 = arith.constant 0 : i32
      %dma_wait3A_29 = tpu.memref_slice %arg2[%dma_wait3A, %dma_wait3A_28] : memref<10000x64xf32, #tpu.memory_space<hbm>> -> memref<10000x64xf32, #tpu.memory_space<hbm>>
      tpu.wait_indirect_dma semaphore(%arg13 : memref<!tpu.dma_semaphore, #tpu.memory_space<semaphore_mem>>) src(%dma_wait3A_29 : memref<10000x64xf32, #tpu.memory_space<hbm>>) dst(%arg10 : memref<128x64xf32, #tpu.memory_space<vmem>>)
      %scan3A_30 = arith.constant 0 : i32
      %scan3A_31 = arith.constant 0 : i32
      %scan3A_32 = arith.constant 128 : i32
      %scan3A_33 = arith.addi %scan3A_31, %scan3A_32 : i32
      %scan3A_34 = arith.constant 1 : i32
      %scan3A_35 = scf.for %scan3A_38 = %scan3A_31 to %scan3A_33 step %scan3A_34 iter_args(%scan3A_39 = %scan3A_30) -> (i32)  : i32 {
        %broadcast_in_dim3A = vector.broadcast %scan3A_38 : i32 to vector<16xi32>
        %gather3A = tpu.vector_load_idx %arg9[%broadcast_in_dim3A] : memref<128xf32, #tpu.memory_space<vmem>>[vector<16xi32>], vector<16xf32>,
        %get3A = arith.index_cast %scan3A_38 : i32 to index
        %get3A_40 = arith.constant 0 : index
        %get3A_41 = tpu.vector_load %arg10[%get3A, %get3A_40] {strides = array<i32>} : memref<128x64xf32, #tpu.memory_space<vmem>>, vector<16xf32>,
        %mul3A_42 = arith.mulf %get3A_41, %gather3A : vector<16xf32>
        %swap3A = arith.index_cast %scan3A_38 : i32 to index
        %swap3A_43 = arith.constant 0 : index
        %swap3A_44 = tpu.vector_load %arg10[%swap3A, %swap3A_43] {strides = array<i32>} : memref<128x64xf32, #tpu.memory_space<vmem>>, vector<16xf32>,
        tpu.vector_store %arg10[%swap3A, %swap3A_43], %mul3A_42 {strides = array<i32>} : memref<128x64xf32, #tpu.memory_space<vmem>>, vector<16xf32>,
        %get3A_45 = arith.index_cast %scan3A_38 : i32 to index
        %get3A_46 = arith.constant 16 : index
        %get3A_47 = tpu.vector_load %arg10[%get3A_45, %get3A_46] {strides = array<i32>} : memref<128x64xf32, #tpu.memory_space<vmem>>, vector<16xf32>,
        %mul3A_48 = arith.mulf %get3A_47, %gather3A : vector<16xf32>
        %swap3A_49 = arith.index_cast %scan3A_38 : i32 to index
        %swap3A_50 = arith.constant 16 : index
        %swap3A_51 = tpu.vector_load %arg10[%swap3A_49, %swap3A_50] {strides = array<i32>} : memref<128x64xf32, #tpu.memory_space<vmem>>, vector<16xf32>,
        tpu.vector_store %arg10[%swap3A_49, %swap3A_50], %mul3A_48 {strides = array<i32>} : memref<128x64xf32, #tpu.memory_space<vmem>>, vector<16xf32>,
        %get3A_52 = arith.index_cast %scan3A_38 : i32 to index
        %get3A_53 = arith.constant 32 : index
        %get3A_54 = tpu.vector_load %arg10[%get3A_52, %get3A_53] {strides = array<i32>} : memref<128x64xf32, #tpu.memory_space<vmem>>, vector<16xf32>,
        %mul3A_55 = arith.mulf %get3A_54, %gather3A : vector<16xf32>
        %swap3A_56 = arith.index_cast %scan3A_38 : i32 to index
        %swap3A_57 = arith.constant 32 : index
        %swap3A_58 = tpu.vector_load %arg10[%swap3A_56, %swap3A_57] {strides = array<i32>} : memref<128x64xf32, #tpu.memory_space<vmem>>, vector<16xf32>,
        tpu.vector_store %arg10[%swap3A_56, %swap3A_57], %mul3A_55 {strides = array<i32>} : memref<128x64xf32, #tpu.memory_space<vmem>>, vector<16xf32>,
        %get3A_59 = arith.index_cast %scan3A_38 : i32 to index
        %get3A_60 = arith.constant 48 : index
        %get3A_61 = tpu.vector_load %arg10[%get3A_59, %get3A_60] {strides = array<i32>} : memref<128x64xf32, #tpu.memory_space<vmem>>, vector<16xf32>,
        %mul3A_62 = arith.mulf %get3A_61, %gather3A : vector<16xf32>
        %swap3A_63 = arith.index_cast %scan3A_38 : i32 to index
        %swap3A_64 = arith.constant 48 : index
        %swap3A_65 = tpu.vector_load %arg10[%swap3A_63, %swap3A_64] {strides = array<i32>} : memref<128x64xf32, #tpu.memory_space<vmem>>, vector<16xf32>,
        tpu.vector_store %arg10[%swap3A_63, %swap3A_64], %mul3A_62 {strides = array<i32>} : memref<128x64xf32, #tpu.memory_space<vmem>>, vector<16xf32>,
        %scan3A_66 = arith.constant 0 : i32
        scf.yield %scan3A_66 : i32
      }
      %scan3A_36 = arith.constant 128 : i32
      "tpu.region"() ({
        %run_scoped3A = tpu.sem_alloc : memref<!tpu.dma_semaphore, #tpu.memory_space<semaphore_mem>>
        %dma_start3A_38 = arith.constant 0 : i32
        %dma_start3A_39 = arith.constant 0 : i32
        %dma_start3A_40 = tpu.memref_slice %arg12[%dma_start3A_38, %dma_start3A_39] : memref<10240x64xf32, #tpu.memory_space<vmem_shared>> -> memref<10240x64xf32, #tpu.memory_space<vmem_shared>>
        tpu.enqueue_indirect_dma source(%arg10 : memref<128x64xf32, #tpu.memory_space<vmem>>) target(%dma_start3A_40 : memref<10240x64xf32, #tpu.memory_space<vmem_shared>>) offsets(%arg8 : memref<128xi32, #tpu.memory_space<vmem>>) semaphore(%run_scoped3A : memref<!tpu.dma_semaphore, #tpu.memory_space<semaphore_mem>>) {add = true}
        %dma_wait3A_41 = arith.constant 0 : i32
        %dma_wait3A_42 = arith.constant 0 : i32
        %dma_wait3A_43 = tpu.memref_slice %arg12[%dma_wait3A_41, %dma_wait3A_42] : memref<10240x64xf32, #tpu.memory_space<vmem_shared>> -> memref<10240x64xf32, #tpu.memory_space<vmem_shared>>
        tpu.wait_indirect_dma semaphore(%run_scoped3A : memref<!tpu.dma_semaphore, #tpu.memory_space<semaphore_mem>>) src(%arg10 : memref<128x64xf32, #tpu.memory_space<vmem>>) dst(%dma_wait3A_43 : memref<10240x64xf32, #tpu.memory_space<vmem_shared>>)
        tpu.yield
      }) : () -> ()
      %scan3A_37 = arith.constant 0 : i32
      scf.yield %scan3A_37 : i32
    }
    %scan3A_15 = arith.constant 79 : i32
    %barrier3A_16 = arith.constant 0 : index
    tpu.barrier barrier_id(%barrier3A_16)
    %mul3A_17 = arith.constant 640 : i32
    %mul3A_18 = arith.muli %arg1, %mul3A_17 : i32
    "tpu.region"() ({
      %run_scoped3A = tpu.sem_alloc : memref<!tpu.dma_semaphore, #tpu.memory_space<semaphore_mem>>
      %dma_start3A = arith.constant 0 : i32
      %dma_start3A_19 = tpu.memref_slice %arg6[%arg0, %mul3A_18, %dma_start3A] : memref<2x10240x64xf32, #tpu.memory_space<hbm>> -> memref<1x640x64xf32, #tpu.memory_space<hbm>>
      %dma_start3A_20 = tpu.memref_squeeze %dma_start3A_19 : memref<1x640x64xf32, #tpu.memory_space<hbm>> -> memref<640x64xf32, #tpu.memory_space<hbm>>
      %dma_start3A_21 = arith.constant 0 : i32
      %dma_start3A_22 = tpu.memref_slice %arg12[%mul3A_18, %dma_start3A_21] : memref<10240x64xf32, #tpu.memory_space<vmem_shared>> -> memref<640x64xf32, #tpu.memory_space<vmem_shared>>
      tpu.enqueue_dma source(%dma_start3A_22 : memref<640x64xf32, #tpu.memory_space<vmem_shared>>) target(%dma_start3A_20 : memref<640x64xf32, #tpu.memory_space<hbm>>) target_semaphore(%run_scoped3A : memref<!tpu.dma_semaphore, #tpu.memory_space<semaphore_mem>>)
      %dma_wait3A = arith.constant 0 : i32
      %dma_wait3A_23 = tpu.memref_slice %arg6[%arg0, %mul3A_18, %dma_wait3A] : memref<2x10240x64xf32, #tpu.memory_space<hbm>> -> memref<1x640x64xf32, #tpu.memory_space<hbm>>
      %dma_wait3A_24 = tpu.memref_squeeze %dma_wait3A_23 : memref<1x640x64xf32, #tpu.memory_space<hbm>> -> memref<640x64xf32, #tpu.memory_space<hbm>>
      %dma_wait3A_25 = arith.constant 0 : i32
      %dma_wait3A_26 = tpu.memref_slice %arg12[%mul3A_18, %dma_wait3A_25] : memref<10240x64xf32, #tpu.memory_space<vmem_shared>> -> memref<640x64xf32, #tpu.memory_space<vmem_shared>>
      tpu.wait_dma2 semaphore(%run_scoped3A : memref<!tpu.dma_semaphore, #tpu.memory_space<semaphore_mem>>) src(%dma_wait3A_26 : memref<640x64xf32, #tpu.memory_space<vmem_shared>>) dst(%dma_wait3A_24 : memref<640x64xf32, #tpu.memory_space<hbm>>)
      tpu.yield
    }) : () -> ()
    return
  }
}

#map = affine_map<(d0, d1) -> (0, 0)>
#map1 = affine_map<(d0, d1) -> (0)>
#map2 = affine_map<(d0, d1) -> (0, 0, 0)>
module attributes {stable_mosaic.version = 14 : i64} {
  func.func @_spmm_call(%arg0: i32, %arg1: i32, %arg2: memref<10000x64xf32, #tpu.memory_space<hbm>>, %arg3: memref<323584xi32, #tpu.memory_space<hbm>>, %arg4: memref<323584xi32, #tpu.memory_space<hbm>>, %arg5: memref<323584xf32, #tpu.memory_space<hbm>>, %arg6: memref<2x10240x64xf32, #tpu.memory_space<hbm>>, %arg7: memref<128xi32, #tpu.memory_space<vmem>>, %arg8: memref<128xi32, #tpu.memory_space<vmem>>, %arg9: memref<128xf32, #tpu.memory_space<vmem>>, %arg10: memref<128x64xf32, #tpu.memory_space<vmem>>, %arg11: memref<640x64xf32, #tpu.memory_space<vmem>>, %arg12: memref<10240x64xf32, #tpu.memory_space<vmem_shared>>, %arg13: memref<!tpu.dma_semaphore, #tpu.memory_space<semaphore_mem>>) attributes {dimension_semantics = [#tpu.dimension_semantics<core_parallel>, #tpu.dimension_semantics<subcore_parallel>], iteration_bounds = array<i64: 2, 16>, scalar_prefetch = 0 : i64, scratch_operands = 7 : i64, tpu.core_type = #tpu.core_type<sc_vector_subcore>, window_params = [{transform_indices = #map}, {transform_indices = #map1}, {transform_indices = #map1}, {transform_indices = #map1}, {transform_indices = #map2}]} {
    %mul3A = arith.constant 16 : i32
    %mul3A_0 = arith.muli %arg0, %mul3A : i32
    %add3A = arith.addi %mul3A_0, %arg1 : i32
    %scan3A = arith.constant 0 : i32
    %scan3A_1 = arith.constant 0 : i32
    %scan3A_2 = arith.constant 640 : i32
    %scan3A_3 = arith.addi %scan3A_1, %scan3A_2 : i32
    %scan3A_4 = arith.constant 1 : i32
    %scan3A_5 = scf.for %scan3A_19 = %scan3A_1 to %scan3A_3 step %scan3A_4 iter_args(%scan3A_20 = %scan3A) -> (i32)  : i32 {
      %broadcast_in_dim3A = arith.constant 0.000000e+00 : f32
      %broadcast_in_dim3A_21 = vector.broadcast %broadcast_in_dim3A : f32 to vector<16xf32>
      %swap3A = arith.index_cast %scan3A_19 : i32 to index
      %swap3A_22 = arith.constant 0 : index
      %swap3A_23 = tpu.vector_load %arg11[%swap3A, %swap3A_22] {strides = array<i32>} : memref<640x64xf32, #tpu.memory_space<vmem>>, vector<16xf32>,
      tpu.vector_store %arg11[%swap3A, %swap3A_22], %broadcast_in_dim3A_21 {strides = array<i32>} : memref<640x64xf32, #tpu.memory_space<vmem>>, vector<16xf32>,
      %broadcast_in_dim3A_24 = arith.constant 0.000000e+00 : f32
      %broadcast_in_dim3A_25 = vector.broadcast %broadcast_in_dim3A_24 : f32 to vector<16xf32>
      %swap3A_26 = arith.index_cast %scan3A_19 : i32 to index
      %swap3A_27 = arith.constant 16 : index
      %swap3A_28 = tpu.vector_load %arg11[%swap3A_26, %swap3A_27] {strides = array<i32>} : memref<640x64xf32, #tpu.memory_space<vmem>>, vector<16xf32>,
      tpu.vector_store %arg11[%swap3A_26, %swap3A_27], %broadcast_in_dim3A_25 {strides = array<i32>} : memref<640x64xf32, #tpu.memory_space<vmem>>, vector<16xf32>,
      %broadcast_in_dim3A_29 = arith.constant 0.000000e+00 : f32
      %broadcast_in_dim3A_30 = vector.broadcast %broadcast_in_dim3A_29 : f32 to vector<16xf32>
      %swap3A_31 = arith.index_cast %scan3A_19 : i32 to index
      %swap3A_32 = arith.constant 32 : index
      %swap3A_33 = tpu.vector_load %arg11[%swap3A_31, %swap3A_32] {strides = array<i32>} : memref<640x64xf32, #tpu.memory_space<vmem>>, vector<16xf32>,
      tpu.vector_store %arg11[%swap3A_31, %swap3A_32], %broadcast_in_dim3A_30 {strides = array<i32>} : memref<640x64xf32, #tpu.memory_space<vmem>>, vector<16xf32>,
      %broadcast_in_dim3A_34 = arith.constant 0.000000e+00 : f32
      %broadcast_in_dim3A_35 = vector.broadcast %broadcast_in_dim3A_34 : f32 to vector<16xf32>
      %swap3A_36 = arith.index_cast %scan3A_19 : i32 to index
      %swap3A_37 = arith.constant 48 : index
      %swap3A_38 = tpu.vector_load %arg11[%swap3A_36, %swap3A_37] {strides = array<i32>} : memref<640x64xf32, #tpu.memory_space<vmem>>, vector<16xf32>,
      tpu.vector_store %arg11[%swap3A_36, %swap3A_37], %broadcast_in_dim3A_35 {strides = array<i32>} : memref<640x64xf32, #tpu.memory_space<vmem>>, vector<16xf32>,
      %scan3A_39 = arith.constant 0 : i32
      scf.yield %scan3A_39 : i32
    }
    %scan3A_6 = arith.constant 640 : i32
    %mul3A_7 = arith.constant 640 : i32
    %mul3A_8 = arith.muli %arg1, %mul3A_7 : i32
    "tpu.region"() ({
      %run_scoped3A = tpu.sem_alloc : memref<!tpu.dma_semaphore, #tpu.memory_space<semaphore_mem>>
      %dma_start3A = arith.constant 0 : i32
      %dma_start3A_19 = tpu.memref_slice %arg12[%mul3A_8, %dma_start3A] : memref<10240x64xf32, #tpu.memory_space<vmem_shared>> -> memref<640x64xf32, #tpu.memory_space<vmem_shared>>
      %dma_start3A_20 = arith.constant 0 : i32
      %dma_start3A_21 = tpu.memref_slice %arg12[%mul3A_8, %dma_start3A_20] : memref<10240x64xf32, #tpu.memory_space<vmem_shared>> -> memref<640x64xf32, #tpu.memory_space<vmem_shared>>
      tpu.enqueue_dma source(%arg11 : memref<640x64xf32, #tpu.memory_space<vmem>>) target(%dma_start3A_21 : memref<640x64xf32, #tpu.memory_space<vmem_shared>>) target_semaphore(%run_scoped3A : memref<!tpu.dma_semaphore, #tpu.memory_space<semaphore_mem>>)
      %dma_wait3A = arith.constant 0 : i32
      %dma_wait3A_22 = tpu.memref_slice %arg12[%mul3A_8, %dma_wait3A] : memref<10240x64xf32, #tpu.memory_space<vmem_shared>> -> memref<640x64xf32, #tpu.memory_space<vmem_shared>>
      %dma_wait3A_23 = arith.constant 0 : i32
      %dma_wait3A_24 = tpu.memref_slice %arg12[%mul3A_8, %dma_wait3A_23] : memref<10240x64xf32, #tpu.memory_space<vmem_shared>> -> memref<640x64xf32, #tpu.memory_space<vmem_shared>>
      tpu.wait_dma2 semaphore(%run_scoped3A : memref<!tpu.dma_semaphore, #tpu.memory_space<semaphore_mem>>) src(%arg11 : memref<640x64xf32, #tpu.memory_space<vmem>>) dst(%dma_wait3A_24 : memref<640x64xf32, #tpu.memory_space<vmem_shared>>)
      tpu.yield
    }) : () -> ()
    %barrier3A = arith.constant 0 : index
    tpu.barrier barrier_id(%barrier3A)
    %scan3A_9 = arith.constant 0 : i32
    %scan3A_10 = arith.constant 0 : i32
    %scan3A_11 = arith.constant 79 : i32
    %scan3A_12 = arith.addi %scan3A_10, %scan3A_11 : i32
    %scan3A_13 = arith.constant 1 : i32
    %scan3A_14 = scf.for %scan3A_19 = %scan3A_10 to %scan3A_12 step %scan3A_13 iter_args(%scan3A_20 = %scan3A_9) -> (i32)  : i32 {
      %mul3A_21 = arith.constant 10112 : i32
      %mul3A_22 = arith.muli %add3A, %mul3A_21 : i32
      %mul3A_23 = arith.constant 128 : i32
      %mul3A_24 = arith.muli %scan3A_19, %mul3A_23 : i32
      %add3A_25 = arith.addi %mul3A_22, %mul3A_24 : i32
      "tpu.region"() ({
        %run_scoped3A = tpu.sem_alloc : memref<!tpu.dma_semaphore, #tpu.memory_space<semaphore_mem>>
        %dma_start3A_38 = tpu.memref_slice %arg3[%add3A_25] : memref<323584xi32, #tpu.memory_space<hbm>> -> memref<128xi32, #tpu.memory_space<hbm>>
        %dma_start3A_39 = tpu.memref_slice %arg3[%add3A_25] : memref<323584xi32, #tpu.memory_space<hbm>> -> memref<128xi32, #tpu.memory_space<hbm>>
        tpu.enqueue_dma source(%dma_start3A_39 : memref<128xi32, #tpu.memory_space<hbm>>) target(%arg7 : memref<128xi32, #tpu.memory_space<vmem>>) target_semaphore(%run_scoped3A : memref<!tpu.dma_semaphore, #tpu.memory_space<semaphore_mem>>)
        %dma_wait3A_40 = tpu.memref_slice %arg3[%add3A_25] : memref<323584xi32, #tpu.memory_space<hbm>> -> memref<128xi32, #tpu.memory_space<hbm>>
        %dma_wait3A_41 = tpu.memref_slice %arg3[%add3A_25] : memref<323584xi32, #tpu.memory_space<hbm>> -> memref<128xi32, #tpu.memory_space<hbm>>
        tpu.wait_dma2 semaphore(%run_scoped3A : memref<!tpu.dma_semaphore, #tpu.memory_space<semaphore_mem>>) src(%dma_wait3A_41 : memref<128xi32, #tpu.memory_space<hbm>>) dst(%arg7 : memref<128xi32, #tpu.memory_space<vmem>>)
        tpu.yield
      }) : () -> ()
      "tpu.region"() ({
        %run_scoped3A = tpu.sem_alloc : memref<!tpu.dma_semaphore, #tpu.memory_space<semaphore_mem>>
        %dma_start3A_38 = tpu.memref_slice %arg4[%add3A_25] : memref<323584xi32, #tpu.memory_space<hbm>> -> memref<128xi32, #tpu.memory_space<hbm>>
        %dma_start3A_39 = tpu.memref_slice %arg4[%add3A_25] : memref<323584xi32, #tpu.memory_space<hbm>> -> memref<128xi32, #tpu.memory_space<hbm>>
        tpu.enqueue_dma source(%dma_start3A_39 : memref<128xi32, #tpu.memory_space<hbm>>) target(%arg8 : memref<128xi32, #tpu.memory_space<vmem>>) target_semaphore(%run_scoped3A : memref<!tpu.dma_semaphore, #tpu.memory_space<semaphore_mem>>)
        %dma_wait3A_40 = tpu.memref_slice %arg4[%add3A_25] : memref<323584xi32, #tpu.memory_space<hbm>> -> memref<128xi32, #tpu.memory_space<hbm>>
        %dma_wait3A_41 = tpu.memref_slice %arg4[%add3A_25] : memref<323584xi32, #tpu.memory_space<hbm>> -> memref<128xi32, #tpu.memory_space<hbm>>
        tpu.wait_dma2 semaphore(%run_scoped3A : memref<!tpu.dma_semaphore, #tpu.memory_space<semaphore_mem>>) src(%dma_wait3A_41 : memref<128xi32, #tpu.memory_space<hbm>>) dst(%arg8 : memref<128xi32, #tpu.memory_space<vmem>>)
        tpu.yield
      }) : () -> ()
      "tpu.region"() ({
        %run_scoped3A = tpu.sem_alloc : memref<!tpu.dma_semaphore, #tpu.memory_space<semaphore_mem>>
        %dma_start3A_38 = tpu.memref_slice %arg5[%add3A_25] : memref<323584xf32, #tpu.memory_space<hbm>> -> memref<128xf32, #tpu.memory_space<hbm>>
        %dma_start3A_39 = tpu.memref_slice %arg5[%add3A_25] : memref<323584xf32, #tpu.memory_space<hbm>> -> memref<128xf32, #tpu.memory_space<hbm>>
        tpu.enqueue_dma source(%dma_start3A_39 : memref<128xf32, #tpu.memory_space<hbm>>) target(%arg9 : memref<128xf32, #tpu.memory_space<vmem>>) target_semaphore(%run_scoped3A : memref<!tpu.dma_semaphore, #tpu.memory_space<semaphore_mem>>)
        %dma_wait3A_40 = tpu.memref_slice %arg5[%add3A_25] : memref<323584xf32, #tpu.memory_space<hbm>> -> memref<128xf32, #tpu.memory_space<hbm>>
        %dma_wait3A_41 = tpu.memref_slice %arg5[%add3A_25] : memref<323584xf32, #tpu.memory_space<hbm>> -> memref<128xf32, #tpu.memory_space<hbm>>
        tpu.wait_dma2 semaphore(%run_scoped3A : memref<!tpu.dma_semaphore, #tpu.memory_space<semaphore_mem>>) src(%dma_wait3A_41 : memref<128xf32, #tpu.memory_space<hbm>>) dst(%arg9 : memref<128xf32, #tpu.memory_space<vmem>>)
        tpu.yield
      }) : () -> ()
      %dma_start3A = arith.constant 0 : i32
      %dma_start3A_26 = arith.constant 0 : i32
      %dma_start3A_27 = tpu.memref_slice %arg2[%dma_start3A, %dma_start3A_26] : memref<10000x64xf32, #tpu.memory_space<hbm>> -> memref<10000x64xf32, #tpu.memory_space<hbm>>
      tpu.enqueue_indirect_dma source(%dma_start3A_27 : memref<10000x64xf32, #tpu.memory_space<hbm>>) target(%arg10 : memref<128x64xf32, #tpu.memory_space<vmem>>) offsets(%arg7 : memref<128xi32, #tpu.memory_space<vmem>>) semaphore(%arg13 : memref<!tpu.dma_semaphore, #tpu.memory_space<semaphore_mem>>)
      %dma_wait3A = arith.constant 0 : i32
      %dma_wait3A_28 = arith.constant 0 : i32
      %dma_wait3A_29 = tpu.memref_slice %arg2[%dma_wait3A, %dma_wait3A_28] : memref<10000x64xf32, #tpu.memory_space<hbm>> -> memref<10000x64xf32, #tpu.memory_space<hbm>>
      tpu.wait_indirect_dma semaphore(%arg13 : memref<!tpu.dma_semaphore, #tpu.memory_space<semaphore_mem>>) src(%dma_wait3A_29 : memref<10000x64xf32, #tpu.memory_space<hbm>>) dst(%arg10 : memref<128x64xf32, #tpu.memory_space<vmem>>)
      %scan3A_30 = arith.constant 0 : i32
      %scan3A_31 = arith.constant 0 : i32
      %scan3A_32 = arith.constant 128 : i32
      %scan3A_33 = arith.addi %scan3A_31, %scan3A_32 : i32
      %scan3A_34 = arith.constant 1 : i32
      %scan3A_35 = scf.for %scan3A_38 = %scan3A_31 to %scan3A_33 step %scan3A_34 iter_args(%scan3A_39 = %scan3A_30) -> (i32)  : i32 {
        %broadcast_in_dim3A = vector.broadcast %scan3A_38 : i32 to vector<16xi32>
        %gather3A = tpu.vector_load_idx %arg9[%broadcast_in_dim3A] : memref<128xf32, #tpu.memory_space<vmem>>[vector<16xi32>], vector<16xf32>,
        %get3A = arith.index_cast %scan3A_38 : i32 to index
        %get3A_40 = arith.constant 0 : index
        %get3A_41 = tpu.vector_load %arg10[%get3A, %get3A_40] {strides = array<i32>} : memref<128x64xf32, #tpu.memory_space<vmem>>, vector<16xf32>,
        %mul3A_42 = arith.mulf %get3A_41, %gather3A : vector<16xf32>
        %swap3A = arith.index_cast %scan3A_38 : i32 to index
        %swap3A_43 = arith.constant 0 : index
        %swap3A_44 = tpu.vector_load %arg10[%swap3A, %swap3A_43] {strides = array<i32>} : memref<128x64xf32, #tpu.memory_space<vmem>>, vector<16xf32>,
        tpu.vector_store %arg10[%swap3A, %swap3A_43], %mul3A_42 {strides = array<i32>} : memref<128x64xf32, #tpu.memory_space<vmem>>, vector<16xf32>,
        %get3A_45 = arith.index_cast %scan3A_38 : i32 to index
        %get3A_46 = arith.constant 16 : index
        %get3A_47 = tpu.vector_load %arg10[%get3A_45, %get3A_46] {strides = array<i32>} : memref<128x64xf32, #tpu.memory_space<vmem>>, vector<16xf32>,
        %mul3A_48 = arith.mulf %get3A_47, %gather3A : vector<16xf32>
        %swap3A_49 = arith.index_cast %scan3A_38 : i32 to index
        %swap3A_50 = arith.constant 16 : index
        %swap3A_51 = tpu.vector_load %arg10[%swap3A_49, %swap3A_50] {strides = array<i32>} : memref<128x64xf32, #tpu.memory_space<vmem>>, vector<16xf32>,
        tpu.vector_store %arg10[%swap3A_49, %swap3A_50], %mul3A_48 {strides = array<i32>} : memref<128x64xf32, #tpu.memory_space<vmem>>, vector<16xf32>,
        %get3A_52 = arith.index_cast %scan3A_38 : i32 to index
        %get3A_53 = arith.constant 32 : index
        %get3A_54 = tpu.vector_load %arg10[%get3A_52, %get3A_53] {strides = array<i32>} : memref<128x64xf32, #tpu.memory_space<vmem>>, vector<16xf32>,
        %mul3A_55 = arith.mulf %get3A_54, %gather3A : vector<16xf32>
        %swap3A_56 = arith.index_cast %scan3A_38 : i32 to index
        %swap3A_57 = arith.constant 32 : index
        %swap3A_58 = tpu.vector_load %arg10[%swap3A_56, %swap3A_57] {strides = array<i32>} : memref<128x64xf32, #tpu.memory_space<vmem>>, vector<16xf32>,
        tpu.vector_store %arg10[%swap3A_56, %swap3A_57], %mul3A_55 {strides = array<i32>} : memref<128x64xf32, #tpu.memory_space<vmem>>, vector<16xf32>,
        %get3A_59 = arith.index_cast %scan3A_38 : i32 to index
        %get3A_60 = arith.constant 48 : index
        %get3A_61 = tpu.vector_load %arg10[%get3A_59, %get3A_60] {strides = array<i32>} : memref<128x64xf32, #tpu.memory_space<vmem>>, vector<16xf32>,
        %mul3A_62 = arith.mulf %get3A_61, %gather3A : vector<16xf32>
        %swap3A_63 = arith.index_cast %scan3A_38 : i32 to index
        %swap3A_64 = arith.constant 48 : index
        %swap3A_65 = tpu.vector_load %arg10[%swap3A_63, %swap3A_64] {strides = array<i32>} : memref<128x64xf32, #tpu.memory_space<vmem>>, vector<16xf32>,
        tpu.vector_store %arg10[%swap3A_63, %swap3A_64], %mul3A_62 {strides = array<i32>} : memref<128x64xf32, #tpu.memory_space<vmem>>, vector<16xf32>,
        %scan3A_66 = arith.constant 0 : i32
        scf.yield %scan3A_66 : i32
      }
      %scan3A_36 = arith.constant 128 : i32
      "tpu.region"() ({
        %run_scoped3A = tpu.sem_alloc : memref<!tpu.dma_semaphore, #tpu.memory_space<semaphore_mem>>
        %dma_start3A_38 = arith.constant 0 : i32
        %dma_start3A_39 = arith.constant 0 : i32
        %dma_start3A_40 = tpu.memref_slice %arg12[%dma_start3A_38, %dma_start3A_39] : memref<10240x64xf32, #tpu.memory_space<vmem_shared>> -> memref<10240x64xf32, #tpu.memory_space<vmem_shared>>
        tpu.enqueue_indirect_dma source(%arg10 : memref<128x64xf32, #tpu.memory_space<vmem>>) target(%dma_start3A_40 : memref<10240x64xf32, #tpu.memory_space<vmem_shared>>) offsets(%arg8 : memref<128xi32, #tpu.memory_space<vmem>>) semaphore(%run_scoped3A : memref<!tpu.dma_semaphore, #tpu.memory_space<semaphore_mem>>) {add = true}
        %dma_wait3A_41 = arith.constant 0 : i32
        %dma_wait3A_42 = arith.constant 0 : i32
        %dma_wait3A_43 = tpu.memref_slice %arg12[%dma_wait3A_41, %dma_wait3A_42] : memref<10240x64xf32, #tpu.memory_space<vmem_shared>> -> memref<10240x64xf32, #tpu.memory_space<vmem_shared>>
        tpu.wait_indirect_dma semaphore(%run_scoped3A : memref<!tpu.dma_semaphore, #tpu.memory_space<semaphore_mem>>) src(%arg10 : memref<128x64xf32, #tpu.memory_space<vmem>>) dst(%dma_wait3A_43 : memref<10240x64xf32, #tpu.memory_space<vmem_shared>>)
        tpu.yield
      }) : () -> ()
      %scan3A_37 = arith.constant 0 : i32
      scf.yield %scan3A_37 : i32
    }
    %scan3A_15 = arith.constant 79 : i32
    %barrier3A_16 = arith.constant 0 : index
    tpu.barrier barrier_id(%barrier3A_16)
    %mul3A_17 = arith.constant 640 : i32
    %mul3A_18 = arith.muli %arg1, %mul3A_17 : i32
    "tpu.region"() ({
      %run_scoped3A = tpu.sem_alloc : memref<!tpu.dma_semaphore, #tpu.memory_space<semaphore_mem>>
      %dma_start3A = arith.constant 0 : i32
      %dma_start3A_19 = tpu.memref_slice %arg6[%arg0, %mul3A_18, %dma_start3A] : memref<2x10240x64xf32, #tpu.memory_space<hbm>> -> memref<1x640x64xf32, #tpu.memory_space<hbm>>
      %dma_start3A_20 = tpu.memref_squeeze %dma_start3A_19 : memref<1x640x64xf32, #tpu.memory_space<hbm>> -> memref<640x64xf32, #tpu.memory_space<hbm>>
      %dma_start3A_21 = arith.constant 0 : i32
      %dma_start3A_22 = tpu.memref_slice %arg12[%mul3A_18, %dma_start3A_21] : memref<10240x64xf32, #tpu.memory_space<vmem_shared>> -> memref<640x64xf32, #tpu.memory_space<vmem_shared>>
      tpu.enqueue_dma source(%dma_start3A_22 : memref<640x64xf32, #tpu.memory_space<vmem_shared>>) target(%dma_start3A_20 : memref<640x64xf32, #tpu.memory_space<hbm>>) target_semaphore(%run_scoped3A : memref<!tpu.dma_semaphore, #tpu.memory_space<semaphore_mem>>)
      %dma_wait3A = arith.constant 0 : i32
      %dma_wait3A_23 = tpu.memref_slice %arg6[%arg0, %mul3A_18, %dma_wait3A] : memref<2x10240x64xf32, #tpu.memory_space<hbm>> -> memref<1x640x64xf32, #tpu.memory_space<hbm>>
      %dma_wait3A_24 = tpu.memref_squeeze %dma_wait3A_23 : memref<1x640x64xf32, #tpu.memory_space<hbm>> -> memref<640x64xf32, #tpu.memory_space<hbm>>
      %dma_wait3A_25 = arith.constant 0 : i32
      %dma_wait3A_26 = tpu.memref_slice %arg12[%mul3A_18, %dma_wait3A_25] : memref<10240x64xf32, #tpu.memory_space<vmem_shared>> -> memref<640x64xf32, #tpu.memory_space<vmem_shared>>
      tpu.wait_dma2 semaphore(%run_scoped3A : memref<!tpu.dma_semaphore, #tpu.memory_space<semaphore_mem>>) src(%dma_wait3A_26 : memref<640x64xf32, #tpu.memory_space<vmem_shared>>) dst(%dma_wait3A_24 : memref<640x64xf32, #tpu.memory_space<hbm>>)
      tpu.yield
    }) : () -> ()
    return
  }
}

#map = affine_map<(d0, d1) -> (0, 0)>
#map1 = affine_map<(d0, d1) -> (0)>
#map2 = affine_map<(d0, d1) -> (0, 0, 0)>
module attributes {stable_mosaic.version = 14 : i64} {
  func.func @_spmm_call(%arg0: i32, %arg1: i32, %arg2: memref<10000x64xf32, #tpu.memory_space<hbm>>, %arg3: memref<323584xi32, #tpu.memory_space<hbm>>, %arg4: memref<323584xi32, #tpu.memory_space<hbm>>, %arg5: memref<323584xf32, #tpu.memory_space<hbm>>, %arg6: memref<2x10240x64xf32, #tpu.memory_space<hbm>>, %arg7: memref<128xi32, #tpu.memory_space<vmem>>, %arg8: memref<128xi32, #tpu.memory_space<vmem>>, %arg9: memref<128xf32, #tpu.memory_space<vmem>>, %arg10: memref<128x64xf32, #tpu.memory_space<vmem>>, %arg11: memref<640x64xf32, #tpu.memory_space<vmem>>, %arg12: memref<10240x64xf32, #tpu.memory_space<vmem_shared>>, %arg13: memref<!tpu.dma_semaphore, #tpu.memory_space<semaphore_mem>>) attributes {dimension_semantics = [#tpu.dimension_semantics<core_parallel>, #tpu.dimension_semantics<subcore_parallel>], iteration_bounds = array<i64: 2, 16>, scalar_prefetch = 0 : i64, scratch_operands = 7 : i64, tpu.core_type = #tpu.core_type<sc_vector_subcore>, window_params = [{transform_indices = #map}, {transform_indices = #map1}, {transform_indices = #map1}, {transform_indices = #map1}, {transform_indices = #map2}]} {
    %mul3A = arith.constant 16 : i32
    %mul3A_0 = arith.muli %arg0, %mul3A : i32
    %add3A = arith.addi %mul3A_0, %arg1 : i32
    %scan3A = arith.constant 0 : i32
    %scan3A_1 = arith.constant 0 : i32
    %scan3A_2 = arith.constant 640 : i32
    %scan3A_3 = arith.addi %scan3A_1, %scan3A_2 : i32
    %scan3A_4 = arith.constant 1 : i32
    %scan3A_5 = scf.for %scan3A_19 = %scan3A_1 to %scan3A_3 step %scan3A_4 iter_args(%scan3A_20 = %scan3A) -> (i32)  : i32 {
      %broadcast_in_dim3A = arith.constant 0.000000e+00 : f32
      %broadcast_in_dim3A_21 = vector.broadcast %broadcast_in_dim3A : f32 to vector<16xf32>
      %swap3A = arith.index_cast %scan3A_19 : i32 to index
      %swap3A_22 = arith.constant 0 : index
      %swap3A_23 = tpu.vector_load %arg11[%swap3A, %swap3A_22] {strides = array<i32>} : memref<640x64xf32, #tpu.memory_space<vmem>>, vector<16xf32>,
      tpu.vector_store %arg11[%swap3A, %swap3A_22], %broadcast_in_dim3A_21 {strides = array<i32>} : memref<640x64xf32, #tpu.memory_space<vmem>>, vector<16xf32>,
      %broadcast_in_dim3A_24 = arith.constant 0.000000e+00 : f32
      %broadcast_in_dim3A_25 = vector.broadcast %broadcast_in_dim3A_24 : f32 to vector<16xf32>
      %swap3A_26 = arith.index_cast %scan3A_19 : i32 to index
      %swap3A_27 = arith.constant 16 : index
      %swap3A_28 = tpu.vector_load %arg11[%swap3A_26, %swap3A_27] {strides = array<i32>} : memref<640x64xf32, #tpu.memory_space<vmem>>, vector<16xf32>,
      tpu.vector_store %arg11[%swap3A_26, %swap3A_27], %broadcast_in_dim3A_25 {strides = array<i32>} : memref<640x64xf32, #tpu.memory_space<vmem>>, vector<16xf32>,
      %broadcast_in_dim3A_29 = arith.constant 0.000000e+00 : f32
      %broadcast_in_dim3A_30 = vector.broadcast %broadcast_in_dim3A_29 : f32 to vector<16xf32>
      %swap3A_31 = arith.index_cast %scan3A_19 : i32 to index
      %swap3A_32 = arith.constant 32 : index
      %swap3A_33 = tpu.vector_load %arg11[%swap3A_31, %swap3A_32] {strides = array<i32>} : memref<640x64xf32, #tpu.memory_space<vmem>>, vector<16xf32>,
      tpu.vector_store %arg11[%swap3A_31, %swap3A_32], %broadcast_in_dim3A_30 {strides = array<i32>} : memref<640x64xf32, #tpu.memory_space<vmem>>, vector<16xf32>,
      %broadcast_in_dim3A_34 = arith.constant 0.000000e+00 : f32
      %broadcast_in_dim3A_35 = vector.broadcast %broadcast_in_dim3A_34 : f32 to vector<16xf32>
      %swap3A_36 = arith.index_cast %scan3A_19 : i32 to index
      %swap3A_37 = arith.constant 48 : index
      %swap3A_38 = tpu.vector_load %arg11[%swap3A_36, %swap3A_37] {strides = array<i32>} : memref<640x64xf32, #tpu.memory_space<vmem>>, vector<16xf32>,
      tpu.vector_store %arg11[%swap3A_36, %swap3A_37], %broadcast_in_dim3A_35 {strides = array<i32>} : memref<640x64xf32, #tpu.memory_space<vmem>>, vector<16xf32>,
      %scan3A_39 = arith.constant 0 : i32
      scf.yield %scan3A_39 : i32
    }
    %scan3A_6 = arith.constant 640 : i32
    %mul3A_7 = arith.constant 640 : i32
    %mul3A_8 = arith.muli %arg1, %mul3A_7 : i32
    "tpu.region"() ({
      %run_scoped3A = tpu.sem_alloc : memref<!tpu.dma_semaphore, #tpu.memory_space<semaphore_mem>>
      %dma_start3A = arith.constant 0 : i32
      %dma_start3A_19 = tpu.memref_slice %arg12[%mul3A_8, %dma_start3A] : memref<10240x64xf32, #tpu.memory_space<vmem_shared>> -> memref<640x64xf32, #tpu.memory_space<vmem_shared>>
      %dma_start3A_20 = arith.constant 0 : i32
      %dma_start3A_21 = tpu.memref_slice %arg12[%mul3A_8, %dma_start3A_20] : memref<10240x64xf32, #tpu.memory_space<vmem_shared>> -> memref<640x64xf32, #tpu.memory_space<vmem_shared>>
      tpu.enqueue_dma source(%arg11 : memref<640x64xf32, #tpu.memory_space<vmem>>) target(%dma_start3A_21 : memref<640x64xf32, #tpu.memory_space<vmem_shared>>) target_semaphore(%run_scoped3A : memref<!tpu.dma_semaphore, #tpu.memory_space<semaphore_mem>>)
      %dma_wait3A = arith.constant 0 : i32
      %dma_wait3A_22 = tpu.memref_slice %arg12[%mul3A_8, %dma_wait3A] : memref<10240x64xf32, #tpu.memory_space<vmem_shared>> -> memref<640x64xf32, #tpu.memory_space<vmem_shared>>
      %dma_wait3A_23 = arith.constant 0 : i32
      %dma_wait3A_24 = tpu.memref_slice %arg12[%mul3A_8, %dma_wait3A_23] : memref<10240x64xf32, #tpu.memory_space<vmem_shared>> -> memref<640x64xf32, #tpu.memory_space<vmem_shared>>
      tpu.wait_dma2 semaphore(%run_scoped3A : memref<!tpu.dma_semaphore, #tpu.memory_space<semaphore_mem>>) src(%arg11 : memref<640x64xf32, #tpu.memory_space<vmem>>) dst(%dma_wait3A_24 : memref<640x64xf32, #tpu.memory_space<vmem_shared>>)
      tpu.yield
    }) : () -> ()
    %barrier3A = arith.constant 0 : index
    tpu.barrier barrier_id(%barrier3A)
    %scan3A_9 = arith.constant 0 : i32
    %scan3A_10 = arith.constant 0 : i32
    %scan3A_11 = arith.constant 79 : i32
    %scan3A_12 = arith.addi %scan3A_10, %scan3A_11 : i32
    %scan3A_13 = arith.constant 1 : i32
    %scan3A_14 = scf.for %scan3A_19 = %scan3A_10 to %scan3A_12 step %scan3A_13 iter_args(%scan3A_20 = %scan3A_9) -> (i32)  : i32 {
      %mul3A_21 = arith.constant 10112 : i32
      %mul3A_22 = arith.muli %add3A, %mul3A_21 : i32
      %mul3A_23 = arith.constant 128 : i32
      %mul3A_24 = arith.muli %scan3A_19, %mul3A_23 : i32
      %add3A_25 = arith.addi %mul3A_22, %mul3A_24 : i32
      "tpu.region"() ({
        %run_scoped3A = tpu.sem_alloc : memref<!tpu.dma_semaphore, #tpu.memory_space<semaphore_mem>>
        %dma_start3A_38 = tpu.memref_slice %arg3[%add3A_25] : memref<323584xi32, #tpu.memory_space<hbm>> -> memref<128xi32, #tpu.memory_space<hbm>>
        %dma_start3A_39 = tpu.memref_slice %arg3[%add3A_25] : memref<323584xi32, #tpu.memory_space<hbm>> -> memref<128xi32, #tpu.memory_space<hbm>>
        tpu.enqueue_dma source(%dma_start3A_39 : memref<128xi32, #tpu.memory_space<hbm>>) target(%arg7 : memref<128xi32, #tpu.memory_space<vmem>>) target_semaphore(%run_scoped3A : memref<!tpu.dma_semaphore, #tpu.memory_space<semaphore_mem>>)
        %dma_wait3A_40 = tpu.memref_slice %arg3[%add3A_25] : memref<323584xi32, #tpu.memory_space<hbm>> -> memref<128xi32, #tpu.memory_space<hbm>>
        %dma_wait3A_41 = tpu.memref_slice %arg3[%add3A_25] : memref<323584xi32, #tpu.memory_space<hbm>> -> memref<128xi32, #tpu.memory_space<hbm>>
        tpu.wait_dma2 semaphore(%run_scoped3A : memref<!tpu.dma_semaphore, #tpu.memory_space<semaphore_mem>>) src(%dma_wait3A_41 : memref<128xi32, #tpu.memory_space<hbm>>) dst(%arg7 : memref<128xi32, #tpu.memory_space<vmem>>)
        tpu.yield
      }) : () -> ()
      "tpu.region"() ({
        %run_scoped3A = tpu.sem_alloc : memref<!tpu.dma_semaphore, #tpu.memory_space<semaphore_mem>>
        %dma_start3A_38 = tpu.memref_slice %arg4[%add3A_25] : memref<323584xi32, #tpu.memory_space<hbm>> -> memref<128xi32, #tpu.memory_space<hbm>>
        %dma_start3A_39 = tpu.memref_slice %arg4[%add3A_25] : memref<323584xi32, #tpu.memory_space<hbm>> -> memref<128xi32, #tpu.memory_space<hbm>>
        tpu.enqueue_dma source(%dma_start3A_39 : memref<128xi32, #tpu.memory_space<hbm>>) target(%arg8 : memref<128xi32, #tpu.memory_space<vmem>>) target_semaphore(%run_scoped3A : memref<!tpu.dma_semaphore, #tpu.memory_space<semaphore_mem>>)
        %dma_wait3A_40 = tpu.memref_slice %arg4[%add3A_25] : memref<323584xi32, #tpu.memory_space<hbm>> -> memref<128xi32, #tpu.memory_space<hbm>>
        %dma_wait3A_41 = tpu.memref_slice %arg4[%add3A_25] : memref<323584xi32, #tpu.memory_space<hbm>> -> memref<128xi32, #tpu.memory_space<hbm>>
        tpu.wait_dma2 semaphore(%run_scoped3A : memref<!tpu.dma_semaphore, #tpu.memory_space<semaphore_mem>>) src(%dma_wait3A_41 : memref<128xi32, #tpu.memory_space<hbm>>) dst(%arg8 : memref<128xi32, #tpu.memory_space<vmem>>)
        tpu.yield
      }) : () -> ()
      "tpu.region"() ({
        %run_scoped3A = tpu.sem_alloc : memref<!tpu.dma_semaphore, #tpu.memory_space<semaphore_mem>>
        %dma_start3A_38 = tpu.memref_slice %arg5[%add3A_25] : memref<323584xf32, #tpu.memory_space<hbm>> -> memref<128xf32, #tpu.memory_space<hbm>>
        %dma_start3A_39 = tpu.memref_slice %arg5[%add3A_25] : memref<323584xf32, #tpu.memory_space<hbm>> -> memref<128xf32, #tpu.memory_space<hbm>>
        tpu.enqueue_dma source(%dma_start3A_39 : memref<128xf32, #tpu.memory_space<hbm>>) target(%arg9 : memref<128xf32, #tpu.memory_space<vmem>>) target_semaphore(%run_scoped3A : memref<!tpu.dma_semaphore, #tpu.memory_space<semaphore_mem>>)
        %dma_wait3A_40 = tpu.memref_slice %arg5[%add3A_25] : memref<323584xf32, #tpu.memory_space<hbm>> -> memref<128xf32, #tpu.memory_space<hbm>>
        %dma_wait3A_41 = tpu.memref_slice %arg5[%add3A_25] : memref<323584xf32, #tpu.memory_space<hbm>> -> memref<128xf32, #tpu.memory_space<hbm>>
        tpu.wait_dma2 semaphore(%run_scoped3A : memref<!tpu.dma_semaphore, #tpu.memory_space<semaphore_mem>>) src(%dma_wait3A_41 : memref<128xf32, #tpu.memory_space<hbm>>) dst(%arg9 : memref<128xf32, #tpu.memory_space<vmem>>)
        tpu.yield
      }) : () -> ()
      %dma_start3A = arith.constant 0 : i32
      %dma_start3A_26 = arith.constant 0 : i32
      %dma_start3A_27 = tpu.memref_slice %arg2[%dma_start3A, %dma_start3A_26] : memref<10000x64xf32, #tpu.memory_space<hbm>> -> memref<10000x64xf32, #tpu.memory_space<hbm>>
      tpu.enqueue_indirect_dma source(%dma_start3A_27 : memref<10000x64xf32, #tpu.memory_space<hbm>>) target(%arg10 : memref<128x64xf32, #tpu.memory_space<vmem>>) offsets(%arg7 : memref<128xi32, #tpu.memory_space<vmem>>) semaphore(%arg13 : memref<!tpu.dma_semaphore, #tpu.memory_space<semaphore_mem>>)
      %dma_wait3A = arith.constant 0 : i32
      %dma_wait3A_28 = arith.constant 0 : i32
      %dma_wait3A_29 = tpu.memref_slice %arg2[%dma_wait3A, %dma_wait3A_28] : memref<10000x64xf32, #tpu.memory_space<hbm>> -> memref<10000x64xf32, #tpu.memory_space<hbm>>
      tpu.wait_indirect_dma semaphore(%arg13 : memref<!tpu.dma_semaphore, #tpu.memory_space<semaphore_mem>>) src(%dma_wait3A_29 : memref<10000x64xf32, #tpu.memory_space<hbm>>) dst(%arg10 : memref<128x64xf32, #tpu.memory_space<vmem>>)
      %scan3A_30 = arith.constant 0 : i32
      %scan3A_31 = arith.constant 0 : i32
      %scan3A_32 = arith.constant 128 : i32
      %scan3A_33 = arith.addi %scan3A_31, %scan3A_32 : i32
      %scan3A_34 = arith.constant 1 : i32
      %scan3A_35 = scf.for %scan3A_38 = %scan3A_31 to %scan3A_33 step %scan3A_34 iter_args(%scan3A_39 = %scan3A_30) -> (i32)  : i32 {
        %broadcast_in_dim3A = vector.broadcast %scan3A_38 : i32 to vector<16xi32>
        %gather3A = tpu.vector_load_idx %arg9[%broadcast_in_dim3A] : memref<128xf32, #tpu.memory_space<vmem>>[vector<16xi32>], vector<16xf32>,
        %get3A = arith.index_cast %scan3A_38 : i32 to index
        %get3A_40 = arith.constant 0 : index
        %get3A_41 = tpu.vector_load %arg10[%get3A, %get3A_40] {strides = array<i32>} : memref<128x64xf32, #tpu.memory_space<vmem>>, vector<16xf32>,
        %mul3A_42 = arith.mulf %get3A_41, %gather3A : vector<16xf32>
        %swap3A = arith.index_cast %scan3A_38 : i32 to index
        %swap3A_43 = arith.constant 0 : index
        %swap3A_44 = tpu.vector_load %arg10[%swap3A, %swap3A_43] {strides = array<i32>} : memref<128x64xf32, #tpu.memory_space<vmem>>, vector<16xf32>,
        tpu.vector_store %arg10[%swap3A, %swap3A_43], %mul3A_42 {strides = array<i32>} : memref<128x64xf32, #tpu.memory_space<vmem>>, vector<16xf32>,
        %get3A_45 = arith.index_cast %scan3A_38 : i32 to index
        %get3A_46 = arith.constant 16 : index
        %get3A_47 = tpu.vector_load %arg10[%get3A_45, %get3A_46] {strides = array<i32>} : memref<128x64xf32, #tpu.memory_space<vmem>>, vector<16xf32>,
        %mul3A_48 = arith.mulf %get3A_47, %gather3A : vector<16xf32>
        %swap3A_49 = arith.index_cast %scan3A_38 : i32 to index
        %swap3A_50 = arith.constant 16 : index
        %swap3A_51 = tpu.vector_load %arg10[%swap3A_49, %swap3A_50] {strides = array<i32>} : memref<128x64xf32, #tpu.memory_space<vmem>>, vector<16xf32>,
        tpu.vector_store %arg10[%swap3A_49, %swap3A_50], %mul3A_48 {strides = array<i32>} : memref<128x64xf32, #tpu.memory_space<vmem>>, vector<16xf32>,
        %get3A_52 = arith.index_cast %scan3A_38 : i32 to index
        %get3A_53 = arith.constant 32 : index
        %get3A_54 = tpu.vector_load %arg10[%get3A_52, %get3A_53] {strides = array<i32>} : memref<128x64xf32, #tpu.memory_space<vmem>>, vector<16xf32>,
        %mul3A_55 = arith.mulf %get3A_54, %gather3A : vector<16xf32>
        %swap3A_56 = arith.index_cast %scan3A_38 : i32 to index
        %swap3A_57 = arith.constant 32 : index
        %swap3A_58 = tpu.vector_load %arg10[%swap3A_56, %swap3A_57] {strides = array<i32>} : memref<128x64xf32, #tpu.memory_space<vmem>>, vector<16xf32>,
        tpu.vector_store %arg10[%swap3A_56, %swap3A_57], %mul3A_55 {strides = array<i32>} : memref<128x64xf32, #tpu.memory_space<vmem>>, vector<16xf32>,
        %get3A_59 = arith.index_cast %scan3A_38 : i32 to index
        %get3A_60 = arith.constant 48 : index
        %get3A_61 = tpu.vector_load %arg10[%get3A_59, %get3A_60] {strides = array<i32>} : memref<128x64xf32, #tpu.memory_space<vmem>>, vector<16xf32>,
        %mul3A_62 = arith.mulf %get3A_61, %gather3A : vector<16xf32>
        %swap3A_63 = arith.index_cast %scan3A_38 : i32 to index
        %swap3A_64 = arith.constant 48 : index
        %swap3A_65 = tpu.vector_load %arg10[%swap3A_63, %swap3A_64] {strides = array<i32>} : memref<128x64xf32, #tpu.memory_space<vmem>>, vector<16xf32>,
        tpu.vector_store %arg10[%swap3A_63, %swap3A_64], %mul3A_62 {strides = array<i32>} : memref<128x64xf32, #tpu.memory_space<vmem>>, vector<16xf32>,
        %scan3A_66 = arith.constant 0 : i32
        scf.yield %scan3A_66 : i32
      }
      %scan3A_36 = arith.constant 128 : i32
      "tpu.region"() ({
        %run_scoped3A = tpu.sem_alloc : memref<!tpu.dma_semaphore, #tpu.memory_space<semaphore_mem>>
        %dma_start3A_38 = arith.constant 0 : i32
        %dma_start3A_39 = arith.constant 0 : i32
        %dma_start3A_40 = tpu.memref_slice %arg12[%dma_start3A_38, %dma_start3A_39] : memref<10240x64xf32, #tpu.memory_space<vmem_shared>> -> memref<10240x64xf32, #tpu.memory_space<vmem_shared>>
        tpu.enqueue_indirect_dma source(%arg10 : memref<128x64xf32, #tpu.memory_space<vmem>>) target(%dma_start3A_40 : memref<10240x64xf32, #tpu.memory_space<vmem_shared>>) offsets(%arg8 : memref<128xi32, #tpu.memory_space<vmem>>) semaphore(%run_scoped3A : memref<!tpu.dma_semaphore, #tpu.memory_space<semaphore_mem>>) {add = true}
        %dma_wait3A_41 = arith.constant 0 : i32
        %dma_wait3A_42 = arith.constant 0 : i32
        %dma_wait3A_43 = tpu.memref_slice %arg12[%dma_wait3A_41, %dma_wait3A_42] : memref<10240x64xf32, #tpu.memory_space<vmem_shared>> -> memref<10240x64xf32, #tpu.memory_space<vmem_shared>>
        tpu.wait_indirect_dma semaphore(%run_scoped3A : memref<!tpu.dma_semaphore, #tpu.memory_space<semaphore_mem>>) src(%arg10 : memref<128x64xf32, #tpu.memory_space<vmem>>) dst(%dma_wait3A_43 : memref<10240x64xf32, #tpu.memory_space<vmem_shared>>)
        tpu.yield
      }) : () -> ()
      %scan3A_37 = arith.constant 0 : i32
      scf.yield %scan3A_37 : i32
    }
    %scan3A_15 = arith.constant 79 : i32
    %barrier3A_16 = arith.constant 0 : index
    tpu.barrier barrier_id(%barrier3A_16)
    %mul3A_17 = arith.constant 640 : i32
    %mul3A_18 = arith.muli %arg1, %mul3A_17 : i32
    "tpu.region"() ({
      %run_scoped3A = tpu.sem_alloc : memref<!tpu.dma_semaphore, #tpu.memory_space<semaphore_mem>>
      %dma_start3A = arith.constant 0 : i32
      %dma_start3A_19 = tpu.memref_slice %arg6[%arg0, %mul3A_18, %dma_start3A] : memref<2x10240x64xf32, #tpu.memory_space<hbm>> -> memref<1x640x64xf32, #tpu.memory_space<hbm>>
      %dma_start3A_20 = tpu.memref_squeeze %dma_start3A_19 : memref<1x640x64xf32, #tpu.memory_space<hbm>> -> memref<640x64xf32, #tpu.memory_space<hbm>>
      %dma_start3A_21 = arith.constant 0 : i32
      %dma_start3A_22 = tpu.memref_slice %arg12[%mul3A_18, %dma_start3A_21] : memref<10240x64xf32, #tpu.memory_space<vmem_shared>> -> memref<640x64xf32, #tpu.memory_space<vmem_shared>>
      tpu.enqueue_dma source(%dma_start3A_22 : memref<640x64xf32, #tpu.memory_space<vmem_shared>>) target(%dma_start3A_20 : memref<640x64xf32, #tpu.memory_space<hbm>>) target_semaphore(%run_scoped3A : memref<!tpu.dma_semaphore, #tpu.memory_space<semaphore_mem>>)
      %dma_wait3A = arith.constant 0 : i32
      %dma_wait3A_23 = tpu.memref_slice %arg6[%arg0, %mul3A_18, %dma_wait3A] : memref<2x10240x64xf32, #tpu.memory_space<hbm>> -> memref<1x640x64xf32, #tpu.memory_space<hbm>>
      %dma_wait3A_24 = tpu.memref_squeeze %dma_wait3A_23 : memref<1x640x64xf32, #tpu.memory_space<hbm>> -> memref<640x64xf32, #tpu.memory_space<hbm>>
      %dma_wait3A_25 = arith.constant 0 : i32
      %dma_wait3A_26 = tpu.memref_slice %arg12[%mul3A_18, %dma_wait3A_25] : memref<10240x64xf32, #tpu.memory_space<vmem_shared>> -> memref<640x64xf32, #tpu.memory_space<vmem_shared>>
      tpu.wait_dma2 semaphore(%run_scoped3A : memref<!tpu.dma_semaphore, #tpu.memory_space<semaphore_mem>>) src(%dma_wait3A_26 : memref<640x64xf32, #tpu.memory_space<vmem_shared>>) dst(%dma_wait3A_24 : memref<640x64xf32, #tpu.memory_space<hbm>>)
      tpu.yield
    }) : () -> ()
    return
  }
}

#map = affine_map<(d0, d1) -> (0, 0)>
#map1 = affine_map<(d0, d1) -> (0)>
#map2 = affine_map<(d0, d1) -> (0, 0, 0)>
module attributes {stable_mosaic.version = 14 : i64} {
  func.func @_spmm_call(%arg0: i32, %arg1: i32, %arg2: memref<10000x64xf32, #tpu.memory_space<hbm>>, %arg3: memref<323584xi32, #tpu.memory_space<hbm>>, %arg4: memref<323584xi32, #tpu.memory_space<hbm>>, %arg5: memref<323584xf32, #tpu.memory_space<hbm>>, %arg6: memref<2x10240x64xf32, #tpu.memory_space<hbm>>, %arg7: memref<128xi32, #tpu.memory_space<vmem>>, %arg8: memref<128xi32, #tpu.memory_space<vmem>>, %arg9: memref<128xf32, #tpu.memory_space<vmem>>, %arg10: memref<128x64xf32, #tpu.memory_space<vmem>>, %arg11: memref<640x64xf32, #tpu.memory_space<vmem>>, %arg12: memref<10240x64xf32, #tpu.memory_space<vmem_shared>>, %arg13: memref<!tpu.dma_semaphore, #tpu.memory_space<semaphore_mem>>) attributes {dimension_semantics = [#tpu.dimension_semantics<core_parallel>, #tpu.dimension_semantics<subcore_parallel>], iteration_bounds = array<i64: 2, 16>, scalar_prefetch = 0 : i64, scratch_operands = 7 : i64, tpu.core_type = #tpu.core_type<sc_vector_subcore>, window_params = [{transform_indices = #map}, {transform_indices = #map1}, {transform_indices = #map1}, {transform_indices = #map1}, {transform_indices = #map2}]} {
    %mul3A = arith.constant 16 : i32
    %mul3A_0 = arith.muli %arg0, %mul3A : i32
    %add3A = arith.addi %mul3A_0, %arg1 : i32
    %scan3A = arith.constant 0 : i32
    %scan3A_1 = arith.constant 0 : i32
    %scan3A_2 = arith.constant 640 : i32
    %scan3A_3 = arith.addi %scan3A_1, %scan3A_2 : i32
    %scan3A_4 = arith.constant 1 : i32
    %scan3A_5 = scf.for %scan3A_19 = %scan3A_1 to %scan3A_3 step %scan3A_4 iter_args(%scan3A_20 = %scan3A) -> (i32)  : i32 {
      %broadcast_in_dim3A = arith.constant 0.000000e+00 : f32
      %broadcast_in_dim3A_21 = vector.broadcast %broadcast_in_dim3A : f32 to vector<16xf32>
      %swap3A = arith.index_cast %scan3A_19 : i32 to index
      %swap3A_22 = arith.constant 0 : index
      %swap3A_23 = tpu.vector_load %arg11[%swap3A, %swap3A_22] {strides = array<i32>} : memref<640x64xf32, #tpu.memory_space<vmem>>, vector<16xf32>,
      tpu.vector_store %arg11[%swap3A, %swap3A_22], %broadcast_in_dim3A_21 {strides = array<i32>} : memref<640x64xf32, #tpu.memory_space<vmem>>, vector<16xf32>,
      %broadcast_in_dim3A_24 = arith.constant 0.000000e+00 : f32
      %broadcast_in_dim3A_25 = vector.broadcast %broadcast_in_dim3A_24 : f32 to vector<16xf32>
      %swap3A_26 = arith.index_cast %scan3A_19 : i32 to index
      %swap3A_27 = arith.constant 16 : index
      %swap3A_28 = tpu.vector_load %arg11[%swap3A_26, %swap3A_27] {strides = array<i32>} : memref<640x64xf32, #tpu.memory_space<vmem>>, vector<16xf32>,
      tpu.vector_store %arg11[%swap3A_26, %swap3A_27], %broadcast_in_dim3A_25 {strides = array<i32>} : memref<640x64xf32, #tpu.memory_space<vmem>>, vector<16xf32>,
      %broadcast_in_dim3A_29 = arith.constant 0.000000e+00 : f32
      %broadcast_in_dim3A_30 = vector.broadcast %broadcast_in_dim3A_29 : f32 to vector<16xf32>
      %swap3A_31 = arith.index_cast %scan3A_19 : i32 to index
      %swap3A_32 = arith.constant 32 : index
      %swap3A_33 = tpu.vector_load %arg11[%swap3A_31, %swap3A_32] {strides = array<i32>} : memref<640x64xf32, #tpu.memory_space<vmem>>, vector<16xf32>,
      tpu.vector_store %arg11[%swap3A_31, %swap3A_32], %broadcast_in_dim3A_30 {strides = array<i32>} : memref<640x64xf32, #tpu.memory_space<vmem>>, vector<16xf32>,
      %broadcast_in_dim3A_34 = arith.constant 0.000000e+00 : f32
      %broadcast_in_dim3A_35 = vector.broadcast %broadcast_in_dim3A_34 : f32 to vector<16xf32>
      %swap3A_36 = arith.index_cast %scan3A_19 : i32 to index
      %swap3A_37 = arith.constant 48 : index
      %swap3A_38 = tpu.vector_load %arg11[%swap3A_36, %swap3A_37] {strides = array<i32>} : memref<640x64xf32, #tpu.memory_space<vmem>>, vector<16xf32>,
      tpu.vector_store %arg11[%swap3A_36, %swap3A_37], %broadcast_in_dim3A_35 {strides = array<i32>} : memref<640x64xf32, #tpu.memory_space<vmem>>, vector<16xf32>,
      %scan3A_39 = arith.constant 0 : i32
      scf.yield %scan3A_39 : i32
    }
    %scan3A_6 = arith.constant 640 : i32
    %mul3A_7 = arith.constant 640 : i32
    %mul3A_8 = arith.muli %arg1, %mul3A_7 : i32
    "tpu.region"() ({
      %run_scoped3A = tpu.sem_alloc : memref<!tpu.dma_semaphore, #tpu.memory_space<semaphore_mem>>
      %dma_start3A = arith.constant 0 : i32
      %dma_start3A_19 = tpu.memref_slice %arg12[%mul3A_8, %dma_start3A] : memref<10240x64xf32, #tpu.memory_space<vmem_shared>> -> memref<640x64xf32, #tpu.memory_space<vmem_shared>>
      %dma_start3A_20 = arith.constant 0 : i32
      %dma_start3A_21 = tpu.memref_slice %arg12[%mul3A_8, %dma_start3A_20] : memref<10240x64xf32, #tpu.memory_space<vmem_shared>> -> memref<640x64xf32, #tpu.memory_space<vmem_shared>>
      tpu.enqueue_dma source(%arg11 : memref<640x64xf32, #tpu.memory_space<vmem>>) target(%dma_start3A_21 : memref<640x64xf32, #tpu.memory_space<vmem_shared>>) target_semaphore(%run_scoped3A : memref<!tpu.dma_semaphore, #tpu.memory_space<semaphore_mem>>)
      %dma_wait3A = arith.constant 0 : i32
      %dma_wait3A_22 = tpu.memref_slice %arg12[%mul3A_8, %dma_wait3A] : memref<10240x64xf32, #tpu.memory_space<vmem_shared>> -> memref<640x64xf32, #tpu.memory_space<vmem_shared>>
      %dma_wait3A_23 = arith.constant 0 : i32
      %dma_wait3A_24 = tpu.memref_slice %arg12[%mul3A_8, %dma_wait3A_23] : memref<10240x64xf32, #tpu.memory_space<vmem_shared>> -> memref<640x64xf32, #tpu.memory_space<vmem_shared>>
      tpu.wait_dma2 semaphore(%run_scoped3A : memref<!tpu.dma_semaphore, #tpu.memory_space<semaphore_mem>>) src(%arg11 : memref<640x64xf32, #tpu.memory_space<vmem>>) dst(%dma_wait3A_24 : memref<640x64xf32, #tpu.memory_space<vmem_shared>>)
      tpu.yield
    }) : () -> ()
    %barrier3A = arith.constant 0 : index
    tpu.barrier barrier_id(%barrier3A)
    %scan3A_9 = arith.constant 0 : i32
    %scan3A_10 = arith.constant 0 : i32
    %scan3A_11 = arith.constant 79 : i32
    %scan3A_12 = arith.addi %scan3A_10, %scan3A_11 : i32
    %scan3A_13 = arith.constant 1 : i32
    %scan3A_14 = scf.for %scan3A_19 = %scan3A_10 to %scan3A_12 step %scan3A_13 iter_args(%scan3A_20 = %scan3A_9) -> (i32)  : i32 {
      %mul3A_21 = arith.constant 10112 : i32
      %mul3A_22 = arith.muli %add3A, %mul3A_21 : i32
      %mul3A_23 = arith.constant 128 : i32
      %mul3A_24 = arith.muli %scan3A_19, %mul3A_23 : i32
      %add3A_25 = arith.addi %mul3A_22, %mul3A_24 : i32
      "tpu.region"() ({
        %run_scoped3A = tpu.sem_alloc : memref<!tpu.dma_semaphore, #tpu.memory_space<semaphore_mem>>
        %dma_start3A_38 = tpu.memref_slice %arg3[%add3A_25] : memref<323584xi32, #tpu.memory_space<hbm>> -> memref<128xi32, #tpu.memory_space<hbm>>
        %dma_start3A_39 = tpu.memref_slice %arg3[%add3A_25] : memref<323584xi32, #tpu.memory_space<hbm>> -> memref<128xi32, #tpu.memory_space<hbm>>
        tpu.enqueue_dma source(%dma_start3A_39 : memref<128xi32, #tpu.memory_space<hbm>>) target(%arg7 : memref<128xi32, #tpu.memory_space<vmem>>) target_semaphore(%run_scoped3A : memref<!tpu.dma_semaphore, #tpu.memory_space<semaphore_mem>>)
        %dma_wait3A_40 = tpu.memref_slice %arg3[%add3A_25] : memref<323584xi32, #tpu.memory_space<hbm>> -> memref<128xi32, #tpu.memory_space<hbm>>
        %dma_wait3A_41 = tpu.memref_slice %arg3[%add3A_25] : memref<323584xi32, #tpu.memory_space<hbm>> -> memref<128xi32, #tpu.memory_space<hbm>>
        tpu.wait_dma2 semaphore(%run_scoped3A : memref<!tpu.dma_semaphore, #tpu.memory_space<semaphore_mem>>) src(%dma_wait3A_41 : memref<128xi32, #tpu.memory_space<hbm>>) dst(%arg7 : memref<128xi32, #tpu.memory_space<vmem>>)
        tpu.yield
      }) : () -> ()
      "tpu.region"() ({
        %run_scoped3A = tpu.sem_alloc : memref<!tpu.dma_semaphore, #tpu.memory_space<semaphore_mem>>
        %dma_start3A_38 = tpu.memref_slice %arg4[%add3A_25] : memref<323584xi32, #tpu.memory_space<hbm>> -> memref<128xi32, #tpu.memory_space<hbm>>
        %dma_start3A_39 = tpu.memref_slice %arg4[%add3A_25] : memref<323584xi32, #tpu.memory_space<hbm>> -> memref<128xi32, #tpu.memory_space<hbm>>
        tpu.enqueue_dma source(%dma_start3A_39 : memref<128xi32, #tpu.memory_space<hbm>>) target(%arg8 : memref<128xi32, #tpu.memory_space<vmem>>) target_semaphore(%run_scoped3A : memref<!tpu.dma_semaphore, #tpu.memory_space<semaphore_mem>>)
        %dma_wait3A_40 = tpu.memref_slice %arg4[%add3A_25] : memref<323584xi32, #tpu.memory_space<hbm>> -> memref<128xi32, #tpu.memory_space<hbm>>
        %dma_wait3A_41 = tpu.memref_slice %arg4[%add3A_25] : memref<323584xi32, #tpu.memory_space<hbm>> -> memref<128xi32, #tpu.memory_space<hbm>>
        tpu.wait_dma2 semaphore(%run_scoped3A : memref<!tpu.dma_semaphore, #tpu.memory_space<semaphore_mem>>) src(%dma_wait3A_41 : memref<128xi32, #tpu.memory_space<hbm>>) dst(%arg8 : memref<128xi32, #tpu.memory_space<vmem>>)
        tpu.yield
      }) : () -> ()
      "tpu.region"() ({
        %run_scoped3A = tpu.sem_alloc : memref<!tpu.dma_semaphore, #tpu.memory_space<semaphore_mem>>
        %dma_start3A_38 = tpu.memref_slice %arg5[%add3A_25] : memref<323584xf32, #tpu.memory_space<hbm>> -> memref<128xf32, #tpu.memory_space<hbm>>
        %dma_start3A_39 = tpu.memref_slice %arg5[%add3A_25] : memref<323584xf32, #tpu.memory_space<hbm>> -> memref<128xf32, #tpu.memory_space<hbm>>
        tpu.enqueue_dma source(%dma_start3A_39 : memref<128xf32, #tpu.memory_space<hbm>>) target(%arg9 : memref<128xf32, #tpu.memory_space<vmem>>) target_semaphore(%run_scoped3A : memref<!tpu.dma_semaphore, #tpu.memory_space<semaphore_mem>>)
        %dma_wait3A_40 = tpu.memref_slice %arg5[%add3A_25] : memref<323584xf32, #tpu.memory_space<hbm>> -> memref<128xf32, #tpu.memory_space<hbm>>
        %dma_wait3A_41 = tpu.memref_slice %arg5[%add3A_25] : memref<323584xf32, #tpu.memory_space<hbm>> -> memref<128xf32, #tpu.memory_space<hbm>>
        tpu.wait_dma2 semaphore(%run_scoped3A : memref<!tpu.dma_semaphore, #tpu.memory_space<semaphore_mem>>) src(%dma_wait3A_41 : memref<128xf32, #tpu.memory_space<hbm>>) dst(%arg9 : memref<128xf32, #tpu.memory_space<vmem>>)
        tpu.yield
      }) : () -> ()
      %dma_start3A = arith.constant 0 : i32
      %dma_start3A_26 = arith.constant 0 : i32
      %dma_start3A_27 = tpu.memref_slice %arg2[%dma_start3A, %dma_start3A_26] : memref<10000x64xf32, #tpu.memory_space<hbm>> -> memref<10000x64xf32, #tpu.memory_space<hbm>>
      tpu.enqueue_indirect_dma source(%dma_start3A_27 : memref<10000x64xf32, #tpu.memory_space<hbm>>) target(%arg10 : memref<128x64xf32, #tpu.memory_space<vmem>>) offsets(%arg7 : memref<128xi32, #tpu.memory_space<vmem>>) semaphore(%arg13 : memref<!tpu.dma_semaphore, #tpu.memory_space<semaphore_mem>>)
      %dma_wait3A = arith.constant 0 : i32
      %dma_wait3A_28 = arith.constant 0 : i32
      %dma_wait3A_29 = tpu.memref_slice %arg2[%dma_wait3A, %dma_wait3A_28] : memref<10000x64xf32, #tpu.memory_space<hbm>> -> memref<10000x64xf32, #tpu.memory_space<hbm>>
      tpu.wait_indirect_dma semaphore(%arg13 : memref<!tpu.dma_semaphore, #tpu.memory_space<semaphore_mem>>) src(%dma_wait3A_29 : memref<10000x64xf32, #tpu.memory_space<hbm>>) dst(%arg10 : memref<128x64xf32, #tpu.memory_space<vmem>>)
      %scan3A_30 = arith.constant 0 : i32
      %scan3A_31 = arith.constant 0 : i32
      %scan3A_32 = arith.constant 128 : i32
      %scan3A_33 = arith.addi %scan3A_31, %scan3A_32 : i32
      %scan3A_34 = arith.constant 1 : i32
      %scan3A_35 = scf.for %scan3A_38 = %scan3A_31 to %scan3A_33 step %scan3A_34 iter_args(%scan3A_39 = %scan3A_30) -> (i32)  : i32 {
        %broadcast_in_dim3A = vector.broadcast %scan3A_38 : i32 to vector<16xi32>
        %gather3A = tpu.vector_load_idx %arg9[%broadcast_in_dim3A] : memref<128xf32, #tpu.memory_space<vmem>>[vector<16xi32>], vector<16xf32>,
        %get3A = arith.index_cast %scan3A_38 : i32 to index
        %get3A_40 = arith.constant 0 : index
        %get3A_41 = tpu.vector_load %arg10[%get3A, %get3A_40] {strides = array<i32>} : memref<128x64xf32, #tpu.memory_space<vmem>>, vector<16xf32>,
        %mul3A_42 = arith.mulf %get3A_41, %gather3A : vector<16xf32>
        %swap3A = arith.index_cast %scan3A_38 : i32 to index
        %swap3A_43 = arith.constant 0 : index
        %swap3A_44 = tpu.vector_load %arg10[%swap3A, %swap3A_43] {strides = array<i32>} : memref<128x64xf32, #tpu.memory_space<vmem>>, vector<16xf32>,
        tpu.vector_store %arg10[%swap3A, %swap3A_43], %mul3A_42 {strides = array<i32>} : memref<128x64xf32, #tpu.memory_space<vmem>>, vector<16xf32>,
        %get3A_45 = arith.index_cast %scan3A_38 : i32 to index
        %get3A_46 = arith.constant 16 : index
        %get3A_47 = tpu.vector_load %arg10[%get3A_45, %get3A_46] {strides = array<i32>} : memref<128x64xf32, #tpu.memory_space<vmem>>, vector<16xf32>,
        %mul3A_48 = arith.mulf %get3A_47, %gather3A : vector<16xf32>
        %swap3A_49 = arith.index_cast %scan3A_38 : i32 to index
        %swap3A_50 = arith.constant 16 : index
        %swap3A_51 = tpu.vector_load %arg10[%swap3A_49, %swap3A_50] {strides = array<i32>} : memref<128x64xf32, #tpu.memory_space<vmem>>, vector<16xf32>,
        tpu.vector_store %arg10[%swap3A_49, %swap3A_50], %mul3A_48 {strides = array<i32>} : memref<128x64xf32, #tpu.memory_space<vmem>>, vector<16xf32>,
        %get3A_52 = arith.index_cast %scan3A_38 : i32 to index
        %get3A_53 = arith.constant 32 : index
        %get3A_54 = tpu.vector_load %arg10[%get3A_52, %get3A_53] {strides = array<i32>} : memref<128x64xf32, #tpu.memory_space<vmem>>, vector<16xf32>,
        %mul3A_55 = arith.mulf %get3A_54, %gather3A : vector<16xf32>
        %swap3A_56 = arith.index_cast %scan3A_38 : i32 to index
        %swap3A_57 = arith.constant 32 : index
        %swap3A_58 = tpu.vector_load %arg10[%swap3A_56, %swap3A_57] {strides = array<i32>} : memref<128x64xf32, #tpu.memory_space<vmem>>, vector<16xf32>,
        tpu.vector_store %arg10[%swap3A_56, %swap3A_57], %mul3A_55 {strides = array<i32>} : memref<128x64xf32, #tpu.memory_space<vmem>>, vector<16xf32>,
        %get3A_59 = arith.index_cast %scan3A_38 : i32 to index
        %get3A_60 = arith.constant 48 : index
        %get3A_61 = tpu.vector_load %arg10[%get3A_59, %get3A_60] {strides = array<i32>} : memref<128x64xf32, #tpu.memory_space<vmem>>, vector<16xf32>,
        %mul3A_62 = arith.mulf %get3A_61, %gather3A : vector<16xf32>
        %swap3A_63 = arith.index_cast %scan3A_38 : i32 to index
        %swap3A_64 = arith.constant 48 : index
        %swap3A_65 = tpu.vector_load %arg10[%swap3A_63, %swap3A_64] {strides = array<i32>} : memref<128x64xf32, #tpu.memory_space<vmem>>, vector<16xf32>,
        tpu.vector_store %arg10[%swap3A_63, %swap3A_64], %mul3A_62 {strides = array<i32>} : memref<128x64xf32, #tpu.memory_space<vmem>>, vector<16xf32>,
        %scan3A_66 = arith.constant 0 : i32
        scf.yield %scan3A_66 : i32
      }
      %scan3A_36 = arith.constant 128 : i32
      "tpu.region"() ({
        %run_scoped3A = tpu.sem_alloc : memref<!tpu.dma_semaphore, #tpu.memory_space<semaphore_mem>>
        %dma_start3A_38 = arith.constant 0 : i32
        %dma_start3A_39 = arith.constant 0 : i32
        %dma_start3A_40 = tpu.memref_slice %arg12[%dma_start3A_38, %dma_start3A_39] : memref<10240x64xf32, #tpu.memory_space<vmem_shared>> -> memref<10240x64xf32, #tpu.memory_space<vmem_shared>>
        tpu.enqueue_indirect_dma source(%arg10 : memref<128x64xf32, #tpu.memory_space<vmem>>) target(%dma_start3A_40 : memref<10240x64xf32, #tpu.memory_space<vmem_shared>>) offsets(%arg8 : memref<128xi32, #tpu.memory_space<vmem>>) semaphore(%run_scoped3A : memref<!tpu.dma_semaphore, #tpu.memory_space<semaphore_mem>>) {add = true}
        %dma_wait3A_41 = arith.constant 0 : i32
        %dma_wait3A_42 = arith.constant 0 : i32
        %dma_wait3A_43 = tpu.memref_slice %arg12[%dma_wait3A_41, %dma_wait3A_42] : memref<10240x64xf32, #tpu.memory_space<vmem_shared>> -> memref<10240x64xf32, #tpu.memory_space<vmem_shared>>
        tpu.wait_indirect_dma semaphore(%run_scoped3A : memref<!tpu.dma_semaphore, #tpu.memory_space<semaphore_mem>>) src(%arg10 : memref<128x64xf32, #tpu.memory_space<vmem>>) dst(%dma_wait3A_43 : memref<10240x64xf32, #tpu.memory_space<vmem_shared>>)
        tpu.yield
      }) : () -> ()
      %scan3A_37 = arith.constant 0 : i32
      scf.yield %scan3A_37 : i32
    }
    %scan3A_15 = arith.constant 79 : i32
    %barrier3A_16 = arith.constant 0 : index
    tpu.barrier barrier_id(%barrier3A_16)
    %mul3A_17 = arith.constant 640 : i32
    %mul3A_18 = arith.muli %arg1, %mul3A_17 : i32
    "tpu.region"() ({
      %run_scoped3A = tpu.sem_alloc : memref<!tpu.dma_semaphore, #tpu.memory_space<semaphore_mem>>
      %dma_start3A = arith.constant 0 : i32
      %dma_start3A_19 = tpu.memref_slice %arg6[%arg0, %mul3A_18, %dma_start3A] : memref<2x10240x64xf32, #tpu.memory_space<hbm>> -> memref<1x640x64xf32, #tpu.memory_space<hbm>>
      %dma_start3A_20 = tpu.memref_squeeze %dma_start3A_19 : memref<1x640x64xf32, #tpu.memory_space<hbm>> -> memref<640x64xf32, #tpu.memory_space<hbm>>
      %dma_start3A_21 = arith.constant 0 : i32
      %dma_start3A_22 = tpu.memref_slice %arg12[%mul3A_18, %dma_start3A_21] : memref<10240x64xf32, #tpu.memory_space<vmem_shared>> -> memref<640x64xf32, #tpu.memory_space<vmem_shared>>
      tpu.enqueue_dma source(%dma_start3A_22 : memref<640x64xf32, #tpu.memory_space<vmem_shared>>) target(%dma_start3A_20 : memref<640x64xf32, #tpu.memory_space<hbm>>) target_semaphore(%run_scoped3A : memref<!tpu.dma_semaphore, #tpu.memory_space<semaphore_mem>>)
      %dma_wait3A = arith.constant 0 : i32
      %dma_wait3A_23 = tpu.memref_slice %arg6[%arg0, %mul3A_18, %dma_wait3A] : memref<2x10240x64xf32, #tpu.memory_space<hbm>> -> memref<1x640x64xf32, #tpu.memory_space<hbm>>
      %dma_wait3A_24 = tpu.memref_squeeze %dma_wait3A_23 : memref<1x640x64xf32, #tpu.memory_space<hbm>> -> memref<640x64xf32, #tpu.memory_space<hbm>>
      %dma_wait3A_25 = arith.constant 0 : i32
      %dma_wait3A_26 = tpu.memref_slice %arg12[%mul3A_18, %dma_wait3A_25] : memref<10240x64xf32, #tpu.memory_space<vmem_shared>> -> memref<640x64xf32, #tpu.memory_space<vmem_shared>>
      tpu.wait_dma2 semaphore(%run_scoped3A : memref<!tpu.dma_semaphore, #tpu.memory_space<semaphore_mem>>) src(%dma_wait3A_26 : memref<640x64xf32, #tpu.memory_space<vmem_shared>>) dst(%dma_wait3A_24 : memref<640x64xf32, #tpu.memory_space<hbm>>)
      tpu.yield
    }) : () -> ()
    return
  }
}

#map = affine_map<(d0, d1) -> (0, 0)>
#map1 = affine_map<(d0, d1) -> (0)>
#map2 = affine_map<(d0, d1) -> (0, 0, 0)>
module attributes {stable_mosaic.version = 14 : i64} {
  func.func @_spmm_call(%arg0: i32, %arg1: i32, %arg2: memref<10000x64xf32, #tpu.memory_space<hbm>>, %arg3: memref<323584xi32, #tpu.memory_space<hbm>>, %arg4: memref<323584xi32, #tpu.memory_space<hbm>>, %arg5: memref<323584xf32, #tpu.memory_space<hbm>>, %arg6: memref<2x10240x64xf32, #tpu.memory_space<hbm>>, %arg7: memref<128xi32, #tpu.memory_space<vmem>>, %arg8: memref<128xi32, #tpu.memory_space<vmem>>, %arg9: memref<128xf32, #tpu.memory_space<vmem>>, %arg10: memref<128x64xf32, #tpu.memory_space<vmem>>, %arg11: memref<640x64xf32, #tpu.memory_space<vmem>>, %arg12: memref<10240x64xf32, #tpu.memory_space<vmem_shared>>, %arg13: memref<!tpu.dma_semaphore, #tpu.memory_space<semaphore_mem>>) attributes {dimension_semantics = [#tpu.dimension_semantics<core_parallel>, #tpu.dimension_semantics<subcore_parallel>], iteration_bounds = array<i64: 2, 16>, scalar_prefetch = 0 : i64, scratch_operands = 7 : i64, tpu.core_type = #tpu.core_type<sc_vector_subcore>, window_params = [{transform_indices = #map}, {transform_indices = #map1}, {transform_indices = #map1}, {transform_indices = #map1}, {transform_indices = #map2}]} {
    %mul3A = arith.constant 16 : i32
    %mul3A_0 = arith.muli %arg0, %mul3A : i32
    %add3A = arith.addi %mul3A_0, %arg1 : i32
    %scan3A = arith.constant 0 : i32
    %scan3A_1 = arith.constant 0 : i32
    %scan3A_2 = arith.constant 640 : i32
    %scan3A_3 = arith.addi %scan3A_1, %scan3A_2 : i32
    %scan3A_4 = arith.constant 1 : i32
    %scan3A_5 = scf.for %scan3A_19 = %scan3A_1 to %scan3A_3 step %scan3A_4 iter_args(%scan3A_20 = %scan3A) -> (i32)  : i32 {
      %broadcast_in_dim3A = arith.constant 0.000000e+00 : f32
      %broadcast_in_dim3A_21 = vector.broadcast %broadcast_in_dim3A : f32 to vector<16xf32>
      %swap3A = arith.index_cast %scan3A_19 : i32 to index
      %swap3A_22 = arith.constant 0 : index
      %swap3A_23 = tpu.vector_load %arg11[%swap3A, %swap3A_22] {strides = array<i32>} : memref<640x64xf32, #tpu.memory_space<vmem>>, vector<16xf32>,
      tpu.vector_store %arg11[%swap3A, %swap3A_22], %broadcast_in_dim3A_21 {strides = array<i32>} : memref<640x64xf32, #tpu.memory_space<vmem>>, vector<16xf32>,
      %broadcast_in_dim3A_24 = arith.constant 0.000000e+00 : f32
      %broadcast_in_dim3A_25 = vector.broadcast %broadcast_in_dim3A_24 : f32 to vector<16xf32>
      %swap3A_26 = arith.index_cast %scan3A_19 : i32 to index
      %swap3A_27 = arith.constant 16 : index
      %swap3A_28 = tpu.vector_load %arg11[%swap3A_26, %swap3A_27] {strides = array<i32>} : memref<640x64xf32, #tpu.memory_space<vmem>>, vector<16xf32>,
      tpu.vector_store %arg11[%swap3A_26, %swap3A_27], %broadcast_in_dim3A_25 {strides = array<i32>} : memref<640x64xf32, #tpu.memory_space<vmem>>, vector<16xf32>,
      %broadcast_in_dim3A_29 = arith.constant 0.000000e+00 : f32
      %broadcast_in_dim3A_30 = vector.broadcast %broadcast_in_dim3A_29 : f32 to vector<16xf32>
      %swap3A_31 = arith.index_cast %scan3A_19 : i32 to index
      %swap3A_32 = arith.constant 32 : index
      %swap3A_33 = tpu.vector_load %arg11[%swap3A_31, %swap3A_32] {strides = array<i32>} : memref<640x64xf32, #tpu.memory_space<vmem>>, vector<16xf32>,
      tpu.vector_store %arg11[%swap3A_31, %swap3A_32], %broadcast_in_dim3A_30 {strides = array<i32>} : memref<640x64xf32, #tpu.memory_space<vmem>>, vector<16xf32>,
      %broadcast_in_dim3A_34 = arith.constant 0.000000e+00 : f32
      %broadcast_in_dim3A_35 = vector.broadcast %broadcast_in_dim3A_34 : f32 to vector<16xf32>
      %swap3A_36 = arith.index_cast %scan3A_19 : i32 to index
      %swap3A_37 = arith.constant 48 : index
      %swap3A_38 = tpu.vector_load %arg11[%swap3A_36, %swap3A_37] {strides = array<i32>} : memref<640x64xf32, #tpu.memory_space<vmem>>, vector<16xf32>,
      tpu.vector_store %arg11[%swap3A_36, %swap3A_37], %broadcast_in_dim3A_35 {strides = array<i32>} : memref<640x64xf32, #tpu.memory_space<vmem>>, vector<16xf32>,
      %scan3A_39 = arith.constant 0 : i32
      scf.yield %scan3A_39 : i32
    }
    %scan3A_6 = arith.constant 640 : i32
    %mul3A_7 = arith.constant 640 : i32
    %mul3A_8 = arith.muli %arg1, %mul3A_7 : i32
    "tpu.region"() ({
      %run_scoped3A = tpu.sem_alloc : memref<!tpu.dma_semaphore, #tpu.memory_space<semaphore_mem>>
      %dma_start3A = arith.constant 0 : i32
      %dma_start3A_19 = tpu.memref_slice %arg12[%mul3A_8, %dma_start3A] : memref<10240x64xf32, #tpu.memory_space<vmem_shared>> -> memref<640x64xf32, #tpu.memory_space<vmem_shared>>
      %dma_start3A_20 = arith.constant 0 : i32
      %dma_start3A_21 = tpu.memref_slice %arg12[%mul3A_8, %dma_start3A_20] : memref<10240x64xf32, #tpu.memory_space<vmem_shared>> -> memref<640x64xf32, #tpu.memory_space<vmem_shared>>
      tpu.enqueue_dma source(%arg11 : memref<640x64xf32, #tpu.memory_space<vmem>>) target(%dma_start3A_21 : memref<640x64xf32, #tpu.memory_space<vmem_shared>>) target_semaphore(%run_scoped3A : memref<!tpu.dma_semaphore, #tpu.memory_space<semaphore_mem>>)
      %dma_wait3A = arith.constant 0 : i32
      %dma_wait3A_22 = tpu.memref_slice %arg12[%mul3A_8, %dma_wait3A] : memref<10240x64xf32, #tpu.memory_space<vmem_shared>> -> memref<640x64xf32, #tpu.memory_space<vmem_shared>>
      %dma_wait3A_23 = arith.constant 0 : i32
      %dma_wait3A_24 = tpu.memref_slice %arg12[%mul3A_8, %dma_wait3A_23] : memref<10240x64xf32, #tpu.memory_space<vmem_shared>> -> memref<640x64xf32, #tpu.memory_space<vmem_shared>>
      tpu.wait_dma2 semaphore(%run_scoped3A : memref<!tpu.dma_semaphore, #tpu.memory_space<semaphore_mem>>) src(%arg11 : memref<640x64xf32, #tpu.memory_space<vmem>>) dst(%dma_wait3A_24 : memref<640x64xf32, #tpu.memory_space<vmem_shared>>)
      tpu.yield
    }) : () -> ()
    %barrier3A = arith.constant 0 : index
    tpu.barrier barrier_id(%barrier3A)
    %scan3A_9 = arith.constant 0 : i32
    %scan3A_10 = arith.constant 0 : i32
    %scan3A_11 = arith.constant 79 : i32
    %scan3A_12 = arith.addi %scan3A_10, %scan3A_11 : i32
    %scan3A_13 = arith.constant 1 : i32
    %scan3A_14 = scf.for %scan3A_19 = %scan3A_10 to %scan3A_12 step %scan3A_13 iter_args(%scan3A_20 = %scan3A_9) -> (i32)  : i32 {
      %mul3A_21 = arith.constant 10112 : i32
      %mul3A_22 = arith.muli %add3A, %mul3A_21 : i32
      %mul3A_23 = arith.constant 128 : i32
      %mul3A_24 = arith.muli %scan3A_19, %mul3A_23 : i32
      %add3A_25 = arith.addi %mul3A_22, %mul3A_24 : i32
      "tpu.region"() ({
        %run_scoped3A = tpu.sem_alloc : memref<!tpu.dma_semaphore, #tpu.memory_space<semaphore_mem>>
        %dma_start3A_38 = tpu.memref_slice %arg3[%add3A_25] : memref<323584xi32, #tpu.memory_space<hbm>> -> memref<128xi32, #tpu.memory_space<hbm>>
        %dma_start3A_39 = tpu.memref_slice %arg3[%add3A_25] : memref<323584xi32, #tpu.memory_space<hbm>> -> memref<128xi32, #tpu.memory_space<hbm>>
        tpu.enqueue_dma source(%dma_start3A_39 : memref<128xi32, #tpu.memory_space<hbm>>) target(%arg7 : memref<128xi32, #tpu.memory_space<vmem>>) target_semaphore(%run_scoped3A : memref<!tpu.dma_semaphore, #tpu.memory_space<semaphore_mem>>)
        %dma_wait3A_40 = tpu.memref_slice %arg3[%add3A_25] : memref<323584xi32, #tpu.memory_space<hbm>> -> memref<128xi32, #tpu.memory_space<hbm>>
        %dma_wait3A_41 = tpu.memref_slice %arg3[%add3A_25] : memref<323584xi32, #tpu.memory_space<hbm>> -> memref<128xi32, #tpu.memory_space<hbm>>
        tpu.wait_dma2 semaphore(%run_scoped3A : memref<!tpu.dma_semaphore, #tpu.memory_space<semaphore_mem>>) src(%dma_wait3A_41 : memref<128xi32, #tpu.memory_space<hbm>>) dst(%arg7 : memref<128xi32, #tpu.memory_space<vmem>>)
        tpu.yield
      }) : () -> ()
      "tpu.region"() ({
        %run_scoped3A = tpu.sem_alloc : memref<!tpu.dma_semaphore, #tpu.memory_space<semaphore_mem>>
        %dma_start3A_38 = tpu.memref_slice %arg4[%add3A_25] : memref<323584xi32, #tpu.memory_space<hbm>> -> memref<128xi32, #tpu.memory_space<hbm>>
        %dma_start3A_39 = tpu.memref_slice %arg4[%add3A_25] : memref<323584xi32, #tpu.memory_space<hbm>> -> memref<128xi32, #tpu.memory_space<hbm>>
        tpu.enqueue_dma source(%dma_start3A_39 : memref<128xi32, #tpu.memory_space<hbm>>) target(%arg8 : memref<128xi32, #tpu.memory_space<vmem>>) target_semaphore(%run_scoped3A : memref<!tpu.dma_semaphore, #tpu.memory_space<semaphore_mem>>)
        %dma_wait3A_40 = tpu.memref_slice %arg4[%add3A_25] : memref<323584xi32, #tpu.memory_space<hbm>> -> memref<128xi32, #tpu.memory_space<hbm>>
        %dma_wait3A_41 = tpu.memref_slice %arg4[%add3A_25] : memref<323584xi32, #tpu.memory_space<hbm>> -> memref<128xi32, #tpu.memory_space<hbm>>
        tpu.wait_dma2 semaphore(%run_scoped3A : memref<!tpu.dma_semaphore, #tpu.memory_space<semaphore_mem>>) src(%dma_wait3A_41 : memref<128xi32, #tpu.memory_space<hbm>>) dst(%arg8 : memref<128xi32, #tpu.memory_space<vmem>>)
        tpu.yield
      }) : () -> ()
      "tpu.region"() ({
        %run_scoped3A = tpu.sem_alloc : memref<!tpu.dma_semaphore, #tpu.memory_space<semaphore_mem>>
        %dma_start3A_38 = tpu.memref_slice %arg5[%add3A_25] : memref<323584xf32, #tpu.memory_space<hbm>> -> memref<128xf32, #tpu.memory_space<hbm>>
        %dma_start3A_39 = tpu.memref_slice %arg5[%add3A_25] : memref<323584xf32, #tpu.memory_space<hbm>> -> memref<128xf32, #tpu.memory_space<hbm>>
        tpu.enqueue_dma source(%dma_start3A_39 : memref<128xf32, #tpu.memory_space<hbm>>) target(%arg9 : memref<128xf32, #tpu.memory_space<vmem>>) target_semaphore(%run_scoped3A : memref<!tpu.dma_semaphore, #tpu.memory_space<semaphore_mem>>)
        %dma_wait3A_40 = tpu.memref_slice %arg5[%add3A_25] : memref<323584xf32, #tpu.memory_space<hbm>> -> memref<128xf32, #tpu.memory_space<hbm>>
        %dma_wait3A_41 = tpu.memref_slice %arg5[%add3A_25] : memref<323584xf32, #tpu.memory_space<hbm>> -> memref<128xf32, #tpu.memory_space<hbm>>
        tpu.wait_dma2 semaphore(%run_scoped3A : memref<!tpu.dma_semaphore, #tpu.memory_space<semaphore_mem>>) src(%dma_wait3A_41 : memref<128xf32, #tpu.memory_space<hbm>>) dst(%arg9 : memref<128xf32, #tpu.memory_space<vmem>>)
        tpu.yield
      }) : () -> ()
      %dma_start3A = arith.constant 0 : i32
      %dma_start3A_26 = arith.constant 0 : i32
      %dma_start3A_27 = tpu.memref_slice %arg2[%dma_start3A, %dma_start3A_26] : memref<10000x64xf32, #tpu.memory_space<hbm>> -> memref<10000x64xf32, #tpu.memory_space<hbm>>
      tpu.enqueue_indirect_dma source(%dma_start3A_27 : memref<10000x64xf32, #tpu.memory_space<hbm>>) target(%arg10 : memref<128x64xf32, #tpu.memory_space<vmem>>) offsets(%arg7 : memref<128xi32, #tpu.memory_space<vmem>>) semaphore(%arg13 : memref<!tpu.dma_semaphore, #tpu.memory_space<semaphore_mem>>)
      %dma_wait3A = arith.constant 0 : i32
      %dma_wait3A_28 = arith.constant 0 : i32
      %dma_wait3A_29 = tpu.memref_slice %arg2[%dma_wait3A, %dma_wait3A_28] : memref<10000x64xf32, #tpu.memory_space<hbm>> -> memref<10000x64xf32, #tpu.memory_space<hbm>>
      tpu.wait_indirect_dma semaphore(%arg13 : memref<!tpu.dma_semaphore, #tpu.memory_space<semaphore_mem>>) src(%dma_wait3A_29 : memref<10000x64xf32, #tpu.memory_space<hbm>>) dst(%arg10 : memref<128x64xf32, #tpu.memory_space<vmem>>)
      %scan3A_30 = arith.constant 0 : i32
      %scan3A_31 = arith.constant 0 : i32
      %scan3A_32 = arith.constant 128 : i32
      %scan3A_33 = arith.addi %scan3A_31, %scan3A_32 : i32
      %scan3A_34 = arith.constant 1 : i32
      %scan3A_35 = scf.for %scan3A_38 = %scan3A_31 to %scan3A_33 step %scan3A_34 iter_args(%scan3A_39 = %scan3A_30) -> (i32)  : i32 {
        %broadcast_in_dim3A = vector.broadcast %scan3A_38 : i32 to vector<16xi32>
        %gather3A = tpu.vector_load_idx %arg9[%broadcast_in_dim3A] : memref<128xf32, #tpu.memory_space<vmem>>[vector<16xi32>], vector<16xf32>,
        %get3A = arith.index_cast %scan3A_38 : i32 to index
        %get3A_40 = arith.constant 0 : index
        %get3A_41 = tpu.vector_load %arg10[%get3A, %get3A_40] {strides = array<i32>} : memref<128x64xf32, #tpu.memory_space<vmem>>, vector<16xf32>,
        %mul3A_42 = arith.mulf %get3A_41, %gather3A : vector<16xf32>
        %swap3A = arith.index_cast %scan3A_38 : i32 to index
        %swap3A_43 = arith.constant 0 : index
        %swap3A_44 = tpu.vector_load %arg10[%swap3A, %swap3A_43] {strides = array<i32>} : memref<128x64xf32, #tpu.memory_space<vmem>>, vector<16xf32>,
        tpu.vector_store %arg10[%swap3A, %swap3A_43], %mul3A_42 {strides = array<i32>} : memref<128x64xf32, #tpu.memory_space<vmem>>, vector<16xf32>,
        %get3A_45 = arith.index_cast %scan3A_38 : i32 to index
        %get3A_46 = arith.constant 16 : index
        %get3A_47 = tpu.vector_load %arg10[%get3A_45, %get3A_46] {strides = array<i32>} : memref<128x64xf32, #tpu.memory_space<vmem>>, vector<16xf32>,
        %mul3A_48 = arith.mulf %get3A_47, %gather3A : vector<16xf32>
        %swap3A_49 = arith.index_cast %scan3A_38 : i32 to index
        %swap3A_50 = arith.constant 16 : index
        %swap3A_51 = tpu.vector_load %arg10[%swap3A_49, %swap3A_50] {strides = array<i32>} : memref<128x64xf32, #tpu.memory_space<vmem>>, vector<16xf32>,
        tpu.vector_store %arg10[%swap3A_49, %swap3A_50], %mul3A_48 {strides = array<i32>} : memref<128x64xf32, #tpu.memory_space<vmem>>, vector<16xf32>,
        %get3A_52 = arith.index_cast %scan3A_38 : i32 to index
        %get3A_53 = arith.constant 32 : index
        %get3A_54 = tpu.vector_load %arg10[%get3A_52, %get3A_53] {strides = array<i32>} : memref<128x64xf32, #tpu.memory_space<vmem>>, vector<16xf32>,
        %mul3A_55 = arith.mulf %get3A_54, %gather3A : vector<16xf32>
        %swap3A_56 = arith.index_cast %scan3A_38 : i32 to index
        %swap3A_57 = arith.constant 32 : index
        %swap3A_58 = tpu.vector_load %arg10[%swap3A_56, %swap3A_57] {strides = array<i32>} : memref<128x64xf32, #tpu.memory_space<vmem>>, vector<16xf32>,
        tpu.vector_store %arg10[%swap3A_56, %swap3A_57], %mul3A_55 {strides = array<i32>} : memref<128x64xf32, #tpu.memory_space<vmem>>, vector<16xf32>,
        %get3A_59 = arith.index_cast %scan3A_38 : i32 to index
        %get3A_60 = arith.constant 48 : index
        %get3A_61 = tpu.vector_load %arg10[%get3A_59, %get3A_60] {strides = array<i32>} : memref<128x64xf32, #tpu.memory_space<vmem>>, vector<16xf32>,
        %mul3A_62 = arith.mulf %get3A_61, %gather3A : vector<16xf32>
        %swap3A_63 = arith.index_cast %scan3A_38 : i32 to index
        %swap3A_64 = arith.constant 48 : index
        %swap3A_65 = tpu.vector_load %arg10[%swap3A_63, %swap3A_64] {strides = array<i32>} : memref<128x64xf32, #tpu.memory_space<vmem>>, vector<16xf32>,
        tpu.vector_store %arg10[%swap3A_63, %swap3A_64], %mul3A_62 {strides = array<i32>} : memref<128x64xf32, #tpu.memory_space<vmem>>, vector<16xf32>,
        %scan3A_66 = arith.constant 0 : i32
        scf.yield %scan3A_66 : i32
      }
      %scan3A_36 = arith.constant 128 : i32
      "tpu.region"() ({
        %run_scoped3A = tpu.sem_alloc : memref<!tpu.dma_semaphore, #tpu.memory_space<semaphore_mem>>
        %dma_start3A_38 = arith.constant 0 : i32
        %dma_start3A_39 = arith.constant 0 : i32
        %dma_start3A_40 = tpu.memref_slice %arg12[%dma_start3A_38, %dma_start3A_39] : memref<10240x64xf32, #tpu.memory_space<vmem_shared>> -> memref<10240x64xf32, #tpu.memory_space<vmem_shared>>
        tpu.enqueue_indirect_dma source(%arg10 : memref<128x64xf32, #tpu.memory_space<vmem>>) target(%dma_start3A_40 : memref<10240x64xf32, #tpu.memory_space<vmem_shared>>) offsets(%arg8 : memref<128xi32, #tpu.memory_space<vmem>>) semaphore(%run_scoped3A : memref<!tpu.dma_semaphore, #tpu.memory_space<semaphore_mem>>) {add = true}
        %dma_wait3A_41 = arith.constant 0 : i32
        %dma_wait3A_42 = arith.constant 0 : i32
        %dma_wait3A_43 = tpu.memref_slice %arg12[%dma_wait3A_41, %dma_wait3A_42] : memref<10240x64xf32, #tpu.memory_space<vmem_shared>> -> memref<10240x64xf32, #tpu.memory_space<vmem_shared>>
        tpu.wait_indirect_dma semaphore(%run_scoped3A : memref<!tpu.dma_semaphore, #tpu.memory_space<semaphore_mem>>) src(%arg10 : memref<128x64xf32, #tpu.memory_space<vmem>>) dst(%dma_wait3A_43 : memref<10240x64xf32, #tpu.memory_space<vmem_shared>>)
        tpu.yield
      }) : () -> ()
      %scan3A_37 = arith.constant 0 : i32
      scf.yield %scan3A_37 : i32
    }
    %scan3A_15 = arith.constant 79 : i32
    %barrier3A_16 = arith.constant 0 : index
    tpu.barrier barrier_id(%barrier3A_16)
    %mul3A_17 = arith.constant 640 : i32
    %mul3A_18 = arith.muli %arg1, %mul3A_17 : i32
    "tpu.region"() ({
      %run_scoped3A = tpu.sem_alloc : memref<!tpu.dma_semaphore, #tpu.memory_space<semaphore_mem>>
      %dma_start3A = arith.constant 0 : i32
      %dma_start3A_19 = tpu.memref_slice %arg6[%arg0, %mul3A_18, %dma_start3A] : memref<2x10240x64xf32, #tpu.memory_space<hbm>> -> memref<1x640x64xf32, #tpu.memory_space<hbm>>
      %dma_start3A_20 = tpu.memref_squeeze %dma_start3A_19 : memref<1x640x64xf32, #tpu.memory_space<hbm>> -> memref<640x64xf32, #tpu.memory_space<hbm>>
      %dma_start3A_21 = arith.constant 0 : i32
      %dma_start3A_22 = tpu.memref_slice %arg12[%mul3A_18, %dma_start3A_21] : memref<10240x64xf32, #tpu.memory_space<vmem_shared>> -> memref<640x64xf32, #tpu.memory_space<vmem_shared>>
      tpu.enqueue_dma source(%dma_start3A_22 : memref<640x64xf32, #tpu.memory_space<vmem_shared>>) target(%dma_start3A_20 : memref<640x64xf32, #tpu.memory_space<hbm>>) target_semaphore(%run_scoped3A : memref<!tpu.dma_semaphore, #tpu.memory_space<semaphore_mem>>)
      %dma_wait3A = arith.constant 0 : i32
      %dma_wait3A_23 = tpu.memref_slice %arg6[%arg0, %mul3A_18, %dma_wait3A] : memref<2x10240x64xf32, #tpu.memory_space<hbm>> -> memref<1x640x64xf32, #tpu.memory_space<hbm>>
      %dma_wait3A_24 = tpu.memref_squeeze %dma_wait3A_23 : memref<1x640x64xf32, #tpu.memory_space<hbm>> -> memref<640x64xf32, #tpu.memory_space<hbm>>
      %dma_wait3A_25 = arith.constant 0 : i32
      %dma_wait3A_26 = tpu.memref_slice %arg12[%mul3A_18, %dma_wait3A_25] : memref<10240x64xf32, #tpu.memory_space<vmem_shared>> -> memref<640x64xf32, #tpu.memory_space<vmem_shared>>
      tpu.wait_dma2 semaphore(%run_scoped3A : memref<!tpu.dma_semaphore, #tpu.memory_space<semaphore_mem>>) src(%dma_wait3A_26 : memref<640x64xf32, #tpu.memory_space<vmem_shared>>) dst(%dma_wait3A_24 : memref<640x64xf32, #tpu.memory_space<hbm>>)
      tpu.yield
    }) : () -> ()
    return
  }
}

#map = affine_map<(d0, d1) -> (0, 0)>
#map1 = affine_map<(d0, d1) -> (0)>
#map2 = affine_map<(d0, d1) -> (0, 0, 0)>
module attributes {stable_mosaic.version = 14 : i64} {
  func.func @_spmm_call(%arg0: i32, %arg1: i32, %arg2: memref<10000x64xf32, #tpu.memory_space<hbm>>, %arg3: memref<323584xi32, #tpu.memory_space<hbm>>, %arg4: memref<323584xi32, #tpu.memory_space<hbm>>, %arg5: memref<323584xf32, #tpu.memory_space<hbm>>, %arg6: memref<2x10240x64xf32, #tpu.memory_space<hbm>>, %arg7: memref<128xi32, #tpu.memory_space<vmem>>, %arg8: memref<128xi32, #tpu.memory_space<vmem>>, %arg9: memref<128xf32, #tpu.memory_space<vmem>>, %arg10: memref<128x64xf32, #tpu.memory_space<vmem>>, %arg11: memref<640x64xf32, #tpu.memory_space<vmem>>, %arg12: memref<10240x64xf32, #tpu.memory_space<vmem_shared>>, %arg13: memref<!tpu.dma_semaphore, #tpu.memory_space<semaphore_mem>>) attributes {dimension_semantics = [#tpu.dimension_semantics<core_parallel>, #tpu.dimension_semantics<subcore_parallel>], iteration_bounds = array<i64: 2, 16>, scalar_prefetch = 0 : i64, scratch_operands = 7 : i64, tpu.core_type = #tpu.core_type<sc_vector_subcore>, window_params = [{transform_indices = #map}, {transform_indices = #map1}, {transform_indices = #map1}, {transform_indices = #map1}, {transform_indices = #map2}]} {
    %mul3A = arith.constant 16 : i32
    %mul3A_0 = arith.muli %arg0, %mul3A : i32
    %add3A = arith.addi %mul3A_0, %arg1 : i32
    %scan3A = arith.constant 0 : i32
    %scan3A_1 = arith.constant 0 : i32
    %scan3A_2 = arith.constant 640 : i32
    %scan3A_3 = arith.addi %scan3A_1, %scan3A_2 : i32
    %scan3A_4 = arith.constant 1 : i32
    %scan3A_5 = scf.for %scan3A_19 = %scan3A_1 to %scan3A_3 step %scan3A_4 iter_args(%scan3A_20 = %scan3A) -> (i32)  : i32 {
      %broadcast_in_dim3A = arith.constant 0.000000e+00 : f32
      %broadcast_in_dim3A_21 = vector.broadcast %broadcast_in_dim3A : f32 to vector<16xf32>
      %swap3A = arith.index_cast %scan3A_19 : i32 to index
      %swap3A_22 = arith.constant 0 : index
      %swap3A_23 = tpu.vector_load %arg11[%swap3A, %swap3A_22] {strides = array<i32>} : memref<640x64xf32, #tpu.memory_space<vmem>>, vector<16xf32>,
      tpu.vector_store %arg11[%swap3A, %swap3A_22], %broadcast_in_dim3A_21 {strides = array<i32>} : memref<640x64xf32, #tpu.memory_space<vmem>>, vector<16xf32>,
      %broadcast_in_dim3A_24 = arith.constant 0.000000e+00 : f32
      %broadcast_in_dim3A_25 = vector.broadcast %broadcast_in_dim3A_24 : f32 to vector<16xf32>
      %swap3A_26 = arith.index_cast %scan3A_19 : i32 to index
      %swap3A_27 = arith.constant 16 : index
      %swap3A_28 = tpu.vector_load %arg11[%swap3A_26, %swap3A_27] {strides = array<i32>} : memref<640x64xf32, #tpu.memory_space<vmem>>, vector<16xf32>,
      tpu.vector_store %arg11[%swap3A_26, %swap3A_27], %broadcast_in_dim3A_25 {strides = array<i32>} : memref<640x64xf32, #tpu.memory_space<vmem>>, vector<16xf32>,
      %broadcast_in_dim3A_29 = arith.constant 0.000000e+00 : f32
      %broadcast_in_dim3A_30 = vector.broadcast %broadcast_in_dim3A_29 : f32 to vector<16xf32>
      %swap3A_31 = arith.index_cast %scan3A_19 : i32 to index
      %swap3A_32 = arith.constant 32 : index
      %swap3A_33 = tpu.vector_load %arg11[%swap3A_31, %swap3A_32] {strides = array<i32>} : memref<640x64xf32, #tpu.memory_space<vmem>>, vector<16xf32>,
      tpu.vector_store %arg11[%swap3A_31, %swap3A_32], %broadcast_in_dim3A_30 {strides = array<i32>} : memref<640x64xf32, #tpu.memory_space<vmem>>, vector<16xf32>,
      %broadcast_in_dim3A_34 = arith.constant 0.000000e+00 : f32
      %broadcast_in_dim3A_35 = vector.broadcast %broadcast_in_dim3A_34 : f32 to vector<16xf32>
      %swap3A_36 = arith.index_cast %scan3A_19 : i32 to index
      %swap3A_37 = arith.constant 48 : index
      %swap3A_38 = tpu.vector_load %arg11[%swap3A_36, %swap3A_37] {strides = array<i32>} : memref<640x64xf32, #tpu.memory_space<vmem>>, vector<16xf32>,
      tpu.vector_store %arg11[%swap3A_36, %swap3A_37], %broadcast_in_dim3A_35 {strides = array<i32>} : memref<640x64xf32, #tpu.memory_space<vmem>>, vector<16xf32>,
      %scan3A_39 = arith.constant 0 : i32
      scf.yield %scan3A_39 : i32
    }
    %scan3A_6 = arith.constant 640 : i32
    %mul3A_7 = arith.constant 640 : i32
    %mul3A_8 = arith.muli %arg1, %mul3A_7 : i32
    "tpu.region"() ({
      %run_scoped3A = tpu.sem_alloc : memref<!tpu.dma_semaphore, #tpu.memory_space<semaphore_mem>>
      %dma_start3A = arith.constant 0 : i32
      %dma_start3A_19 = tpu.memref_slice %arg12[%mul3A_8, %dma_start3A] : memref<10240x64xf32, #tpu.memory_space<vmem_shared>> -> memref<640x64xf32, #tpu.memory_space<vmem_shared>>
      %dma_start3A_20 = arith.constant 0 : i32
      %dma_start3A_21 = tpu.memref_slice %arg12[%mul3A_8, %dma_start3A_20] : memref<10240x64xf32, #tpu.memory_space<vmem_shared>> -> memref<640x64xf32, #tpu.memory_space<vmem_shared>>
      tpu.enqueue_dma source(%arg11 : memref<640x64xf32, #tpu.memory_space<vmem>>) target(%dma_start3A_21 : memref<640x64xf32, #tpu.memory_space<vmem_shared>>) target_semaphore(%run_scoped3A : memref<!tpu.dma_semaphore, #tpu.memory_space<semaphore_mem>>)
      %dma_wait3A = arith.constant 0 : i32
      %dma_wait3A_22 = tpu.memref_slice %arg12[%mul3A_8, %dma_wait3A] : memref<10240x64xf32, #tpu.memory_space<vmem_shared>> -> memref<640x64xf32, #tpu.memory_space<vmem_shared>>
      %dma_wait3A_23 = arith.constant 0 : i32
      %dma_wait3A_24 = tpu.memref_slice %arg12[%mul3A_8, %dma_wait3A_23] : memref<10240x64xf32, #tpu.memory_space<vmem_shared>> -> memref<640x64xf32, #tpu.memory_space<vmem_shared>>
      tpu.wait_dma2 semaphore(%run_scoped3A : memref<!tpu.dma_semaphore, #tpu.memory_space<semaphore_mem>>) src(%arg11 : memref<640x64xf32, #tpu.memory_space<vmem>>) dst(%dma_wait3A_24 : memref<640x64xf32, #tpu.memory_space<vmem_shared>>)
      tpu.yield
    }) : () -> ()
    %barrier3A = arith.constant 0 : index
    tpu.barrier barrier_id(%barrier3A)
    %scan3A_9 = arith.constant 0 : i32
    %scan3A_10 = arith.constant 0 : i32
    %scan3A_11 = arith.constant 79 : i32
    %scan3A_12 = arith.addi %scan3A_10, %scan3A_11 : i32
    %scan3A_13 = arith.constant 1 : i32
    %scan3A_14 = scf.for %scan3A_19 = %scan3A_10 to %scan3A_12 step %scan3A_13 iter_args(%scan3A_20 = %scan3A_9) -> (i32)  : i32 {
      %mul3A_21 = arith.constant 10112 : i32
      %mul3A_22 = arith.muli %add3A, %mul3A_21 : i32
      %mul3A_23 = arith.constant 128 : i32
      %mul3A_24 = arith.muli %scan3A_19, %mul3A_23 : i32
      %add3A_25 = arith.addi %mul3A_22, %mul3A_24 : i32
      "tpu.region"() ({
        %run_scoped3A = tpu.sem_alloc : memref<!tpu.dma_semaphore, #tpu.memory_space<semaphore_mem>>
        %dma_start3A_38 = tpu.memref_slice %arg3[%add3A_25] : memref<323584xi32, #tpu.memory_space<hbm>> -> memref<128xi32, #tpu.memory_space<hbm>>
        %dma_start3A_39 = tpu.memref_slice %arg3[%add3A_25] : memref<323584xi32, #tpu.memory_space<hbm>> -> memref<128xi32, #tpu.memory_space<hbm>>
        tpu.enqueue_dma source(%dma_start3A_39 : memref<128xi32, #tpu.memory_space<hbm>>) target(%arg7 : memref<128xi32, #tpu.memory_space<vmem>>) target_semaphore(%run_scoped3A : memref<!tpu.dma_semaphore, #tpu.memory_space<semaphore_mem>>)
        %dma_wait3A_40 = tpu.memref_slice %arg3[%add3A_25] : memref<323584xi32, #tpu.memory_space<hbm>> -> memref<128xi32, #tpu.memory_space<hbm>>
        %dma_wait3A_41 = tpu.memref_slice %arg3[%add3A_25] : memref<323584xi32, #tpu.memory_space<hbm>> -> memref<128xi32, #tpu.memory_space<hbm>>
        tpu.wait_dma2 semaphore(%run_scoped3A : memref<!tpu.dma_semaphore, #tpu.memory_space<semaphore_mem>>) src(%dma_wait3A_41 : memref<128xi32, #tpu.memory_space<hbm>>) dst(%arg7 : memref<128xi32, #tpu.memory_space<vmem>>)
        tpu.yield
      }) : () -> ()
      "tpu.region"() ({
        %run_scoped3A = tpu.sem_alloc : memref<!tpu.dma_semaphore, #tpu.memory_space<semaphore_mem>>
        %dma_start3A_38 = tpu.memref_slice %arg4[%add3A_25] : memref<323584xi32, #tpu.memory_space<hbm>> -> memref<128xi32, #tpu.memory_space<hbm>>
        %dma_start3A_39 = tpu.memref_slice %arg4[%add3A_25] : memref<323584xi32, #tpu.memory_space<hbm>> -> memref<128xi32, #tpu.memory_space<hbm>>
        tpu.enqueue_dma source(%dma_start3A_39 : memref<128xi32, #tpu.memory_space<hbm>>) target(%arg8 : memref<128xi32, #tpu.memory_space<vmem>>) target_semaphore(%run_scoped3A : memref<!tpu.dma_semaphore, #tpu.memory_space<semaphore_mem>>)
        %dma_wait3A_40 = tpu.memref_slice %arg4[%add3A_25] : memref<323584xi32, #tpu.memory_space<hbm>> -> memref<128xi32, #tpu.memory_space<hbm>>
        %dma_wait3A_41 = tpu.memref_slice %arg4[%add3A_25] : memref<323584xi32, #tpu.memory_space<hbm>> -> memref<128xi32, #tpu.memory_space<hbm>>
        tpu.wait_dma2 semaphore(%run_scoped3A : memref<!tpu.dma_semaphore, #tpu.memory_space<semaphore_mem>>) src(%dma_wait3A_41 : memref<128xi32, #tpu.memory_space<hbm>>) dst(%arg8 : memref<128xi32, #tpu.memory_space<vmem>>)
        tpu.yield
      }) : () -> ()
      "tpu.region"() ({
        %run_scoped3A = tpu.sem_alloc : memref<!tpu.dma_semaphore, #tpu.memory_space<semaphore_mem>>
        %dma_start3A_38 = tpu.memref_slice %arg5[%add3A_25] : memref<323584xf32, #tpu.memory_space<hbm>> -> memref<128xf32, #tpu.memory_space<hbm>>
        %dma_start3A_39 = tpu.memref_slice %arg5[%add3A_25] : memref<323584xf32, #tpu.memory_space<hbm>> -> memref<128xf32, #tpu.memory_space<hbm>>
        tpu.enqueue_dma source(%dma_start3A_39 : memref<128xf32, #tpu.memory_space<hbm>>) target(%arg9 : memref<128xf32, #tpu.memory_space<vmem>>) target_semaphore(%run_scoped3A : memref<!tpu.dma_semaphore, #tpu.memory_space<semaphore_mem>>)
        %dma_wait3A_40 = tpu.memref_slice %arg5[%add3A_25] : memref<323584xf32, #tpu.memory_space<hbm>> -> memref<128xf32, #tpu.memory_space<hbm>>
        %dma_wait3A_41 = tpu.memref_slice %arg5[%add3A_25] : memref<323584xf32, #tpu.memory_space<hbm>> -> memref<128xf32, #tpu.memory_space<hbm>>
        tpu.wait_dma2 semaphore(%run_scoped3A : memref<!tpu.dma_semaphore, #tpu.memory_space<semaphore_mem>>) src(%dma_wait3A_41 : memref<128xf32, #tpu.memory_space<hbm>>) dst(%arg9 : memref<128xf32, #tpu.memory_space<vmem>>)
        tpu.yield
      }) : () -> ()
      %dma_start3A = arith.constant 0 : i32
      %dma_start3A_26 = arith.constant 0 : i32
      %dma_start3A_27 = tpu.memref_slice %arg2[%dma_start3A, %dma_start3A_26] : memref<10000x64xf32, #tpu.memory_space<hbm>> -> memref<10000x64xf32, #tpu.memory_space<hbm>>
      tpu.enqueue_indirect_dma source(%dma_start3A_27 : memref<10000x64xf32, #tpu.memory_space<hbm>>) target(%arg10 : memref<128x64xf32, #tpu.memory_space<vmem>>) offsets(%arg7 : memref<128xi32, #tpu.memory_space<vmem>>) semaphore(%arg13 : memref<!tpu.dma_semaphore, #tpu.memory_space<semaphore_mem>>)
      %dma_wait3A = arith.constant 0 : i32
      %dma_wait3A_28 = arith.constant 0 : i32
      %dma_wait3A_29 = tpu.memref_slice %arg2[%dma_wait3A, %dma_wait3A_28] : memref<10000x64xf32, #tpu.memory_space<hbm>> -> memref<10000x64xf32, #tpu.memory_space<hbm>>
      tpu.wait_indirect_dma semaphore(%arg13 : memref<!tpu.dma_semaphore, #tpu.memory_space<semaphore_mem>>) src(%dma_wait3A_29 : memref<10000x64xf32, #tpu.memory_space<hbm>>) dst(%arg10 : memref<128x64xf32, #tpu.memory_space<vmem>>)
      %scan3A_30 = arith.constant 0 : i32
      %scan3A_31 = arith.constant 0 : i32
      %scan3A_32 = arith.constant 128 : i32
      %scan3A_33 = arith.addi %scan3A_31, %scan3A_32 : i32
      %scan3A_34 = arith.constant 1 : i32
      %scan3A_35 = scf.for %scan3A_38 = %scan3A_31 to %scan3A_33 step %scan3A_34 iter_args(%scan3A_39 = %scan3A_30) -> (i32)  : i32 {
        %broadcast_in_dim3A = vector.broadcast %scan3A_38 : i32 to vector<16xi32>
        %gather3A = tpu.vector_load_idx %arg9[%broadcast_in_dim3A] : memref<128xf32, #tpu.memory_space<vmem>>[vector<16xi32>], vector<16xf32>,
        %get3A = arith.index_cast %scan3A_38 : i32 to index
        %get3A_40 = arith.constant 0 : index
        %get3A_41 = tpu.vector_load %arg10[%get3A, %get3A_40] {strides = array<i32>} : memref<128x64xf32, #tpu.memory_space<vmem>>, vector<16xf32>,
        %mul3A_42 = arith.mulf %get3A_41, %gather3A : vector<16xf32>
        %swap3A = arith.index_cast %scan3A_38 : i32 to index
        %swap3A_43 = arith.constant 0 : index
        %swap3A_44 = tpu.vector_load %arg10[%swap3A, %swap3A_43] {strides = array<i32>} : memref<128x64xf32, #tpu.memory_space<vmem>>, vector<16xf32>,
        tpu.vector_store %arg10[%swap3A, %swap3A_43], %mul3A_42 {strides = array<i32>} : memref<128x64xf32, #tpu.memory_space<vmem>>, vector<16xf32>,
        %get3A_45 = arith.index_cast %scan3A_38 : i32 to index
        %get3A_46 = arith.constant 16 : index
        %get3A_47 = tpu.vector_load %arg10[%get3A_45, %get3A_46] {strides = array<i32>} : memref<128x64xf32, #tpu.memory_space<vmem>>, vector<16xf32>,
        %mul3A_48 = arith.mulf %get3A_47, %gather3A : vector<16xf32>
        %swap3A_49 = arith.index_cast %scan3A_38 : i32 to index
        %swap3A_50 = arith.constant 16 : index
        %swap3A_51 = tpu.vector_load %arg10[%swap3A_49, %swap3A_50] {strides = array<i32>} : memref<128x64xf32, #tpu.memory_space<vmem>>, vector<16xf32>,
        tpu.vector_store %arg10[%swap3A_49, %swap3A_50], %mul3A_48 {strides = array<i32>} : memref<128x64xf32, #tpu.memory_space<vmem>>, vector<16xf32>,
        %get3A_52 = arith.index_cast %scan3A_38 : i32 to index
        %get3A_53 = arith.constant 32 : index
        %get3A_54 = tpu.vector_load %arg10[%get3A_52, %get3A_53] {strides = array<i32>} : memref<128x64xf32, #tpu.memory_space<vmem>>, vector<16xf32>,
        %mul3A_55 = arith.mulf %get3A_54, %gather3A : vector<16xf32>
        %swap3A_56 = arith.index_cast %scan3A_38 : i32 to index
        %swap3A_57 = arith.constant 32 : index
        %swap3A_58 = tpu.vector_load %arg10[%swap3A_56, %swap3A_57] {strides = array<i32>} : memref<128x64xf32, #tpu.memory_space<vmem>>, vector<16xf32>,
        tpu.vector_store %arg10[%swap3A_56, %swap3A_57], %mul3A_55 {strides = array<i32>} : memref<128x64xf32, #tpu.memory_space<vmem>>, vector<16xf32>,
        %get3A_59 = arith.index_cast %scan3A_38 : i32 to index
        %get3A_60 = arith.constant 48 : index
        %get3A_61 = tpu.vector_load %arg10[%get3A_59, %get3A_60] {strides = array<i32>} : memref<128x64xf32, #tpu.memory_space<vmem>>, vector<16xf32>,
        %mul3A_62 = arith.mulf %get3A_61, %gather3A : vector<16xf32>
        %swap3A_63 = arith.index_cast %scan3A_38 : i32 to index
        %swap3A_64 = arith.constant 48 : index
        %swap3A_65 = tpu.vector_load %arg10[%swap3A_63, %swap3A_64] {strides = array<i32>} : memref<128x64xf32, #tpu.memory_space<vmem>>, vector<16xf32>,
        tpu.vector_store %arg10[%swap3A_63, %swap3A_64], %mul3A_62 {strides = array<i32>} : memref<128x64xf32, #tpu.memory_space<vmem>>, vector<16xf32>,
        %scan3A_66 = arith.constant 0 : i32
        scf.yield %scan3A_66 : i32
      }
      %scan3A_36 = arith.constant 128 : i32
      "tpu.region"() ({
        %run_scoped3A = tpu.sem_alloc : memref<!tpu.dma_semaphore, #tpu.memory_space<semaphore_mem>>
        %dma_start3A_38 = arith.constant 0 : i32
        %dma_start3A_39 = arith.constant 0 : i32
        %dma_start3A_40 = tpu.memref_slice %arg12[%dma_start3A_38, %dma_start3A_39] : memref<10240x64xf32, #tpu.memory_space<vmem_shared>> -> memref<10240x64xf32, #tpu.memory_space<vmem_shared>>
        tpu.enqueue_indirect_dma source(%arg10 : memref<128x64xf32, #tpu.memory_space<vmem>>) target(%dma_start3A_40 : memref<10240x64xf32, #tpu.memory_space<vmem_shared>>) offsets(%arg8 : memref<128xi32, #tpu.memory_space<vmem>>) semaphore(%run_scoped3A : memref<!tpu.dma_semaphore, #tpu.memory_space<semaphore_mem>>) {add = true}
        %dma_wait3A_41 = arith.constant 0 : i32
        %dma_wait3A_42 = arith.constant 0 : i32
        %dma_wait3A_43 = tpu.memref_slice %arg12[%dma_wait3A_41, %dma_wait3A_42] : memref<10240x64xf32, #tpu.memory_space<vmem_shared>> -> memref<10240x64xf32, #tpu.memory_space<vmem_shared>>
        tpu.wait_indirect_dma semaphore(%run_scoped3A : memref<!tpu.dma_semaphore, #tpu.memory_space<semaphore_mem>>) src(%arg10 : memref<128x64xf32, #tpu.memory_space<vmem>>) dst(%dma_wait3A_43 : memref<10240x64xf32, #tpu.memory_space<vmem_shared>>)
        tpu.yield
      }) : () -> ()
      %scan3A_37 = arith.constant 0 : i32
      scf.yield %scan3A_37 : i32
    }
    %scan3A_15 = arith.constant 79 : i32
    %barrier3A_16 = arith.constant 0 : index
    tpu.barrier barrier_id(%barrier3A_16)
    %mul3A_17 = arith.constant 640 : i32
    %mul3A_18 = arith.muli %arg1, %mul3A_17 : i32
    "tpu.region"() ({
      %run_scoped3A = tpu.sem_alloc : memref<!tpu.dma_semaphore, #tpu.memory_space<semaphore_mem>>
      %dma_start3A = arith.constant 0 : i32
      %dma_start3A_19 = tpu.memref_slice %arg6[%arg0, %mul3A_18, %dma_start3A] : memref<2x10240x64xf32, #tpu.memory_space<hbm>> -> memref<1x640x64xf32, #tpu.memory_space<hbm>>
      %dma_start3A_20 = tpu.memref_squeeze %dma_start3A_19 : memref<1x640x64xf32, #tpu.memory_space<hbm>> -> memref<640x64xf32, #tpu.memory_space<hbm>>
      %dma_start3A_21 = arith.constant 0 : i32
      %dma_start3A_22 = tpu.memref_slice %arg12[%mul3A_18, %dma_start3A_21] : memref<10240x64xf32, #tpu.memory_space<vmem_shared>> -> memref<640x64xf32, #tpu.memory_space<vmem_shared>>
      tpu.enqueue_dma source(%dma_start3A_22 : memref<640x64xf32, #tpu.memory_space<vmem_shared>>) target(%dma_start3A_20 : memref<640x64xf32, #tpu.memory_space<hbm>>) target_semaphore(%run_scoped3A : memref<!tpu.dma_semaphore, #tpu.memory_space<semaphore_mem>>)
      %dma_wait3A = arith.constant 0 : i32
      %dma_wait3A_23 = tpu.memref_slice %arg6[%arg0, %mul3A_18, %dma_wait3A] : memref<2x10240x64xf32, #tpu.memory_space<hbm>> -> memref<1x640x64xf32, #tpu.memory_space<hbm>>
      %dma_wait3A_24 = tpu.memref_squeeze %dma_wait3A_23 : memref<1x640x64xf32, #tpu.memory_space<hbm>> -> memref<640x64xf32, #tpu.memory_space<hbm>>
      %dma_wait3A_25 = arith.constant 0 : i32
      %dma_wait3A_26 = tpu.memref_slice %arg12[%mul3A_18, %dma_wait3A_25] : memref<10240x64xf32, #tpu.memory_space<vmem_shared>> -> memref<640x64xf32, #tpu.memory_space<vmem_shared>>
      tpu.wait_dma2 semaphore(%run_scoped3A : memref<!tpu.dma_semaphore, #tpu.memory_space<semaphore_mem>>) src(%dma_wait3A_26 : memref<640x64xf32, #tpu.memory_space<vmem_shared>>) dst(%dma_wait3A_24 : memref<640x64xf32, #tpu.memory_space<hbm>>)
      tpu.yield
    }) : () -> ()
    return
  }
}

#map = affine_map<(d0, d1) -> (0, 0)>
#map1 = affine_map<(d0, d1) -> (0)>
#map2 = affine_map<(d0, d1) -> (0, 0, 0)>
module attributes {stable_mosaic.version = 14 : i64} {
  func.func @_spmm_call(%arg0: i32, %arg1: i32, %arg2: memref<10000x64xf32, #tpu.memory_space<hbm>>, %arg3: memref<323584xi32, #tpu.memory_space<hbm>>, %arg4: memref<323584xi32, #tpu.memory_space<hbm>>, %arg5: memref<323584xf32, #tpu.memory_space<hbm>>, %arg6: memref<2x10240x64xf32, #tpu.memory_space<hbm>>, %arg7: memref<128xi32, #tpu.memory_space<vmem>>, %arg8: memref<128xi32, #tpu.memory_space<vmem>>, %arg9: memref<128xf32, #tpu.memory_space<vmem>>, %arg10: memref<128x64xf32, #tpu.memory_space<vmem>>, %arg11: memref<640x64xf32, #tpu.memory_space<vmem>>, %arg12: memref<10240x64xf32, #tpu.memory_space<vmem_shared>>, %arg13: memref<!tpu.dma_semaphore, #tpu.memory_space<semaphore_mem>>) attributes {dimension_semantics = [#tpu.dimension_semantics<core_parallel>, #tpu.dimension_semantics<subcore_parallel>], iteration_bounds = array<i64: 2, 16>, scalar_prefetch = 0 : i64, scratch_operands = 7 : i64, tpu.core_type = #tpu.core_type<sc_vector_subcore>, window_params = [{transform_indices = #map}, {transform_indices = #map1}, {transform_indices = #map1}, {transform_indices = #map1}, {transform_indices = #map2}]} {
    %mul3A = arith.constant 16 : i32
    %mul3A_0 = arith.muli %arg0, %mul3A : i32
    %add3A = arith.addi %mul3A_0, %arg1 : i32
    %scan3A = arith.constant 0 : i32
    %scan3A_1 = arith.constant 0 : i32
    %scan3A_2 = arith.constant 640 : i32
    %scan3A_3 = arith.addi %scan3A_1, %scan3A_2 : i32
    %scan3A_4 = arith.constant 1 : i32
    %scan3A_5 = scf.for %scan3A_19 = %scan3A_1 to %scan3A_3 step %scan3A_4 iter_args(%scan3A_20 = %scan3A) -> (i32)  : i32 {
      %broadcast_in_dim3A = arith.constant 0.000000e+00 : f32
      %broadcast_in_dim3A_21 = vector.broadcast %broadcast_in_dim3A : f32 to vector<16xf32>
      %swap3A = arith.index_cast %scan3A_19 : i32 to index
      %swap3A_22 = arith.constant 0 : index
      %swap3A_23 = tpu.vector_load %arg11[%swap3A, %swap3A_22] {strides = array<i32>} : memref<640x64xf32, #tpu.memory_space<vmem>>, vector<16xf32>,
      tpu.vector_store %arg11[%swap3A, %swap3A_22], %broadcast_in_dim3A_21 {strides = array<i32>} : memref<640x64xf32, #tpu.memory_space<vmem>>, vector<16xf32>,
      %broadcast_in_dim3A_24 = arith.constant 0.000000e+00 : f32
      %broadcast_in_dim3A_25 = vector.broadcast %broadcast_in_dim3A_24 : f32 to vector<16xf32>
      %swap3A_26 = arith.index_cast %scan3A_19 : i32 to index
      %swap3A_27 = arith.constant 16 : index
      %swap3A_28 = tpu.vector_load %arg11[%swap3A_26, %swap3A_27] {strides = array<i32>} : memref<640x64xf32, #tpu.memory_space<vmem>>, vector<16xf32>,
      tpu.vector_store %arg11[%swap3A_26, %swap3A_27], %broadcast_in_dim3A_25 {strides = array<i32>} : memref<640x64xf32, #tpu.memory_space<vmem>>, vector<16xf32>,
      %broadcast_in_dim3A_29 = arith.constant 0.000000e+00 : f32
      %broadcast_in_dim3A_30 = vector.broadcast %broadcast_in_dim3A_29 : f32 to vector<16xf32>
      %swap3A_31 = arith.index_cast %scan3A_19 : i32 to index
      %swap3A_32 = arith.constant 32 : index
      %swap3A_33 = tpu.vector_load %arg11[%swap3A_31, %swap3A_32] {strides = array<i32>} : memref<640x64xf32, #tpu.memory_space<vmem>>, vector<16xf32>,
      tpu.vector_store %arg11[%swap3A_31, %swap3A_32], %broadcast_in_dim3A_30 {strides = array<i32>} : memref<640x64xf32, #tpu.memory_space<vmem>>, vector<16xf32>,
      %broadcast_in_dim3A_34 = arith.constant 0.000000e+00 : f32
      %broadcast_in_dim3A_35 = vector.broadcast %broadcast_in_dim3A_34 : f32 to vector<16xf32>
      %swap3A_36 = arith.index_cast %scan3A_19 : i32 to index
      %swap3A_37 = arith.constant 48 : index
      %swap3A_38 = tpu.vector_load %arg11[%swap3A_36, %swap3A_37] {strides = array<i32>} : memref<640x64xf32, #tpu.memory_space<vmem>>, vector<16xf32>,
      tpu.vector_store %arg11[%swap3A_36, %swap3A_37], %broadcast_in_dim3A_35 {strides = array<i32>} : memref<640x64xf32, #tpu.memory_space<vmem>>, vector<16xf32>,
      %scan3A_39 = arith.constant 0 : i32
      scf.yield %scan3A_39 : i32
    }
    %scan3A_6 = arith.constant 640 : i32
    %mul3A_7 = arith.constant 640 : i32
    %mul3A_8 = arith.muli %arg1, %mul3A_7 : i32
    "tpu.region"() ({
      %run_scoped3A = tpu.sem_alloc : memref<!tpu.dma_semaphore, #tpu.memory_space<semaphore_mem>>
      %dma_start3A = arith.constant 0 : i32
      %dma_start3A_19 = tpu.memref_slice %arg12[%mul3A_8, %dma_start3A] : memref<10240x64xf32, #tpu.memory_space<vmem_shared>> -> memref<640x64xf32, #tpu.memory_space<vmem_shared>>
      %dma_start3A_20 = arith.constant 0 : i32
      %dma_start3A_21 = tpu.memref_slice %arg12[%mul3A_8, %dma_start3A_20] : memref<10240x64xf32, #tpu.memory_space<vmem_shared>> -> memref<640x64xf32, #tpu.memory_space<vmem_shared>>
      tpu.enqueue_dma source(%arg11 : memref<640x64xf32, #tpu.memory_space<vmem>>) target(%dma_start3A_21 : memref<640x64xf32, #tpu.memory_space<vmem_shared>>) target_semaphore(%run_scoped3A : memref<!tpu.dma_semaphore, #tpu.memory_space<semaphore_mem>>)
      %dma_wait3A = arith.constant 0 : i32
      %dma_wait3A_22 = tpu.memref_slice %arg12[%mul3A_8, %dma_wait3A] : memref<10240x64xf32, #tpu.memory_space<vmem_shared>> -> memref<640x64xf32, #tpu.memory_space<vmem_shared>>
      %dma_wait3A_23 = arith.constant 0 : i32
      %dma_wait3A_24 = tpu.memref_slice %arg12[%mul3A_8, %dma_wait3A_23] : memref<10240x64xf32, #tpu.memory_space<vmem_shared>> -> memref<640x64xf32, #tpu.memory_space<vmem_shared>>
      tpu.wait_dma2 semaphore(%run_scoped3A : memref<!tpu.dma_semaphore, #tpu.memory_space<semaphore_mem>>) src(%arg11 : memref<640x64xf32, #tpu.memory_space<vmem>>) dst(%dma_wait3A_24 : memref<640x64xf32, #tpu.memory_space<vmem_shared>>)
      tpu.yield
    }) : () -> ()
    %barrier3A = arith.constant 0 : index
    tpu.barrier barrier_id(%barrier3A)
    %scan3A_9 = arith.constant 0 : i32
    %scan3A_10 = arith.constant 0 : i32
    %scan3A_11 = arith.constant 79 : i32
    %scan3A_12 = arith.addi %scan3A_10, %scan3A_11 : i32
    %scan3A_13 = arith.constant 1 : i32
    %scan3A_14 = scf.for %scan3A_19 = %scan3A_10 to %scan3A_12 step %scan3A_13 iter_args(%scan3A_20 = %scan3A_9) -> (i32)  : i32 {
      %mul3A_21 = arith.constant 10112 : i32
      %mul3A_22 = arith.muli %add3A, %mul3A_21 : i32
      %mul3A_23 = arith.constant 128 : i32
      %mul3A_24 = arith.muli %scan3A_19, %mul3A_23 : i32
      %add3A_25 = arith.addi %mul3A_22, %mul3A_24 : i32
      "tpu.region"() ({
        %run_scoped3A = tpu.sem_alloc : memref<!tpu.dma_semaphore, #tpu.memory_space<semaphore_mem>>
        %dma_start3A_38 = tpu.memref_slice %arg3[%add3A_25] : memref<323584xi32, #tpu.memory_space<hbm>> -> memref<128xi32, #tpu.memory_space<hbm>>
        %dma_start3A_39 = tpu.memref_slice %arg3[%add3A_25] : memref<323584xi32, #tpu.memory_space<hbm>> -> memref<128xi32, #tpu.memory_space<hbm>>
        tpu.enqueue_dma source(%dma_start3A_39 : memref<128xi32, #tpu.memory_space<hbm>>) target(%arg7 : memref<128xi32, #tpu.memory_space<vmem>>) target_semaphore(%run_scoped3A : memref<!tpu.dma_semaphore, #tpu.memory_space<semaphore_mem>>)
        %dma_wait3A_40 = tpu.memref_slice %arg3[%add3A_25] : memref<323584xi32, #tpu.memory_space<hbm>> -> memref<128xi32, #tpu.memory_space<hbm>>
        %dma_wait3A_41 = tpu.memref_slice %arg3[%add3A_25] : memref<323584xi32, #tpu.memory_space<hbm>> -> memref<128xi32, #tpu.memory_space<hbm>>
        tpu.wait_dma2 semaphore(%run_scoped3A : memref<!tpu.dma_semaphore, #tpu.memory_space<semaphore_mem>>) src(%dma_wait3A_41 : memref<128xi32, #tpu.memory_space<hbm>>) dst(%arg7 : memref<128xi32, #tpu.memory_space<vmem>>)
        tpu.yield
      }) : () -> ()
      "tpu.region"() ({
        %run_scoped3A = tpu.sem_alloc : memref<!tpu.dma_semaphore, #tpu.memory_space<semaphore_mem>>
        %dma_start3A_38 = tpu.memref_slice %arg4[%add3A_25] : memref<323584xi32, #tpu.memory_space<hbm>> -> memref<128xi32, #tpu.memory_space<hbm>>
        %dma_start3A_39 = tpu.memref_slice %arg4[%add3A_25] : memref<323584xi32, #tpu.memory_space<hbm>> -> memref<128xi32, #tpu.memory_space<hbm>>
        tpu.enqueue_dma source(%dma_start3A_39 : memref<128xi32, #tpu.memory_space<hbm>>) target(%arg8 : memref<128xi32, #tpu.memory_space<vmem>>) target_semaphore(%run_scoped3A : memref<!tpu.dma_semaphore, #tpu.memory_space<semaphore_mem>>)
        %dma_wait3A_40 = tpu.memref_slice %arg4[%add3A_25] : memref<323584xi32, #tpu.memory_space<hbm>> -> memref<128xi32, #tpu.memory_space<hbm>>
        %dma_wait3A_41 = tpu.memref_slice %arg4[%add3A_25] : memref<323584xi32, #tpu.memory_space<hbm>> -> memref<128xi32, #tpu.memory_space<hbm>>
        tpu.wait_dma2 semaphore(%run_scoped3A : memref<!tpu.dma_semaphore, #tpu.memory_space<semaphore_mem>>) src(%dma_wait3A_41 : memref<128xi32, #tpu.memory_space<hbm>>) dst(%arg8 : memref<128xi32, #tpu.memory_space<vmem>>)
        tpu.yield
      }) : () -> ()
      "tpu.region"() ({
        %run_scoped3A = tpu.sem_alloc : memref<!tpu.dma_semaphore, #tpu.memory_space<semaphore_mem>>
        %dma_start3A_38 = tpu.memref_slice %arg5[%add3A_25] : memref<323584xf32, #tpu.memory_space<hbm>> -> memref<128xf32, #tpu.memory_space<hbm>>
        %dma_start3A_39 = tpu.memref_slice %arg5[%add3A_25] : memref<323584xf32, #tpu.memory_space<hbm>> -> memref<128xf32, #tpu.memory_space<hbm>>
        tpu.enqueue_dma source(%dma_start3A_39 : memref<128xf32, #tpu.memory_space<hbm>>) target(%arg9 : memref<128xf32, #tpu.memory_space<vmem>>) target_semaphore(%run_scoped3A : memref<!tpu.dma_semaphore, #tpu.memory_space<semaphore_mem>>)
        %dma_wait3A_40 = tpu.memref_slice %arg5[%add3A_25] : memref<323584xf32, #tpu.memory_space<hbm>> -> memref<128xf32, #tpu.memory_space<hbm>>
        %dma_wait3A_41 = tpu.memref_slice %arg5[%add3A_25] : memref<323584xf32, #tpu.memory_space<hbm>> -> memref<128xf32, #tpu.memory_space<hbm>>
        tpu.wait_dma2 semaphore(%run_scoped3A : memref<!tpu.dma_semaphore, #tpu.memory_space<semaphore_mem>>) src(%dma_wait3A_41 : memref<128xf32, #tpu.memory_space<hbm>>) dst(%arg9 : memref<128xf32, #tpu.memory_space<vmem>>)
        tpu.yield
      }) : () -> ()
      %dma_start3A = arith.constant 0 : i32
      %dma_start3A_26 = arith.constant 0 : i32
      %dma_start3A_27 = tpu.memref_slice %arg2[%dma_start3A, %dma_start3A_26] : memref<10000x64xf32, #tpu.memory_space<hbm>> -> memref<10000x64xf32, #tpu.memory_space<hbm>>
      tpu.enqueue_indirect_dma source(%dma_start3A_27 : memref<10000x64xf32, #tpu.memory_space<hbm>>) target(%arg10 : memref<128x64xf32, #tpu.memory_space<vmem>>) offsets(%arg7 : memref<128xi32, #tpu.memory_space<vmem>>) semaphore(%arg13 : memref<!tpu.dma_semaphore, #tpu.memory_space<semaphore_mem>>)
      %dma_wait3A = arith.constant 0 : i32
      %dma_wait3A_28 = arith.constant 0 : i32
      %dma_wait3A_29 = tpu.memref_slice %arg2[%dma_wait3A, %dma_wait3A_28] : memref<10000x64xf32, #tpu.memory_space<hbm>> -> memref<10000x64xf32, #tpu.memory_space<hbm>>
      tpu.wait_indirect_dma semaphore(%arg13 : memref<!tpu.dma_semaphore, #tpu.memory_space<semaphore_mem>>) src(%dma_wait3A_29 : memref<10000x64xf32, #tpu.memory_space<hbm>>) dst(%arg10 : memref<128x64xf32, #tpu.memory_space<vmem>>)
      %scan3A_30 = arith.constant 0 : i32
      %scan3A_31 = arith.constant 0 : i32
      %scan3A_32 = arith.constant 128 : i32
      %scan3A_33 = arith.addi %scan3A_31, %scan3A_32 : i32
      %scan3A_34 = arith.constant 1 : i32
      %scan3A_35 = scf.for %scan3A_38 = %scan3A_31 to %scan3A_33 step %scan3A_34 iter_args(%scan3A_39 = %scan3A_30) -> (i32)  : i32 {
        %broadcast_in_dim3A = vector.broadcast %scan3A_38 : i32 to vector<16xi32>
        %gather3A = tpu.vector_load_idx %arg9[%broadcast_in_dim3A] : memref<128xf32, #tpu.memory_space<vmem>>[vector<16xi32>], vector<16xf32>,
        %get3A = arith.index_cast %scan3A_38 : i32 to index
        %get3A_40 = arith.constant 0 : index
        %get3A_41 = tpu.vector_load %arg10[%get3A, %get3A_40] {strides = array<i32>} : memref<128x64xf32, #tpu.memory_space<vmem>>, vector<16xf32>,
        %mul3A_42 = arith.mulf %get3A_41, %gather3A : vector<16xf32>
        %swap3A = arith.index_cast %scan3A_38 : i32 to index
        %swap3A_43 = arith.constant 0 : index
        %swap3A_44 = tpu.vector_load %arg10[%swap3A, %swap3A_43] {strides = array<i32>} : memref<128x64xf32, #tpu.memory_space<vmem>>, vector<16xf32>,
        tpu.vector_store %arg10[%swap3A, %swap3A_43], %mul3A_42 {strides = array<i32>} : memref<128x64xf32, #tpu.memory_space<vmem>>, vector<16xf32>,
        %get3A_45 = arith.index_cast %scan3A_38 : i32 to index
        %get3A_46 = arith.constant 16 : index
        %get3A_47 = tpu.vector_load %arg10[%get3A_45, %get3A_46] {strides = array<i32>} : memref<128x64xf32, #tpu.memory_space<vmem>>, vector<16xf32>,
        %mul3A_48 = arith.mulf %get3A_47, %gather3A : vector<16xf32>
        %swap3A_49 = arith.index_cast %scan3A_38 : i32 to index
        %swap3A_50 = arith.constant 16 : index
        %swap3A_51 = tpu.vector_load %arg10[%swap3A_49, %swap3A_50] {strides = array<i32>} : memref<128x64xf32, #tpu.memory_space<vmem>>, vector<16xf32>,
        tpu.vector_store %arg10[%swap3A_49, %swap3A_50], %mul3A_48 {strides = array<i32>} : memref<128x64xf32, #tpu.memory_space<vmem>>, vector<16xf32>,
        %get3A_52 = arith.index_cast %scan3A_38 : i32 to index
        %get3A_53 = arith.constant 32 : index
        %get3A_54 = tpu.vector_load %arg10[%get3A_52, %get3A_53] {strides = array<i32>} : memref<128x64xf32, #tpu.memory_space<vmem>>, vector<16xf32>,
        %mul3A_55 = arith.mulf %get3A_54, %gather3A : vector<16xf32>
        %swap3A_56 = arith.index_cast %scan3A_38 : i32 to index
        %swap3A_57 = arith.constant 32 : index
        %swap3A_58 = tpu.vector_load %arg10[%swap3A_56, %swap3A_57] {strides = array<i32>} : memref<128x64xf32, #tpu.memory_space<vmem>>, vector<16xf32>,
        tpu.vector_store %arg10[%swap3A_56, %swap3A_57], %mul3A_55 {strides = array<i32>} : memref<128x64xf32, #tpu.memory_space<vmem>>, vector<16xf32>,
        %get3A_59 = arith.index_cast %scan3A_38 : i32 to index
        %get3A_60 = arith.constant 48 : index
        %get3A_61 = tpu.vector_load %arg10[%get3A_59, %get3A_60] {strides = array<i32>} : memref<128x64xf32, #tpu.memory_space<vmem>>, vector<16xf32>,
        %mul3A_62 = arith.mulf %get3A_61, %gather3A : vector<16xf32>
        %swap3A_63 = arith.index_cast %scan3A_38 : i32 to index
        %swap3A_64 = arith.constant 48 : index
        %swap3A_65 = tpu.vector_load %arg10[%swap3A_63, %swap3A_64] {strides = array<i32>} : memref<128x64xf32, #tpu.memory_space<vmem>>, vector<16xf32>,
        tpu.vector_store %arg10[%swap3A_63, %swap3A_64], %mul3A_62 {strides = array<i32>} : memref<128x64xf32, #tpu.memory_space<vmem>>, vector<16xf32>,
        %scan3A_66 = arith.constant 0 : i32
        scf.yield %scan3A_66 : i32
      }
      %scan3A_36 = arith.constant 128 : i32
      "tpu.region"() ({
        %run_scoped3A = tpu.sem_alloc : memref<!tpu.dma_semaphore, #tpu.memory_space<semaphore_mem>>
        %dma_start3A_38 = arith.constant 0 : i32
        %dma_start3A_39 = arith.constant 0 : i32
        %dma_start3A_40 = tpu.memref_slice %arg12[%dma_start3A_38, %dma_start3A_39] : memref<10240x64xf32, #tpu.memory_space<vmem_shared>> -> memref<10240x64xf32, #tpu.memory_space<vmem_shared>>
        tpu.enqueue_indirect_dma source(%arg10 : memref<128x64xf32, #tpu.memory_space<vmem>>) target(%dma_start3A_40 : memref<10240x64xf32, #tpu.memory_space<vmem_shared>>) offsets(%arg8 : memref<128xi32, #tpu.memory_space<vmem>>) semaphore(%run_scoped3A : memref<!tpu.dma_semaphore, #tpu.memory_space<semaphore_mem>>) {add = true}
        %dma_wait3A_41 = arith.constant 0 : i32
        %dma_wait3A_42 = arith.constant 0 : i32
        %dma_wait3A_43 = tpu.memref_slice %arg12[%dma_wait3A_41, %dma_wait3A_42] : memref<10240x64xf32, #tpu.memory_space<vmem_shared>> -> memref<10240x64xf32, #tpu.memory_space<vmem_shared>>
        tpu.wait_indirect_dma semaphore(%run_scoped3A : memref<!tpu.dma_semaphore, #tpu.memory_space<semaphore_mem>>) src(%arg10 : memref<128x64xf32, #tpu.memory_space<vmem>>) dst(%dma_wait3A_43 : memref<10240x64xf32, #tpu.memory_space<vmem_shared>>)
        tpu.yield
      }) : () -> ()
      %scan3A_37 = arith.constant 0 : i32
      scf.yield %scan3A_37 : i32
    }
    %scan3A_15 = arith.constant 79 : i32
    %barrier3A_16 = arith.constant 0 : index
    tpu.barrier barrier_id(%barrier3A_16)
    %mul3A_17 = arith.constant 640 : i32
    %mul3A_18 = arith.muli %arg1, %mul3A_17 : i32
    "tpu.region"() ({
      %run_scoped3A = tpu.sem_alloc : memref<!tpu.dma_semaphore, #tpu.memory_space<semaphore_mem>>
      %dma_start3A = arith.constant 0 : i32
      %dma_start3A_19 = tpu.memref_slice %arg6[%arg0, %mul3A_18, %dma_start3A] : memref<2x10240x64xf32, #tpu.memory_space<hbm>> -> memref<1x640x64xf32, #tpu.memory_space<hbm>>
      %dma_start3A_20 = tpu.memref_squeeze %dma_start3A_19 : memref<1x640x64xf32, #tpu.memory_space<hbm>> -> memref<640x64xf32, #tpu.memory_space<hbm>>
      %dma_start3A_21 = arith.constant 0 : i32
      %dma_start3A_22 = tpu.memref_slice %arg12[%mul3A_18, %dma_start3A_21] : memref<10240x64xf32, #tpu.memory_space<vmem_shared>> -> memref<640x64xf32, #tpu.memory_space<vmem_shared>>
      tpu.enqueue_dma source(%dma_start3A_22 : memref<640x64xf32, #tpu.memory_space<vmem_shared>>) target(%dma_start3A_20 : memref<640x64xf32, #tpu.memory_space<hbm>>) target_semaphore(%run_scoped3A : memref<!tpu.dma_semaphore, #tpu.memory_space<semaphore_mem>>)
      %dma_wait3A = arith.constant 0 : i32
      %dma_wait3A_23 = tpu.memref_slice %arg6[%arg0, %mul3A_18, %dma_wait3A] : memref<2x10240x64xf32, #tpu.memory_space<hbm>> -> memref<1x640x64xf32, #tpu.memory_space<hbm>>
      %dma_wait3A_24 = tpu.memref_squeeze %dma_wait3A_23 : memref<1x640x64xf32, #tpu.memory_space<hbm>> -> memref<640x64xf32, #tpu.memory_space<hbm>>
      %dma_wait3A_25 = arith.constant 0 : i32
      %dma_wait3A_26 = tpu.memref_slice %arg12[%mul3A_18, %dma_wait3A_25] : memref<10240x64xf32, #tpu.memory_space<vmem_shared>> -> memref<640x64xf32, #tpu.memory_space<vmem_shared>>
      tpu.wait_dma2 semaphore(%run_scoped3A : memref<!tpu.dma_semaphore, #tpu.memory_space<semaphore_mem>>) src(%dma_wait3A_26 : memref<640x64xf32, #tpu.memory_space<vmem_shared>>) dst(%dma_wait3A_24 : memref<640x64xf32, #tpu.memory_space<hbm>>)
      tpu.yield
    }) : () -> ()
    return
  }
}

#map = affine_map<(d0, d1) -> (0, 0)>
#map1 = affine_map<(d0, d1) -> (0)>
#map2 = affine_map<(d0, d1) -> (0, 0, 0)>
module attributes {stable_mosaic.version = 14 : i64} {
  func.func @_spmm_call(%arg0: i32, %arg1: i32, %arg2: memref<10000x64xf32, #tpu.memory_space<hbm>>, %arg3: memref<323584xi32, #tpu.memory_space<hbm>>, %arg4: memref<323584xi32, #tpu.memory_space<hbm>>, %arg5: memref<323584xf32, #tpu.memory_space<hbm>>, %arg6: memref<2x10240x64xf32, #tpu.memory_space<hbm>>, %arg7: memref<128xi32, #tpu.memory_space<vmem>>, %arg8: memref<128xi32, #tpu.memory_space<vmem>>, %arg9: memref<128xf32, #tpu.memory_space<vmem>>, %arg10: memref<128x64xf32, #tpu.memory_space<vmem>>, %arg11: memref<640x64xf32, #tpu.memory_space<vmem>>, %arg12: memref<10240x64xf32, #tpu.memory_space<vmem_shared>>, %arg13: memref<!tpu.dma_semaphore, #tpu.memory_space<semaphore_mem>>) attributes {dimension_semantics = [#tpu.dimension_semantics<core_parallel>, #tpu.dimension_semantics<subcore_parallel>], iteration_bounds = array<i64: 2, 16>, scalar_prefetch = 0 : i64, scratch_operands = 7 : i64, tpu.core_type = #tpu.core_type<sc_vector_subcore>, window_params = [{transform_indices = #map}, {transform_indices = #map1}, {transform_indices = #map1}, {transform_indices = #map1}, {transform_indices = #map2}]} {
    %mul3A = arith.constant 16 : i32
    %mul3A_0 = arith.muli %arg0, %mul3A : i32
    %add3A = arith.addi %mul3A_0, %arg1 : i32
    %scan3A = arith.constant 0 : i32
    %scan3A_1 = arith.constant 0 : i32
    %scan3A_2 = arith.constant 640 : i32
    %scan3A_3 = arith.addi %scan3A_1, %scan3A_2 : i32
    %scan3A_4 = arith.constant 1 : i32
    %scan3A_5 = scf.for %scan3A_19 = %scan3A_1 to %scan3A_3 step %scan3A_4 iter_args(%scan3A_20 = %scan3A) -> (i32)  : i32 {
      %broadcast_in_dim3A = arith.constant 0.000000e+00 : f32
      %broadcast_in_dim3A_21 = vector.broadcast %broadcast_in_dim3A : f32 to vector<16xf32>
      %swap3A = arith.index_cast %scan3A_19 : i32 to index
      %swap3A_22 = arith.constant 0 : index
      %swap3A_23 = tpu.vector_load %arg11[%swap3A, %swap3A_22] {strides = array<i32>} : memref<640x64xf32, #tpu.memory_space<vmem>>, vector<16xf32>,
      tpu.vector_store %arg11[%swap3A, %swap3A_22], %broadcast_in_dim3A_21 {strides = array<i32>} : memref<640x64xf32, #tpu.memory_space<vmem>>, vector<16xf32>,
      %broadcast_in_dim3A_24 = arith.constant 0.000000e+00 : f32
      %broadcast_in_dim3A_25 = vector.broadcast %broadcast_in_dim3A_24 : f32 to vector<16xf32>
      %swap3A_26 = arith.index_cast %scan3A_19 : i32 to index
      %swap3A_27 = arith.constant 16 : index
      %swap3A_28 = tpu.vector_load %arg11[%swap3A_26, %swap3A_27] {strides = array<i32>} : memref<640x64xf32, #tpu.memory_space<vmem>>, vector<16xf32>,
      tpu.vector_store %arg11[%swap3A_26, %swap3A_27], %broadcast_in_dim3A_25 {strides = array<i32>} : memref<640x64xf32, #tpu.memory_space<vmem>>, vector<16xf32>,
      %broadcast_in_dim3A_29 = arith.constant 0.000000e+00 : f32
      %broadcast_in_dim3A_30 = vector.broadcast %broadcast_in_dim3A_29 : f32 to vector<16xf32>
      %swap3A_31 = arith.index_cast %scan3A_19 : i32 to index
      %swap3A_32 = arith.constant 32 : index
      %swap3A_33 = tpu.vector_load %arg11[%swap3A_31, %swap3A_32] {strides = array<i32>} : memref<640x64xf32, #tpu.memory_space<vmem>>, vector<16xf32>,
      tpu.vector_store %arg11[%swap3A_31, %swap3A_32], %broadcast_in_dim3A_30 {strides = array<i32>} : memref<640x64xf32, #tpu.memory_space<vmem>>, vector<16xf32>,
      %broadcast_in_dim3A_34 = arith.constant 0.000000e+00 : f32
      %broadcast_in_dim3A_35 = vector.broadcast %broadcast_in_dim3A_34 : f32 to vector<16xf32>
      %swap3A_36 = arith.index_cast %scan3A_19 : i32 to index
      %swap3A_37 = arith.constant 48 : index
      %swap3A_38 = tpu.vector_load %arg11[%swap3A_36, %swap3A_37] {strides = array<i32>} : memref<640x64xf32, #tpu.memory_space<vmem>>, vector<16xf32>,
      tpu.vector_store %arg11[%swap3A_36, %swap3A_37], %broadcast_in_dim3A_35 {strides = array<i32>} : memref<640x64xf32, #tpu.memory_space<vmem>>, vector<16xf32>,
      %scan3A_39 = arith.constant 0 : i32
      scf.yield %scan3A_39 : i32
    }
    %scan3A_6 = arith.constant 640 : i32
    %mul3A_7 = arith.constant 640 : i32
    %mul3A_8 = arith.muli %arg1, %mul3A_7 : i32
    "tpu.region"() ({
      %run_scoped3A = tpu.sem_alloc : memref<!tpu.dma_semaphore, #tpu.memory_space<semaphore_mem>>
      %dma_start3A = arith.constant 0 : i32
      %dma_start3A_19 = tpu.memref_slice %arg12[%mul3A_8, %dma_start3A] : memref<10240x64xf32, #tpu.memory_space<vmem_shared>> -> memref<640x64xf32, #tpu.memory_space<vmem_shared>>
      %dma_start3A_20 = arith.constant 0 : i32
      %dma_start3A_21 = tpu.memref_slice %arg12[%mul3A_8, %dma_start3A_20] : memref<10240x64xf32, #tpu.memory_space<vmem_shared>> -> memref<640x64xf32, #tpu.memory_space<vmem_shared>>
      tpu.enqueue_dma source(%arg11 : memref<640x64xf32, #tpu.memory_space<vmem>>) target(%dma_start3A_21 : memref<640x64xf32, #tpu.memory_space<vmem_shared>>) target_semaphore(%run_scoped3A : memref<!tpu.dma_semaphore, #tpu.memory_space<semaphore_mem>>)
      %dma_wait3A = arith.constant 0 : i32
      %dma_wait3A_22 = tpu.memref_slice %arg12[%mul3A_8, %dma_wait3A] : memref<10240x64xf32, #tpu.memory_space<vmem_shared>> -> memref<640x64xf32, #tpu.memory_space<vmem_shared>>
      %dma_wait3A_23 = arith.constant 0 : i32
      %dma_wait3A_24 = tpu.memref_slice %arg12[%mul3A_8, %dma_wait3A_23] : memref<10240x64xf32, #tpu.memory_space<vmem_shared>> -> memref<640x64xf32, #tpu.memory_space<vmem_shared>>
      tpu.wait_dma2 semaphore(%run_scoped3A : memref<!tpu.dma_semaphore, #tpu.memory_space<semaphore_mem>>) src(%arg11 : memref<640x64xf32, #tpu.memory_space<vmem>>) dst(%dma_wait3A_24 : memref<640x64xf32, #tpu.memory_space<vmem_shared>>)
      tpu.yield
    }) : () -> ()
    %barrier3A = arith.constant 0 : index
    tpu.barrier barrier_id(%barrier3A)
    %scan3A_9 = arith.constant 0 : i32
    %scan3A_10 = arith.constant 0 : i32
    %scan3A_11 = arith.constant 79 : i32
    %scan3A_12 = arith.addi %scan3A_10, %scan3A_11 : i32
    %scan3A_13 = arith.constant 1 : i32
    %scan3A_14 = scf.for %scan3A_19 = %scan3A_10 to %scan3A_12 step %scan3A_13 iter_args(%scan3A_20 = %scan3A_9) -> (i32)  : i32 {
      %mul3A_21 = arith.constant 10112 : i32
      %mul3A_22 = arith.muli %add3A, %mul3A_21 : i32
      %mul3A_23 = arith.constant 128 : i32
      %mul3A_24 = arith.muli %scan3A_19, %mul3A_23 : i32
      %add3A_25 = arith.addi %mul3A_22, %mul3A_24 : i32
      "tpu.region"() ({
        %run_scoped3A = tpu.sem_alloc : memref<!tpu.dma_semaphore, #tpu.memory_space<semaphore_mem>>
        %dma_start3A_38 = tpu.memref_slice %arg3[%add3A_25] : memref<323584xi32, #tpu.memory_space<hbm>> -> memref<128xi32, #tpu.memory_space<hbm>>
        %dma_start3A_39 = tpu.memref_slice %arg3[%add3A_25] : memref<323584xi32, #tpu.memory_space<hbm>> -> memref<128xi32, #tpu.memory_space<hbm>>
        tpu.enqueue_dma source(%dma_start3A_39 : memref<128xi32, #tpu.memory_space<hbm>>) target(%arg7 : memref<128xi32, #tpu.memory_space<vmem>>) target_semaphore(%run_scoped3A : memref<!tpu.dma_semaphore, #tpu.memory_space<semaphore_mem>>)
        %dma_wait3A_40 = tpu.memref_slice %arg3[%add3A_25] : memref<323584xi32, #tpu.memory_space<hbm>> -> memref<128xi32, #tpu.memory_space<hbm>>
        %dma_wait3A_41 = tpu.memref_slice %arg3[%add3A_25] : memref<323584xi32, #tpu.memory_space<hbm>> -> memref<128xi32, #tpu.memory_space<hbm>>
        tpu.wait_dma2 semaphore(%run_scoped3A : memref<!tpu.dma_semaphore, #tpu.memory_space<semaphore_mem>>) src(%dma_wait3A_41 : memref<128xi32, #tpu.memory_space<hbm>>) dst(%arg7 : memref<128xi32, #tpu.memory_space<vmem>>)
        tpu.yield
      }) : () -> ()
      "tpu.region"() ({
        %run_scoped3A = tpu.sem_alloc : memref<!tpu.dma_semaphore, #tpu.memory_space<semaphore_mem>>
        %dma_start3A_38 = tpu.memref_slice %arg4[%add3A_25] : memref<323584xi32, #tpu.memory_space<hbm>> -> memref<128xi32, #tpu.memory_space<hbm>>
        %dma_start3A_39 = tpu.memref_slice %arg4[%add3A_25] : memref<323584xi32, #tpu.memory_space<hbm>> -> memref<128xi32, #tpu.memory_space<hbm>>
        tpu.enqueue_dma source(%dma_start3A_39 : memref<128xi32, #tpu.memory_space<hbm>>) target(%arg8 : memref<128xi32, #tpu.memory_space<vmem>>) target_semaphore(%run_scoped3A : memref<!tpu.dma_semaphore, #tpu.memory_space<semaphore_mem>>)
        %dma_wait3A_40 = tpu.memref_slice %arg4[%add3A_25] : memref<323584xi32, #tpu.memory_space<hbm>> -> memref<128xi32, #tpu.memory_space<hbm>>
        %dma_wait3A_41 = tpu.memref_slice %arg4[%add3A_25] : memref<323584xi32, #tpu.memory_space<hbm>> -> memref<128xi32, #tpu.memory_space<hbm>>
        tpu.wait_dma2 semaphore(%run_scoped3A : memref<!tpu.dma_semaphore, #tpu.memory_space<semaphore_mem>>) src(%dma_wait3A_41 : memref<128xi32, #tpu.memory_space<hbm>>) dst(%arg8 : memref<128xi32, #tpu.memory_space<vmem>>)
        tpu.yield
      }) : () -> ()
      "tpu.region"() ({
        %run_scoped3A = tpu.sem_alloc : memref<!tpu.dma_semaphore, #tpu.memory_space<semaphore_mem>>
        %dma_start3A_38 = tpu.memref_slice %arg5[%add3A_25] : memref<323584xf32, #tpu.memory_space<hbm>> -> memref<128xf32, #tpu.memory_space<hbm>>
        %dma_start3A_39 = tpu.memref_slice %arg5[%add3A_25] : memref<323584xf32, #tpu.memory_space<hbm>> -> memref<128xf32, #tpu.memory_space<hbm>>
        tpu.enqueue_dma source(%dma_start3A_39 : memref<128xf32, #tpu.memory_space<hbm>>) target(%arg9 : memref<128xf32, #tpu.memory_space<vmem>>) target_semaphore(%run_scoped3A : memref<!tpu.dma_semaphore, #tpu.memory_space<semaphore_mem>>)
        %dma_wait3A_40 = tpu.memref_slice %arg5[%add3A_25] : memref<323584xf32, #tpu.memory_space<hbm>> -> memref<128xf32, #tpu.memory_space<hbm>>
        %dma_wait3A_41 = tpu.memref_slice %arg5[%add3A_25] : memref<323584xf32, #tpu.memory_space<hbm>> -> memref<128xf32, #tpu.memory_space<hbm>>
        tpu.wait_dma2 semaphore(%run_scoped3A : memref<!tpu.dma_semaphore, #tpu.memory_space<semaphore_mem>>) src(%dma_wait3A_41 : memref<128xf32, #tpu.memory_space<hbm>>) dst(%arg9 : memref<128xf32, #tpu.memory_space<vmem>>)
        tpu.yield
      }) : () -> ()
      %dma_start3A = arith.constant 0 : i32
      %dma_start3A_26 = arith.constant 0 : i32
      %dma_start3A_27 = tpu.memref_slice %arg2[%dma_start3A, %dma_start3A_26] : memref<10000x64xf32, #tpu.memory_space<hbm>> -> memref<10000x64xf32, #tpu.memory_space<hbm>>
      tpu.enqueue_indirect_dma source(%dma_start3A_27 : memref<10000x64xf32, #tpu.memory_space<hbm>>) target(%arg10 : memref<128x64xf32, #tpu.memory_space<vmem>>) offsets(%arg7 : memref<128xi32, #tpu.memory_space<vmem>>) semaphore(%arg13 : memref<!tpu.dma_semaphore, #tpu.memory_space<semaphore_mem>>)
      %dma_wait3A = arith.constant 0 : i32
      %dma_wait3A_28 = arith.constant 0 : i32
      %dma_wait3A_29 = tpu.memref_slice %arg2[%dma_wait3A, %dma_wait3A_28] : memref<10000x64xf32, #tpu.memory_space<hbm>> -> memref<10000x64xf32, #tpu.memory_space<hbm>>
      tpu.wait_indirect_dma semaphore(%arg13 : memref<!tpu.dma_semaphore, #tpu.memory_space<semaphore_mem>>) src(%dma_wait3A_29 : memref<10000x64xf32, #tpu.memory_space<hbm>>) dst(%arg10 : memref<128x64xf32, #tpu.memory_space<vmem>>)
      %scan3A_30 = arith.constant 0 : i32
      %scan3A_31 = arith.constant 0 : i32
      %scan3A_32 = arith.constant 128 : i32
      %scan3A_33 = arith.addi %scan3A_31, %scan3A_32 : i32
      %scan3A_34 = arith.constant 1 : i32
      %scan3A_35 = scf.for %scan3A_38 = %scan3A_31 to %scan3A_33 step %scan3A_34 iter_args(%scan3A_39 = %scan3A_30) -> (i32)  : i32 {
        %broadcast_in_dim3A = vector.broadcast %scan3A_38 : i32 to vector<16xi32>
        %gather3A = tpu.vector_load_idx %arg9[%broadcast_in_dim3A] : memref<128xf32, #tpu.memory_space<vmem>>[vector<16xi32>], vector<16xf32>,
        %get3A = arith.index_cast %scan3A_38 : i32 to index
        %get3A_40 = arith.constant 0 : index
        %get3A_41 = tpu.vector_load %arg10[%get3A, %get3A_40] {strides = array<i32>} : memref<128x64xf32, #tpu.memory_space<vmem>>, vector<16xf32>,
        %mul3A_42 = arith.mulf %get3A_41, %gather3A : vector<16xf32>
        %swap3A = arith.index_cast %scan3A_38 : i32 to index
        %swap3A_43 = arith.constant 0 : index
        %swap3A_44 = tpu.vector_load %arg10[%swap3A, %swap3A_43] {strides = array<i32>} : memref<128x64xf32, #tpu.memory_space<vmem>>, vector<16xf32>,
        tpu.vector_store %arg10[%swap3A, %swap3A_43], %mul3A_42 {strides = array<i32>} : memref<128x64xf32, #tpu.memory_space<vmem>>, vector<16xf32>,
        %get3A_45 = arith.index_cast %scan3A_38 : i32 to index
        %get3A_46 = arith.constant 16 : index
        %get3A_47 = tpu.vector_load %arg10[%get3A_45, %get3A_46] {strides = array<i32>} : memref<128x64xf32, #tpu.memory_space<vmem>>, vector<16xf32>,
        %mul3A_48 = arith.mulf %get3A_47, %gather3A : vector<16xf32>
        %swap3A_49 = arith.index_cast %scan3A_38 : i32 to index
        %swap3A_50 = arith.constant 16 : index
        %swap3A_51 = tpu.vector_load %arg10[%swap3A_49, %swap3A_50] {strides = array<i32>} : memref<128x64xf32, #tpu.memory_space<vmem>>, vector<16xf32>,
        tpu.vector_store %arg10[%swap3A_49, %swap3A_50], %mul3A_48 {strides = array<i32>} : memref<128x64xf32, #tpu.memory_space<vmem>>, vector<16xf32>,
        %get3A_52 = arith.index_cast %scan3A_38 : i32 to index
        %get3A_53 = arith.constant 32 : index
        %get3A_54 = tpu.vector_load %arg10[%get3A_52, %get3A_53] {strides = array<i32>} : memref<128x64xf32, #tpu.memory_space<vmem>>, vector<16xf32>,
        %mul3A_55 = arith.mulf %get3A_54, %gather3A : vector<16xf32>
        %swap3A_56 = arith.index_cast %scan3A_38 : i32 to index
        %swap3A_57 = arith.constant 32 : index
        %swap3A_58 = tpu.vector_load %arg10[%swap3A_56, %swap3A_57] {strides = array<i32>} : memref<128x64xf32, #tpu.memory_space<vmem>>, vector<16xf32>,
        tpu.vector_store %arg10[%swap3A_56, %swap3A_57], %mul3A_55 {strides = array<i32>} : memref<128x64xf32, #tpu.memory_space<vmem>>, vector<16xf32>,
        %get3A_59 = arith.index_cast %scan3A_38 : i32 to index
        %get3A_60 = arith.constant 48 : index
        %get3A_61 = tpu.vector_load %arg10[%get3A_59, %get3A_60] {strides = array<i32>} : memref<128x64xf32, #tpu.memory_space<vmem>>, vector<16xf32>,
        %mul3A_62 = arith.mulf %get3A_61, %gather3A : vector<16xf32>
        %swap3A_63 = arith.index_cast %scan3A_38 : i32 to index
        %swap3A_64 = arith.constant 48 : index
        %swap3A_65 = tpu.vector_load %arg10[%swap3A_63, %swap3A_64] {strides = array<i32>} : memref<128x64xf32, #tpu.memory_space<vmem>>, vector<16xf32>,
        tpu.vector_store %arg10[%swap3A_63, %swap3A_64], %mul3A_62 {strides = array<i32>} : memref<128x64xf32, #tpu.memory_space<vmem>>, vector<16xf32>,
        %scan3A_66 = arith.constant 0 : i32
        scf.yield %scan3A_66 : i32
      }
      %scan3A_36 = arith.constant 128 : i32
      "tpu.region"() ({
        %run_scoped3A = tpu.sem_alloc : memref<!tpu.dma_semaphore, #tpu.memory_space<semaphore_mem>>
        %dma_start3A_38 = arith.constant 0 : i32
        %dma_start3A_39 = arith.constant 0 : i32
        %dma_start3A_40 = tpu.memref_slice %arg12[%dma_start3A_38, %dma_start3A_39] : memref<10240x64xf32, #tpu.memory_space<vmem_shared>> -> memref<10240x64xf32, #tpu.memory_space<vmem_shared>>
        tpu.enqueue_indirect_dma source(%arg10 : memref<128x64xf32, #tpu.memory_space<vmem>>) target(%dma_start3A_40 : memref<10240x64xf32, #tpu.memory_space<vmem_shared>>) offsets(%arg8 : memref<128xi32, #tpu.memory_space<vmem>>) semaphore(%run_scoped3A : memref<!tpu.dma_semaphore, #tpu.memory_space<semaphore_mem>>) {add = true}
        %dma_wait3A_41 = arith.constant 0 : i32
        %dma_wait3A_42 = arith.constant 0 : i32
        %dma_wait3A_43 = tpu.memref_slice %arg12[%dma_wait3A_41, %dma_wait3A_42] : memref<10240x64xf32, #tpu.memory_space<vmem_shared>> -> memref<10240x64xf32, #tpu.memory_space<vmem_shared>>
        tpu.wait_indirect_dma semaphore(%run_scoped3A : memref<!tpu.dma_semaphore, #tpu.memory_space<semaphore_mem>>) src(%arg10 : memref<128x64xf32, #tpu.memory_space<vmem>>) dst(%dma_wait3A_43 : memref<10240x64xf32, #tpu.memory_space<vmem_shared>>)
        tpu.yield
      }) : () -> ()
      %scan3A_37 = arith.constant 0 : i32
      scf.yield %scan3A_37 : i32
    }
    %scan3A_15 = arith.constant 79 : i32
    %barrier3A_16 = arith.constant 0 : index
    tpu.barrier barrier_id(%barrier3A_16)
    %mul3A_17 = arith.constant 640 : i32
    %mul3A_18 = arith.muli %arg1, %mul3A_17 : i32
    "tpu.region"() ({
      %run_scoped3A = tpu.sem_alloc : memref<!tpu.dma_semaphore, #tpu.memory_space<semaphore_mem>>
      %dma_start3A = arith.constant 0 : i32
      %dma_start3A_19 = tpu.memref_slice %arg6[%arg0, %mul3A_18, %dma_start3A] : memref<2x10240x64xf32, #tpu.memory_space<hbm>> -> memref<1x640x64xf32, #tpu.memory_space<hbm>>
      %dma_start3A_20 = tpu.memref_squeeze %dma_start3A_19 : memref<1x640x64xf32, #tpu.memory_space<hbm>> -> memref<640x64xf32, #tpu.memory_space<hbm>>
      %dma_start3A_21 = arith.constant 0 : i32
      %dma_start3A_22 = tpu.memref_slice %arg12[%mul3A_18, %dma_start3A_21] : memref<10240x64xf32, #tpu.memory_space<vmem_shared>> -> memref<640x64xf32, #tpu.memory_space<vmem_shared>>
      tpu.enqueue_dma source(%dma_start3A_22 : memref<640x64xf32, #tpu.memory_space<vmem_shared>>) target(%dma_start3A_20 : memref<640x64xf32, #tpu.memory_space<hbm>>) target_semaphore(%run_scoped3A : memref<!tpu.dma_semaphore, #tpu.memory_space<semaphore_mem>>)
      %dma_wait3A = arith.constant 0 : i32
      %dma_wait3A_23 = tpu.memref_slice %arg6[%arg0, %mul3A_18, %dma_wait3A] : memref<2x10240x64xf32, #tpu.memory_space<hbm>> -> memref<1x640x64xf32, #tpu.memory_space<hbm>>
      %dma_wait3A_24 = tpu.memref_squeeze %dma_wait3A_23 : memref<1x640x64xf32, #tpu.memory_space<hbm>> -> memref<640x64xf32, #tpu.memory_space<hbm>>
      %dma_wait3A_25 = arith.constant 0 : i32
      %dma_wait3A_26 = tpu.memref_slice %arg12[%mul3A_18, %dma_wait3A_25] : memref<10240x64xf32, #tpu.memory_space<vmem_shared>> -> memref<640x64xf32, #tpu.memory_space<vmem_shared>>
      tpu.wait_dma2 semaphore(%run_scoped3A : memref<!tpu.dma_semaphore, #tpu.memory_space<semaphore_mem>>) src(%dma_wait3A_26 : memref<640x64xf32, #tpu.memory_space<vmem_shared>>) dst(%dma_wait3A_24 : memref<640x64xf32, #tpu.memory_space<hbm>>)
      tpu.yield
    }) : () -> ()
    return
  }
}

#map = affine_map<(d0, d1) -> (0, 0)>
#map1 = affine_map<(d0, d1) -> (0)>
#map2 = affine_map<(d0, d1) -> (0, 0, 0)>
module attributes {stable_mosaic.version = 14 : i64} {
  func.func @_spmm_call(%arg0: i32, %arg1: i32, %arg2: memref<10000x64xf32, #tpu.memory_space<hbm>>, %arg3: memref<323584xi32, #tpu.memory_space<hbm>>, %arg4: memref<323584xi32, #tpu.memory_space<hbm>>, %arg5: memref<323584xf32, #tpu.memory_space<hbm>>, %arg6: memref<2x10240x64xf32, #tpu.memory_space<hbm>>, %arg7: memref<128xi32, #tpu.memory_space<vmem>>, %arg8: memref<128xi32, #tpu.memory_space<vmem>>, %arg9: memref<128xf32, #tpu.memory_space<vmem>>, %arg10: memref<128x64xf32, #tpu.memory_space<vmem>>, %arg11: memref<640x64xf32, #tpu.memory_space<vmem>>, %arg12: memref<10240x64xf32, #tpu.memory_space<vmem_shared>>, %arg13: memref<!tpu.dma_semaphore, #tpu.memory_space<semaphore_mem>>) attributes {dimension_semantics = [#tpu.dimension_semantics<core_parallel>, #tpu.dimension_semantics<subcore_parallel>], iteration_bounds = array<i64: 2, 16>, scalar_prefetch = 0 : i64, scratch_operands = 7 : i64, tpu.core_type = #tpu.core_type<sc_vector_subcore>, window_params = [{transform_indices = #map}, {transform_indices = #map1}, {transform_indices = #map1}, {transform_indices = #map1}, {transform_indices = #map2}]} {
    %mul3A = arith.constant 16 : i32
    %mul3A_0 = arith.muli %arg0, %mul3A : i32
    %add3A = arith.addi %mul3A_0, %arg1 : i32
    %scan3A = arith.constant 0 : i32
    %scan3A_1 = arith.constant 0 : i32
    %scan3A_2 = arith.constant 640 : i32
    %scan3A_3 = arith.addi %scan3A_1, %scan3A_2 : i32
    %scan3A_4 = arith.constant 1 : i32
    %scan3A_5 = scf.for %scan3A_19 = %scan3A_1 to %scan3A_3 step %scan3A_4 iter_args(%scan3A_20 = %scan3A) -> (i32)  : i32 {
      %broadcast_in_dim3A = arith.constant 0.000000e+00 : f32
      %broadcast_in_dim3A_21 = vector.broadcast %broadcast_in_dim3A : f32 to vector<16xf32>
      %swap3A = arith.index_cast %scan3A_19 : i32 to index
      %swap3A_22 = arith.constant 0 : index
      %swap3A_23 = tpu.vector_load %arg11[%swap3A, %swap3A_22] {strides = array<i32>} : memref<640x64xf32, #tpu.memory_space<vmem>>, vector<16xf32>,
      tpu.vector_store %arg11[%swap3A, %swap3A_22], %broadcast_in_dim3A_21 {strides = array<i32>} : memref<640x64xf32, #tpu.memory_space<vmem>>, vector<16xf32>,
      %broadcast_in_dim3A_24 = arith.constant 0.000000e+00 : f32
      %broadcast_in_dim3A_25 = vector.broadcast %broadcast_in_dim3A_24 : f32 to vector<16xf32>
      %swap3A_26 = arith.index_cast %scan3A_19 : i32 to index
      %swap3A_27 = arith.constant 16 : index
      %swap3A_28 = tpu.vector_load %arg11[%swap3A_26, %swap3A_27] {strides = array<i32>} : memref<640x64xf32, #tpu.memory_space<vmem>>, vector<16xf32>,
      tpu.vector_store %arg11[%swap3A_26, %swap3A_27], %broadcast_in_dim3A_25 {strides = array<i32>} : memref<640x64xf32, #tpu.memory_space<vmem>>, vector<16xf32>,
      %broadcast_in_dim3A_29 = arith.constant 0.000000e+00 : f32
      %broadcast_in_dim3A_30 = vector.broadcast %broadcast_in_dim3A_29 : f32 to vector<16xf32>
      %swap3A_31 = arith.index_cast %scan3A_19 : i32 to index
      %swap3A_32 = arith.constant 32 : index
      %swap3A_33 = tpu.vector_load %arg11[%swap3A_31, %swap3A_32] {strides = array<i32>} : memref<640x64xf32, #tpu.memory_space<vmem>>, vector<16xf32>,
      tpu.vector_store %arg11[%swap3A_31, %swap3A_32], %broadcast_in_dim3A_30 {strides = array<i32>} : memref<640x64xf32, #tpu.memory_space<vmem>>, vector<16xf32>,
      %broadcast_in_dim3A_34 = arith.constant 0.000000e+00 : f32
      %broadcast_in_dim3A_35 = vector.broadcast %broadcast_in_dim3A_34 : f32 to vector<16xf32>
      %swap3A_36 = arith.index_cast %scan3A_19 : i32 to index
      %swap3A_37 = arith.constant 48 : index
      %swap3A_38 = tpu.vector_load %arg11[%swap3A_36, %swap3A_37] {strides = array<i32>} : memref<640x64xf32, #tpu.memory_space<vmem>>, vector<16xf32>,
      tpu.vector_store %arg11[%swap3A_36, %swap3A_37], %broadcast_in_dim3A_35 {strides = array<i32>} : memref<640x64xf32, #tpu.memory_space<vmem>>, vector<16xf32>,
      %scan3A_39 = arith.constant 0 : i32
      scf.yield %scan3A_39 : i32
    }
    %scan3A_6 = arith.constant 640 : i32
    %mul3A_7 = arith.constant 640 : i32
    %mul3A_8 = arith.muli %arg1, %mul3A_7 : i32
    "tpu.region"() ({
      %run_scoped3A = tpu.sem_alloc : memref<!tpu.dma_semaphore, #tpu.memory_space<semaphore_mem>>
      %dma_start3A = arith.constant 0 : i32
      %dma_start3A_19 = tpu.memref_slice %arg12[%mul3A_8, %dma_start3A] : memref<10240x64xf32, #tpu.memory_space<vmem_shared>> -> memref<640x64xf32, #tpu.memory_space<vmem_shared>>
      %dma_start3A_20 = arith.constant 0 : i32
      %dma_start3A_21 = tpu.memref_slice %arg12[%mul3A_8, %dma_start3A_20] : memref<10240x64xf32, #tpu.memory_space<vmem_shared>> -> memref<640x64xf32, #tpu.memory_space<vmem_shared>>
      tpu.enqueue_dma source(%arg11 : memref<640x64xf32, #tpu.memory_space<vmem>>) target(%dma_start3A_21 : memref<640x64xf32, #tpu.memory_space<vmem_shared>>) target_semaphore(%run_scoped3A : memref<!tpu.dma_semaphore, #tpu.memory_space<semaphore_mem>>)
      %dma_wait3A = arith.constant 0 : i32
      %dma_wait3A_22 = tpu.memref_slice %arg12[%mul3A_8, %dma_wait3A] : memref<10240x64xf32, #tpu.memory_space<vmem_shared>> -> memref<640x64xf32, #tpu.memory_space<vmem_shared>>
      %dma_wait3A_23 = arith.constant 0 : i32
      %dma_wait3A_24 = tpu.memref_slice %arg12[%mul3A_8, %dma_wait3A_23] : memref<10240x64xf32, #tpu.memory_space<vmem_shared>> -> memref<640x64xf32, #tpu.memory_space<vmem_shared>>
      tpu.wait_dma2 semaphore(%run_scoped3A : memref<!tpu.dma_semaphore, #tpu.memory_space<semaphore_mem>>) src(%arg11 : memref<640x64xf32, #tpu.memory_space<vmem>>) dst(%dma_wait3A_24 : memref<640x64xf32, #tpu.memory_space<vmem_shared>>)
      tpu.yield
    }) : () -> ()
    %barrier3A = arith.constant 0 : index
    tpu.barrier barrier_id(%barrier3A)
    %scan3A_9 = arith.constant 0 : i32
    %scan3A_10 = arith.constant 0 : i32
    %scan3A_11 = arith.constant 79 : i32
    %scan3A_12 = arith.addi %scan3A_10, %scan3A_11 : i32
    %scan3A_13 = arith.constant 1 : i32
    %scan3A_14 = scf.for %scan3A_19 = %scan3A_10 to %scan3A_12 step %scan3A_13 iter_args(%scan3A_20 = %scan3A_9) -> (i32)  : i32 {
      %mul3A_21 = arith.constant 10112 : i32
      %mul3A_22 = arith.muli %add3A, %mul3A_21 : i32
      %mul3A_23 = arith.constant 128 : i32
      %mul3A_24 = arith.muli %scan3A_19, %mul3A_23 : i32
      %add3A_25 = arith.addi %mul3A_22, %mul3A_24 : i32
      "tpu.region"() ({
        %run_scoped3A = tpu.sem_alloc : memref<!tpu.dma_semaphore, #tpu.memory_space<semaphore_mem>>
        %dma_start3A_38 = tpu.memref_slice %arg3[%add3A_25] : memref<323584xi32, #tpu.memory_space<hbm>> -> memref<128xi32, #tpu.memory_space<hbm>>
        %dma_start3A_39 = tpu.memref_slice %arg3[%add3A_25] : memref<323584xi32, #tpu.memory_space<hbm>> -> memref<128xi32, #tpu.memory_space<hbm>>
        tpu.enqueue_dma source(%dma_start3A_39 : memref<128xi32, #tpu.memory_space<hbm>>) target(%arg7 : memref<128xi32, #tpu.memory_space<vmem>>) target_semaphore(%run_scoped3A : memref<!tpu.dma_semaphore, #tpu.memory_space<semaphore_mem>>)
        %dma_wait3A_40 = tpu.memref_slice %arg3[%add3A_25] : memref<323584xi32, #tpu.memory_space<hbm>> -> memref<128xi32, #tpu.memory_space<hbm>>
        %dma_wait3A_41 = tpu.memref_slice %arg3[%add3A_25] : memref<323584xi32, #tpu.memory_space<hbm>> -> memref<128xi32, #tpu.memory_space<hbm>>
        tpu.wait_dma2 semaphore(%run_scoped3A : memref<!tpu.dma_semaphore, #tpu.memory_space<semaphore_mem>>) src(%dma_wait3A_41 : memref<128xi32, #tpu.memory_space<hbm>>) dst(%arg7 : memref<128xi32, #tpu.memory_space<vmem>>)
        tpu.yield
      }) : () -> ()
      "tpu.region"() ({
        %run_scoped3A = tpu.sem_alloc : memref<!tpu.dma_semaphore, #tpu.memory_space<semaphore_mem>>
        %dma_start3A_38 = tpu.memref_slice %arg4[%add3A_25] : memref<323584xi32, #tpu.memory_space<hbm>> -> memref<128xi32, #tpu.memory_space<hbm>>
        %dma_start3A_39 = tpu.memref_slice %arg4[%add3A_25] : memref<323584xi32, #tpu.memory_space<hbm>> -> memref<128xi32, #tpu.memory_space<hbm>>
        tpu.enqueue_dma source(%dma_start3A_39 : memref<128xi32, #tpu.memory_space<hbm>>) target(%arg8 : memref<128xi32, #tpu.memory_space<vmem>>) target_semaphore(%run_scoped3A : memref<!tpu.dma_semaphore, #tpu.memory_space<semaphore_mem>>)
        %dma_wait3A_40 = tpu.memref_slice %arg4[%add3A_25] : memref<323584xi32, #tpu.memory_space<hbm>> -> memref<128xi32, #tpu.memory_space<hbm>>
        %dma_wait3A_41 = tpu.memref_slice %arg4[%add3A_25] : memref<323584xi32, #tpu.memory_space<hbm>> -> memref<128xi32, #tpu.memory_space<hbm>>
        tpu.wait_dma2 semaphore(%run_scoped3A : memref<!tpu.dma_semaphore, #tpu.memory_space<semaphore_mem>>) src(%dma_wait3A_41 : memref<128xi32, #tpu.memory_space<hbm>>) dst(%arg8 : memref<128xi32, #tpu.memory_space<vmem>>)
        tpu.yield
      }) : () -> ()
      "tpu.region"() ({
        %run_scoped3A = tpu.sem_alloc : memref<!tpu.dma_semaphore, #tpu.memory_space<semaphore_mem>>
        %dma_start3A_38 = tpu.memref_slice %arg5[%add3A_25] : memref<323584xf32, #tpu.memory_space<hbm>> -> memref<128xf32, #tpu.memory_space<hbm>>
        %dma_start3A_39 = tpu.memref_slice %arg5[%add3A_25] : memref<323584xf32, #tpu.memory_space<hbm>> -> memref<128xf32, #tpu.memory_space<hbm>>
        tpu.enqueue_dma source(%dma_start3A_39 : memref<128xf32, #tpu.memory_space<hbm>>) target(%arg9 : memref<128xf32, #tpu.memory_space<vmem>>) target_semaphore(%run_scoped3A : memref<!tpu.dma_semaphore, #tpu.memory_space<semaphore_mem>>)
        %dma_wait3A_40 = tpu.memref_slice %arg5[%add3A_25] : memref<323584xf32, #tpu.memory_space<hbm>> -> memref<128xf32, #tpu.memory_space<hbm>>
        %dma_wait3A_41 = tpu.memref_slice %arg5[%add3A_25] : memref<323584xf32, #tpu.memory_space<hbm>> -> memref<128xf32, #tpu.memory_space<hbm>>
        tpu.wait_dma2 semaphore(%run_scoped3A : memref<!tpu.dma_semaphore, #tpu.memory_space<semaphore_mem>>) src(%dma_wait3A_41 : memref<128xf32, #tpu.memory_space<hbm>>) dst(%arg9 : memref<128xf32, #tpu.memory_space<vmem>>)
        tpu.yield
      }) : () -> ()
      %dma_start3A = arith.constant 0 : i32
      %dma_start3A_26 = arith.constant 0 : i32
      %dma_start3A_27 = tpu.memref_slice %arg2[%dma_start3A, %dma_start3A_26] : memref<10000x64xf32, #tpu.memory_space<hbm>> -> memref<10000x64xf32, #tpu.memory_space<hbm>>
      tpu.enqueue_indirect_dma source(%dma_start3A_27 : memref<10000x64xf32, #tpu.memory_space<hbm>>) target(%arg10 : memref<128x64xf32, #tpu.memory_space<vmem>>) offsets(%arg7 : memref<128xi32, #tpu.memory_space<vmem>>) semaphore(%arg13 : memref<!tpu.dma_semaphore, #tpu.memory_space<semaphore_mem>>)
      %dma_wait3A = arith.constant 0 : i32
      %dma_wait3A_28 = arith.constant 0 : i32
      %dma_wait3A_29 = tpu.memref_slice %arg2[%dma_wait3A, %dma_wait3A_28] : memref<10000x64xf32, #tpu.memory_space<hbm>> -> memref<10000x64xf32, #tpu.memory_space<hbm>>
      tpu.wait_indirect_dma semaphore(%arg13 : memref<!tpu.dma_semaphore, #tpu.memory_space<semaphore_mem>>) src(%dma_wait3A_29 : memref<10000x64xf32, #tpu.memory_space<hbm>>) dst(%arg10 : memref<128x64xf32, #tpu.memory_space<vmem>>)
      %scan3A_30 = arith.constant 0 : i32
      %scan3A_31 = arith.constant 0 : i32
      %scan3A_32 = arith.constant 128 : i32
      %scan3A_33 = arith.addi %scan3A_31, %scan3A_32 : i32
      %scan3A_34 = arith.constant 1 : i32
      %scan3A_35 = scf.for %scan3A_38 = %scan3A_31 to %scan3A_33 step %scan3A_34 iter_args(%scan3A_39 = %scan3A_30) -> (i32)  : i32 {
        %broadcast_in_dim3A = vector.broadcast %scan3A_38 : i32 to vector<16xi32>
        %gather3A = tpu.vector_load_idx %arg9[%broadcast_in_dim3A] : memref<128xf32, #tpu.memory_space<vmem>>[vector<16xi32>], vector<16xf32>,
        %get3A = arith.index_cast %scan3A_38 : i32 to index
        %get3A_40 = arith.constant 0 : index
        %get3A_41 = tpu.vector_load %arg10[%get3A, %get3A_40] {strides = array<i32>} : memref<128x64xf32, #tpu.memory_space<vmem>>, vector<16xf32>,
        %mul3A_42 = arith.mulf %get3A_41, %gather3A : vector<16xf32>
        %swap3A = arith.index_cast %scan3A_38 : i32 to index
        %swap3A_43 = arith.constant 0 : index
        %swap3A_44 = tpu.vector_load %arg10[%swap3A, %swap3A_43] {strides = array<i32>} : memref<128x64xf32, #tpu.memory_space<vmem>>, vector<16xf32>,
        tpu.vector_store %arg10[%swap3A, %swap3A_43], %mul3A_42 {strides = array<i32>} : memref<128x64xf32, #tpu.memory_space<vmem>>, vector<16xf32>,
        %get3A_45 = arith.index_cast %scan3A_38 : i32 to index
        %get3A_46 = arith.constant 16 : index
        %get3A_47 = tpu.vector_load %arg10[%get3A_45, %get3A_46] {strides = array<i32>} : memref<128x64xf32, #tpu.memory_space<vmem>>, vector<16xf32>,
        %mul3A_48 = arith.mulf %get3A_47, %gather3A : vector<16xf32>
        %swap3A_49 = arith.index_cast %scan3A_38 : i32 to index
        %swap3A_50 = arith.constant 16 : index
        %swap3A_51 = tpu.vector_load %arg10[%swap3A_49, %swap3A_50] {strides = array<i32>} : memref<128x64xf32, #tpu.memory_space<vmem>>, vector<16xf32>,
        tpu.vector_store %arg10[%swap3A_49, %swap3A_50], %mul3A_48 {strides = array<i32>} : memref<128x64xf32, #tpu.memory_space<vmem>>, vector<16xf32>,
        %get3A_52 = arith.index_cast %scan3A_38 : i32 to index
        %get3A_53 = arith.constant 32 : index
        %get3A_54 = tpu.vector_load %arg10[%get3A_52, %get3A_53] {strides = array<i32>} : memref<128x64xf32, #tpu.memory_space<vmem>>, vector<16xf32>,
        %mul3A_55 = arith.mulf %get3A_54, %gather3A : vector<16xf32>
        %swap3A_56 = arith.index_cast %scan3A_38 : i32 to index
        %swap3A_57 = arith.constant 32 : index
        %swap3A_58 = tpu.vector_load %arg10[%swap3A_56, %swap3A_57] {strides = array<i32>} : memref<128x64xf32, #tpu.memory_space<vmem>>, vector<16xf32>,
        tpu.vector_store %arg10[%swap3A_56, %swap3A_57], %mul3A_55 {strides = array<i32>} : memref<128x64xf32, #tpu.memory_space<vmem>>, vector<16xf32>,
        %get3A_59 = arith.index_cast %scan3A_38 : i32 to index
        %get3A_60 = arith.constant 48 : index
        %get3A_61 = tpu.vector_load %arg10[%get3A_59, %get3A_60] {strides = array<i32>} : memref<128x64xf32, #tpu.memory_space<vmem>>, vector<16xf32>,
        %mul3A_62 = arith.mulf %get3A_61, %gather3A : vector<16xf32>
        %swap3A_63 = arith.index_cast %scan3A_38 : i32 to index
        %swap3A_64 = arith.constant 48 : index
        %swap3A_65 = tpu.vector_load %arg10[%swap3A_63, %swap3A_64] {strides = array<i32>} : memref<128x64xf32, #tpu.memory_space<vmem>>, vector<16xf32>,
        tpu.vector_store %arg10[%swap3A_63, %swap3A_64], %mul3A_62 {strides = array<i32>} : memref<128x64xf32, #tpu.memory_space<vmem>>, vector<16xf32>,
        %scan3A_66 = arith.constant 0 : i32
        scf.yield %scan3A_66 : i32
      }
      %scan3A_36 = arith.constant 128 : i32
      "tpu.region"() ({
        %run_scoped3A = tpu.sem_alloc : memref<!tpu.dma_semaphore, #tpu.memory_space<semaphore_mem>>
        %dma_start3A_38 = arith.constant 0 : i32
        %dma_start3A_39 = arith.constant 0 : i32
        %dma_start3A_40 = tpu.memref_slice %arg12[%dma_start3A_38, %dma_start3A_39] : memref<10240x64xf32, #tpu.memory_space<vmem_shared>> -> memref<10240x64xf32, #tpu.memory_space<vmem_shared>>
        tpu.enqueue_indirect_dma source(%arg10 : memref<128x64xf32, #tpu.memory_space<vmem>>) target(%dma_start3A_40 : memref<10240x64xf32, #tpu.memory_space<vmem_shared>>) offsets(%arg8 : memref<128xi32, #tpu.memory_space<vmem>>) semaphore(%run_scoped3A : memref<!tpu.dma_semaphore, #tpu.memory_space<semaphore_mem>>) {add = true}
        %dma_wait3A_41 = arith.constant 0 : i32
        %dma_wait3A_42 = arith.constant 0 : i32
        %dma_wait3A_43 = tpu.memref_slice %arg12[%dma_wait3A_41, %dma_wait3A_42] : memref<10240x64xf32, #tpu.memory_space<vmem_shared>> -> memref<10240x64xf32, #tpu.memory_space<vmem_shared>>
        tpu.wait_indirect_dma semaphore(%run_scoped3A : memref<!tpu.dma_semaphore, #tpu.memory_space<semaphore_mem>>) src(%arg10 : memref<128x64xf32, #tpu.memory_space<vmem>>) dst(%dma_wait3A_43 : memref<10240x64xf32, #tpu.memory_space<vmem_shared>>)
        tpu.yield
      }) : () -> ()
      %scan3A_37 = arith.constant 0 : i32
      scf.yield %scan3A_37 : i32
    }
    %scan3A_15 = arith.constant 79 : i32
    %barrier3A_16 = arith.constant 0 : index
    tpu.barrier barrier_id(%barrier3A_16)
    %mul3A_17 = arith.constant 640 : i32
    %mul3A_18 = arith.muli %arg1, %mul3A_17 : i32
    "tpu.region"() ({
      %run_scoped3A = tpu.sem_alloc : memref<!tpu.dma_semaphore, #tpu.memory_space<semaphore_mem>>
      %dma_start3A = arith.constant 0 : i32
      %dma_start3A_19 = tpu.memref_slice %arg6[%arg0, %mul3A_18, %dma_start3A] : memref<2x10240x64xf32, #tpu.memory_space<hbm>> -> memref<1x640x64xf32, #tpu.memory_space<hbm>>
      %dma_start3A_20 = tpu.memref_squeeze %dma_start3A_19 : memref<1x640x64xf32, #tpu.memory_space<hbm>> -> memref<640x64xf32, #tpu.memory_space<hbm>>
      %dma_start3A_21 = arith.constant 0 : i32
      %dma_start3A_22 = tpu.memref_slice %arg12[%mul3A_18, %dma_start3A_21] : memref<10240x64xf32, #tpu.memory_space<vmem_shared>> -> memref<640x64xf32, #tpu.memory_space<vmem_shared>>
      tpu.enqueue_dma source(%dma_start3A_22 : memref<640x64xf32, #tpu.memory_space<vmem_shared>>) target(%dma_start3A_20 : memref<640x64xf32, #tpu.memory_space<hbm>>) target_semaphore(%run_scoped3A : memref<!tpu.dma_semaphore, #tpu.memory_space<semaphore_mem>>)
      %dma_wait3A = arith.constant 0 : i32
      %dma_wait3A_23 = tpu.memref_slice %arg6[%arg0, %mul3A_18, %dma_wait3A] : memref<2x10240x64xf32, #tpu.memory_space<hbm>> -> memref<1x640x64xf32, #tpu.memory_space<hbm>>
      %dma_wait3A_24 = tpu.memref_squeeze %dma_wait3A_23 : memref<1x640x64xf32, #tpu.memory_space<hbm>> -> memref<640x64xf32, #tpu.memory_space<hbm>>
      %dma_wait3A_25 = arith.constant 0 : i32
      %dma_wait3A_26 = tpu.memref_slice %arg12[%mul3A_18, %dma_wait3A_25] : memref<10240x64xf32, #tpu.memory_space<vmem_shared>> -> memref<640x64xf32, #tpu.memory_space<vmem_shared>>
      tpu.wait_dma2 semaphore(%run_scoped3A : memref<!tpu.dma_semaphore, #tpu.memory_space<semaphore_mem>>) src(%dma_wait3A_26 : memref<640x64xf32, #tpu.memory_space<vmem_shared>>) dst(%dma_wait3A_24 : memref<640x64xf32, #tpu.memory_space<hbm>>)
      tpu.yield
    }) : () -> ()
    return
  }
}

module attributes {stable_mosaic.version = 14 : i64} {
  func.func @_init_body(%arg0: memref<10000x128xf32, #tpu.memory_space<vmem>>, %arg1: memref<128x256xf32, #tpu.memory_space<vmem>>, %arg2: memref<256xf32, #tpu.memory_space<vmem>>, %arg3: memref<256x64xf32, #tpu.memory_space<vmem>>, %arg4: memref<64xf32, #tpu.memory_space<vmem>>, %arg5: memref<64xf32, #tpu.memory_space<vmem>>, %arg6: memref<10000x64xf32, #tpu.memory_space<vmem>>, %arg7: memref<10000x64xf32, #tpu.memory_space<vmem>>) attributes {dimension_semantics = [], scalar_prefetch = 0 : i64, scratch_operands = 0 : i64, tpu.core_type = #tpu.core_type<tc>} {
    %get3A = arith.constant 0 : index
    %get3A_0 = arith.constant 0 : index
    %get3A_1 = vector.load %arg0[%get3A, %get3A_0] : memref<10000x128xf32, #tpu.memory_space<vmem>>, vector<10000x128xf32>
    %get3A_2 = arith.constant 0 : index
    %get3A_3 = arith.constant 0 : index
    %get3A_4 = vector.load %arg1[%get3A_2, %get3A_3] : memref<128x256xf32, #tpu.memory_space<vmem>>, vector<128x256xf32>
    %dot_general3A = arith.constant dense<0.000000e+00> : vector<10000x256xf32>
    %dot_general3A_5 = tpu.matmul %get3A_1, %get3A_4, %dot_general3A {dimension_numbers = #tpu.dot_dimension_numbers<[1], [0], [0], [1], [0, 0, 1, 1], [], []>, transpose_lhs_hint = false} : vector<10000x128xf32>, vector<128x256xf32>, vector<10000x256xf32> -> vector<10000x256xf32>
    %get3A_6 = arith.constant 0 : index
    %get3A_7 = vector.load %arg2[%get3A_6] : memref<256xf32, #tpu.memory_space<vmem>>, vector<256xf32>
    %broadcast_in_dim3A = vector.shape_cast %get3A_7 : vector<256xf32> to vector<1x256xf32>
    %add3A = vector.broadcast %broadcast_in_dim3A : vector<1x256xf32> to vector<10000x256xf32>
    %add3A_8 = arith.addf %dot_general3A_5, %add3A : vector<10000x256xf32>
    %max3A = arith.constant 0.000000e+00 : f32
    %max3A_9 = vector.broadcast %max3A : f32 to vector<10000x256xf32>
    %max3A_10 = arith.maximumf %add3A_8, %max3A_9 : vector<10000x256xf32>
    %get3A_11 = arith.constant 0 : index
    %get3A_12 = arith.constant 0 : index
    %get3A_13 = vector.load %arg3[%get3A_11, %get3A_12] : memref<256x64xf32, #tpu.memory_space<vmem>>, vector<256x64xf32>
    %dot_general3A_14 = arith.constant dense<0.000000e+00> : vector<10000x64xf32>
    %dot_general3A_15 = tpu.matmul %max3A_10, %get3A_13, %dot_general3A_14 {dimension_numbers = #tpu.dot_dimension_numbers<[1], [0], [0], [1], [0, 0, 1, 1], [], []>, transpose_lhs_hint = false} : vector<10000x256xf32>, vector<256x64xf32>, vector<10000x64xf32> -> vector<10000x64xf32>
    %get3A_16 = arith.constant 0 : index
    %get3A_17 = vector.load %arg4[%get3A_16] : memref<64xf32, #tpu.memory_space<vmem>>, vector<64xf32>
    %broadcast_in_dim3A_18 = vector.shape_cast %get3A_17 : vector<64xf32> to vector<1x64xf32>
    %add3A_19 = vector.broadcast %broadcast_in_dim3A_18 : vector<1x64xf32> to vector<10000x64xf32>
    %add3A_20 = arith.addf %dot_general3A_15, %add3A_19 : vector<10000x64xf32>
    %mul3A = arith.mulf %add3A_20, %add3A_20 : vector<10000x64xf32>
    %reduce_sum3A = arith.constant dense<0.000000e+00> : vector<64xf32>
    %reduce_sum3A_21 = vector.multi_reduction <add>, %mul3A, %reduce_sum3A [0] : vector<10000x64xf32> to vector<64xf32>
    %sqrt3A = math.sqrt %reduce_sum3A_21 : vector<64xf32>
    %max3A_22 = arith.constant 9.99999993E-9 : f32
    %max3A_23 = vector.broadcast %max3A_22 : f32 to vector<64xf32>
    %max3A_24 = arith.maximumf %sqrt3A, %max3A_23 : vector<64xf32>
    %broadcast_in_dim3A_25 = vector.shape_cast %max3A_24 : vector<64xf32> to vector<1x64xf32>
    %div3A = vector.broadcast %broadcast_in_dim3A_25 : vector<1x64xf32> to vector<10000x64xf32>
    %div3A_26 = arith.divf %add3A_20, %div3A : vector<10000x64xf32>
    %swap3A = arith.constant 0 : index
    %swap3A_27 = arith.constant 0 : index
    %swap3A_28 = vector.load %arg6[%swap3A, %swap3A_27] : memref<10000x64xf32, #tpu.memory_space<vmem>>, vector<10000x64xf32>
    tpu.vector_store %arg6[%swap3A, %swap3A_27], %div3A_26 {strides = array<i32>} : memref<10000x64xf32, #tpu.memory_space<vmem>>, vector<10000x64xf32>,
    %get3A_29 = arith.constant 0 : index
    %get3A_30 = vector.load %arg5[%get3A_29] : memref<64xf32, #tpu.memory_space<vmem>>, vector<64xf32>
    %broadcast_in_dim3A_31 = vector.shape_cast %get3A_30 : vector<64xf32> to vector<1x64xf32>
    %mul3A_32 = vector.broadcast %broadcast_in_dim3A_31 : vector<1x64xf32> to vector<10000x64xf32>
    %mul3A_33 = arith.mulf %mul3A_32, %div3A_26 : vector<10000x64xf32>
    %swap3A_34 = arith.constant 0 : index
    %swap3A_35 = arith.constant 0 : index
    %swap3A_36 = vector.load %arg7[%swap3A_34, %swap3A_35] : memref<10000x64xf32, #tpu.memory_space<vmem>>, vector<10000x64xf32>
    tpu.vector_store %arg7[%swap3A_34, %swap3A_35], %mul3A_33 {strides = array<i32>} : memref<10000x64xf32, #tpu.memory_space<vmem>>, vector<10000x64xf32>,
    return
  }
}

module attributes {stable_mosaic.version = 14 : i64} {
  func.func @_hop_body(%arg0: memref<2x10240x64xf32, #tpu.memory_space<vmem>>, %arg1: memref<10000x64xf32, #tpu.memory_space<vmem>>, %arg2: memref<10000x64xf32, #tpu.memory_space<vmem>>, %arg3: memref<10000x64xf32, #tpu.memory_space<vmem>>, %arg4: memref<64xf32, #tpu.memory_space<vmem>>, %arg5: memref<10000x64xf32, #tpu.memory_space<vmem>>, %arg6: memref<10000x64xf32, #tpu.memory_space<vmem>>) attributes {dimension_semantics = [], scalar_prefetch = 0 : i64, scratch_operands = 0 : i64, tpu.core_type = #tpu.core_type<tc>} {
    %get3A = arith.constant 0 : index
    %get3A_0 = arith.constant 0 : index
    %get3A_1 = arith.constant 0 : index
    %get3A_2 = vector.load %arg0[%get3A, %get3A_0, %get3A_1] : memref<2x10240x64xf32, #tpu.memory_space<vmem>>, vector<1x10000x64xf32>
    %get3A_3 = vector.shape_cast %get3A_2 : vector<1x10000x64xf32> to vector<10000x64xf32>
    %get3A_4 = arith.constant 1 : index
    %get3A_5 = arith.constant 0 : index
    %get3A_6 = arith.constant 0 : index
    %get3A_7 = vector.load %arg0[%get3A_4, %get3A_5, %get3A_6] : memref<2x10240x64xf32, #tpu.memory_space<vmem>>, vector<1x10000x64xf32>
    %get3A_8 = vector.shape_cast %get3A_7 : vector<1x10000x64xf32> to vector<10000x64xf32>
    %add3A = arith.addf %get3A_3, %get3A_8 : vector<10000x64xf32>
    %get3A_9 = arith.constant 0 : index
    %get3A_10 = arith.constant 0 : index
    %get3A_11 = vector.load %arg1[%get3A_9, %get3A_10] : memref<10000x64xf32, #tpu.memory_space<vmem>>, vector<10000x64xf32>
    %get3A_12 = arith.constant 0 : index
    %get3A_13 = arith.constant 0 : index
    %get3A_14 = vector.load %arg2[%get3A_12, %get3A_13] : memref<10000x64xf32, #tpu.memory_space<vmem>>, vector<10000x64xf32>
    %mul3A = arith.mulf %add3A, %get3A_11 : vector<10000x64xf32>
    %reduce_sum3A = arith.constant dense<0.000000e+00> : vector<64xf32>
    %reduce_sum3A_15 = vector.multi_reduction <add>, %mul3A, %reduce_sum3A [0] : vector<10000x64xf32> to vector<64xf32>
    %broadcast_in_dim3A = vector.shape_cast %reduce_sum3A_15 : vector<64xf32> to vector<1x64xf32>
    %mul3A_16 = vector.broadcast %broadcast_in_dim3A : vector<1x64xf32> to vector<10000x64xf32>
    %mul3A_17 = arith.mulf %mul3A_16, %get3A_11 : vector<10000x64xf32>
    %sub3A = arith.subf %add3A, %mul3A_17 : vector<10000x64xf32>
    %mul3A_18 = arith.mulf %sub3A, %get3A_14 : vector<10000x64xf32>
    %reduce_sum3A_19 = arith.constant dense<0.000000e+00> : vector<64xf32>
    %reduce_sum3A_20 = vector.multi_reduction <add>, %mul3A_18, %reduce_sum3A_19 [0] : vector<10000x64xf32> to vector<64xf32>
    %broadcast_in_dim3A_21 = vector.shape_cast %reduce_sum3A_20 : vector<64xf32> to vector<1x64xf32>
    %mul3A_22 = vector.broadcast %broadcast_in_dim3A_21 : vector<1x64xf32> to vector<10000x64xf32>
    %mul3A_23 = arith.mulf %mul3A_22, %get3A_14 : vector<10000x64xf32>
    %sub3A_24 = arith.subf %sub3A, %mul3A_23 : vector<10000x64xf32>
    %mul3A_25 = arith.mulf %sub3A_24, %sub3A_24 : vector<10000x64xf32>
    %reduce_sum3A_26 = arith.constant dense<0.000000e+00> : vector<64xf32>
    %reduce_sum3A_27 = vector.multi_reduction <add>, %mul3A_25, %reduce_sum3A_26 [0] : vector<10000x64xf32> to vector<64xf32>
    %sqrt3A = math.sqrt %reduce_sum3A_27 : vector<64xf32>
    %max3A = arith.constant 9.99999993E-9 : f32
    %max3A_28 = vector.broadcast %max3A : f32 to vector<64xf32>
    %max3A_29 = arith.maximumf %sqrt3A, %max3A_28 : vector<64xf32>
    %broadcast_in_dim3A_30 = vector.shape_cast %max3A_29 : vector<64xf32> to vector<1x64xf32>
    %div3A = vector.broadcast %broadcast_in_dim3A_30 : vector<1x64xf32> to vector<10000x64xf32>
    %div3A_31 = arith.divf %sub3A_24, %div3A : vector<10000x64xf32>
    %swap3A = arith.constant 0 : index
    %swap3A_32 = arith.constant 0 : index
    %swap3A_33 = vector.load %arg5[%swap3A, %swap3A_32] : memref<10000x64xf32, #tpu.memory_space<vmem>>, vector<10000x64xf32>
    tpu.vector_store %arg5[%swap3A, %swap3A_32], %div3A_31 {strides = array<i32>} : memref<10000x64xf32, #tpu.memory_space<vmem>>, vector<10000x64xf32>,
    %get3A_34 = arith.constant 0 : index
    %get3A_35 = arith.constant 0 : index
    %get3A_36 = vector.load %arg3[%get3A_34, %get3A_35] : memref<10000x64xf32, #tpu.memory_space<vmem>>, vector<10000x64xf32>
    %get3A_37 = arith.constant 0 : index
    %get3A_38 = vector.load %arg4[%get3A_37] : memref<64xf32, #tpu.memory_space<vmem>>, vector<64xf32>
    %broadcast_in_dim3A_39 = vector.shape_cast %get3A_38 : vector<64xf32> to vector<1x64xf32>
    %mul3A_40 = vector.broadcast %broadcast_in_dim3A_39 : vector<1x64xf32> to vector<10000x64xf32>
    %mul3A_41 = arith.mulf %mul3A_40, %div3A_31 : vector<10000x64xf32>
    %add3A_42 = arith.addf %get3A_36, %mul3A_41 : vector<10000x64xf32>
    %swap3A_43 = arith.constant 0 : index
    %swap3A_44 = arith.constant 0 : index
    %swap3A_45 = vector.load %arg6[%swap3A_43, %swap3A_44] : memref<10000x64xf32, #tpu.memory_space<vmem>>, vector<10000x64xf32>
    tpu.vector_store %arg6[%swap3A_43, %swap3A_44], %add3A_42 {strides = array<i32>} : memref<10000x64xf32, #tpu.memory_space<vmem>>, vector<10000x64xf32>,
    return
  }
}

module attributes {stable_mosaic.version = 14 : i64} {
  func.func @_hop_body(%arg0: memref<2x10240x64xf32, #tpu.memory_space<vmem>>, %arg1: memref<10000x64xf32, #tpu.memory_space<vmem>>, %arg2: memref<10000x64xf32, #tpu.memory_space<vmem>>, %arg3: memref<10000x64xf32, #tpu.memory_space<vmem>>, %arg4: memref<64xf32, #tpu.memory_space<vmem>>, %arg5: memref<10000x64xf32, #tpu.memory_space<vmem>>, %arg6: memref<10000x64xf32, #tpu.memory_space<vmem>>) attributes {dimension_semantics = [], scalar_prefetch = 0 : i64, scratch_operands = 0 : i64, tpu.core_type = #tpu.core_type<tc>} {
    %get3A = arith.constant 0 : index
    %get3A_0 = arith.constant 0 : index
    %get3A_1 = arith.constant 0 : index
    %get3A_2 = vector.load %arg0[%get3A, %get3A_0, %get3A_1] : memref<2x10240x64xf32, #tpu.memory_space<vmem>>, vector<1x10000x64xf32>
    %get3A_3 = vector.shape_cast %get3A_2 : vector<1x10000x64xf32> to vector<10000x64xf32>
    %get3A_4 = arith.constant 1 : index
    %get3A_5 = arith.constant 0 : index
    %get3A_6 = arith.constant 0 : index
    %get3A_7 = vector.load %arg0[%get3A_4, %get3A_5, %get3A_6] : memref<2x10240x64xf32, #tpu.memory_space<vmem>>, vector<1x10000x64xf32>
    %get3A_8 = vector.shape_cast %get3A_7 : vector<1x10000x64xf32> to vector<10000x64xf32>
    %add3A = arith.addf %get3A_3, %get3A_8 : vector<10000x64xf32>
    %get3A_9 = arith.constant 0 : index
    %get3A_10 = arith.constant 0 : index
    %get3A_11 = vector.load %arg1[%get3A_9, %get3A_10] : memref<10000x64xf32, #tpu.memory_space<vmem>>, vector<10000x64xf32>
    %get3A_12 = arith.constant 0 : index
    %get3A_13 = arith.constant 0 : index
    %get3A_14 = vector.load %arg2[%get3A_12, %get3A_13] : memref<10000x64xf32, #tpu.memory_space<vmem>>, vector<10000x64xf32>
    %mul3A = arith.mulf %add3A, %get3A_11 : vector<10000x64xf32>
    %reduce_sum3A = arith.constant dense<0.000000e+00> : vector<64xf32>
    %reduce_sum3A_15 = vector.multi_reduction <add>, %mul3A, %reduce_sum3A [0] : vector<10000x64xf32> to vector<64xf32>
    %broadcast_in_dim3A = vector.shape_cast %reduce_sum3A_15 : vector<64xf32> to vector<1x64xf32>
    %mul3A_16 = vector.broadcast %broadcast_in_dim3A : vector<1x64xf32> to vector<10000x64xf32>
    %mul3A_17 = arith.mulf %mul3A_16, %get3A_11 : vector<10000x64xf32>
    %sub3A = arith.subf %add3A, %mul3A_17 : vector<10000x64xf32>
    %mul3A_18 = arith.mulf %sub3A, %get3A_14 : vector<10000x64xf32>
    %reduce_sum3A_19 = arith.constant dense<0.000000e+00> : vector<64xf32>
    %reduce_sum3A_20 = vector.multi_reduction <add>, %mul3A_18, %reduce_sum3A_19 [0] : vector<10000x64xf32> to vector<64xf32>
    %broadcast_in_dim3A_21 = vector.shape_cast %reduce_sum3A_20 : vector<64xf32> to vector<1x64xf32>
    %mul3A_22 = vector.broadcast %broadcast_in_dim3A_21 : vector<1x64xf32> to vector<10000x64xf32>
    %mul3A_23 = arith.mulf %mul3A_22, %get3A_14 : vector<10000x64xf32>
    %sub3A_24 = arith.subf %sub3A, %mul3A_23 : vector<10000x64xf32>
    %mul3A_25 = arith.mulf %sub3A_24, %sub3A_24 : vector<10000x64xf32>
    %reduce_sum3A_26 = arith.constant dense<0.000000e+00> : vector<64xf32>
    %reduce_sum3A_27 = vector.multi_reduction <add>, %mul3A_25, %reduce_sum3A_26 [0] : vector<10000x64xf32> to vector<64xf32>
    %sqrt3A = math.sqrt %reduce_sum3A_27 : vector<64xf32>
    %max3A = arith.constant 9.99999993E-9 : f32
    %max3A_28 = vector.broadcast %max3A : f32 to vector<64xf32>
    %max3A_29 = arith.maximumf %sqrt3A, %max3A_28 : vector<64xf32>
    %broadcast_in_dim3A_30 = vector.shape_cast %max3A_29 : vector<64xf32> to vector<1x64xf32>
    %div3A = vector.broadcast %broadcast_in_dim3A_30 : vector<1x64xf32> to vector<10000x64xf32>
    %div3A_31 = arith.divf %sub3A_24, %div3A : vector<10000x64xf32>
    %swap3A = arith.constant 0 : index
    %swap3A_32 = arith.constant 0 : index
    %swap3A_33 = vector.load %arg5[%swap3A, %swap3A_32] : memref<10000x64xf32, #tpu.memory_space<vmem>>, vector<10000x64xf32>
    tpu.vector_store %arg5[%swap3A, %swap3A_32], %div3A_31 {strides = array<i32>} : memref<10000x64xf32, #tpu.memory_space<vmem>>, vector<10000x64xf32>,
    %get3A_34 = arith.constant 0 : index
    %get3A_35 = arith.constant 0 : index
    %get3A_36 = vector.load %arg3[%get3A_34, %get3A_35] : memref<10000x64xf32, #tpu.memory_space<vmem>>, vector<10000x64xf32>
    %get3A_37 = arith.constant 0 : index
    %get3A_38 = vector.load %arg4[%get3A_37] : memref<64xf32, #tpu.memory_space<vmem>>, vector<64xf32>
    %broadcast_in_dim3A_39 = vector.shape_cast %get3A_38 : vector<64xf32> to vector<1x64xf32>
    %mul3A_40 = vector.broadcast %broadcast_in_dim3A_39 : vector<1x64xf32> to vector<10000x64xf32>
    %mul3A_41 = arith.mulf %mul3A_40, %div3A_31 : vector<10000x64xf32>
    %add3A_42 = arith.addf %get3A_36, %mul3A_41 : vector<10000x64xf32>
    %swap3A_43 = arith.constant 0 : index
    %swap3A_44 = arith.constant 0 : index
    %swap3A_45 = vector.load %arg6[%swap3A_43, %swap3A_44] : memref<10000x64xf32, #tpu.memory_space<vmem>>, vector<10000x64xf32>
    tpu.vector_store %arg6[%swap3A_43, %swap3A_44], %add3A_42 {strides = array<i32>} : memref<10000x64xf32, #tpu.memory_space<vmem>>, vector<10000x64xf32>,
    return
  }
}

</mosaic_0001>

<sc_bundles>
// kernel: kernel.23.cloned.1.call-start
scs
__scs_entry_jumppad:
0x0: {  	(pc) =	sbr.rel $0x88, $3  }
0x1: {  	(tag) =	ssettag $0x0;
	lr =	simm.s32 $0x1  }
0x2: {  	[smem:$0x3F99] =	sst lr;
	_ =	strace $0xD0000000  }
0x3: {  	_ = 	snop  }
0x4: {  	_ = 	snop  }
0x5: {  	_ = 	snop  }
0x6: {  	_ = 	snop  }
0x7: {  	_ = 	snop  }
__scs_overlays_trampoline_lowered:
0x8: {  	[smem:$0x3FA8] =	sst s0  }
0x9: {  	[smem:$0x3FA9] =	sst s1  }
0xa: {  	[smem:$0x3FAA] =	sst s2  }
0xb: {  	[smem:$0x3FAB] =	sst s3  }
0xc: {  	[smem:$0x3FAC] =	sst s4  }
0xd: {  	[smem:$0x3FAD] =	sst s5  }
0xe: {  	[smem:$0x3FAE] =	sst s6  }
0xf: {  	[smem:$0x3FAF] =	sst s7  }
0x10: {  	[smem:$0x3FB0] =	sst s8  }
0x11: {  	[smem:$0x3FB1] =	sst s9;
	s0 =	simm.s32 @!p0 $0x0  }
0x12: {  	s1 =	sld [smem:$0x3F97];
	s0 =	simm.s32 @p0 $0x1  }
0x13: {  	[smem:$0x3FB2] =	sst s0;
	s0 =	simm.s32 @!p1 $0x0  }
0x14: {  	s2 =	sld [smem:$0x3F96];
	s0 =	simm.s32 @p1 $0x1  }
0x15: {  	[smem:$0x3FB3] =	sst s0;
	s0 =	simm.s32 @!p2 $0x0  }
0x16: {  	s3 =	sld [smem:$0x3FDB];
	s0 =	simm.s32 @p2 $0x1  }
0x17: {  	s4 =	simm.s32 $0x1BF5;
	[smem:$0x3FB5] =	sst s0  }
0x18: {  	s0 =	sld [smem:$0x3F98];
	_ =	swait.ge [sflag:s4], $0x0  }
0x19: {  	s7 =	sld [smem:$0x3F99]  }
0x1a: {  	s8 =	sadd.s32 $0xFFFFE003, lr  }
0x1b: {  	s9 =	sadd.s32 $0xFFFFFEF7, lr;
	s5 =	simm.s32 $0xFFFFFFFF;
	p2 =	slt.u32 s8, $0xFFFFF086  }
0x1c: {  	p1 =	slt.u32 s9, $0xF7A;
	s5 =	simm.s32 @!p2 $0x0  }
0x1d: {  	s5 =	simm.s32 @p1 $0x1;
	p0 =	seq.s32 s7, s2  }
0x1e: {  	s7 =	smul.u32 @!p0 $0xF7A, s2;
	p2 =	seq.s32 @!p0 s5, $0x0  }
0x1f: {  	s9 =	smul.u32 $0xF7A, s1;
	s8 =	simm.s32 @!p0 $0x1BF5;
	p2 =	por !p2, p0  }
0x20: {  	[sflag:s8] =	ssyncset.s32 @!p0 $0xFFFFF086;
	s6 =	sadd.s32 @!p0 s3, s7;
	s7 =	simm.s32 @!p0 $0x108  }
0x21: {  	s3 =	sadd.s32 s3, s9;
	s6 =	sadd.s32 @!p0 $0x88, s6;
	s7 =	simm.s32 @p2 $0x1082  }
0x22: {  	[simem:s7], [sflag:s8] =	dma.local @!p0 [hbm:s6], $0xF7A  }
0x23: {  	s9 =	sor.u32 $0xD0000000, s2;
	s6 =	simm.s32 $0x108;
	_ =	swait.ge @!p0 [sflag:s8], $0x0  }
0x24: {  	s3 =	sadd.s32 $0x88, s3;
	s6 =	simm.s32 @!p1 $0x1082;
	[sflag:s4] =	ssyncset.s32 $0xFFFFF086  }
0x25: {  	[simem:s6], [sflag:s4] =	dma.local [hbm:s3], $0xF7A  }
0x26: {  	[smem:$0x3F99] =	sst s1;
	(tag) =	ssettag s2;
	_ =	strace s9  }
0x27: {  	s1 =	sld [smem:$0x3FA9]  }
0x28: {  	s2 =	sld [smem:$0x3FAA]  }
0x29: {  	s4 =	sld [smem:$0x3FAC]  }
0x2a: {  	p0 =	seq.s32 s5, $0x0;
	s5 =	sld [smem:$0x3FAD]  }
0x2b: {  	s6 =	sld [smem:$0x3FAE]  }
0x2c: {  	s7 =	sld [smem:$0x3FAF]  }
0x2d: {  	s3 =	simm.s32 $0x108;
	s8 =	sld [smem:$0x3FB0]  }
0x2e: {  	s3 =	simm.s32 @!p0 $0x1082;
	s9 =	sld [smem:$0x3FB1]  }
0x2f: {  	lr =	sadd.s32 s0, s3;
	s0 =	sld [smem:$0x3FA8]  }
0x30: {  	s3 =	sld [smem:$0x3FAB]  }
0x31: {  	[smem:$0x3FB4] =	sst s10  }
0x32: {  	s10 =	sld [smem:$0x3FB2];
	_ =	sdelay $0x3  }
0x33: {  	p0 =	seq.s32 s10, $0x1;
	s10 =	sld [smem:$0x3FB4];
	_ =	sdelay $0x3  }
0x34: {  	[smem:$0x3FB4] =	sst s10  }
0x35: {  	s10 =	sld [smem:$0x3FB3];
	_ =	sdelay $0x3  }
0x36: {  	p1 =	seq.s32 s10, $0x1;
	s10 =	sld [smem:$0x3FB4];
	_ =	sdelay $0x3  }
0x37: {  	[smem:$0x3FB4] =	sst s10  }
0x38: {  	s10 =	sld [smem:$0x3FB5]  }
0x39: {  	_ = 	snop;
	(pc) =	sbr.ind lr, $3  }
0x3a: {  	_ = 	snop  }
0x3b: {  	_ = 	snop  }
0x3c: {  	p2 =	seq.s32 s10, $0x1;
	s10 =	sld [smem:$0x3FB4]  }
0x3d: {  	_ =	shalt  }
0x3e: {  	_ =	shalt  }
0x3f: {  	_ =	shalt  }
0x40: {  	_ =	shalt  }
0x41: {  	_ =	shalt  }
0x42: {  	_ =	shalt  }
0x43: {  	_ =	shalt  }
0x44: {  	_ =	shalt  }
0x45: {  	_ =	shalt  }
0x46: {  	_ =	shalt  }
0x47: {  	_ =	shalt  }
0x48: {  	_ =	shalt  }
0x49: {  	_ =	shalt  }
0x4a: {  	_ =	shalt  }
0x4b: {  	_ =	shalt  }
0x4c: {  	_ =	shalt  }
0x4d: {  	_ =	shalt  }
0x4e: {  	_ =	shalt  }
0x4f: {  	_ =	shalt  }
0x50: {  	_ =	shalt  }
0x51: {  	_ =	shalt  }
0x52: {  	_ =	shalt  }
0x53: {  	_ =	shalt  }
0x54: {  	_ =	shalt  }
0x55: {  	_ =	shalt  }
0x56: {  	_ =	shalt  }
0x57: {  	_ =	shalt  }
0x58: {  	_ =	shalt  }
0x59: {  	_ =	shalt  }
0x5a: {  	_ =	shalt  }
0x5b: {  	_ =	shalt  }
0x5c: {  	_ =	shalt  }
0x5d: {  	_ =	shalt  }
0x5e: {  	_ =	shalt  }
0x5f: {  	_ =	shalt  }
0x60: {  	_ =	shalt  }
0x61: {  	_ =	shalt  }
0x62: {  	_ =	shalt  }
0x63: {  	_ =	shalt  }
0x64: {  	_ =	shalt  }
0x65: {  	_ =	shalt  }
0x66: {  	_ =	shalt  }
0x67: {  	_ =	shalt  }
0x68: {  	_ =	shalt  }
0x69: {  	_ =	shalt  }
0x6a: {  	_ =	shalt  }
0x6b: {  	_ =	shalt  }
0x6c: {  	_ =	shalt  }
0x6d: {  	_ =	shalt  }
0x6e: {  	_ =	shalt  }
0x6f: {  	_ =	shalt  }
0x70: {  	_ =	shalt  }
0x71: {  	_ =	shalt  }
0x72: {  	_ =	shalt  }
0x73: {  	_ =	shalt  }
0x74: {  	_ =	shalt  }
0x75: {  	_ =	shalt  }
0x76: {  	_ =	shalt  }
0x77: {  	_ =	shalt  }
0x78: {  	_ =	shalt  }
0x79: {  	_ =	shalt  }
0x7a: {  	_ =	shalt  }
0x7b: {  	_ =	shalt  }
0x7c: {  	_ =	shalt  }
0x7d: {  	_ =	shalt  }
0x7e: {  	_ =	shalt  }
0x7f: {  	_ =	shalt  }
0x80: {  	_ =	shalt  }
0x81: {  	_ =	shalt  }
0x82: {  	_ =	shalt  }
0x83: {  	_ =	shalt  }
0x84: {  	_ =	shalt  }
0x85: {  	_ =	shalt  }
0x86: {  	_ =	shalt  }
0x87: {  	_ =	shalt  }
.Lfunc_end0:
.L_simem_size_0:
called_computation_lowered:
.L_overlay_start_0:
0x88: {  	s2 =	sld [smem:$0x3FD9]  }
0x89: {  	s3 =	sld [smem:$0x3FFE];
	_ =	sdelay $0x1  }
0x8a: {  	s1 =	srdreg.scid  }
0x8b: {  	s0 =	sand.u32 $0x1, s1  }
0x8c: {  	s17 =	sshll.u32 s0, $0xA;
	s2 =	sadd.s32 s3, s2  }
0x8d: {  	s2 =	sadd.s32 s2, s17  }
0x8e: {  	[smem:$0x3FC0] =	sst s2  }
0x8f: {  	_ = 	snop  }
0x90: {  	s2 =	sld [smem:$0x3FD0];
	(tm) =	ssettm $0x1  }
0x91: {  	s18 =	sld [smem:$0x3FFB];
	_ =	sdelay $0x3  }
0x92: {  	_ =	strace s18  }
0x93: {  	s3 =	sld [smem:$0x3FFC];
	_ =	sdelay $0x3  }
0x94: {  	_ =	strace s3  }
0x95: {  	s3 =	sld [smem:$0x3FFD];
	_ =	sdelay $0x3  }
0x96: {  	_ =	strace s3  }
0x97: {  	_ =	strace $0x8FFFFFFF  }
0x98: {  	s19 =	sld [smem:$0x3FDB];
	_ =	sdelay $0x1  }
0x99: {  	s4 =	simm.s32 $_scs_section_size  }
0x9a: {  	s5 =	simm.s32 $_size__tile_overlayer_lowered;
	s6 =	simm.s32 $_tile_overlayer_lowered  }
0x9b: {  	s22 =	simm.s32 $0x1BFF;
	s21 =	sshll.u32 s6, $0x1;
	s3 =	sadd.s32 s4, s19  }
0x9c: {  	s7 =	simm.s32 $0x0;
	s20 =	sshll.u32 s5, $0x1;
	s5 =	sadd.s32 s21, s3  }
0x9d: {  	[timem:s7], [sflag:s22] =	dma.local [hbm:s5], s20  }
0x9e: {  	_ =	swait.ge [sflag:s22], s20  }
0x9f: {  	s4 =	ssub.s32 $0x0, s20;
	[sflag:s22] =	ssyncset.done $0x0  }
0xa0: {  	[sflag:s22] =	ssyncadd.s32 s4;
	_ =	sdelay $0x1  }
0xa1: {  	s23 =	simm.s32 $0x1B8B  }
0xa2: {  	_ =	swait.ge [sflag:s23], $0x1  }
0xa3: {  	[sflag:s23] =	ssyncset.done $0x0  }
0xa4: {  	s25 =	simm.s32 $0x1B8E;
	s24 =	sld [smem:$0x3FFE];
	[sflag:s23] =	ssyncadd.s32 $0xFFFFFFFF  }
0xa5: {  	s26 =	simm.s32 $execute0_lowered;
	[smem:$0x3FD2] =	sst s25  }
0xa6: {  	s5 =	sshll.u32 s26, $0x1;
	_ =	strace $0x80000046;
	[dreg:$0x1] =	wrdreg $0xFFFFFFFF  }
0xa7: {  	s28 =	simm.s32 $_size_execute0_lowered;
	s3 =	sadd.s32 s3, s5;
	[dreg:$0x0] =	wrdreg $0x0  }
0xa8: {  	s5 =	sshll.u32 s28, $0x1;
	[dreg:$0x2] =	wrdreg s3  }
0xa9: {  	[dreg:$0x3] =	wrdreg s5  }
0xaa: {  	[dreg:$0x4] =	wrdreg $0xC0  }
0xab: {  	_ =	task [dreg:s7], $0x5FFFF  }
0xac: {  	[dreg:$0x1] =	wrdreg $0xFFFFFFFF  }
0xad: {  	[dreg:$0x0] =	wrdreg $0x60  }
0xae: {  	[dreg:$0x2] =	wrdreg s2  }
0xaf: {  	[dreg:$0x3] =	wrdreg s24  }
0xb0: {  	[dreg:$0x4] =	wrdreg $0xC1800  }
0xb1: {  	[dreg:$0x5] =	wrdreg $0x9  }
0xb2: {  	_ =	task.clear_ibuf [dreg:s7], $0x6FFFF;
	_ =	strace $0x90000046  }
0xb3: {  	s29 =	simm.s32 $0x9;
	_ =	strace $0x80000048  }
0xb4: {  	_ =	swait.ge [sflag:s29], $0x1  }
0xb5: {  	[sflag:s29] =	ssyncadd.s32 $0xFFFFFFFF  }
0xb6: {  	_ =	strace $0x90000048  }
0xb7: {  	_ =	sfence  }
0xb8: {  	s30 =	sld [smem:$0x0];
	_ =	sdelay $0x2  }
0xb9: {  	s31 =	sshll.u32 s1, $0xD;
	s1 =	sshrl.u32 s1, $0x2  }
0xba: {  	s3 =	sand.u32 $0x4000, s31;
	s1 =	sadd.s32 s1, s30  }
0xbb: {  	s0 =	sor.u32 s3, s0;
	s1 =	sshll.u32 s1, $0x11  }
0xbc: {  	s0 =	sor.u32 s1, s0  }
0xbd: {  	s0 =	sadd.s32 $0x8F2B, s0  }
0xbe: {  	[sflag:s0] =	ssyncadd.remote.s32 $0x1  }
0xbf: {  	_ =	sfence.sel $0xFFFF  }
0xc0: {  	[dreg:$0x0] =	wrdreg $0xFFFFFFFF;
	(pc) =	sbr.abs _section_cstart, $3  }
0xc1: {  	[dreg:$0x1] =	wrdreg $0xFFFFFFFF  }
0xc2: {  	_ =	task.clear_ibuf [dreg:s7], $0x2FFFF;
	_ =	strace $0x9FFFFFFF  }
0xc3: {  	(tm) =	ssettm $0x7FFFFFFF  }
tec
execute0_lowered:
.L_overlay_start_1:
0x0: {  	(tag) =	ssettag $0x1  }
0x1: {  	s1 =	rddreg [dreg:$0x0]  }
0x2: {  	s8 =	rddreg [dreg:$0x1]  }
0x3: {  	s3 =	rddreg [dreg:$0x2]  }
0x4: {  	s0 =	rddreg [dreg:$0x3]  }
0x5: {  	s5 =	srdreg.scid;
	s2 =	stileid.u32  }
0x6: {  	s4 =	simm.s32 $0x0;
	s13 =	simm.s32 $0x2;
	s14 =	simm.s32 $0x80  }
0x7: {  	s15 =	simm.s32 $0x100;
	s16 =	simm.s32 $0x180;
	s17 =	simm.s32 $0x1  }
0x8: {  	s9 =	sand.u32 $0x1, s5;
	s10 =	smul.u32 $0xA000, s2;
	[smem:$0x7FF] =	sst s4  }
0x9: {  	s5 =	sadd.s32 $0x11400, s8;
	s6 =	sadd.s32 $0x7600, s8;
	s7 =	smul.u32 $0xA0000, s9  }
0xa: {  	s18 =	sshll.u32 s2, $0x6;
	_ =	strace $0x80000047;
	s12 =	ssub.s32 $0x2, s9  }
0xb: {  	s9 =	sshll.u32 s9, $0x4;
	s18 =	sor.u32 $0x1C02, s18;
	s11 =	sadd.s32 s10, s7  }
0xc: {  	s31 =	sshrl.u32 s12, $0x1;
	s9 =	sor.u32 s2, s9;
	s11 =	sshrl.u32 s11, $0x3  }
0xd: {  	s7 =	sadd.s32 $0x42400, s8;
	s12 =	ssub.s32 s12, s31;
	s11 =	sadd.s32 s11, s8  }
0xe: {  	s9 =	smul.u32 $0x2780, s9;
	s8 =	sadd.s32 s10, s3;
	s10 =	sadd.s32 $0x4C200, s11  }
0xf: {  	v0 =	vimm.f32 $0.0e+00;
	s11 =	smax.u32 s12, $0x1;
	s12 =	simm.s32 $0x2180;
	s19 =	sshrl.u32 s8, $0x3  }
.LBB2_1:
0x10: {  	s21 =	simm.s32 $0x100;
	s20 =	simm.s32 $0x0  }
.LBB2_2:
0x11: {  	p0 =	sne.s32 s21, $0x27F00;
	[tilespmem:s20+$0x21B0] =	vst v0;
	s22 =	smov.u32 s21;
	s21 =	sadd.s32 $0x100, s21  }
.Ltmp0:
0x12: {  	[tilespmem:s20+$0x21A0] =	vst v0;
	(pc) =	sbr.rel @p0 .LBB2_2-.Ltmp0, $3  }
0x13: {  	[tilespmem:s20+$0x2180] =	vst v0  }
0x14: {  	[tilespmem:s20+$0x2190] =	vst v0;
	_ =	sdelay $0x1  }
0x15: {  	s20 =	sshra.s32 s22, $0x2  }
0x16: {  	[tilespmem:s20+$0x21B0] =	vst v0  }
0x17: {  	[tilespmem:s20+$0x21A0] =	vst v0  }
0x18: {  	[tilespmem:s20+$0x2180] =	vst v0  }
0x19: {  	[tilespmem:s20+$0x2190] =	vst v0  }
0x1a: {  	[spmem:s8] =	stream.linear.scatter [tilespmem:s12], [sflag:$0x2], $0xA000, $0x38;
	[tilespmem:$0x16180] =	vst v63  }
0x1b: {  	_ =	swait.ge [sflag:s13], $0xA000  }
0x1c: {  	[sflag:s13] =	ssyncset.done $0x0  }
0x1d: {  	[sflag:s13] =	ssyncadd.s32 $0xFFFF6000  }
0x1e: {  	s20 =	simm.s32 $0x0;
	s21 =	simm.s32 $0x0;
	[bflag:$0x0] =	sbarrier.arrive $0xFFFF  }
.LBB2_4:
0x1f: {  	s22 =	sshll.u32 s21, $0x7  }
0x20: {  	s22 =	sadd.s32 s9, s22  }
0x21: {  	s22 =	sshrl.u32 s22, $0x3  }
0x22: {  	s23 =	sadd.s32 s5, s22  }
0x23: {  	[tilespmem:s20], [sflag:$0x2] =	stream.linear.gather [hbm4b:s23+s20], $0x80, $0x38;
	[tilespmem:$0x16180] =	vst v63  }
0x24: {  	_ =	swait.ge [sflag:s13], $0x80  }
0x25: {  	[sflag:s13] =	ssyncset.done $0x0  }
0x26: {  	s31 =	sadd.s32 s6, s22;
	[sflag:s13] =	ssyncadd.s32 $0xFFFFFF80  }
0x27: {  	[tilespmem:s14], [sflag:$0x2] =	stream.linear.gather [hbm4b:s31+s20], $0x80, $0x38;
	[tilespmem:$0x16180] =	vst v63  }
0x28: {  	_ =	swait.ge [sflag:s13], $0x80  }
0x29: {  	[sflag:s13] =	ssyncset.done $0x0  }
0x2a: {  	s22 =	sadd.s32 s7, s22;
	[sflag:s13] =	ssyncadd.s32 $0xFFFFFF80  }
0x2b: {  	[tilespmem:s15], [sflag:$0x2] =	stream.linear.gather [hbm4b:s22+s20], $0x80, $0x38;
	[tilespmem:$0x16180] =	vst v63  }
0x2c: {  	_ =	swait.ge [sflag:s13], $0x80  }
0x2d: {  	[sflag:s13] =	ssyncset.done $0x0  }
0x2e: {  	[sflag:s13] =	ssyncadd.s32 $0xFFFFFF80  }
0x2f: {  	[tilespmem:s16], [sflag:$0x1] =	stream.indirect.gather [hbm4b:s1+s14], $0x40, s20, s14, $0xb8;
	[tilespmem:$0x16180] =	vst v63  }
0x30: {  	v1 =	vmov s20;
	_ =	swait.ge [sflag:s17], $0x2000  }
0x31: {  	[sflag:s17] =	ssyncset.done $0x0  }
0x32: {  	s22 =	simm.s32 $0x1A0;
	[sflag:s17] =	ssyncadd.s32 $0xFFFFE000  }
0x33: {  	v3 =	vld [tilespmem:s22+$0xFFFFFFF0]  }
0x34: {  	v4 =	vld [tilespmem:s22+$0x10]  }
0x35: {  	v6 =	vld.idx.msk [tilespmem:v1+s15+$0x0], $0xffff  }
0x36: {  	v1 =	vld [tilespmem:s22+$0xFFFFFFE0]  }
0x37: {  	v7 =	vld [tilespmem:s22+$0x0];
	_ =	sdelay $0x3  }
0x38: {  	s24 =	simm.s32 $0x1;
	v2 =	vmul.f32 v1, v6;
	v5 =	vmul.f32 v4, v6  }
0x39: {  	s23 =	simm.s32 $0x2;
	v1 =	vmov s24;
	v4 =	vmul.f32 v3, v6;
	v3 =	vmul.f32 v7, v6;
	s24 =	simm.s32 $0x1A0  }
.LBB2_5:
0x3a: {  	p0 =	sne.s32 s23, $0x7F  }
0x3b: {  	[tilespmem:s22+$0x10] =	vst v5;
	s24 =	sadd.s32 $0x40, s24;
	s25 =	smov.u32 s23;
	s23 =	sadd.s32 $0x1, s23  }
0x3c: {  	[tilespmem:s22+$0xFFFFFFE0] =	vst v2  }
0x3d: {  	v6 =	vld [tilespmem:s24+$0xFFFFFFF0];
	[tilespmem:s22+$0xFFFFFFF0] =	vst v4  }
0x3e: {  	v4 =	vld [tilespmem:s24+$0x10];
	[tilespmem:s22+$0x0] =	vst v3;
	s22 =	smov.u32 s24  }
0x3f: {  	v3 =	vld.idx.msk [tilespmem:v1+s15+$0x0], $0xffff  }
0x40: {  	v1 =	vld [tilespmem:s24+$0xFFFFFFE0]  }
0x41: {  	v7 =	vld [tilespmem:s24+$0x0]  }
.Ltmp1:
0x42: {  	(pc) =	sbr.rel @p0 .LBB2_5-.Ltmp1, $3  }
0x43: {  	_ =	sdelay $0x1  }
0x44: {  	v5 =	vmul.f32 v4, v3;
	v2 =	vmul.f32 v1, v3  }
0x45: {  	v4 =	vmul.f32 v6, v3;
	v1 =	vmov s25;
	v3 =	vmul.f32 v7, v3  }
0x46: {  	[tilespmem:s22+$0x10] =	vst v5  }
0x47: {  	s23 =	sadd.s32 $0x40, s24;
	[tilespmem:s22+$0xFFFFFFE0] =	vst v2  }
0x48: {  	v2 =	vld [tilespmem:s23+$0xFFFFFFF0];
	[tilespmem:s22+$0xFFFFFFF0] =	vst v4  }
0x49: {  	v4 =	vld [tilespmem:s23+$0x10];
	[tilespmem:s22+$0x0] =	vst v3  }
0x4a: {  	v1 =	vld.idx.msk [tilespmem:v1+s15+$0x0], $0xffff  }
0x4b: {  	v3 =	vld [tilespmem:s23+$0xFFFFFFE0];
	_ =	sdelay $0x1  }
0x4c: {  	v5 =	vld [tilespmem:s23+$0x0];
	_ =	sdelay $0x1  }
0x4d: {  	v4 =	vmul.f32 v4, v1  }
0x4e: {  	v3 =	vmul.f32 v3, v1  }
0x4f: {  	v2 =	vmul.f32 v2, v1;
	[tilespmem:s23+$0x10] =	vst v4  }
0x50: {  	s21 =	sadd.s32 $0x1, s21;
	v1 =	vmul.f32 v5, v1;
	[tilespmem:s23+$0xFFFFFFE0] =	vst v3  }
0x51: {  	p0 =	sne.s32 s21, $0x4F;
	[tilespmem:s23+$0xFFFFFFF0] =	vst v2  }
.Ltmp2:
0x52: {  	[tilespmem:s23+$0x0] =	vst v1;
	(pc) =	sbr.rel @p0 .LBB2_4-.Ltmp2, $4  }
0x53: {  	[spmem:s3] =	stream.indirect.scatter.add.f32 [tilespmem:s16], [sflag:$0x2], $0x40, s14, s14, $0xb8;
	[tilespmem:$0x16180] =	vst v63  }
0x54: {  	_ =	swait.ge [sflag:s13], $0x2000  }
0x55: {  	[sflag:s13] =	ssyncset.done $0x0  }
0x56: {  	[sflag:s13] =	ssyncadd.s32 $0xFFFFE000  }
0x57: {  	s4 =	sadd.s32 $0x1, s4  }
0x58: {  	p0 =	sne.s32 s4, s11  }
.Ltmp3:
0x59: {  	[bflag:$0x0] =	sbarrier.arrive $0xFFFF;
	(pc) =	sbr.rel @p0 .LBB2_1-.Ltmp3, $4  }
0x5a: {  	[hbm:s10], [sflag:s18] =	dma.local [spmem:s19], $0x1400  }
0x5b: {  	_ =	swait.ge [sflag:s13], $0x1400  }
0x5c: {  	[sflag:s13] =	ssyncset.done $0x0  }
0x5d: {  	[sflag:s13] =	ssyncadd.s32 $0xFFFFEC00  }
0x5e: {  	_ =	sfence.sel $0x180000  }
0x5f: {  	[bflag:$0x0] =	sbarrier.arrive $0xFFFF  }
0x60: {  	p0 =	sne.s32 s2, $0x0;
	_ =	strace $0x90000047  }
0x61: {  	s0 =	sadd.s32 @!p0 $0x100000, s0;
	[bflag:$0x2] =	sbarrier.arrive $0xFFFF  }
0x62: {  	[sflag:s0] =	ssyncadd.tile.s32 @!p0 $0x1;
	_ =	shalt  }
.Lfunc_end2:
_tile_overlayer_lowered:
.L_overlay_start_2:
0x63: {  	(tag) =	ssettag $0x2  }
0x64: {  	s0 =	rddreg [dreg:$0x0];
	s2 =	stileid.u32  }
0x65: {  	s1 =	rddreg [dreg:$0x1];
	p0 =	sne.s32 s2, $0x0  }
0x66: {  	s3 =	rddreg [dreg:$0x2];
	[bflag:$0x3] =	sbarrier.arrive $0xFFFF;
	s2 =	simm.s32 @!p0 $0x1C02  }
0x67: {  	[timem:s3], [sflag:s2] =	dma.local @!p0 [hbm:s0], s1  }
0x68: {  	s0 =	simm.s32 @!p0 $0x2  }
0x69: {  	_ =	swait.ge @!p0 [sflag:s0], s1  }
0x6a: {  	s1 =	ssub.s32 @!p0 $0x0, s1;
	[sflag:s0] =	ssyncset.done @!p0 $0x0  }
0x6b: {  	[sflag:s0] =	ssyncadd.s32 @!p0 s1  }
0x6c: {  	[bflag:$0x3] =	sbarrier.arrive $0xFFFF  }
0x6d: {  	_ =	shalt  }

// kernel: kernel.26.cloned.1.call-start
scs
__scs_entry_jumppad:
0x0: {  	(pc) =	sbr.rel $0x88, $3  }
0x1: {  	(tag) =	ssettag $0x0;
	lr =	simm.s32 $0x1  }
0x2: {  	[smem:$0x3F99] =	sst lr;
	_ =	strace $0xD0000000  }
0x3: {  	_ = 	snop  }
0x4: {  	_ = 	snop  }
0x5: {  	_ = 	snop  }
0x6: {  	_ = 	snop  }
0x7: {  	_ = 	snop  }
__scs_overlays_trampoline_lowered:
0x8: {  	[smem:$0x3FA8] =	sst s0  }
0x9: {  	[smem:$0x3FA9] =	sst s1  }
0xa: {  	[smem:$0x3FAA] =	sst s2  }
0xb: {  	[smem:$0x3FAB] =	sst s3  }
0xc: {  	[smem:$0x3FAC] =	sst s4  }
0xd: {  	[smem:$0x3FAD] =	sst s5  }
0xe: {  	[smem:$0x3FAE] =	sst s6  }
0xf: {  	[smem:$0x3FAF] =	sst s7  }
0x10: {  	[smem:$0x3FB0] =	sst s8  }
0x11: {  	[smem:$0x3FB1] =	sst s9;
	s0 =	simm.s32 @!p0 $0x0  }
0x12: {  	s1 =	sld [smem:$0x3F97];
	s0 =	simm.s32 @p0 $0x1  }
0x13: {  	[smem:$0x3FB2] =	sst s0;
	s0 =	simm.s32 @!p1 $0x0  }
0x14: {  	s2 =	sld [smem:$0x3F96];
	s0 =	simm.s32 @p1 $0x1  }
0x15: {  	[smem:$0x3FB3] =	sst s0;
	s0 =	simm.s32 @!p2 $0x0  }
0x16: {  	s3 =	sld [smem:$0x3FDB];
	s0 =	simm.s32 @p2 $0x1  }
0x17: {  	s4 =	simm.s32 $0x1BF5;
	[smem:$0x3FB5] =	sst s0  }
0x18: {  	s0 =	sld [smem:$0x3F98];
	_ =	swait.ge [sflag:s4], $0x0  }
0x19: {  	s7 =	sld [smem:$0x3F99]  }
0x1a: {  	s8 =	sadd.s32 $0xFFFFE003, lr  }
0x1b: {  	s9 =	sadd.s32 $0xFFFFFEF7, lr;
	s5 =	simm.s32 $0xFFFFFFFF;
	p2 =	slt.u32 s8, $0xFFFFF086  }
0x1c: {  	p1 =	slt.u32 s9, $0xF7A;
	s5 =	simm.s32 @!p2 $0x0  }
0x1d: {  	s5 =	simm.s32 @p1 $0x1;
	p0 =	seq.s32 s7, s2  }
0x1e: {  	s7 =	smul.u32 @!p0 $0xF7A, s2;
	p2 =	seq.s32 @!p0 s5, $0x0  }
0x1f: {  	s9 =	smul.u32 $0xF7A, s1;
	s8 =	simm.s32 @!p0 $0x1BF5;
	p2 =	por !p2, p0  }
0x20: {  	[sflag:s8] =	ssyncset.s32 @!p0 $0xFFFFF086;
	s6 =	sadd.s32 @!p0 s3, s7;
	s7 =	simm.s32 @!p0 $0x108  }
0x21: {  	s3 =	sadd.s32 s3, s9;
	s6 =	sadd.s32 @!p0 $0x88, s6;
	s7 =	simm.s32 @p2 $0x1082  }
0x22: {  	[simem:s7], [sflag:s8] =	dma.local @!p0 [hbm:s6], $0xF7A  }
0x23: {  	s9 =	sor.u32 $0xD0000000, s2;
	s6 =	simm.s32 $0x108;
	_ =	swait.ge @!p0 [sflag:s8], $0x0  }
0x24: {  	s3 =	sadd.s32 $0x88, s3;
	s6 =	simm.s32 @!p1 $0x1082;
	[sflag:s4] =	ssyncset.s32 $0xFFFFF086  }
0x25: {  	[simem:s6], [sflag:s4] =	dma.local [hbm:s3], $0xF7A  }
0x26: {  	[smem:$0x3F99] =	sst s1;
	(tag) =	ssettag s2;
	_ =	strace s9  }
0x27: {  	s1 =	sld [smem:$0x3FA9]  }
0x28: {  	s2 =	sld [smem:$0x3FAA]  }
0x29: {  	s4 =	sld [smem:$0x3FAC]  }
0x2a: {  	p0 =	seq.s32 s5, $0x0;
	s5 =	sld [smem:$0x3FAD]  }
0x2b: {  	s6 =	sld [smem:$0x3FAE]  }
0x2c: {  	s7 =	sld [smem:$0x3FAF]  }
0x2d: {  	s3 =	simm.s32 $0x108;
	s8 =	sld [smem:$0x3FB0]  }
0x2e: {  	s3 =	simm.s32 @!p0 $0x1082;
	s9 =	sld [smem:$0x3FB1]  }
0x2f: {  	lr =	sadd.s32 s0, s3;
	s0 =	sld [smem:$0x3FA8]  }
0x30: {  	s3 =	sld [smem:$0x3FAB]  }
0x31: {  	[smem:$0x3FB4] =	sst s10  }
0x32: {  	s10 =	sld [smem:$0x3FB2];
	_ =	sdelay $0x3  }
0x33: {  	p0 =	seq.s32 s10, $0x1;
	s10 =	sld [smem:$0x3FB4];
	_ =	sdelay $0x3  }
0x34: {  	[smem:$0x3FB4] =	sst s10  }
0x35: {  	s10 =	sld [smem:$0x3FB3];
	_ =	sdelay $0x3  }
0x36: {  	p1 =	seq.s32 s10, $0x1;
	s10 =	sld [smem:$0x3FB4];
	_ =	sdelay $0x3  }
0x37: {  	[smem:$0x3FB4] =	sst s10  }
0x38: {  	s10 =	sld [smem:$0x3FB5]  }
0x39: {  	_ = 	snop;
	(pc) =	sbr.ind lr, $3  }
0x3a: {  	_ = 	snop  }
0x3b: {  	_ = 	snop  }
0x3c: {  	p2 =	seq.s32 s10, $0x1;
	s10 =	sld [smem:$0x3FB4]  }
0x3d: {  	_ =	shalt  }
0x3e: {  	_ =	shalt  }
0x3f: {  	_ =	shalt  }
0x40: {  	_ =	shalt  }
0x41: {  	_ =	shalt  }
0x42: {  	_ =	shalt  }
0x43: {  	_ =	shalt  }
0x44: {  	_ =	shalt  }
0x45: {  	_ =	shalt  }
0x46: {  	_ =	shalt  }
0x47: {  	_ =	shalt  }
0x48: {  	_ =	shalt  }
0x49: {  	_ =	shalt  }
0x4a: {  	_ =	shalt  }
0x4b: {  	_ =	shalt  }
0x4c: {  	_ =	shalt  }
0x4d: {  	_ =	shalt  }
0x4e: {  	_ =	shalt  }
0x4f: {  	_ =	shalt  }
0x50: {  	_ =	shalt  }
0x51: {  	_ =	shalt  }
0x52: {  	_ =	shalt  }
0x53: {  	_ =	shalt  }
0x54: {  	_ =	shalt  }
0x55: {  	_ =	shalt  }
0x56: {  	_ =	shalt  }
0x57: {  	_ =	shalt  }
0x58: {  	_ =	shalt  }
0x59: {  	_ =	shalt  }
0x5a: {  	_ =	shalt  }
0x5b: {  	_ =	shalt  }
0x5c: {  	_ =	shalt  }
0x5d: {  	_ =	shalt  }
0x5e: {  	_ =	shalt  }
0x5f: {  	_ =	shalt  }
0x60: {  	_ =	shalt  }
0x61: {  	_ =	shalt  }
0x62: {  	_ =	shalt  }
0x63: {  	_ =	shalt  }
0x64: {  	_ =	shalt  }
0x65: {  	_ =	shalt  }
0x66: {  	_ =	shalt  }
0x67: {  	_ =	shalt  }
0x68: {  	_ =	shalt  }
0x69: {  	_ =	shalt  }
0x6a: {  	_ =	shalt  }
0x6b: {  	_ =	shalt  }
0x6c: {  	_ =	shalt  }
0x6d: {  	_ =	shalt  }
0x6e: {  	_ =	shalt  }
0x6f: {  	_ =	shalt  }
0x70: {  	_ =	shalt  }
0x71: {  	_ =	shalt  }
0x72: {  	_ =	shalt  }
0x73: {  	_ =	shalt  }
0x74: {  	_ =	shalt  }
0x75: {  	_ =	shalt  }
0x76: {  	_ =	shalt  }
0x77: {  	_ =	shalt  }
0x78: {  	_ =	shalt  }
0x79: {  	_ =	shalt  }
0x7a: {  	_ =	shalt  }
0x7b: {  	_ =	shalt  }
0x7c: {  	_ =	shalt  }
0x7d: {  	_ =	shalt  }
0x7e: {  	_ =	shalt  }
0x7f: {  	_ =	shalt  }
0x80: {  	_ =	shalt  }
0x81: {  	_ =	shalt  }
0x82: {  	_ =	shalt  }
0x83: {  	_ =	shalt  }
0x84: {  	_ =	shalt  }
0x85: {  	_ =	shalt  }
0x86: {  	_ =	shalt  }
0x87: {  	_ =	shalt  }
.Lfunc_end0:
.L_simem_size_0:
called_computation.1_lowered:
.L_overlay_start_0:
0x88: {  	s2 =	sld [smem:$0x3FD9]  }
0x89: {  	s3 =	sld [smem:$0x3FFE];
	_ =	sdelay $0x1  }
0x8a: {  	s1 =	srdreg.scid  }
0x8b: {  	s0 =	sand.u32 $0x1, s1  }
0x8c: {  	s17 =	sshll.u32 s0, $0xA;
	s2 =	sadd.s32 s3, s2  }
0x8d: {  	s2 =	sadd.s32 s2, s17  }
0x8e: {  	[smem:$0x3FC0] =	sst s2  }
0x8f: {  	_ = 	snop  }
0x90: {  	s2 =	sld [smem:$0x3FD0];
	(tm) =	ssettm $0x1  }
0x91: {  	s18 =	sld [smem:$0x3FFB];
	_ =	sdelay $0x3  }
0x92: {  	_ =	strace s18  }
0x93: {  	s3 =	sld [smem:$0x3FFC];
	_ =	sdelay $0x3  }
0x94: {  	_ =	strace s3  }
0x95: {  	s3 =	sld [smem:$0x3FFD];
	_ =	sdelay $0x3  }
0x96: {  	_ =	strace s3  }
0x97: {  	_ =	strace $0x8FFFFFFF  }
0x98: {  	s19 =	sld [smem:$0x3FDB];
	_ =	sdelay $0x1  }
0x99: {  	s4 =	simm.s32 $_scs_section_size  }
0x9a: {  	s5 =	simm.s32 $_size__tile_overlayer_lowered;
	s6 =	simm.s32 $_tile_overlayer_lowered  }
0x9b: {  	s22 =	simm.s32 $0x1BFF;
	s21 =	sshll.u32 s6, $0x1;
	s3 =	sadd.s32 s4, s19  }
0x9c: {  	s7 =	simm.s32 $0x0;
	s20 =	sshll.u32 s5, $0x1;
	s5 =	sadd.s32 s21, s3  }
0x9d: {  	[timem:s7], [sflag:s22] =	dma.local [hbm:s5], s20  }
0x9e: {  	_ =	swait.ge [sflag:s22], s20  }
0x9f: {  	s4 =	ssub.s32 $0x0, s20;
	[sflag:s22] =	ssyncset.done $0x0  }
0xa0: {  	[sflag:s22] =	ssyncadd.s32 s4;
	_ =	sdelay $0x1  }
0xa1: {  	s23 =	simm.s32 $0x1B8B  }
0xa2: {  	_ =	swait.ge [sflag:s23], $0x1  }
0xa3: {  	[sflag:s23] =	ssyncset.done $0x0  }
0xa4: {  	s25 =	simm.s32 $0x1B8E;
	s24 =	sld [smem:$0x3FFE];
	[sflag:s23] =	ssyncadd.s32 $0xFFFFFFFF  }
0xa5: {  	s26 =	simm.s32 $execute0_lowered;
	[smem:$0x3FD2] =	sst s25  }
0xa6: {  	s5 =	sshll.u32 s26, $0x1;
	_ =	strace $0x80000049;
	[dreg:$0x1] =	wrdreg $0xFFFFFFFF  }
0xa7: {  	s28 =	simm.s32 $_size_execute0_lowered;
	s3 =	sadd.s32 s3, s5;
	[dreg:$0x0] =	wrdreg $0x0  }
0xa8: {  	s5 =	sshll.u32 s28, $0x1;
	[dreg:$0x2] =	wrdreg s3  }
0xa9: {  	[dreg:$0x3] =	wrdreg s5  }
0xaa: {  	[dreg:$0x4] =	wrdreg $0xC0  }
0xab: {  	_ =	task [dreg:s7], $0x5FFFF  }
0xac: {  	[dreg:$0x1] =	wrdreg $0xFFFFFFFF  }
0xad: {  	[dreg:$0x0] =	wrdreg $0x60  }
0xae: {  	[dreg:$0x2] =	wrdreg s2  }
0xaf: {  	[dreg:$0x3] =	wrdreg s24  }
0xb0: {  	[dreg:$0x4] =	wrdreg $0xC1800  }
0xb1: {  	[dreg:$0x5] =	wrdreg $0x9  }
0xb2: {  	_ =	task.clear_ibuf [dreg:s7], $0x6FFFF;
	_ =	strace $0x90000049  }
0xb3: {  	s29 =	simm.s32 $0x9;
	_ =	strace $0x8000004B  }
0xb4: {  	_ =	swait.ge [sflag:s29], $0x1  }
0xb5: {  	[sflag:s29] =	ssyncadd.s32 $0xFFFFFFFF  }
0xb6: {  	_ =	strace $0x9000004B  }
0xb7: {  	_ =	sfence  }
0xb8: {  	s30 =	sld [smem:$0x0];
	_ =	sdelay $0x2  }
0xb9: {  	s31 =	sshll.u32 s1, $0xD;
	s1 =	sshrl.u32 s1, $0x2  }
0xba: {  	s3 =	sand.u32 $0x4000, s31;
	s1 =	sadd.s32 s1, s30  }
0xbb: {  	s0 =	sor.u32 s3, s0;
	s1 =	sshll.u32 s1, $0x11  }
0xbc: {  	s0 =	sor.u32 s1, s0  }
0xbd: {  	s0 =	sadd.s32 $0x8F2B, s0  }
0xbe: {  	[sflag:s0] =	ssyncadd.remote.s32 $0x1  }
0xbf: {  	_ =	sfence.sel $0xFFFF  }
0xc0: {  	[dreg:$0x0] =	wrdreg $0xFFFFFFFF;
	(pc) =	sbr.abs _section_cstart, $3  }
0xc1: {  	[dreg:$0x1] =	wrdreg $0xFFFFFFFF  }
0xc2: {  	_ =	task.clear_ibuf [dreg:s7], $0x2FFFF;
	_ =	strace $0x9FFFFFFF  }
0xc3: {  	(tm) =	ssettm $0x7FFFFFFF  }
tec
execute0_lowered:
.L_overlay_start_1:
0x0: {  	(tag) =	ssettag $0x1  }
0x1: {  	s1 =	rddreg [dreg:$0x0]  }
0x2: {  	s8 =	rddreg [dreg:$0x1]  }
0x3: {  	s3 =	rddreg [dreg:$0x2]  }
0x4: {  	s0 =	rddreg [dreg:$0x3]  }
0x5: {  	s5 =	srdreg.scid;
	s2 =	stileid.u32  }
0x6: {  	s4 =	simm.s32 $0x0;
	s13 =	simm.s32 $0x2;
	s14 =	simm.s32 $0x80  }
0x7: {  	s15 =	simm.s32 $0x100;
	s16 =	simm.s32 $0x180;
	s17 =	simm.s32 $0x1  }
0x8: {  	s9 =	sand.u32 $0x1, s5;
	s10 =	smul.u32 $0xA000, s2;
	[smem:$0x7FF] =	sst s4  }
0x9: {  	s5 =	sadd.s32 $0x11400, s8;
	s6 =	sadd.s32 $0x7600, s8;
	s7 =	smul.u32 $0xA0000, s9  }
0xa: {  	s18 =	sshll.u32 s2, $0x6;
	_ =	strace $0x8000004A;
	s12 =	ssub.s32 $0x2, s9  }
0xb: {  	s9 =	sshll.u32 s9, $0x4;
	s18 =	sor.u32 $0x1C02, s18;
	s11 =	sadd.s32 s10, s7  }
0xc: {  	s31 =	sshrl.u32 s12, $0x1;
	s9 =	sor.u32 s2, s9;
	s11 =	sshrl.u32 s11, $0x3  }
0xd: {  	s7 =	sadd.s32 $0x42400, s8;
	s12 =	ssub.s32 s12, s31;
	s11 =	sadd.s32 s11, s8  }
0xe: {  	s9 =	smul.u32 $0x2780, s9;
	s8 =	sadd.s32 s10, s3;
	s10 =	sadd.s32 $0x4C200, s11  }
0xf: {  	v0 =	vimm.f32 $0.0e+00;
	s11 =	smax.u32 s12, $0x1;
	s12 =	simm.s32 $0x2180;
	s19 =	sshrl.u32 s8, $0x3  }
.LBB2_1:
0x10: {  	s21 =	simm.s32 $0x100;
	s20 =	simm.s32 $0x0  }
.LBB2_2:
0x11: {  	p0 =	sne.s32 s21, $0x27F00;
	[tilespmem:s20+$0x21B0] =	vst v0;
	s22 =	smov.u32 s21;
	s21 =	sadd.s32 $0x100, s21  }
.Ltmp0:
0x12: {  	[tilespmem:s20+$0x21A0] =	vst v0;
	(pc) =	sbr.rel @p0 .LBB2_2-.Ltmp0, $3  }
0x13: {  	[tilespmem:s20+$0x2180] =	vst v0  }
0x14: {  	[tilespmem:s20+$0x2190] =	vst v0;
	_ =	sdelay $0x1  }
0x15: {  	s20 =	sshra.s32 s22, $0x2  }
0x16: {  	[tilespmem:s20+$0x21B0] =	vst v0  }
0x17: {  	[tilespmem:s20+$0x21A0] =	vst v0  }
0x18: {  	[tilespmem:s20+$0x2180] =	vst v0  }
0x19: {  	[tilespmem:s20+$0x2190] =	vst v0  }
0x1a: {  	[spmem:s8] =	stream.linear.scatter [tilespmem:s12], [sflag:$0x2], $0xA000, $0x38;
	[tilespmem:$0x16180] =	vst v63  }
0x1b: {  	_ =	swait.ge [sflag:s13], $0xA000  }
0x1c: {  	[sflag:s13] =	ssyncset.done $0x0  }
0x1d: {  	[sflag:s13] =	ssyncadd.s32 $0xFFFF6000  }
0x1e: {  	s20 =	simm.s32 $0x0;
	s21 =	simm.s32 $0x0;
	[bflag:$0x0] =	sbarrier.arrive $0xFFFF  }
.LBB2_4:
0x1f: {  	s22 =	sshll.u32 s21, $0x7  }
0x20: {  	s22 =	sadd.s32 s9, s22  }
0x21: {  	s22 =	sshrl.u32 s22, $0x3  }
0x22: {  	s23 =	sadd.s32 s5, s22  }
0x23: {  	[tilespmem:s20], [sflag:$0x2] =	stream.linear.gather [hbm4b:s23+s20], $0x80, $0x38;
	[tilespmem:$0x16180] =	vst v63  }
0x24: {  	_ =	swait.ge [sflag:s13], $0x80  }
0x25: {  	[sflag:s13] =	ssyncset.done $0x0  }
0x26: {  	s31 =	sadd.s32 s6, s22;
	[sflag:s13] =	ssyncadd.s32 $0xFFFFFF80  }
0x27: {  	[tilespmem:s14], [sflag:$0x2] =	stream.linear.gather [hbm4b:s31+s20], $0x80, $0x38;
	[tilespmem:$0x16180] =	vst v63  }
0x28: {  	_ =	swait.ge [sflag:s13], $0x80  }
0x29: {  	[sflag:s13] =	ssyncset.done $0x0  }
0x2a: {  	s22 =	sadd.s32 s7, s22;
	[sflag:s13] =	ssyncadd.s32 $0xFFFFFF80  }
0x2b: {  	[tilespmem:s15], [sflag:$0x2] =	stream.linear.gather [hbm4b:s22+s20], $0x80, $0x38;
	[tilespmem:$0x16180] =	vst v63  }
0x2c: {  	_ =	swait.ge [sflag:s13], $0x80  }
0x2d: {  	[sflag:s13] =	ssyncset.done $0x0  }
0x2e: {  	[sflag:s13] =	ssyncadd.s32 $0xFFFFFF80  }
0x2f: {  	[tilespmem:s16], [sflag:$0x1] =	stream.indirect.gather [hbm4b:s1+s14], $0x40, s20, s14, $0xb8;
	[tilespmem:$0x16180] =	vst v63  }
0x30: {  	v1 =	vmov s20;
	_ =	swait.ge [sflag:s17], $0x2000  }
0x31: {  	[sflag:s17] =	ssyncset.done $0x0  }
0x32: {  	s22 =	simm.s32 $0x1A0;
	[sflag:s17] =	ssyncadd.s32 $0xFFFFE000  }
0x33: {  	v3 =	vld [tilespmem:s22+$0xFFFFFFF0]  }
0x34: {  	v4 =	vld [tilespmem:s22+$0x10]  }
0x35: {  	v6 =	vld.idx.msk [tilespmem:v1+s15+$0x0], $0xffff  }
0x36: {  	v1 =	vld [tilespmem:s22+$0xFFFFFFE0]  }
0x37: {  	v7 =	vld [tilespmem:s22+$0x0];
	_ =	sdelay $0x3  }
0x38: {  	s24 =	simm.s32 $0x1;
	v2 =	vmul.f32 v1, v6;
	v5 =	vmul.f32 v4, v6  }
0x39: {  	s23 =	simm.s32 $0x2;
	v1 =	vmov s24;
	v4 =	vmul.f32 v3, v6;
	v3 =	vmul.f32 v7, v6;
	s24 =	simm.s32 $0x1A0  }
.LBB2_5:
0x3a: {  	p0 =	sne.s32 s23, $0x7F  }
0x3b: {  	[tilespmem:s22+$0x10] =	vst v5;
	s24 =	sadd.s32 $0x40, s24;
	s25 =	smov.u32 s23;
	s23 =	sadd.s32 $0x1, s23  }
0x3c: {  	[tilespmem:s22+$0xFFFFFFE0] =	vst v2  }
0x3d: {  	v6 =	vld [tilespmem:s24+$0xFFFFFFF0];
	[tilespmem:s22+$0xFFFFFFF0] =	vst v4  }
0x3e: {  	v4 =	vld [tilespmem:s24+$0x10];
	[tilespmem:s22+$0x0] =	vst v3;
	s22 =	smov.u32 s24  }
0x3f: {  	v3 =	vld.idx.msk [tilespmem:v1+s15+$0x0], $0xffff  }
0x40: {  	v1 =	vld [tilespmem:s24+$0xFFFFFFE0]  }
0x41: {  	v7 =	vld [tilespmem:s24+$0x0]  }
.Ltmp1:
0x42: {  	(pc) =	sbr.rel @p0 .LBB2_5-.Ltmp1, $3  }
0x43: {  	_ =	sdelay $0x1  }
0x44: {  	v5 =	vmul.f32 v4, v3;
	v2 =	vmul.f32 v1, v3  }
0x45: {  	v4 =	vmul.f32 v6, v3;
	v1 =	vmov s25;
	v3 =	vmul.f32 v7, v3  }
0x46: {  	[tilespmem:s22+$0x10] =	vst v5  }
0x47: {  	s23 =	sadd.s32 $0x40, s24;
	[tilespmem:s22+$0xFFFFFFE0] =	vst v2  }
0x48: {  	v2 =	vld [tilespmem:s23+$0xFFFFFFF0];
	[tilespmem:s22+$0xFFFFFFF0] =	vst v4  }
0x49: {  	v4 =	vld [tilespmem:s23+$0x10];
	[tilespmem:s22+$0x0] =	vst v3  }
0x4a: {  	v1 =	vld.idx.msk [tilespmem:v1+s15+$0x0], $0xffff  }
0x4b: {  	v3 =	vld [tilespmem:s23+$0xFFFFFFE0];
	_ =	sdelay $0x1  }
0x4c: {  	v5 =	vld [tilespmem:s23+$0x0];
	_ =	sdelay $0x1  }
0x4d: {  	v4 =	vmul.f32 v4, v1  }
0x4e: {  	v3 =	vmul.f32 v3, v1  }
0x4f: {  	v2 =	vmul.f32 v2, v1;
	[tilespmem:s23+$0x10] =	vst v4  }
0x50: {  	s21 =	sadd.s32 $0x1, s21;
	v1 =	vmul.f32 v5, v1;
	[tilespmem:s23+$0xFFFFFFE0] =	vst v3  }
0x51: {  	p0 =	sne.s32 s21, $0x4F;
	[tilespmem:s23+$0xFFFFFFF0] =	vst v2  }
.Ltmp2:
0x52: {  	[tilespmem:s23+$0x0] =	vst v1;
	(pc) =	sbr.rel @p0 .LBB2_4-.Ltmp2, $4  }
0x53: {  	[spmem:s3] =	stream.indirect.scatter.add.f32 [tilespmem:s16], [sflag:$0x2], $0x40, s14, s14, $0xb8;
	[tilespmem:$0x16180] =	vst v63  }
0x54: {  	_ =	swait.ge [sflag:s13], $0x2000  }
0x55: {  	[sflag:s13] =	ssyncset.done $0x0  }
0x56: {  	[sflag:s13] =	ssyncadd.s32 $0xFFFFE000  }
0x57: {  	s4 =	sadd.s32 $0x1, s4  }
0x58: {  	p0 =	sne.s32 s4, s11  }
.Ltmp3:
0x59: {  	[bflag:$0x0] =	sbarrier.arrive $0xFFFF;
	(pc) =	sbr.rel @p0 .LBB2_1-.Ltmp3, $4  }
0x5a: {  	[hbm:s10], [sflag:s18] =	dma.local [spmem:s19], $0x1400  }
0x5b: {  	_ =	swait.ge [sflag:s13], $0x1400  }
0x5c: {  	[sflag:s13] =	ssyncset.done $0x0  }
0x5d: {  	[sflag:s13] =	ssyncadd.s32 $0xFFFFEC00  }
0x5e: {  	_ =	sfence.sel $0x180000  }
0x5f: {  	[bflag:$0x0] =	sbarrier.arrive $0xFFFF  }
0x60: {  	p0 =	sne.s32 s2, $0x0;
	_ =	strace $0x9000004A  }
0x61: {  	s0 =	sadd.s32 @!p0 $0x100000, s0;
	[bflag:$0x2] =	sbarrier.arrive $0xFFFF  }
0x62: {  	[sflag:s0] =	ssyncadd.tile.s32 @!p0 $0x1;
	_ =	shalt  }
.Lfunc_end2:
_tile_overlayer_lowered:
.L_overlay_start_2:
0x63: {  	(tag) =	ssettag $0x2  }
0x64: {  	s0 =	rddreg [dreg:$0x0];
	s2 =	stileid.u32  }
0x65: {  	s1 =	rddreg [dreg:$0x1];
	p0 =	sne.s32 s2, $0x0  }
0x66: {  	s3 =	rddreg [dreg:$0x2];
	[bflag:$0x3] =	sbarrier.arrive $0xFFFF;
	s2 =	simm.s32 @!p0 $0x1C02  }
0x67: {  	[timem:s3], [sflag:s2] =	dma.local @!p0 [hbm:s0], s1  }
0x68: {  	s0 =	simm.s32 @!p0 $0x2  }
0x69: {  	_ =	swait.ge @!p0 [sflag:s0], s1  }
0x6a: {  	s1 =	ssub.s32 @!p0 $0x0, s1;
	[sflag:s0] =	ssyncset.done @!p0 $0x0  }
0x6b: {  	[sflag:s0] =	ssyncadd.s32 @!p0 s1  }
0x6c: {  	[bflag:$0x3] =	sbarrier.arrive $0xFFFF  }
0x6d: {  	_ =	shalt  }

// kernel: kernel.29.cloned.1.call-start
scs
__scs_entry_jumppad:
0x0: {  	(pc) =	sbr.rel $0x88, $3  }
0x1: {  	(tag) =	ssettag $0x0;
	lr =	simm.s32 $0x1  }
0x2: {  	[smem:$0x3F99] =	sst lr;
	_ =	strace $0xD0000000  }
0x3: {  	_ = 	snop  }
0x4: {  	_ = 	snop  }
0x5: {  	_ = 	snop  }
0x6: {  	_ = 	snop  }
0x7: {  	_ = 	snop  }
__scs_overlays_trampoline_lowered:
0x8: {  	[smem:$0x3FA8] =	sst s0  }
0x9: {  	[smem:$0x3FA9] =	sst s1  }
0xa: {  	[smem:$0x3FAA] =	sst s2  }
0xb: {  	[smem:$0x3FAB] =	sst s3  }
0xc: {  	[smem:$0x3FAC] =	sst s4  }
0xd: {  	[smem:$0x3FAD] =	sst s5  }
0xe: {  	[smem:$0x3FAE] =	sst s6  }
0xf: {  	[smem:$0x3FAF] =	sst s7  }
0x10: {  	[smem:$0x3FB0] =	sst s8  }
0x11: {  	[smem:$0x3FB1] =	sst s9;
	s0 =	simm.s32 @!p0 $0x0  }
0x12: {  	s1 =	sld [smem:$0x3F97];
	s0 =	simm.s32 @p0 $0x1  }
0x13: {  	[smem:$0x3FB2] =	sst s0;
	s0 =	simm.s32 @!p1 $0x0  }
0x14: {  	s2 =	sld [smem:$0x3F96];
	s0 =	simm.s32 @p1 $0x1  }
0x15: {  	[smem:$0x3FB3] =	sst s0;
	s0 =	simm.s32 @!p2 $0x0  }
0x16: {  	s3 =	sld [smem:$0x3FDB];
	s0 =	simm.s32 @p2 $0x1  }
0x17: {  	s4 =	simm.s32 $0x1BF5;
	[smem:$0x3FB5] =	sst s0  }
0x18: {  	s0 =	sld [smem:$0x3F98];
	_ =	swait.ge [sflag:s4], $0x0  }
0x19: {  	s7 =	sld [smem:$0x3F99]  }
0x1a: {  	s8 =	sadd.s32 $0xFFFFE003, lr  }
0x1b: {  	s9 =	sadd.s32 $0xFFFFFEF7, lr;
	s5 =	simm.s32 $0xFFFFFFFF;
	p2 =	slt.u32 s8, $0xFFFFF086  }
0x1c: {  	p1 =	slt.u32 s9, $0xF7A;
	s5 =	simm.s32 @!p2 $0x0  }
0x1d: {  	s5 =	simm.s32 @p1 $0x1;
	p0 =	seq.s32 s7, s2  }
0x1e: {  	s7 =	smul.u32 @!p0 $0xF7A, s2;
	p2 =	seq.s32 @!p0 s5, $0x0  }
0x1f: {  	s9 =	smul.u32 $0xF7A, s1;
	s8 =	simm.s32 @!p0 $0x1BF5;
	p2 =	por !p2, p0  }
0x20: {  	[sflag:s8] =	ssyncset.s32 @!p0 $0xFFFFF086;
	s6 =	sadd.s32 @!p0 s3, s7;
	s7 =	simm.s32 @!p0 $0x108  }
0x21: {  	s3 =	sadd.s32 s3, s9;
	s6 =	sadd.s32 @!p0 $0x88, s6;
	s7 =	simm.s32 @p2 $0x1082  }
0x22: {  	[simem:s7], [sflag:s8] =	dma.local @!p0 [hbm:s6], $0xF7A  }
0x23: {  	s9 =	sor.u32 $0xD0000000, s2;
	s6 =	simm.s32 $0x108;
	_ =	swait.ge @!p0 [sflag:s8], $0x0  }
0x24: {  	s3 =	sadd.s32 $0x88, s3;
	s6 =	simm.s32 @!p1 $0x1082;
	[sflag:s4] =	ssyncset.s32 $0xFFFFF086  }
0x25: {  	[simem:s6], [sflag:s4] =	dma.local [hbm:s3], $0xF7A  }
0x26: {  	[smem:$0x3F99] =	sst s1;
	(tag) =	ssettag s2;
	_ =	strace s9  }
0x27: {  	s1 =	sld [smem:$0x3FA9]  }
0x28: {  	s2 =	sld [smem:$0x3FAA]  }
0x29: {  	s4 =	sld [smem:$0x3FAC]  }
0x2a: {  	p0 =	seq.s32 s5, $0x0;
	s5 =	sld [smem:$0x3FAD]  }
0x2b: {  	s6 =	sld [smem:$0x3FAE]  }
0x2c: {  	s7 =	sld [smem:$0x3FAF]  }
0x2d: {  	s3 =	simm.s32 $0x108;
	s8 =	sld [smem:$0x3FB0]  }
0x2e: {  	s3 =	simm.s32 @!p0 $0x1082;
	s9 =	sld [smem:$0x3FB1]  }
0x2f: {  	lr =	sadd.s32 s0, s3;
	s0 =	sld [smem:$0x3FA8]  }
0x30: {  	s3 =	sld [smem:$0x3FAB]  }
0x31: {  	[smem:$0x3FB4] =	sst s10  }
0x32: {  	s10 =	sld [smem:$0x3FB2];
	_ =	sdelay $0x3  }
0x33: {  	p0 =	seq.s32 s10, $0x1;
	s10 =	sld [smem:$0x3FB4];
	_ =	sdelay $0x3  }
0x34: {  	[smem:$0x3FB4] =	sst s10  }
0x35: {  	s10 =	sld [smem:$0x3FB3];
	_ =	sdelay $0x3  }
0x36: {  	p1 =	seq.s32 s10, $0x1;
	s10 =	sld [smem:$0x3FB4];
	_ =	sdelay $0x3  }
0x37: {  	[smem:$0x3FB4] =	sst s10  }
0x38: {  	s10 =	sld [smem:$0x3FB5]  }
0x39: {  	_ = 	snop;
	(pc) =	sbr.ind lr, $3  }
0x3a: {  	_ = 	snop  }
0x3b: {  	_ = 	snop  }
0x3c: {  	p2 =	seq.s32 s10, $0x1;
	s10 =	sld [smem:$0x3FB4]  }
0x3d: {  	_ =	shalt  }
0x3e: {  	_ =	shalt  }
0x3f: {  	_ =	shalt  }
0x40: {  	_ =	shalt  }
0x41: {  	_ =	shalt  }
0x42: {  	_ =	shalt  }
0x43: {  	_ =	shalt  }
0x44: {  	_ =	shalt  }
0x45: {  	_ =	shalt  }
0x46: {  	_ =	shalt  }
0x47: {  	_ =	shalt  }
0x48: {  	_ =	shalt  }
0x49: {  	_ =	shalt  }
0x4a: {  	_ =	shalt  }
0x4b: {  	_ =	shalt  }
0x4c: {  	_ =	shalt  }
0x4d: {  	_ =	shalt  }
0x4e: {  	_ =	shalt  }
0x4f: {  	_ =	shalt  }
0x50: {  	_ =	shalt  }
0x51: {  	_ =	shalt  }
0x52: {  	_ =	shalt  }
0x53: {  	_ =	shalt  }
0x54: {  	_ =	shalt  }
0x55: {  	_ =	shalt  }
0x56: {  	_ =	shalt  }
0x57: {  	_ =	shalt  }
0x58: {  	_ =	shalt  }
0x59: {  	_ =	shalt  }
0x5a: {  	_ =	shalt  }
0x5b: {  	_ =	shalt  }
0x5c: {  	_ =	shalt  }
0x5d: {  	_ =	shalt  }
0x5e: {  	_ =	shalt  }
0x5f: {  	_ =	shalt  }
0x60: {  	_ =	shalt  }
0x61: {  	_ =	shalt  }
0x62: {  	_ =	shalt  }
0x63: {  	_ =	shalt  }
0x64: {  	_ =	shalt  }
0x65: {  	_ =	shalt  }
0x66: {  	_ =	shalt  }
0x67: {  	_ =	shalt  }
0x68: {  	_ =	shalt  }
0x69: {  	_ =	shalt  }
0x6a: {  	_ =	shalt  }
0x6b: {  	_ =	shalt  }
0x6c: {  	_ =	shalt  }
0x6d: {  	_ =	shalt  }
0x6e: {  	_ =	shalt  }
0x6f: {  	_ =	shalt  }
0x70: {  	_ =	shalt  }
0x71: {  	_ =	shalt  }
0x72: {  	_ =	shalt  }
0x73: {  	_ =	shalt  }
0x74: {  	_ =	shalt  }
0x75: {  	_ =	shalt  }
0x76: {  	_ =	shalt  }
0x77: {  	_ =	shalt  }
0x78: {  	_ =	shalt  }
0x79: {  	_ =	shalt  }
0x7a: {  	_ =	shalt  }
0x7b: {  	_ =	shalt  }
0x7c: {  	_ =	shalt  }
0x7d: {  	_ =	shalt  }
0x7e: {  	_ =	shalt  }
0x7f: {  	_ =	shalt  }
0x80: {  	_ =	shalt  }
0x81: {  	_ =	shalt  }
0x82: {  	_ =	shalt  }
0x83: {  	_ =	shalt  }
0x84: {  	_ =	shalt  }
0x85: {  	_ =	shalt  }
0x86: {  	_ =	shalt  }
0x87: {  	_ =	shalt  }
.Lfunc_end0:
.L_simem_size_0:
called_computation.2_lowered:
.L_overlay_start_0:
0x88: {  	s2 =	sld [smem:$0x3FD9]  }
0x89: {  	s3 =	sld [smem:$0x3FFE];
	_ =	sdelay $0x1  }
0x8a: {  	s1 =	srdreg.scid  }
0x8b: {  	s0 =	sand.u32 $0x1, s1  }
0x8c: {  	s17 =	sshll.u32 s0, $0xA;
	s2 =	sadd.s32 s3, s2  }
0x8d: {  	s2 =	sadd.s32 s2, s17  }
0x8e: {  	[smem:$0x3FC0] =	sst s2  }
0x8f: {  	_ = 	snop  }
0x90: {  	s2 =	sld [smem:$0x3FD0];
	(tm) =	ssettm $0x1  }
0x91: {  	s18 =	sld [smem:$0x3FFB];
	_ =	sdelay $0x3  }
0x92: {  	_ =	strace s18  }
0x93: {  	s3 =	sld [smem:$0x3FFC];
	_ =	sdelay $0x3  }
0x94: {  	_ =	strace s3  }
0x95: {  	s3 =	sld [smem:$0x3FFD];
	_ =	sdelay $0x3  }
0x96: {  	_ =	strace s3  }
0x97: {  	_ =	strace $0x8FFFFFFF  }
0x98: {  	s19 =	sld [smem:$0x3FDB];
	_ =	sdelay $0x1  }
0x99: {  	s4 =	simm.s32 $_scs_section_size  }
0x9a: {  	s5 =	simm.s32 $_size__tile_overlayer_lowered;
	s6 =	simm.s32 $_tile_overlayer_lowered  }
0x9b: {  	s22 =	simm.s32 $0x1BFF;
	s21 =	sshll.u32 s6, $0x1;
	s3 =	sadd.s32 s4, s19  }
0x9c: {  	s7 =	simm.s32 $0x0;
	s20 =	sshll.u32 s5, $0x1;
	s5 =	sadd.s32 s21, s3  }
0x9d: {  	[timem:s7], [sflag:s22] =	dma.local [hbm:s5], s20  }
0x9e: {  	_ =	swait.ge [sflag:s22], s20  }
0x9f: {  	s4 =	ssub.s32 $0x0, s20;
	[sflag:s22] =	ssyncset.done $0x0  }
0xa0: {  	[sflag:s22] =	ssyncadd.s32 s4;
	_ =	sdelay $0x1  }
0xa1: {  	s23 =	simm.s32 $0x1B8B  }
0xa2: {  	_ =	swait.ge [sflag:s23], $0x1  }
0xa3: {  	[sflag:s23] =	ssyncset.done $0x0  }
0xa4: {  	s25 =	simm.s32 $0x1B8E;
	s24 =	sld [smem:$0x3FFE];
	[sflag:s23] =	ssyncadd.s32 $0xFFFFFFFF  }
0xa5: {  	s26 =	simm.s32 $execute0_lowered;
	[smem:$0x3FD2] =	sst s25  }
0xa6: {  	s5 =	sshll.u32 s26, $0x1;
	_ =	strace $0x8000004C;
	[dreg:$0x1] =	wrdreg $0xFFFFFFFF  }
0xa7: {  	s28 =	simm.s32 $_size_execute0_lowered;
	s3 =	sadd.s32 s3, s5;
	[dreg:$0x0] =	wrdreg $0x0  }
0xa8: {  	s5 =	sshll.u32 s28, $0x1;
	[dreg:$0x2] =	wrdreg s3  }
0xa9: {  	[dreg:$0x3] =	wrdreg s5  }
0xaa: {  	[dreg:$0x4] =	wrdreg $0xC0  }
0xab: {  	_ =	task [dreg:s7], $0x5FFFF  }
0xac: {  	[dreg:$0x1] =	wrdreg $0xFFFFFFFF  }
0xad: {  	[dreg:$0x0] =	wrdreg $0x60  }
0xae: {  	[dreg:$0x2] =	wrdreg s2  }
0xaf: {  	[dreg:$0x3] =	wrdreg s24  }
0xb0: {  	[dreg:$0x4] =	wrdreg $0xC1800  }
0xb1: {  	[dreg:$0x5] =	wrdreg $0x9  }
0xb2: {  	_ =	task.clear_ibuf [dreg:s7], $0x6FFFF;
	_ =	strace $0x9000004C  }
0xb3: {  	s29 =	simm.s32 $0x9;
	_ =	strace $0x8000004E  }
0xb4: {  	_ =	swait.ge [sflag:s29], $0x1  }
0xb5: {  	[sflag:s29] =	ssyncadd.s32 $0xFFFFFFFF  }
0xb6: {  	_ =	strace $0x9000004E  }
0xb7: {  	_ =	sfence  }
0xb8: {  	s30 =	sld [smem:$0x0];
	_ =	sdelay $0x2  }
0xb9: {  	s31 =	sshll.u32 s1, $0xD;
	s1 =	sshrl.u32 s1, $0x2  }
0xba: {  	s3 =	sand.u32 $0x4000, s31;
	s1 =	sadd.s32 s1, s30  }
0xbb: {  	s0 =	sor.u32 s3, s0;
	s1 =	sshll.u32 s1, $0x11  }
0xbc: {  	s0 =	sor.u32 s1, s0  }
0xbd: {  	s0 =	sadd.s32 $0x8F2B, s0  }
0xbe: {  	[sflag:s0] =	ssyncadd.remote.s32 $0x1  }
0xbf: {  	_ =	sfence.sel $0xFFFF  }
0xc0: {  	[dreg:$0x0] =	wrdreg $0xFFFFFFFF;
	(pc) =	sbr.abs _section_cstart, $3  }
0xc1: {  	[dreg:$0x1] =	wrdreg $0xFFFFFFFF  }
0xc2: {  	_ =	task.clear_ibuf [dreg:s7], $0x2FFFF;
	_ =	strace $0x9FFFFFFF  }
0xc3: {  	(tm) =	ssettm $0x7FFFFFFF  }
tec
execute0_lowered:
.L_overlay_start_1:
0x0: {  	(tag) =	ssettag $0x1  }
0x1: {  	s1 =	rddreg [dreg:$0x0]  }
0x2: {  	s8 =	rddreg [dreg:$0x1]  }
0x3: {  	s3 =	rddreg [dreg:$0x2]  }
0x4: {  	s0 =	rddreg [dreg:$0x3]  }
0x5: {  	s5 =	srdreg.scid;
	s2 =	stileid.u32  }
0x6: {  	s4 =	simm.s32 $0x0;
	s13 =	simm.s32 $0x2;
	s14 =	simm.s32 $0x80  }
0x7: {  	s15 =	simm.s32 $0x100;
	s16 =	simm.s32 $0x180;
	s17 =	simm.s32 $0x1  }
0x8: {  	s9 =	sand.u32 $0x1, s5;
	s10 =	smul.u32 $0xA000, s2;
	[smem:$0x7FF] =	sst s4  }
0x9: {  	s5 =	sadd.s32 $0x11400, s8;
	s6 =	sadd.s32 $0x7600, s8;
	s7 =	smul.u32 $0xA0000, s9  }
0xa: {  	s18 =	sshll.u32 s2, $0x6;
	_ =	strace $0x8000004D;
	s12 =	ssub.s32 $0x2, s9  }
0xb: {  	s9 =	sshll.u32 s9, $0x4;
	s18 =	sor.u32 $0x1C02, s18;
	s11 =	sadd.s32 s10, s7  }
0xc: {  	s31 =	sshrl.u32 s12, $0x1;
	s9 =	sor.u32 s2, s9;
	s11 =	sshrl.u32 s11, $0x3  }
0xd: {  	s7 =	sadd.s32 $0x42400, s8;
	s12 =	ssub.s32 s12, s31;
	s11 =	sadd.s32 s11, s8  }
0xe: {  	s9 =	smul.u32 $0x2780, s9;
	s8 =	sadd.s32 s10, s3;
	s10 =	sadd.s32 $0x4C200, s11  }
0xf: {  	v0 =	vimm.f32 $0.0e+00;
	s11 =	smax.u32 s12, $0x1;
	s12 =	simm.s32 $0x2180;
	s19 =	sshrl.u32 s8, $0x3  }
.LBB2_1:
0x10: {  	s21 =	simm.s32 $0x100;
	s20 =	simm.s32 $0x0  }
.LBB2_2:
0x11: {  	p0 =	sne.s32 s21, $0x27F00;
	[tilespmem:s20+$0x21B0] =	vst v0;
	s22 =	smov.u32 s21;
	s21 =	sadd.s32 $0x100, s21  }
.Ltmp0:
0x12: {  	[tilespmem:s20+$0x21A0] =	vst v0;
	(pc) =	sbr.rel @p0 .LBB2_2-.Ltmp0, $3  }
0x13: {  	[tilespmem:s20+$0x2180] =	vst v0  }
0x14: {  	[tilespmem:s20+$0x2190] =	vst v0;
	_ =	sdelay $0x1  }
0x15: {  	s20 =	sshra.s32 s22, $0x2  }
0x16: {  	[tilespmem:s20+$0x21B0] =	vst v0  }
0x17: {  	[tilespmem:s20+$0x21A0] =	vst v0  }
0x18: {  	[tilespmem:s20+$0x2180] =	vst v0  }
0x19: {  	[tilespmem:s20+$0x2190] =	vst v0  }
0x1a: {  	[spmem:s8] =	stream.linear.scatter [tilespmem:s12], [sflag:$0x2], $0xA000, $0x38;
	[tilespmem:$0x16180] =	vst v63  }
0x1b: {  	_ =	swait.ge [sflag:s13], $0xA000  }
0x1c: {  	[sflag:s13] =	ssyncset.done $0x0  }
0x1d: {  	[sflag:s13] =	ssyncadd.s32 $0xFFFF6000  }
0x1e: {  	s20 =	simm.s32 $0x0;
	s21 =	simm.s32 $0x0;
	[bflag:$0x0] =	sbarrier.arrive $0xFFFF  }
.LBB2_4:
0x1f: {  	s22 =	sshll.u32 s21, $0x7  }
0x20: {  	s22 =	sadd.s32 s9, s22  }
0x21: {  	s22 =	sshrl.u32 s22, $0x3  }
0x22: {  	s23 =	sadd.s32 s5, s22  }
0x23: {  	[tilespmem:s20], [sflag:$0x2] =	stream.linear.gather [hbm4b:s23+s20], $0x80, $0x38;
	[tilespmem:$0x16180] =	vst v63  }
0x24: {  	_ =	swait.ge [sflag:s13], $0x80  }
0x25: {  	[sflag:s13] =	ssyncset.done $0x0  }
0x26: {  	s31 =	sadd.s32 s6, s22;
	[sflag:s13] =	ssyncadd.s32 $0xFFFFFF80  }
0x27: {  	[tilespmem:s14], [sflag:$0x2] =	stream.linear.gather [hbm4b:s31+s20], $0x80, $0x38;
	[tilespmem:$0x16180] =	vst v63  }
0x28: {  	_ =	swait.ge [sflag:s13], $0x80  }
0x29: {  	[sflag:s13] =	ssyncset.done $0x0  }
0x2a: {  	s22 =	sadd.s32 s7, s22;
	[sflag:s13] =	ssyncadd.s32 $0xFFFFFF80  }
0x2b: {  	[tilespmem:s15], [sflag:$0x2] =	stream.linear.gather [hbm4b:s22+s20], $0x80, $0x38;
	[tilespmem:$0x16180] =	vst v63  }
0x2c: {  	_ =	swait.ge [sflag:s13], $0x80  }
0x2d: {  	[sflag:s13] =	ssyncset.done $0x0  }
0x2e: {  	[sflag:s13] =	ssyncadd.s32 $0xFFFFFF80  }
0x2f: {  	[tilespmem:s16], [sflag:$0x1] =	stream.indirect.gather [hbm4b:s1+s14], $0x40, s20, s14, $0xb8;
	[tilespmem:$0x16180] =	vst v63  }
0x30: {  	v1 =	vmov s20;
	_ =	swait.ge [sflag:s17], $0x2000  }
0x31: {  	[sflag:s17] =	ssyncset.done $0x0  }
0x32: {  	s22 =	simm.s32 $0x1A0;
	[sflag:s17] =	ssyncadd.s32 $0xFFFFE000  }
0x33: {  	v3 =	vld [tilespmem:s22+$0xFFFFFFF0]  }
0x34: {  	v4 =	vld [tilespmem:s22+$0x10]  }
0x35: {  	v6 =	vld.idx.msk [tilespmem:v1+s15+$0x0], $0xffff  }
0x36: {  	v1 =	vld [tilespmem:s22+$0xFFFFFFE0]  }
0x37: {  	v7 =	vld [tilespmem:s22+$0x0];
	_ =	sdelay $0x3  }
0x38: {  	s24 =	simm.s32 $0x1;
	v2 =	vmul.f32 v1, v6;
	v5 =	vmul.f32 v4, v6  }
0x39: {  	s23 =	simm.s32 $0x2;
	v1 =	vmov s24;
	v4 =	vmul.f32 v3, v6;
	v3 =	vmul.f32 v7, v6;
	s24 =	simm.s32 $0x1A0  }
.LBB2_5:
0x3a: {  	p0 =	sne.s32 s23, $0x7F  }
0x3b: {  	[tilespmem:s22+$0x10] =	vst v5;
	s24 =	sadd.s32 $0x40, s24;
	s25 =	smov.u32 s23;
	s23 =	sadd.s32 $0x1, s23  }
0x3c: {  	[tilespmem:s22+$0xFFFFFFE0] =	vst v2  }
0x3d: {  	v6 =	vld [tilespmem:s24+$0xFFFFFFF0];
	[tilespmem:s22+$0xFFFFFFF0] =	vst v4  }
0x3e: {  	v4 =	vld [tilespmem:s24+$0x10];
	[tilespmem:s22+$0x0] =	vst v3;
	s22 =	smov.u32 s24  }
0x3f: {  	v3 =	vld.idx.msk [tilespmem:v1+s15+$0x0], $0xffff  }
0x40: {  	v1 =	vld [tilespmem:s24+$0xFFFFFFE0]  }
0x41: {  	v7 =	vld [tilespmem:s24+$0x0]  }
.Ltmp1:
0x42: {  	(pc) =	sbr.rel @p0 .LBB2_5-.Ltmp1, $3  }
0x43: {  	_ =	sdelay $0x1  }
0x44: {  	v5 =	vmul.f32 v4, v3;
	v2 =	vmul.f32 v1, v3  }
0x45: {  	v4 =	vmul.f32 v6, v3;
	v1 =	vmov s25;
	v3 =	vmul.f32 v7, v3  }
0x46: {  	[tilespmem:s22+$0x10] =	vst v5  }
0x47: {  	s23 =	sadd.s32 $0x40, s24;
	[tilespmem:s22+$0xFFFFFFE0] =	vst v2  }
0x48: {  	v2 =	vld [tilespmem:s23+$0xFFFFFFF0];
	[tilespmem:s22+$0xFFFFFFF0] =	vst v4  }
0x49: {  	v4 =	vld [tilespmem:s23+$0x10];
	[tilespmem:s22+$0x0] =	vst v3  }
0x4a: {  	v1 =	vld.idx.msk [tilespmem:v1+s15+$0x0], $0xffff  }
0x4b: {  	v3 =	vld [tilespmem:s23+$0xFFFFFFE0];
	_ =	sdelay $0x1  }
0x4c: {  	v5 =	vld [tilespmem:s23+$0x0];
	_ =	sdelay $0x1  }
0x4d: {  	v4 =	vmul.f32 v4, v1  }
0x4e: {  	v3 =	vmul.f32 v3, v1  }
0x4f: {  	v2 =	vmul.f32 v2, v1;
	[tilespmem:s23+$0x10] =	vst v4  }
0x50: {  	s21 =	sadd.s32 $0x1, s21;
	v1 =	vmul.f32 v5, v1;
	[tilespmem:s23+$0xFFFFFFE0] =	vst v3  }
0x51: {  	p0 =	sne.s32 s21, $0x4F;
	[tilespmem:s23+$0xFFFFFFF0] =	vst v2  }
.Ltmp2:
0x52: {  	[tilespmem:s23+$0x0] =	vst v1;
	(pc) =	sbr.rel @p0 .LBB2_4-.Ltmp2, $4  }
0x53: {  	[spmem:s3] =	stream.indirect.scatter.add.f32 [tilespmem:s16], [sflag:$0x2], $0x40, s14, s14, $0xb8;
	[tilespmem:$0x16180] =	vst v63  }
0x54: {  	_ =	swait.ge [sflag:s13], $0x2000  }
0x55: {  	[sflag:s13] =	ssyncset.done $0x0  }
0x56: {  	[sflag:s13] =	ssyncadd.s32 $0xFFFFE000  }
0x57: {  	s4 =	sadd.s32 $0x1, s4  }
0x58: {  	p0 =	sne.s32 s4, s11  }
.Ltmp3:
0x59: {  	[bflag:$0x0] =	sbarrier.arrive $0xFFFF;
	(pc) =	sbr.rel @p0 .LBB2_1-.Ltmp3, $4  }
0x5a: {  	[hbm:s10], [sflag:s18] =	dma.local [spmem:s19], $0x1400  }
0x5b: {  	_ =	swait.ge [sflag:s13], $0x1400  }
0x5c: {  	[sflag:s13] =	ssyncset.done $0x0  }
0x5d: {  	[sflag:s13] =	ssyncadd.s32 $0xFFFFEC00  }
0x5e: {  	_ =	sfence.sel $0x180000  }
0x5f: {  	[bflag:$0x0] =	sbarrier.arrive $0xFFFF  }
0x60: {  	p0 =	sne.s32 s2, $0x0;
	_ =	strace $0x9000004D  }
0x61: {  	s0 =	sadd.s32 @!p0 $0x100000, s0;
	[bflag:$0x2] =	sbarrier.arrive $0xFFFF  }
0x62: {  	[sflag:s0] =	ssyncadd.tile.s32 @!p0 $0x1;
	_ =	shalt  }
.Lfunc_end2:
_tile_overlayer_lowered:
.L_overlay_start_2:
0x63: {  	(tag) =	ssettag $0x2  }
0x64: {  	s0 =	rddreg [dreg:$0x0];
	s2 =	stileid.u32  }
0x65: {  	s1 =	rddreg [dreg:$0x1];
	p0 =	sne.s32 s2, $0x0  }
0x66: {  	s3 =	rddreg [dreg:$0x2];
	[bflag:$0x3] =	sbarrier.arrive $0xFFFF;
	s2 =	simm.s32 @!p0 $0x1C02  }
0x67: {  	[timem:s3], [sflag:s2] =	dma.local @!p0 [hbm:s0], s1  }
0x68: {  	s0 =	simm.s32 @!p0 $0x2  }
0x69: {  	_ =	swait.ge @!p0 [sflag:s0], s1  }
0x6a: {  	s1 =	ssub.s32 @!p0 $0x0, s1;
	[sflag:s0] =	ssyncset.done @!p0 $0x0  }
0x6b: {  	[sflag:s0] =	ssyncadd.s32 @!p0 s1  }
0x6c: {  	[bflag:$0x3] =	sbarrier.arrive $0xFFFF  }
0x6d: {  	_ =	shalt  }

// kernel: kernel.32.cloned.1.call-start
scs
__scs_entry_jumppad:
0x0: {  	(pc) =	sbr.rel $0x88, $3  }
0x1: {  	(tag) =	ssettag $0x0;
	lr =	simm.s32 $0x1  }
0x2: {  	[smem:$0x3F99] =	sst lr;
	_ =	strace $0xD0000000  }
0x3: {  	_ = 	snop  }
0x4: {  	_ = 	snop  }
0x5: {  	_ = 	snop  }
0x6: {  	_ = 	snop  }
0x7: {  	_ = 	snop  }
__scs_overlays_trampoline_lowered:
0x8: {  	[smem:$0x3FA8] =	sst s0  }
0x9: {  	[smem:$0x3FA9] =	sst s1  }
0xa: {  	[smem:$0x3FAA] =	sst s2  }
0xb: {  	[smem:$0x3FAB] =	sst s3  }
0xc: {  	[smem:$0x3FAC] =	sst s4  }
0xd: {  	[smem:$0x3FAD] =	sst s5  }
0xe: {  	[smem:$0x3FAE] =	sst s6  }
0xf: {  	[smem:$0x3FAF] =	sst s7  }
0x10: {  	[smem:$0x3FB0] =	sst s8  }
0x11: {  	[smem:$0x3FB1] =	sst s9;
	s0 =	simm.s32 @!p0 $0x0  }
0x12: {  	s1 =	sld [smem:$0x3F97];
	s0 =	simm.s32 @p0 $0x1  }
0x13: {  	[smem:$0x3FB2] =	sst s0;
	s0 =	simm.s32 @!p1 $0x0  }
0x14: {  	s2 =	sld [smem:$0x3F96];
	s0 =	simm.s32 @p1 $0x1  }
0x15: {  	[smem:$0x3FB3] =	sst s0;
	s0 =	simm.s32 @!p2 $0x0  }
0x16: {  	s3 =	sld [smem:$0x3FDB];
	s0 =	simm.s32 @p2 $0x1  }
0x17: {  	s4 =	simm.s32 $0x1BF5;
	[smem:$0x3FB5] =	sst s0  }
0x18: {  	s0 =	sld [smem:$0x3F98];
	_ =	swait.ge [sflag:s4], $0x0  }
0x19: {  	s7 =	sld [smem:$0x3F99]  }
0x1a: {  	s8 =	sadd.s32 $0xFFFFE003, lr  }
0x1b: {  	s9 =	sadd.s32 $0xFFFFFEF7, lr;
	s5 =	simm.s32 $0xFFFFFFFF;
	p2 =	slt.u32 s8, $0xFFFFF086  }
0x1c: {  	p1 =	slt.u32 s9, $0xF7A;
	s5 =	simm.s32 @!p2 $0x0  }
0x1d: {  	s5 =	simm.s32 @p1 $0x1;
	p0 =	seq.s32 s7, s2  }
0x1e: {  	s7 =	smul.u32 @!p0 $0xF7A, s2;
	p2 =	seq.s32 @!p0 s5, $0x0  }
0x1f: {  	s9 =	smul.u32 $0xF7A, s1;
	s8 =	simm.s32 @!p0 $0x1BF5;
	p2 =	por !p2, p0  }
0x20: {  	[sflag:s8] =	ssyncset.s32 @!p0 $0xFFFFF086;
	s6 =	sadd.s32 @!p0 s3, s7;
	s7 =	simm.s32 @!p0 $0x108  }
0x21: {  	s3 =	sadd.s32 s3, s9;
	s6 =	sadd.s32 @!p0 $0x88, s6;
	s7 =	simm.s32 @p2 $0x1082  }
0x22: {  	[simem:s7], [sflag:s8] =	dma.local @!p0 [hbm:s6], $0xF7A  }
0x23: {  	s9 =	sor.u32 $0xD0000000, s2;
	s6 =	simm.s32 $0x108;
	_ =	swait.ge @!p0 [sflag:s8], $0x0  }
0x24: {  	s3 =	sadd.s32 $0x88, s3;
	s6 =	simm.s32 @!p1 $0x1082;
	[sflag:s4] =	ssyncset.s32 $0xFFFFF086  }
0x25: {  	[simem:s6], [sflag:s4] =	dma.local [hbm:s3], $0xF7A  }
0x26: {  	[smem:$0x3F99] =	sst s1;
	(tag) =	ssettag s2;
	_ =	strace s9  }
0x27: {  	s1 =	sld [smem:$0x3FA9]  }
0x28: {  	s2 =	sld [smem:$0x3FAA]  }
0x29: {  	s4 =	sld [smem:$0x3FAC]  }
0x2a: {  	p0 =	seq.s32 s5, $0x0;
	s5 =	sld [smem:$0x3FAD]  }
0x2b: {  	s6 =	sld [smem:$0x3FAE]  }
0x2c: {  	s7 =	sld [smem:$0x3FAF]  }
0x2d: {  	s3 =	simm.s32 $0x108;
	s8 =	sld [smem:$0x3FB0]  }
0x2e: {  	s3 =	simm.s32 @!p0 $0x1082;
	s9 =	sld [smem:$0x3FB1]  }
0x2f: {  	lr =	sadd.s32 s0, s3;
	s0 =	sld [smem:$0x3FA8]  }
0x30: {  	s3 =	sld [smem:$0x3FAB]  }
0x31: {  	[smem:$0x3FB4] =	sst s10  }
0x32: {  	s10 =	sld [smem:$0x3FB2];
	_ =	sdelay $0x3  }
0x33: {  	p0 =	seq.s32 s10, $0x1;
	s10 =	sld [smem:$0x3FB4];
	_ =	sdelay $0x3  }
0x34: {  	[smem:$0x3FB4] =	sst s10  }
0x35: {  	s10 =	sld [smem:$0x3FB3];
	_ =	sdelay $0x3  }
0x36: {  	p1 =	seq.s32 s10, $0x1;
	s10 =	sld [smem:$0x3FB4];
	_ =	sdelay $0x3  }
0x37: {  	[smem:$0x3FB4] =	sst s10  }
0x38: {  	s10 =	sld [smem:$0x3FB5]  }
0x39: {  	_ = 	snop;
	(pc) =	sbr.ind lr, $3  }
0x3a: {  	_ = 	snop  }
0x3b: {  	_ = 	snop  }
0x3c: {  	p2 =	seq.s32 s10, $0x1;
	s10 =	sld [smem:$0x3FB4]  }
0x3d: {  	_ =	shalt  }
0x3e: {  	_ =	shalt  }
0x3f: {  	_ =	shalt  }
0x40: {  	_ =	shalt  }
0x41: {  	_ =	shalt  }
0x42: {  	_ =	shalt  }
0x43: {  	_ =	shalt  }
0x44: {  	_ =	shalt  }
0x45: {  	_ =	shalt  }
0x46: {  	_ =	shalt  }
0x47: {  	_ =	shalt  }
0x48: {  	_ =	shalt  }
0x49: {  	_ =	shalt  }
0x4a: {  	_ =	shalt  }
0x4b: {  	_ =	shalt  }
0x4c: {  	_ =	shalt  }
0x4d: {  	_ =	shalt  }
0x4e: {  	_ =	shalt  }
0x4f: {  	_ =	shalt  }
0x50: {  	_ =	shalt  }
0x51: {  	_ =	shalt  }
0x52: {  	_ =	shalt  }
0x53: {  	_ =	shalt  }
0x54: {  	_ =	shalt  }
0x55: {  	_ =	shalt  }
0x56: {  	_ =	shalt  }
0x57: {  	_ =	shalt  }
0x58: {  	_ =	shalt  }
0x59: {  	_ =	shalt  }
0x5a: {  	_ =	shalt  }
0x5b: {  	_ =	shalt  }
0x5c: {  	_ =	shalt  }
0x5d: {  	_ =	shalt  }
0x5e: {  	_ =	shalt  }
0x5f: {  	_ =	shalt  }
0x60: {  	_ =	shalt  }
0x61: {  	_ =	shalt  }
0x62: {  	_ =	shalt  }
0x63: {  	_ =	shalt  }
0x64: {  	_ =	shalt  }
0x65: {  	_ =	shalt  }
0x66: {  	_ =	shalt  }
0x67: {  	_ =	shalt  }
0x68: {  	_ =	shalt  }
0x69: {  	_ =	shalt  }
0x6a: {  	_ =	shalt  }
0x6b: {  	_ =	shalt  }
0x6c: {  	_ =	shalt  }
0x6d: {  	_ =	shalt  }
0x6e: {  	_ =	shalt  }
0x6f: {  	_ =	shalt  }
0x70: {  	_ =	shalt  }
0x71: {  	_ =	shalt  }
0x72: {  	_ =	shalt  }
0x73: {  	_ =	shalt  }
0x74: {  	_ =	shalt  }
0x75: {  	_ =	shalt  }
0x76: {  	_ =	shalt  }
0x77: {  	_ =	shalt  }
0x78: {  	_ =	shalt  }
0x79: {  	_ =	shalt  }
0x7a: {  	_ =	shalt  }
0x7b: {  	_ =	shalt  }
0x7c: {  	_ =	shalt  }
0x7d: {  	_ =	shalt  }
0x7e: {  	_ =	shalt  }
0x7f: {  	_ =	shalt  }
0x80: {  	_ =	shalt  }
0x81: {  	_ =	shalt  }
0x82: {  	_ =	shalt  }
0x83: {  	_ =	shalt  }
0x84: {  	_ =	shalt  }
0x85: {  	_ =	shalt  }
0x86: {  	_ =	shalt  }
0x87: {  	_ =	shalt  }
.Lfunc_end0:
.L_simem_size_0:
called_computation.3_lowered:
.L_overlay_start_0:
0x88: {  	s2 =	sld [smem:$0x3FD9]  }
0x89: {  	s3 =	sld [smem:$0x3FFE];
	_ =	sdelay $0x1  }
0x8a: {  	s1 =	srdreg.scid  }
0x8b: {  	s0 =	sand.u32 $0x1, s1  }
0x8c: {  	s17 =	sshll.u32 s0, $0xA;
	s2 =	sadd.s32 s3, s2  }
0x8d: {  	s2 =	sadd.s32 s2, s17  }
0x8e: {  	[smem:$0x3FC0] =	sst s2  }
0x8f: {  	_ = 	snop  }
0x90: {  	s2 =	sld [smem:$0x3FD0];
	(tm) =	ssettm $0x1  }
0x91: {  	s18 =	sld [smem:$0x3FFB];
	_ =	sdelay $0x3  }
0x92: {  	_ =	strace s18  }
0x93: {  	s3 =	sld [smem:$0x3FFC];
	_ =	sdelay $0x3  }
0x94: {  	_ =	strace s3  }
0x95: {  	s3 =	sld [smem:$0x3FFD];
	_ =	sdelay $0x3  }
0x96: {  	_ =	strace s3  }
0x97: {  	_ =	strace $0x8FFFFFFF  }
0x98: {  	s19 =	sld [smem:$0x3FDB];
	_ =	sdelay $0x1  }
0x99: {  	s4 =	simm.s32 $_scs_section_size  }
0x9a: {  	s5 =	simm.s32 $_size__tile_overlayer_lowered;
	s6 =	simm.s32 $_tile_overlayer_lowered  }
0x9b: {  	s22 =	simm.s32 $0x1BFF;
	s21 =	sshll.u32 s6, $0x1;
	s3 =	sadd.s32 s4, s19  }
0x9c: {  	s7 =	simm.s32 $0x0;
	s20 =	sshll.u32 s5, $0x1;
	s5 =	sadd.s32 s21, s3  }
0x9d: {  	[timem:s7], [sflag:s22] =	dma.local [hbm:s5], s20  }
0x9e: {  	_ =	swait.ge [sflag:s22], s20  }
0x9f: {  	s4 =	ssub.s32 $0x0, s20;
	[sflag:s22] =	ssyncset.done $0x0  }
0xa0: {  	[sflag:s22] =	ssyncadd.s32 s4;
	_ =	sdelay $0x1  }
0xa1: {  	s23 =	simm.s32 $0x1B8B  }
0xa2: {  	_ =	swait.ge [sflag:s23], $0x1  }
0xa3: {  	[sflag:s23] =	ssyncset.done $0x0  }
0xa4: {  	s25 =	simm.s32 $0x1B8E;
	s24 =	sld [smem:$0x3FFE];
	[sflag:s23] =	ssyncadd.s32 $0xFFFFFFFF  }
0xa5: {  	s26 =	simm.s32 $execute0_lowered;
	[smem:$0x3FD2] =	sst s25  }
0xa6: {  	s5 =	sshll.u32 s26, $0x1;
	_ =	strace $0x8000004F;
	[dreg:$0x1] =	wrdreg $0xFFFFFFFF  }
0xa7: {  	s28 =	simm.s32 $_size_execute0_lowered;
	s3 =	sadd.s32 s3, s5;
	[dreg:$0x0] =	wrdreg $0x0  }
0xa8: {  	s5 =	sshll.u32 s28, $0x1;
	[dreg:$0x2] =	wrdreg s3  }
0xa9: {  	[dreg:$0x3] =	wrdreg s5  }
0xaa: {  	[dreg:$0x4] =	wrdreg $0xC0  }
0xab: {  	_ =	task [dreg:s7], $0x5FFFF  }
0xac: {  	[dreg:$0x1] =	wrdreg $0xFFFFFFFF  }
0xad: {  	[dreg:$0x0] =	wrdreg $0x60  }
0xae: {  	[dreg:$0x2] =	wrdreg s2  }
0xaf: {  	[dreg:$0x3] =	wrdreg s24  }
0xb0: {  	[dreg:$0x4] =	wrdreg $0xC1800  }
0xb1: {  	[dreg:$0x5] =	wrdreg $0x9  }
0xb2: {  	_ =	task.clear_ibuf [dreg:s7], $0x6FFFF;
	_ =	strace $0x9000004F  }
0xb3: {  	s29 =	simm.s32 $0x9;
	_ =	strace $0x80000051  }
0xb4: {  	_ =	swait.ge [sflag:s29], $0x1  }
0xb5: {  	[sflag:s29] =	ssyncadd.s32 $0xFFFFFFFF  }
0xb6: {  	_ =	strace $0x90000051  }
0xb7: {  	_ =	sfence  }
0xb8: {  	s30 =	sld [smem:$0x0];
	_ =	sdelay $0x2  }
0xb9: {  	s31 =	sshll.u32 s1, $0xD;
	s1 =	sshrl.u32 s1, $0x2  }
0xba: {  	s3 =	sand.u32 $0x4000, s31;
	s1 =	sadd.s32 s1, s30  }
0xbb: {  	s0 =	sor.u32 s3, s0;
	s1 =	sshll.u32 s1, $0x11  }
0xbc: {  	s0 =	sor.u32 s1, s0  }
0xbd: {  	s0 =	sadd.s32 $0x8F2B, s0  }
0xbe: {  	[sflag:s0] =	ssyncadd.remote.s32 $0x1  }
0xbf: {  	_ =	sfence.sel $0xFFFF  }
0xc0: {  	[dreg:$0x0] =	wrdreg $0xFFFFFFFF;
	(pc) =	sbr.abs _section_cstart, $3  }
0xc1: {  	[dreg:$0x1] =	wrdreg $0xFFFFFFFF  }
0xc2: {  	_ =	task.clear_ibuf [dreg:s7], $0x2FFFF;
	_ =	strace $0x9FFFFFFF  }
0xc3: {  	(tm) =	ssettm $0x7FFFFFFF  }
tec
execute0_lowered:
.L_overlay_start_1:
0x0: {  	(tag) =	ssettag $0x1  }
0x1: {  	s1 =	rddreg [dreg:$0x0]  }
0x2: {  	s8 =	rddreg [dreg:$0x1]  }
0x3: {  	s3 =	rddreg [dreg:$0x2]  }
0x4: {  	s0 =	rddreg [dreg:$0x3]  }
0x5: {  	s5 =	srdreg.scid;
	s2 =	stileid.u32  }
0x6: {  	s4 =	simm.s32 $0x0;
	s13 =	simm.s32 $0x2;
	s14 =	simm.s32 $0x80  }
0x7: {  	s15 =	simm.s32 $0x100;
	s16 =	simm.s32 $0x180;
	s17 =	simm.s32 $0x1  }
0x8: {  	s9 =	sand.u32 $0x1, s5;
	s10 =	smul.u32 $0xA000, s2;
	[smem:$0x7FF] =	sst s4  }
0x9: {  	s5 =	sadd.s32 $0x11400, s8;
	s6 =	sadd.s32 $0x7600, s8;
	s7 =	smul.u32 $0xA0000, s9  }
0xa: {  	s18 =	sshll.u32 s2, $0x6;
	_ =	strace $0x80000050;
	s12 =	ssub.s32 $0x2, s9  }
0xb: {  	s9 =	sshll.u32 s9, $0x4;
	s18 =	sor.u32 $0x1C02, s18;
	s11 =	sadd.s32 s10, s7  }
0xc: {  	s31 =	sshrl.u32 s12, $0x1;
	s9 =	sor.u32 s2, s9;
	s11 =	sshrl.u32 s11, $0x3  }
0xd: {  	s7 =	sadd.s32 $0x42400, s8;
	s12 =	ssub.s32 s12, s31;
	s11 =	sadd.s32 s11, s8  }
0xe: {  	s9 =	smul.u32 $0x2780, s9;
	s8 =	sadd.s32 s10, s3;
	s10 =	sadd.s32 $0x4C200, s11  }
0xf: {  	v0 =	vimm.f32 $0.0e+00;
	s11 =	smax.u32 s12, $0x1;
	s12 =	simm.s32 $0x2180;
	s19 =	sshrl.u32 s8, $0x3  }
.LBB2_1:
0x10: {  	s21 =	simm.s32 $0x100;
	s20 =	simm.s32 $0x0  }
.LBB2_2:
0x11: {  	p0 =	sne.s32 s21, $0x27F00;
	[tilespmem:s20+$0x21B0] =	vst v0;
	s22 =	smov.u32 s21;
	s21 =	sadd.s32 $0x100, s21  }
.Ltmp0:
0x12: {  	[tilespmem:s20+$0x21A0] =	vst v0;
	(pc) =	sbr.rel @p0 .LBB2_2-.Ltmp0, $3  }
0x13: {  	[tilespmem:s20+$0x2180] =	vst v0  }
0x14: {  	[tilespmem:s20+$0x2190] =	vst v0;
	_ =	sdelay $0x1  }
0x15: {  	s20 =	sshra.s32 s22, $0x2  }
0x16: {  	[tilespmem:s20+$0x21B0] =	vst v0  }
0x17: {  	[tilespmem:s20+$0x21A0] =	vst v0  }
0x18: {  	[tilespmem:s20+$0x2180] =	vst v0  }
0x19: {  	[tilespmem:s20+$0x2190] =	vst v0  }
0x1a: {  	[spmem:s8] =	stream.linear.scatter [tilespmem:s12], [sflag:$0x2], $0xA000, $0x38;
	[tilespmem:$0x16180] =	vst v63  }
0x1b: {  	_ =	swait.ge [sflag:s13], $0xA000  }
0x1c: {  	[sflag:s13] =	ssyncset.done $0x0  }
0x1d: {  	[sflag:s13] =	ssyncadd.s32 $0xFFFF6000  }
0x1e: {  	s20 =	simm.s32 $0x0;
	s21 =	simm.s32 $0x0;
	[bflag:$0x0] =	sbarrier.arrive $0xFFFF  }
.LBB2_4:
0x1f: {  	s22 =	sshll.u32 s21, $0x7  }
0x20: {  	s22 =	sadd.s32 s9, s22  }
0x21: {  	s22 =	sshrl.u32 s22, $0x3  }
0x22: {  	s23 =	sadd.s32 s5, s22  }
0x23: {  	[tilespmem:s20], [sflag:$0x2] =	stream.linear.gather [hbm4b:s23+s20], $0x80, $0x38;
	[tilespmem:$0x16180] =	vst v63  }
0x24: {  	_ =	swait.ge [sflag:s13], $0x80  }
0x25: {  	[sflag:s13] =	ssyncset.done $0x0  }
0x26: {  	s31 =	sadd.s32 s6, s22;
	[sflag:s13] =	ssyncadd.s32 $0xFFFFFF80  }
0x27: {  	[tilespmem:s14], [sflag:$0x2] =	stream.linear.gather [hbm4b:s31+s20], $0x80, $0x38;
	[tilespmem:$0x16180] =	vst v63  }
0x28: {  	_ =	swait.ge [sflag:s13], $0x80  }
0x29: {  	[sflag:s13] =	ssyncset.done $0x0  }
0x2a: {  	s22 =	sadd.s32 s7, s22;
	[sflag:s13] =	ssyncadd.s32 $0xFFFFFF80  }
0x2b: {  	[tilespmem:s15], [sflag:$0x2] =	stream.linear.gather [hbm4b:s22+s20], $0x80, $0x38;
	[tilespmem:$0x16180] =	vst v63  }
0x2c: {  	_ =	swait.ge [sflag:s13], $0x80  }
0x2d: {  	[sflag:s13] =	ssyncset.done $0x0  }
0x2e: {  	[sflag:s13] =	ssyncadd.s32 $0xFFFFFF80  }
0x2f: {  	[tilespmem:s16], [sflag:$0x1] =	stream.indirect.gather [hbm4b:s1+s14], $0x40, s20, s14, $0xb8;
	[tilespmem:$0x16180] =	vst v63  }
0x30: {  	v1 =	vmov s20;
	_ =	swait.ge [sflag:s17], $0x2000  }
0x31: {  	[sflag:s17] =	ssyncset.done $0x0  }
0x32: {  	s22 =	simm.s32 $0x1A0;
	[sflag:s17] =	ssyncadd.s32 $0xFFFFE000  }
0x33: {  	v3 =	vld [tilespmem:s22+$0xFFFFFFF0]  }
0x34: {  	v4 =	vld [tilespmem:s22+$0x10]  }
0x35: {  	v6 =	vld.idx.msk [tilespmem:v1+s15+$0x0], $0xffff  }
0x36: {  	v1 =	vld [tilespmem:s22+$0xFFFFFFE0]  }
0x37: {  	v7 =	vld [tilespmem:s22+$0x0];
	_ =	sdelay $0x3  }
0x38: {  	s24 =	simm.s32 $0x1;
	v2 =	vmul.f32 v1, v6;
	v5 =	vmul.f32 v4, v6  }
0x39: {  	s23 =	simm.s32 $0x2;
	v1 =	vmov s24;
	v4 =	vmul.f32 v3, v6;
	v3 =	vmul.f32 v7, v6;
	s24 =	simm.s32 $0x1A0  }
.LBB2_5:
0x3a: {  	p0 =	sne.s32 s23, $0x7F  }
0x3b: {  	[tilespmem:s22+$0x10] =	vst v5;
	s24 =	sadd.s32 $0x40, s24;
	s25 =	smov.u32 s23;
	s23 =	sadd.s32 $0x1, s23  }
0x3c: {  	[tilespmem:s22+$0xFFFFFFE0] =	vst v2  }
0x3d: {  	v6 =	vld [tilespmem:s24+$0xFFFFFFF0];
	[tilespmem:s22+$0xFFFFFFF0] =	vst v4  }
0x3e: {  	v4 =	vld [tilespmem:s24+$0x10];
	[tilespmem:s22+$0x0] =	vst v3;
	s22 =	smov.u32 s24  }
0x3f: {  	v3 =	vld.idx.msk [tilespmem:v1+s15+$0x0], $0xffff  }
0x40: {  	v1 =	vld [tilespmem:s24+$0xFFFFFFE0]  }
0x41: {  	v7 =	vld [tilespmem:s24+$0x0]  }
.Ltmp1:
0x42: {  	(pc) =	sbr.rel @p0 .LBB2_5-.Ltmp1, $3  }
0x43: {  	_ =	sdelay $0x1  }
0x44: {  	v5 =	vmul.f32 v4, v3;
	v2 =	vmul.f32 v1, v3  }
0x45: {  	v4 =	vmul.f32 v6, v3;
	v1 =	vmov s25;
	v3 =	vmul.f32 v7, v3  }
0x46: {  	[tilespmem:s22+$0x10] =	vst v5  }
0x47: {  	s23 =	sadd.s32 $0x40, s24;
	[tilespmem:s22+$0xFFFFFFE0] =	vst v2  }
0x48: {  	v2 =	vld [tilespmem:s23+$0xFFFFFFF0];
	[tilespmem:s22+$0xFFFFFFF0] =	vst v4  }
0x49: {  	v4 =	vld [tilespmem:s23+$0x10];
	[tilespmem:s22+$0x0] =	vst v3  }
0x4a: {  	v1 =	vld.idx.msk [tilespmem:v1+s15+$0x0], $0xffff  }
0x4b: {  	v3 =	vld [tilespmem:s23+$0xFFFFFFE0];
	_ =	sdelay $0x1  }
0x4c: {  	v5 =	vld [tilespmem:s23+$0x0];
	_ =	sdelay $0x1  }
0x4d: {  	v4 =	vmul.f32 v4, v1  }
0x4e: {  	v3 =	vmul.f32 v3, v1  }
0x4f: {  	v2 =	vmul.f32 v2, v1;
	[tilespmem:s23+$0x10] =	vst v4  }
0x50: {  	s21 =	sadd.s32 $0x1, s21;
	v1 =	vmul.f32 v5, v1;
	[tilespmem:s23+$0xFFFFFFE0] =	vst v3  }
0x51: {  	p0 =	sne.s32 s21, $0x4F;
	[tilespmem:s23+$0xFFFFFFF0] =	vst v2  }
.Ltmp2:
0x52: {  	[tilespmem:s23+$0x0] =	vst v1;
	(pc) =	sbr.rel @p0 .LBB2_4-.Ltmp2, $4  }
0x53: {  	[spmem:s3] =	stream.indirect.scatter.add.f32 [tilespmem:s16], [sflag:$0x2], $0x40, s14, s14, $0xb8;
	[tilespmem:$0x16180] =	vst v63  }
0x54: {  	_ =	swait.ge [sflag:s13], $0x2000  }
0x55: {  	[sflag:s13] =	ssyncset.done $0x0  }
0x56: {  	[sflag:s13] =	ssyncadd.s32 $0xFFFFE000  }
0x57: {  	s4 =	sadd.s32 $0x1, s4  }
0x58: {  	p0 =	sne.s32 s4, s11  }
.Ltmp3:
0x59: {  	[bflag:$0x0] =	sbarrier.arrive $0xFFFF;
	(pc) =	sbr.rel @p0 .LBB2_1-.Ltmp3, $4  }
0x5a: {  	[hbm:s10], [sflag:s18] =	dma.local [spmem:s19], $0x1400  }
0x5b: {  	_ =	swait.ge [sflag:s13], $0x1400  }
0x5c: {  	[sflag:s13] =	ssyncset.done $0x0  }
0x5d: {  	[sflag:s13] =	ssyncadd.s32 $0xFFFFEC00  }
0x5e: {  	_ =	sfence.sel $0x180000  }
0x5f: {  	[bflag:$0x0] =	sbarrier.arrive $0xFFFF  }
0x60: {  	p0 =	sne.s32 s2, $0x0;
	_ =	strace $0x90000050  }
0x61: {  	s0 =	sadd.s32 @!p0 $0x100000, s0;
	[bflag:$0x2] =	sbarrier.arrive $0xFFFF  }
0x62: {  	[sflag:s0] =	ssyncadd.tile.s32 @!p0 $0x1;
	_ =	shalt  }
.Lfunc_end2:
_tile_overlayer_lowered:
.L_overlay_start_2:
0x63: {  	(tag) =	ssettag $0x2  }
0x64: {  	s0 =	rddreg [dreg:$0x0];
	s2 =	stileid.u32  }
0x65: {  	s1 =	rddreg [dreg:$0x1];
	p0 =	sne.s32 s2, $0x0  }
0x66: {  	s3 =	rddreg [dreg:$0x2];
	[bflag:$0x3] =	sbarrier.arrive $0xFFFF;
	s2 =	simm.s32 @!p0 $0x1C02  }
0x67: {  	[timem:s3], [sflag:s2] =	dma.local @!p0 [hbm:s0], s1  }
0x68: {  	s0 =	simm.s32 @!p0 $0x2  }
0x69: {  	_ =	swait.ge @!p0 [sflag:s0], s1  }
0x6a: {  	s1 =	ssub.s32 @!p0 $0x0, s1;
	[sflag:s0] =	ssyncset.done @!p0 $0x0  }
0x6b: {  	[sflag:s0] =	ssyncadd.s32 @!p0 s1  }
0x6c: {  	[bflag:$0x3] =	sbarrier.arrive $0xFFFF  }
0x6d: {  	_ =	shalt  }

// kernel: kernel.35.cloned.1.call-start
scs
__scs_entry_jumppad:
0x0: {  	(pc) =	sbr.rel $0x88, $3  }
0x1: {  	(tag) =	ssettag $0x0;
	lr =	simm.s32 $0x1  }
0x2: {  	[smem:$0x3F99] =	sst lr;
	_ =	strace $0xD0000000  }
0x3: {  	_ = 	snop  }
0x4: {  	_ = 	snop  }
0x5: {  	_ = 	snop  }
0x6: {  	_ = 	snop  }
0x7: {  	_ = 	snop  }
__scs_overlays_trampoline_lowered:
0x8: {  	[smem:$0x3FA8] =	sst s0  }
0x9: {  	[smem:$0x3FA9] =	sst s1  }
0xa: {  	[smem:$0x3FAA] =	sst s2  }
0xb: {  	[smem:$0x3FAB] =	sst s3  }
0xc: {  	[smem:$0x3FAC] =	sst s4  }
0xd: {  	[smem:$0x3FAD] =	sst s5  }
0xe: {  	[smem:$0x3FAE] =	sst s6  }
0xf: {  	[smem:$0x3FAF] =	sst s7  }
0x10: {  	[smem:$0x3FB0] =	sst s8  }
0x11: {  	[smem:$0x3FB1] =	sst s9;
	s0 =	simm.s32 @!p0 $0x0  }
0x12: {  	s1 =	sld [smem:$0x3F97];
	s0 =	simm.s32 @p0 $0x1  }
0x13: {  	[smem:$0x3FB2] =	sst s0;
	s0 =	simm.s32 @!p1 $0x0  }
0x14: {  	s2 =	sld [smem:$0x3F96];
	s0 =	simm.s32 @p1 $0x1  }
0x15: {  	[smem:$0x3FB3] =	sst s0;
	s0 =	simm.s32 @!p2 $0x0  }
0x16: {  	s3 =	sld [smem:$0x3FDB];
	s0 =	simm.s32 @p2 $0x1  }
0x17: {  	s4 =	simm.s32 $0x1BF5;
	[smem:$0x3FB5] =	sst s0  }
0x18: {  	s0 =	sld [smem:$0x3F98];
	_ =	swait.ge [sflag:s4], $0x0  }
0x19: {  	s7 =	sld [smem:$0x3F99]  }
0x1a: {  	s8 =	sadd.s32 $0xFFFFE003, lr  }
0x1b: {  	s9 =	sadd.s32 $0xFFFFFEF7, lr;
	s5 =	simm.s32 $0xFFFFFFFF;
	p2 =	slt.u32 s8, $0xFFFFF086  }
0x1c: {  	p1 =	slt.u32 s9, $0xF7A;
	s5 =	simm.s32 @!p2 $0x0  }
0x1d: {  	s5 =	simm.s32 @p1 $0x1;
	p0 =	seq.s32 s7, s2  }
0x1e: {  	s7 =	smul.u32 @!p0 $0xF7A, s2;
	p2 =	seq.s32 @!p0 s5, $0x0  }
0x1f: {  	s9 =	smul.u32 $0xF7A, s1;
	s8 =	simm.s32 @!p0 $0x1BF5;
	p2 =	por !p2, p0  }
0x20: {  	[sflag:s8] =	ssyncset.s32 @!p0 $0xFFFFF086;
	s6 =	sadd.s32 @!p0 s3, s7;
	s7 =	simm.s32 @!p0 $0x108  }
0x21: {  	s3 =	sadd.s32 s3, s9;
	s6 =	sadd.s32 @!p0 $0x88, s6;
	s7 =	simm.s32 @p2 $0x1082  }
0x22: {  	[simem:s7], [sflag:s8] =	dma.local @!p0 [hbm:s6], $0xF7A  }
0x23: {  	s9 =	sor.u32 $0xD0000000, s2;
	s6 =	simm.s32 $0x108;
	_ =	swait.ge @!p0 [sflag:s8], $0x0  }
0x24: {  	s3 =	sadd.s32 $0x88, s3;
	s6 =	simm.s32 @!p1 $0x1082;
	[sflag:s4] =	ssyncset.s32 $0xFFFFF086  }
0x25: {  	[simem:s6], [sflag:s4] =	dma.local [hbm:s3], $0xF7A  }
0x26: {  	[smem:$0x3F99] =	sst s1;
	(tag) =	ssettag s2;
	_ =	strace s9  }
0x27: {  	s1 =	sld [smem:$0x3FA9]  }
0x28: {  	s2 =	sld [smem:$0x3FAA]  }
0x29: {  	s4 =	sld [smem:$0x3FAC]  }
0x2a: {  	p0 =	seq.s32 s5, $0x0;
	s5 =	sld [smem:$0x3FAD]  }
0x2b: {  	s6 =	sld [smem:$0x3FAE]  }
0x2c: {  	s7 =	sld [smem:$0x3FAF]  }
0x2d: {  	s3 =	simm.s32 $0x108;
	s8 =	sld [smem:$0x3FB0]  }
0x2e: {  	s3 =	simm.s32 @!p0 $0x1082;
	s9 =	sld [smem:$0x3FB1]  }
0x2f: {  	lr =	sadd.s32 s0, s3;
	s0 =	sld [smem:$0x3FA8]  }
0x30: {  	s3 =	sld [smem:$0x3FAB]  }
0x31: {  	[smem:$0x3FB4] =	sst s10  }
0x32: {  	s10 =	sld [smem:$0x3FB2];
	_ =	sdelay $0x3  }
0x33: {  	p0 =	seq.s32 s10, $0x1;
	s10 =	sld [smem:$0x3FB4];
	_ =	sdelay $0x3  }
0x34: {  	[smem:$0x3FB4] =	sst s10  }
0x35: {  	s10 =	sld [smem:$0x3FB3];
	_ =	sdelay $0x3  }
0x36: {  	p1 =	seq.s32 s10, $0x1;
	s10 =	sld [smem:$0x3FB4];
	_ =	sdelay $0x3  }
0x37: {  	[smem:$0x3FB4] =	sst s10  }
0x38: {  	s10 =	sld [smem:$0x3FB5]  }
0x39: {  	_ = 	snop;
	(pc) =	sbr.ind lr, $3  }
0x3a: {  	_ = 	snop  }
0x3b: {  	_ = 	snop  }
0x3c: {  	p2 =	seq.s32 s10, $0x1;
	s10 =	sld [smem:$0x3FB4]  }
0x3d: {  	_ =	shalt  }
0x3e: {  	_ =	shalt  }
0x3f: {  	_ =	shalt  }
0x40: {  	_ =	shalt  }
0x41: {  	_ =	shalt  }
0x42: {  	_ =	shalt  }
0x43: {  	_ =	shalt  }
0x44: {  	_ =	shalt  }
0x45: {  	_ =	shalt  }
0x46: {  	_ =	shalt  }
0x47: {  	_ =	shalt  }
0x48: {  	_ =	shalt  }
0x49: {  	_ =	shalt  }
0x4a: {  	_ =	shalt  }
0x4b: {  	_ =	shalt  }
0x4c: {  	_ =	shalt  }
0x4d: {  	_ =	shalt  }
0x4e: {  	_ =	shalt  }
0x4f: {  	_ =	shalt  }
0x50: {  	_ =	shalt  }
0x51: {  	_ =	shalt  }
0x52: {  	_ =	shalt  }
0x53: {  	_ =	shalt  }
0x54: {  	_ =	shalt  }
0x55: {  	_ =	shalt  }
0x56: {  	_ =	shalt  }
0x57: {  	_ =	shalt  }
0x58: {  	_ =	shalt  }
0x59: {  	_ =	shalt  }
0x5a: {  	_ =	shalt  }
0x5b: {  	_ =	shalt  }
0x5c: {  	_ =	shalt  }
0x5d: {  	_ =	shalt  }
0x5e: {  	_ =	shalt  }
0x5f: {  	_ =	shalt  }
0x60: {  	_ =	shalt  }
0x61: {  	_ =	shalt  }
0x62: {  	_ =	shalt  }
0x63: {  	_ =	shalt  }
0x64: {  	_ =	shalt  }
0x65: {  	_ =	shalt  }
0x66: {  	_ =	shalt  }
0x67: {  	_ =	shalt  }
0x68: {  	_ =	shalt  }
0x69: {  	_ =	shalt  }
0x6a: {  	_ =	shalt  }
0x6b: {  	_ =	shalt  }
0x6c: {  	_ =	shalt  }
0x6d: {  	_ =	shalt  }
0x6e: {  	_ =	shalt  }
0x6f: {  	_ =	shalt  }
0x70: {  	_ =	shalt  }
0x71: {  	_ =	shalt  }
0x72: {  	_ =	shalt  }
0x73: {  	_ =	shalt  }
0x74: {  	_ =	shalt  }
0x75: {  	_ =	shalt  }
0x76: {  	_ =	shalt  }
0x77: {  	_ =	shalt  }
0x78: {  	_ =	shalt  }
0x79: {  	_ =	shalt  }
0x7a: {  	_ =	shalt  }
0x7b: {  	_ =	shalt  }
0x7c: {  	_ =	shalt  }
0x7d: {  	_ =	shalt  }
0x7e: {  	_ =	shalt  }
0x7f: {  	_ =	shalt  }
0x80: {  	_ =	shalt  }
0x81: {  	_ =	shalt  }
0x82: {  	_ =	shalt  }
0x83: {  	_ =	shalt  }
0x84: {  	_ =	shalt  }
0x85: {  	_ =	shalt  }
0x86: {  	_ =	shalt  }
0x87: {  	_ =	shalt  }
.Lfunc_end0:
.L_simem_size_0:
called_computation.4_lowered:
.L_overlay_start_0:
0x88: {  	s2 =	sld [smem:$0x3FD9]  }
0x89: {  	s3 =	sld [smem:$0x3FFE];
	_ =	sdelay $0x1  }
0x8a: {  	s1 =	srdreg.scid  }
0x8b: {  	s0 =	sand.u32 $0x1, s1  }
0x8c: {  	s17 =	sshll.u32 s0, $0xA;
	s2 =	sadd.s32 s3, s2  }
0x8d: {  	s2 =	sadd.s32 s2, s17  }
0x8e: {  	[smem:$0x3FC0] =	sst s2  }
0x8f: {  	_ = 	snop  }
0x90: {  	s2 =	sld [smem:$0x3FD0];
	(tm) =	ssettm $0x1  }
0x91: {  	s18 =	sld [smem:$0x3FFB];
	_ =	sdelay $0x3  }
0x92: {  	_ =	strace s18  }
0x93: {  	s3 =	sld [smem:$0x3FFC];
	_ =	sdelay $0x3  }
0x94: {  	_ =	strace s3  }
0x95: {  	s3 =	sld [smem:$0x3FFD];
	_ =	sdelay $0x3  }
0x96: {  	_ =	strace s3  }
0x97: {  	_ =	strace $0x8FFFFFFF  }
0x98: {  	s19 =	sld [smem:$0x3FDB];
	_ =	sdelay $0x1  }
0x99: {  	s4 =	simm.s32 $_scs_section_size  }
0x9a: {  	s5 =	simm.s32 $_size__tile_overlayer_lowered;
	s6 =	simm.s32 $_tile_overlayer_lowered  }
0x9b: {  	s22 =	simm.s32 $0x1BFF;
	s21 =	sshll.u32 s6, $0x1;
	s3 =	sadd.s32 s4, s19  }
0x9c: {  	s7 =	simm.s32 $0x0;
	s20 =	sshll.u32 s5, $0x1;
	s5 =	sadd.s32 s21, s3  }
0x9d: {  	[timem:s7], [sflag:s22] =	dma.local [hbm:s5], s20  }
0x9e: {  	_ =	swait.ge [sflag:s22], s20  }
0x9f: {  	s4 =	ssub.s32 $0x0, s20;
	[sflag:s22] =	ssyncset.done $0x0  }
0xa0: {  	[sflag:s22] =	ssyncadd.s32 s4;
	_ =	sdelay $0x1  }
0xa1: {  	s23 =	simm.s32 $0x1B8B  }
0xa2: {  	_ =	swait.ge [sflag:s23], $0x1  }
0xa3: {  	[sflag:s23] =	ssyncset.done $0x0  }
0xa4: {  	s25 =	simm.s32 $0x1B8E;
	s24 =	sld [smem:$0x3FFE];
	[sflag:s23] =	ssyncadd.s32 $0xFFFFFFFF  }
0xa5: {  	s26 =	simm.s32 $execute0_lowered;
	[smem:$0x3FD2] =	sst s25  }
0xa6: {  	s5 =	sshll.u32 s26, $0x1;
	_ =	strace $0x80000052;
	[dreg:$0x1] =	wrdreg $0xFFFFFFFF  }
0xa7: {  	s28 =	simm.s32 $_size_execute0_lowered;
	s3 =	sadd.s32 s3, s5;
	[dreg:$0x0] =	wrdreg $0x0  }
0xa8: {  	s5 =	sshll.u32 s28, $0x1;
	[dreg:$0x2] =	wrdreg s3  }
0xa9: {  	[dreg:$0x3] =	wrdreg s5  }
0xaa: {  	[dreg:$0x4] =	wrdreg $0xC0  }
0xab: {  	_ =	task [dreg:s7], $0x5FFFF  }
0xac: {  	[dreg:$0x1] =	wrdreg $0xFFFFFFFF  }
0xad: {  	[dreg:$0x0] =	wrdreg $0x60  }
0xae: {  	[dreg:$0x2] =	wrdreg s2  }
0xaf: {  	[dreg:$0x3] =	wrdreg s24  }
0xb0: {  	[dreg:$0x4] =	wrdreg $0xC1800  }
0xb1: {  	[dreg:$0x5] =	wrdreg $0x9  }
0xb2: {  	_ =	task.clear_ibuf [dreg:s7], $0x6FFFF;
	_ =	strace $0x90000052  }
0xb3: {  	s29 =	simm.s32 $0x9;
	_ =	strace $0x80000054  }
0xb4: {  	_ =	swait.ge [sflag:s29], $0x1  }
0xb5: {  	[sflag:s29] =	ssyncadd.s32 $0xFFFFFFFF  }
0xb6: {  	_ =	strace $0x90000054  }
0xb7: {  	_ =	sfence  }
0xb8: {  	s30 =	sld [smem:$0x0];
	_ =	sdelay $0x2  }
0xb9: {  	s31 =	sshll.u32 s1, $0xD;
	s1 =	sshrl.u32 s1, $0x2  }
0xba: {  	s3 =	sand.u32 $0x4000, s31;
	s1 =	sadd.s32 s1, s30  }
0xbb: {  	s0 =	sor.u32 s3, s0;
	s1 =	sshll.u32 s1, $0x11  }
0xbc: {  	s0 =	sor.u32 s1, s0  }
0xbd: {  	s0 =	sadd.s32 $0x8F2B, s0  }
0xbe: {  	[sflag:s0] =	ssyncadd.remote.s32 $0x1  }
0xbf: {  	_ =	sfence.sel $0xFFFF  }
0xc0: {  	[dreg:$0x0] =	wrdreg $0xFFFFFFFF;
	(pc) =	sbr.abs _section_cstart, $3  }
0xc1: {  	[dreg:$0x1] =	wrdreg $0xFFFFFFFF  }
0xc2: {  	_ =	task.clear_ibuf [dreg:s7], $0x2FFFF;
	_ =	strace $0x9FFFFFFF  }
0xc3: {  	(tm) =	ssettm $0x7FFFFFFF  }
tec
execute0_lowered:
.L_overlay_start_1:
0x0: {  	(tag) =	ssettag $0x1  }
0x1: {  	s1 =	rddreg [dreg:$0x0]  }
0x2: {  	s8 =	rddreg [dreg:$0x1]  }
0x3: {  	s3 =	rddreg [dreg:$0x2]  }
0x4: {  	s0 =	rddreg [dreg:$0x3]  }
0x5: {  	s5 =	srdreg.scid;
	s2 =	stileid.u32  }
0x6: {  	s4 =	simm.s32 $0x0;
	s13 =	simm.s32 $0x2;
	s14 =	simm.s32 $0x80  }
0x7: {  	s15 =	simm.s32 $0x100;
	s16 =	simm.s32 $0x180;
	s17 =	simm.s32 $0x1  }
0x8: {  	s9 =	sand.u32 $0x1, s5;
	s10 =	smul.u32 $0xA000, s2;
	[smem:$0x7FF] =	sst s4  }
0x9: {  	s5 =	sadd.s32 $0x11400, s8;
	s6 =	sadd.s32 $0x7600, s8;
	s7 =	smul.u32 $0xA0000, s9  }
0xa: {  	s18 =	sshll.u32 s2, $0x6;
	_ =	strace $0x80000053;
	s12 =	ssub.s32 $0x2, s9  }
0xb: {  	s9 =	sshll.u32 s9, $0x4;
	s18 =	sor.u32 $0x1C02, s18;
	s11 =	sadd.s32 s10, s7  }
0xc: {  	s31 =	sshrl.u32 s12, $0x1;
	s9 =	sor.u32 s2, s9;
	s11 =	sshrl.u32 s11, $0x3  }
0xd: {  	s7 =	sadd.s32 $0x42400, s8;
	s12 =	ssub.s32 s12, s31;
	s11 =	sadd.s32 s11, s8  }
0xe: {  	s9 =	smul.u32 $0x2780, s9;
	s8 =	sadd.s32 s10, s3;
	s10 =	sadd.s32 $0x4C200, s11  }
0xf: {  	v0 =	vimm.f32 $0.0e+00;
	s11 =	smax.u32 s12, $0x1;
	s12 =	simm.s32 $0x2180;
	s19 =	sshrl.u32 s8, $0x3  }
.LBB2_1:
0x10: {  	s21 =	simm.s32 $0x100;
	s20 =	simm.s32 $0x0  }
.LBB2_2:
0x11: {  	p0 =	sne.s32 s21, $0x27F00;
	[tilespmem:s20+$0x21B0] =	vst v0;
	s22 =	smov.u32 s21;
	s21 =	sadd.s32 $0x100, s21  }
.Ltmp0:
0x12: {  	[tilespmem:s20+$0x21A0] =	vst v0;
	(pc) =	sbr.rel @p0 .LBB2_2-.Ltmp0, $3  }
0x13: {  	[tilespmem:s20+$0x2180] =	vst v0  }
0x14: {  	[tilespmem:s20+$0x2190] =	vst v0;
	_ =	sdelay $0x1  }
0x15: {  	s20 =	sshra.s32 s22, $0x2  }
0x16: {  	[tilespmem:s20+$0x21B0] =	vst v0  }
0x17: {  	[tilespmem:s20+$0x21A0] =	vst v0  }
0x18: {  	[tilespmem:s20+$0x2180] =	vst v0  }
0x19: {  	[tilespmem:s20+$0x2190] =	vst v0  }
0x1a: {  	[spmem:s8] =	stream.linear.scatter [tilespmem:s12], [sflag:$0x2], $0xA000, $0x38;
	[tilespmem:$0x16180] =	vst v63  }
0x1b: {  	_ =	swait.ge [sflag:s13], $0xA000  }
0x1c: {  	[sflag:s13] =	ssyncset.done $0x0  }
0x1d: {  	[sflag:s13] =	ssyncadd.s32 $0xFFFF6000  }
0x1e: {  	s20 =	simm.s32 $0x0;
	s21 =	simm.s32 $0x0;
	[bflag:$0x0] =	sbarrier.arrive $0xFFFF  }
.LBB2_4:
0x1f: {  	s22 =	sshll.u32 s21, $0x7  }
0x20: {  	s22 =	sadd.s32 s9, s22  }
0x21: {  	s22 =	sshrl.u32 s22, $0x3  }
0x22: {  	s23 =	sadd.s32 s5, s22  }
0x23: {  	[tilespmem:s20], [sflag:$0x2] =	stream.linear.gather [hbm4b:s23+s20], $0x80, $0x38;
	[tilespmem:$0x16180] =	vst v63  }
0x24: {  	_ =	swait.ge [sflag:s13], $0x80  }
0x25: {  	[sflag:s13] =	ssyncset.done $0x0  }
0x26: {  	s31 =	sadd.s32 s6, s22;
	[sflag:s13] =	ssyncadd.s32 $0xFFFFFF80  }
0x27: {  	[tilespmem:s14], [sflag:$0x2] =	stream.linear.gather [hbm4b:s31+s20], $0x80, $0x38;
	[tilespmem:$0x16180] =	vst v63  }
0x28: {  	_ =	swait.ge [sflag:s13], $0x80  }
0x29: {  	[sflag:s13] =	ssyncset.done $0x0  }
0x2a: {  	s22 =	sadd.s32 s7, s22;
	[sflag:s13] =	ssyncadd.s32 $0xFFFFFF80  }
0x2b: {  	[tilespmem:s15], [sflag:$0x2] =	stream.linear.gather [hbm4b:s22+s20], $0x80, $0x38;
	[tilespmem:$0x16180] =	vst v63  }
0x2c: {  	_ =	swait.ge [sflag:s13], $0x80  }
0x2d: {  	[sflag:s13] =	ssyncset.done $0x0  }
0x2e: {  	[sflag:s13] =	ssyncadd.s32 $0xFFFFFF80  }
0x2f: {  	[tilespmem:s16], [sflag:$0x1] =	stream.indirect.gather [hbm4b:s1+s14], $0x40, s20, s14, $0xb8;
	[tilespmem:$0x16180] =	vst v63  }
0x30: {  	v1 =	vmov s20;
	_ =	swait.ge [sflag:s17], $0x2000  }
0x31: {  	[sflag:s17] =	ssyncset.done $0x0  }
0x32: {  	s22 =	simm.s32 $0x1A0;
	[sflag:s17] =	ssyncadd.s32 $0xFFFFE000  }
0x33: {  	v3 =	vld [tilespmem:s22+$0xFFFFFFF0]  }
0x34: {  	v4 =	vld [tilespmem:s22+$0x10]  }
0x35: {  	v6 =	vld.idx.msk [tilespmem:v1+s15+$0x0], $0xffff  }
0x36: {  	v1 =	vld [tilespmem:s22+$0xFFFFFFE0]  }
0x37: {  	v7 =	vld [tilespmem:s22+$0x0];
	_ =	sdelay $0x3  }
0x38: {  	s24 =	simm.s32 $0x1;
	v2 =	vmul.f32 v1, v6;
	v5 =	vmul.f32 v4, v6  }
0x39: {  	s23 =	simm.s32 $0x2;
	v1 =	vmov s24;
	v4 =	vmul.f32 v3, v6;
	v3 =	vmul.f32 v7, v6;
	s24 =	simm.s32 $0x1A0  }
.LBB2_5:
0x3a: {  	p0 =	sne.s32 s23, $0x7F  }
0x3b: {  	[tilespmem:s22+$0x10] =	vst v5;
	s24 =	sadd.s32 $0x40, s24;
	s25 =	smov.u32 s23;
	s23 =	sadd.s32 $0x1, s23  }
0x3c: {  	[tilespmem:s22+$0xFFFFFFE0] =	vst v2  }
0x3d: {  	v6 =	vld [tilespmem:s24+$0xFFFFFFF0];
	[tilespmem:s22+$0xFFFFFFF0] =	vst v4  }
0x3e: {  	v4 =	vld [tilespmem:s24+$0x10];
	[tilespmem:s22+$0x0] =	vst v3;
	s22 =	smov.u32 s24  }
0x3f: {  	v3 =	vld.idx.msk [tilespmem:v1+s15+$0x0], $0xffff  }
0x40: {  	v1 =	vld [tilespmem:s24+$0xFFFFFFE0]  }
0x41: {  	v7 =	vld [tilespmem:s24+$0x0]  }
.Ltmp1:
0x42: {  	(pc) =	sbr.rel @p0 .LBB2_5-.Ltmp1, $3  }
0x43: {  	_ =	sdelay $0x1  }
0x44: {  	v5 =	vmul.f32 v4, v3;
	v2 =	vmul.f32 v1, v3  }
0x45: {  	v4 =	vmul.f32 v6, v3;
	v1 =	vmov s25;
	v3 =	vmul.f32 v7, v3  }
0x46: {  	[tilespmem:s22+$0x10] =	vst v5  }
0x47: {  	s23 =	sadd.s32 $0x40, s24;
	[tilespmem:s22+$0xFFFFFFE0] =	vst v2  }
0x48: {  	v2 =	vld [tilespmem:s23+$0xFFFFFFF0];
	[tilespmem:s22+$0xFFFFFFF0] =	vst v4  }
0x49: {  	v4 =	vld [tilespmem:s23+$0x10];
	[tilespmem:s22+$0x0] =	vst v3  }
0x4a: {  	v1 =	vld.idx.msk [tilespmem:v1+s15+$0x0], $0xffff  }
0x4b: {  	v3 =	vld [tilespmem:s23+$0xFFFFFFE0];
	_ =	sdelay $0x1  }
0x4c: {  	v5 =	vld [tilespmem:s23+$0x0];
	_ =	sdelay $0x1  }
0x4d: {  	v4 =	vmul.f32 v4, v1  }
0x4e: {  	v3 =	vmul.f32 v3, v1  }
0x4f: {  	v2 =	vmul.f32 v2, v1;
	[tilespmem:s23+$0x10] =	vst v4  }
0x50: {  	s21 =	sadd.s32 $0x1, s21;
	v1 =	vmul.f32 v5, v1;
	[tilespmem:s23+$0xFFFFFFE0] =	vst v3  }
0x51: {  	p0 =	sne.s32 s21, $0x4F;
	[tilespmem:s23+$0xFFFFFFF0] =	vst v2  }
.Ltmp2:
0x52: {  	[tilespmem:s23+$0x0] =	vst v1;
	(pc) =	sbr.rel @p0 .LBB2_4-.Ltmp2, $4  }
0x53: {  	[spmem:s3] =	stream.indirect.scatter.add.f32 [tilespmem:s16], [sflag:$0x2], $0x40, s14, s14, $0xb8;
	[tilespmem:$0x16180] =	vst v63  }
0x54: {  	_ =	swait.ge [sflag:s13], $0x2000  }
0x55: {  	[sflag:s13] =	ssyncset.done $0x0  }
0x56: {  	[sflag:s13] =	ssyncadd.s32 $0xFFFFE000  }
0x57: {  	s4 =	sadd.s32 $0x1, s4  }
0x58: {  	p0 =	sne.s32 s4, s11  }
.Ltmp3:
0x59: {  	[bflag:$0x0] =	sbarrier.arrive $0xFFFF;
	(pc) =	sbr.rel @p0 .LBB2_1-.Ltmp3, $4  }
0x5a: {  	[hbm:s10], [sflag:s18] =	dma.local [spmem:s19], $0x1400  }
0x5b: {  	_ =	swait.ge [sflag:s13], $0x1400  }
0x5c: {  	[sflag:s13] =	ssyncset.done $0x0  }
0x5d: {  	[sflag:s13] =	ssyncadd.s32 $0xFFFFEC00  }
0x5e: {  	_ =	sfence.sel $0x180000  }
0x5f: {  	[bflag:$0x0] =	sbarrier.arrive $0xFFFF  }
0x60: {  	p0 =	sne.s32 s2, $0x0;
	_ =	strace $0x90000053  }
0x61: {  	s0 =	sadd.s32 @!p0 $0x100000, s0;
	[bflag:$0x2] =	sbarrier.arrive $0xFFFF  }
0x62: {  	[sflag:s0] =	ssyncadd.tile.s32 @!p0 $0x1;
	_ =	shalt  }
.Lfunc_end2:
_tile_overlayer_lowered:
.L_overlay_start_2:
0x63: {  	(tag) =	ssettag $0x2  }
0x64: {  	s0 =	rddreg [dreg:$0x0];
	s2 =	stileid.u32  }
0x65: {  	s1 =	rddreg [dreg:$0x1];
	p0 =	sne.s32 s2, $0x0  }
0x66: {  	s3 =	rddreg [dreg:$0x2];
	[bflag:$0x3] =	sbarrier.arrive $0xFFFF;
	s2 =	simm.s32 @!p0 $0x1C02  }
0x67: {  	[timem:s3], [sflag:s2] =	dma.local @!p0 [hbm:s0], s1  }
0x68: {  	s0 =	simm.s32 @!p0 $0x2  }
0x69: {  	_ =	swait.ge @!p0 [sflag:s0], s1  }
0x6a: {  	s1 =	ssub.s32 @!p0 $0x0, s1;
	[sflag:s0] =	ssyncset.done @!p0 $0x0  }
0x6b: {  	[sflag:s0] =	ssyncadd.s32 @!p0 s1  }
0x6c: {  	[bflag:$0x3] =	sbarrier.arrive $0xFFFF  }
0x6d: {  	_ =	shalt  }

// kernel: kernel.38.cloned.1.call-start
scs
__scs_entry_jumppad:
0x0: {  	(pc) =	sbr.rel $0x88, $3  }
0x1: {  	(tag) =	ssettag $0x0;
	lr =	simm.s32 $0x1  }
0x2: {  	[smem:$0x3F99] =	sst lr;
	_ =	strace $0xD0000000  }
0x3: {  	_ = 	snop  }
0x4: {  	_ = 	snop  }
0x5: {  	_ = 	snop  }
0x6: {  	_ = 	snop  }
0x7: {  	_ = 	snop  }
__scs_overlays_trampoline_lowered:
0x8: {  	[smem:$0x3FA8] =	sst s0  }
0x9: {  	[smem:$0x3FA9] =	sst s1  }
0xa: {  	[smem:$0x3FAA] =	sst s2  }
0xb: {  	[smem:$0x3FAB] =	sst s3  }
0xc: {  	[smem:$0x3FAC] =	sst s4  }
0xd: {  	[smem:$0x3FAD] =	sst s5  }
0xe: {  	[smem:$0x3FAE] =	sst s6  }
0xf: {  	[smem:$0x3FAF] =	sst s7  }
0x10: {  	[smem:$0x3FB0] =	sst s8  }
0x11: {  	[smem:$0x3FB1] =	sst s9;
	s0 =	simm.s32 @!p0 $0x0  }
0x12: {  	s1 =	sld [smem:$0x3F97];
	s0 =	simm.s32 @p0 $0x1  }
0x13: {  	[smem:$0x3FB2] =	sst s0;
	s0 =	simm.s32 @!p1 $0x0  }
0x14: {  	s2 =	sld [smem:$0x3F96];
	s0 =	simm.s32 @p1 $0x1  }
0x15: {  	[smem:$0x3FB3] =	sst s0;
	s0 =	simm.s32 @!p2 $0x0  }
0x16: {  	s3 =	sld [smem:$0x3FDB];
	s0 =	simm.s32 @p2 $0x1  }
0x17: {  	s4 =	simm.s32 $0x1BF5;
	[smem:$0x3FB5] =	sst s0  }
0x18: {  	s0 =	sld [smem:$0x3F98];
	_ =	swait.ge [sflag:s4], $0x0  }
0x19: {  	s7 =	sld [smem:$0x3F99]  }
0x1a: {  	s8 =	sadd.s32 $0xFFFFE003, lr  }
0x1b: {  	s9 =	sadd.s32 $0xFFFFFEF7, lr;
	s5 =	simm.s32 $0xFFFFFFFF;
	p2 =	slt.u32 s8, $0xFFFFF086  }
0x1c: {  	p1 =	slt.u32 s9, $0xF7A;
	s5 =	simm.s32 @!p2 $0x0  }
0x1d: {  	s5 =	simm.s32 @p1 $0x1;
	p0 =	seq.s32 s7, s2  }
0x1e: {  	s7 =	smul.u32 @!p0 $0xF7A, s2;
	p2 =	seq.s32 @!p0 s5, $0x0  }
0x1f: {  	s9 =	smul.u32 $0xF7A, s1;
	s8 =	simm.s32 @!p0 $0x1BF5;
	p2 =	por !p2, p0  }
0x20: {  	[sflag:s8] =	ssyncset.s32 @!p0 $0xFFFFF086;
	s6 =	sadd.s32 @!p0 s3, s7;
	s7 =	simm.s32 @!p0 $0x108  }
0x21: {  	s3 =	sadd.s32 s3, s9;
	s6 =	sadd.s32 @!p0 $0x88, s6;
	s7 =	simm.s32 @p2 $0x1082  }
0x22: {  	[simem:s7], [sflag:s8] =	dma.local @!p0 [hbm:s6], $0xF7A  }
0x23: {  	s9 =	sor.u32 $0xD0000000, s2;
	s6 =	simm.s32 $0x108;
	_ =	swait.ge @!p0 [sflag:s8], $0x0  }
0x24: {  	s3 =	sadd.s32 $0x88, s3;
	s6 =	simm.s32 @!p1 $0x1082;
	[sflag:s4] =	ssyncset.s32 $0xFFFFF086  }
0x25: {  	[simem:s6], [sflag:s4] =	dma.local [hbm:s3], $0xF7A  }
0x26: {  	[smem:$0x3F99] =	sst s1;
	(tag) =	ssettag s2;
	_ =	strace s9  }
0x27: {  	s1 =	sld [smem:$0x3FA9]  }
0x28: {  	s2 =	sld [smem:$0x3FAA]  }
0x29: {  	s4 =	sld [smem:$0x3FAC]  }
0x2a: {  	p0 =	seq.s32 s5, $0x0;
	s5 =	sld [smem:$0x3FAD]  }
0x2b: {  	s6 =	sld [smem:$0x3FAE]  }
0x2c: {  	s7 =	sld [smem:$0x3FAF]  }
0x2d: {  	s3 =	simm.s32 $0x108;
	s8 =	sld [smem:$0x3FB0]  }
0x2e: {  	s3 =	simm.s32 @!p0 $0x1082;
	s9 =	sld [smem:$0x3FB1]  }
0x2f: {  	lr =	sadd.s32 s0, s3;
	s0 =	sld [smem:$0x3FA8]  }
0x30: {  	s3 =	sld [smem:$0x3FAB]  }
0x31: {  	[smem:$0x3FB4] =	sst s10  }
0x32: {  	s10 =	sld [smem:$0x3FB2];
	_ =	sdelay $0x3  }
0x33: {  	p0 =	seq.s32 s10, $0x1;
	s10 =	sld [smem:$0x3FB4];
	_ =	sdelay $0x3  }
0x34: {  	[smem:$0x3FB4] =	sst s10  }
0x35: {  	s10 =	sld [smem:$0x3FB3];
	_ =	sdelay $0x3  }
0x36: {  	p1 =	seq.s32 s10, $0x1;
	s10 =	sld [smem:$0x3FB4];
	_ =	sdelay $0x3  }
0x37: {  	[smem:$0x3FB4] =	sst s10  }
0x38: {  	s10 =	sld [smem:$0x3FB5]  }
0x39: {  	_ = 	snop;
	(pc) =	sbr.ind lr, $3  }
0x3a: {  	_ = 	snop  }
0x3b: {  	_ = 	snop  }
0x3c: {  	p2 =	seq.s32 s10, $0x1;
	s10 =	sld [smem:$0x3FB4]  }
0x3d: {  	_ =	shalt  }
0x3e: {  	_ =	shalt  }
0x3f: {  	_ =	shalt  }
0x40: {  	_ =	shalt  }
0x41: {  	_ =	shalt  }
0x42: {  	_ =	shalt  }
0x43: {  	_ =	shalt  }
0x44: {  	_ =	shalt  }
0x45: {  	_ =	shalt  }
0x46: {  	_ =	shalt  }
0x47: {  	_ =	shalt  }
0x48: {  	_ =	shalt  }
0x49: {  	_ =	shalt  }
0x4a: {  	_ =	shalt  }
0x4b: {  	_ =	shalt  }
0x4c: {  	_ =	shalt  }
0x4d: {  	_ =	shalt  }
0x4e: {  	_ =	shalt  }
0x4f: {  	_ =	shalt  }
0x50: {  	_ =	shalt  }
0x51: {  	_ =	shalt  }
0x52: {  	_ =	shalt  }
0x53: {  	_ =	shalt  }
0x54: {  	_ =	shalt  }
0x55: {  	_ =	shalt  }
0x56: {  	_ =	shalt  }
0x57: {  	_ =	shalt  }
0x58: {  	_ =	shalt  }
0x59: {  	_ =	shalt  }
0x5a: {  	_ =	shalt  }
0x5b: {  	_ =	shalt  }
0x5c: {  	_ =	shalt  }
0x5d: {  	_ =	shalt  }
0x5e: {  	_ =	shalt  }
0x5f: {  	_ =	shalt  }
0x60: {  	_ =	shalt  }
0x61: {  	_ =	shalt  }
0x62: {  	_ =	shalt  }
0x63: {  	_ =	shalt  }
0x64: {  	_ =	shalt  }
0x65: {  	_ =	shalt  }
0x66: {  	_ =	shalt  }
0x67: {  	_ =	shalt  }
0x68: {  	_ =	shalt  }
0x69: {  	_ =	shalt  }
0x6a: {  	_ =	shalt  }
0x6b: {  	_ =	shalt  }
0x6c: {  	_ =	shalt  }
0x6d: {  	_ =	shalt  }
0x6e: {  	_ =	shalt  }
0x6f: {  	_ =	shalt  }
0x70: {  	_ =	shalt  }
0x71: {  	_ =	shalt  }
0x72: {  	_ =	shalt  }
0x73: {  	_ =	shalt  }
0x74: {  	_ =	shalt  }
0x75: {  	_ =	shalt  }
0x76: {  	_ =	shalt  }
0x77: {  	_ =	shalt  }
0x78: {  	_ =	shalt  }
0x79: {  	_ =	shalt  }
0x7a: {  	_ =	shalt  }
0x7b: {  	_ =	shalt  }
0x7c: {  	_ =	shalt  }
0x7d: {  	_ =	shalt  }
0x7e: {  	_ =	shalt  }
0x7f: {  	_ =	shalt  }
0x80: {  	_ =	shalt  }
0x81: {  	_ =	shalt  }
0x82: {  	_ =	shalt  }
0x83: {  	_ =	shalt  }
0x84: {  	_ =	shalt  }
0x85: {  	_ =	shalt  }
0x86: {  	_ =	shalt  }
0x87: {  	_ =	shalt  }
.Lfunc_end0:
.L_simem_size_0:
called_computation.5_lowered:
.L_overlay_start_0:
0x88: {  	s2 =	sld [smem:$0x3FD9]  }
0x89: {  	s3 =	sld [smem:$0x3FFE];
	_ =	sdelay $0x1  }
0x8a: {  	s1 =	srdreg.scid  }
0x8b: {  	s0 =	sand.u32 $0x1, s1  }
0x8c: {  	s17 =	sshll.u32 s0, $0xA;
	s2 =	sadd.s32 s3, s2  }
0x8d: {  	s2 =	sadd.s32 s2, s17  }
0x8e: {  	[smem:$0x3FC0] =	sst s2  }
0x8f: {  	_ = 	snop  }
0x90: {  	s2 =	sld [smem:$0x3FD0];
	(tm) =	ssettm $0x1  }
0x91: {  	s18 =	sld [smem:$0x3FFB];
	_ =	sdelay $0x3  }
0x92: {  	_ =	strace s18  }
0x93: {  	s3 =	sld [smem:$0x3FFC];
	_ =	sdelay $0x3  }
0x94: {  	_ =	strace s3  }
0x95: {  	s3 =	sld [smem:$0x3FFD];
	_ =	sdelay $0x3  }
0x96: {  	_ =	strace s3  }
0x97: {  	_ =	strace $0x8FFFFFFF  }
0x98: {  	s19 =	sld [smem:$0x3FDB];
	_ =	sdelay $0x1  }
0x99: {  	s4 =	simm.s32 $_scs_section_size  }
0x9a: {  	s5 =	simm.s32 $_size__tile_overlayer_lowered;
	s6 =	simm.s32 $_tile_overlayer_lowered  }
0x9b: {  	s22 =	simm.s32 $0x1BFF;
	s21 =	sshll.u32 s6, $0x1;
	s3 =	sadd.s32 s4, s19  }
0x9c: {  	s7 =	simm.s32 $0x0;
	s20 =	sshll.u32 s5, $0x1;
	s5 =	sadd.s32 s21, s3  }
0x9d: {  	[timem:s7], [sflag:s22] =	dma.local [hbm:s5], s20  }
0x9e: {  	_ =	swait.ge [sflag:s22], s20  }
0x9f: {  	s4 =	ssub.s32 $0x0, s20;
	[sflag:s22] =	ssyncset.done $0x0  }
0xa0: {  	[sflag:s22] =	ssyncadd.s32 s4;
	_ =	sdelay $0x1  }
0xa1: {  	s23 =	simm.s32 $0x1B8B  }
0xa2: {  	_ =	swait.ge [sflag:s23], $0x1  }
0xa3: {  	[sflag:s23] =	ssyncset.done $0x0  }
0xa4: {  	s25 =	simm.s32 $0x1B8E;
	s24 =	sld [smem:$0x3FFE];
	[sflag:s23] =	ssyncadd.s32 $0xFFFFFFFF  }
0xa5: {  	s26 =	simm.s32 $execute0_lowered;
	[smem:$0x3FD2] =	sst s25  }
0xa6: {  	s5 =	sshll.u32 s26, $0x1;
	_ =	strace $0x80000055;
	[dreg:$0x1] =	wrdreg $0xFFFFFFFF  }
0xa7: {  	s28 =	simm.s32 $_size_execute0_lowered;
	s3 =	sadd.s32 s3, s5;
	[dreg:$0x0] =	wrdreg $0x0  }
0xa8: {  	s5 =	sshll.u32 s28, $0x1;
	[dreg:$0x2] =	wrdreg s3  }
0xa9: {  	[dreg:$0x3] =	wrdreg s5  }
0xaa: {  	[dreg:$0x4] =	wrdreg $0xC0  }
0xab: {  	_ =	task [dreg:s7], $0x5FFFF  }
0xac: {  	[dreg:$0x1] =	wrdreg $0xFFFFFFFF  }
0xad: {  	[dreg:$0x0] =	wrdreg $0x60  }
0xae: {  	[dreg:$0x2] =	wrdreg s2  }
0xaf: {  	[dreg:$0x3] =	wrdreg s24  }
0xb0: {  	[dreg:$0x4] =	wrdreg $0xC1800  }
0xb1: {  	[dreg:$0x5] =	wrdreg $0x9  }
0xb2: {  	_ =	task.clear_ibuf [dreg:s7], $0x6FFFF;
	_ =	strace $0x90000055  }
0xb3: {  	s29 =	simm.s32 $0x9;
	_ =	strace $0x80000057  }
0xb4: {  	_ =	swait.ge [sflag:s29], $0x1  }
0xb5: {  	[sflag:s29] =	ssyncadd.s32 $0xFFFFFFFF  }
0xb6: {  	_ =	strace $0x90000057  }
0xb7: {  	_ =	sfence  }
0xb8: {  	s30 =	sld [smem:$0x0];
	_ =	sdelay $0x2  }
0xb9: {  	s31 =	sshll.u32 s1, $0xD;
	s1 =	sshrl.u32 s1, $0x2  }
0xba: {  	s3 =	sand.u32 $0x4000, s31;
	s1 =	sadd.s32 s1, s30  }
0xbb: {  	s0 =	sor.u32 s3, s0;
	s1 =	sshll.u32 s1, $0x11  }
0xbc: {  	s0 =	sor.u32 s1, s0  }
0xbd: {  	s0 =	sadd.s32 $0x8F2B, s0  }
0xbe: {  	[sflag:s0] =	ssyncadd.remote.s32 $0x1  }
0xbf: {  	_ =	sfence.sel $0xFFFF  }
0xc0: {  	[dreg:$0x0] =	wrdreg $0xFFFFFFFF;
	(pc) =	sbr.abs _section_cstart, $3  }
0xc1: {  	[dreg:$0x1] =	wrdreg $0xFFFFFFFF  }
0xc2: {  	_ =	task.clear_ibuf [dreg:s7], $0x2FFFF;
	_ =	strace $0x9FFFFFFF  }
0xc3: {  	(tm) =	ssettm $0x7FFFFFFF  }
tec
execute0_lowered:
.L_overlay_start_1:
0x0: {  	(tag) =	ssettag $0x1  }
0x1: {  	s1 =	rddreg [dreg:$0x0]  }
0x2: {  	s8 =	rddreg [dreg:$0x1]  }
0x3: {  	s3 =	rddreg [dreg:$0x2]  }
0x4: {  	s0 =	rddreg [dreg:$0x3]  }
0x5: {  	s5 =	srdreg.scid;
	s2 =	stileid.u32  }
0x6: {  	s4 =	simm.s32 $0x0;
	s13 =	simm.s32 $0x2;
	s14 =	simm.s32 $0x80  }
0x7: {  	s15 =	simm.s32 $0x100;
	s16 =	simm.s32 $0x180;
	s17 =	simm.s32 $0x1  }
0x8: {  	s9 =	sand.u32 $0x1, s5;
	s10 =	smul.u32 $0xA000, s2;
	[smem:$0x7FF] =	sst s4  }
0x9: {  	s5 =	sadd.s32 $0x11400, s8;
	s6 =	sadd.s32 $0x7600, s8;
	s7 =	smul.u32 $0xA0000, s9  }
0xa: {  	s18 =	sshll.u32 s2, $0x6;
	_ =	strace $0x80000056;
	s12 =	ssub.s32 $0x2, s9  }
0xb: {  	s9 =	sshll.u32 s9, $0x4;
	s18 =	sor.u32 $0x1C02, s18;
	s11 =	sadd.s32 s10, s7  }
0xc: {  	s31 =	sshrl.u32 s12, $0x1;
	s9 =	sor.u32 s2, s9;
	s11 =	sshrl.u32 s11, $0x3  }
0xd: {  	s7 =	sadd.s32 $0x42400, s8;
	s12 =	ssub.s32 s12, s31;
	s11 =	sadd.s32 s11, s8  }
0xe: {  	s9 =	smul.u32 $0x2780, s9;
	s8 =	sadd.s32 s10, s3;
	s10 =	sadd.s32 $0x4C200, s11  }
0xf: {  	v0 =	vimm.f32 $0.0e+00;
	s11 =	smax.u32 s12, $0x1;
	s12 =	simm.s32 $0x2180;
	s19 =	sshrl.u32 s8, $0x3  }
.LBB2_1:
0x10: {  	s21 =	simm.s32 $0x100;
	s20 =	simm.s32 $0x0  }
.LBB2_2:
0x11: {  	p0 =	sne.s32 s21, $0x27F00;
	[tilespmem:s20+$0x21B0] =	vst v0;
	s22 =	smov.u32 s21;
	s21 =	sadd.s32 $0x100, s21  }
.Ltmp0:
0x12: {  	[tilespmem:s20+$0x21A0] =	vst v0;
	(pc) =	sbr.rel @p0 .LBB2_2-.Ltmp0, $3  }
0x13: {  	[tilespmem:s20+$0x2180] =	vst v0  }
0x14: {  	[tilespmem:s20+$0x2190] =	vst v0;
	_ =	sdelay $0x1  }
0x15: {  	s20 =	sshra.s32 s22, $0x2  }
0x16: {  	[tilespmem:s20+$0x21B0] =	vst v0  }
0x17: {  	[tilespmem:s20+$0x21A0] =	vst v0  }
0x18: {  	[tilespmem:s20+$0x2180] =	vst v0  }
0x19: {  	[tilespmem:s20+$0x2190] =	vst v0  }
0x1a: {  	[spmem:s8] =	stream.linear.scatter [tilespmem:s12], [sflag:$0x2], $0xA000, $0x38;
	[tilespmem:$0x16180] =	vst v63  }
0x1b: {  	_ =	swait.ge [sflag:s13], $0xA000  }
0x1c: {  	[sflag:s13] =	ssyncset.done $0x0  }
0x1d: {  	[sflag:s13] =	ssyncadd.s32 $0xFFFF6000  }
0x1e: {  	s20 =	simm.s32 $0x0;
	s21 =	simm.s32 $0x0;
	[bflag:$0x0] =	sbarrier.arrive $0xFFFF  }
.LBB2_4:
0x1f: {  	s22 =	sshll.u32 s21, $0x7  }
0x20: {  	s22 =	sadd.s32 s9, s22  }
0x21: {  	s22 =	sshrl.u32 s22, $0x3  }
0x22: {  	s23 =	sadd.s32 s5, s22  }
0x23: {  	[tilespmem:s20], [sflag:$0x2] =	stream.linear.gather [hbm4b:s23+s20], $0x80, $0x38;
	[tilespmem:$0x16180] =	vst v63  }
0x24: {  	_ =	swait.ge [sflag:s13], $0x80  }
0x25: {  	[sflag:s13] =	ssyncset.done $0x0  }
0x26: {  	s31 =	sadd.s32 s6, s22;
	[sflag:s13] =	ssyncadd.s32 $0xFFFFFF80  }
0x27: {  	[tilespmem:s14], [sflag:$0x2] =	stream.linear.gather [hbm4b:s31+s20], $0x80, $0x38;
	[tilespmem:$0x16180] =	vst v63  }
0x28: {  	_ =	swait.ge [sflag:s13], $0x80  }
0x29: {  	[sflag:s13] =	ssyncset.done $0x0  }
0x2a: {  	s22 =	sadd.s32 s7, s22;
	[sflag:s13] =	ssyncadd.s32 $0xFFFFFF80  }
0x2b: {  	[tilespmem:s15], [sflag:$0x2] =	stream.linear.gather [hbm4b:s22+s20], $0x80, $0x38;
	[tilespmem:$0x16180] =	vst v63  }
0x2c: {  	_ =	swait.ge [sflag:s13], $0x80  }
0x2d: {  	[sflag:s13] =	ssyncset.done $0x0  }
0x2e: {  	[sflag:s13] =	ssyncadd.s32 $0xFFFFFF80  }
0x2f: {  	[tilespmem:s16], [sflag:$0x1] =	stream.indirect.gather [hbm4b:s1+s14], $0x40, s20, s14, $0xb8;
	[tilespmem:$0x16180] =	vst v63  }
0x30: {  	v1 =	vmov s20;
	_ =	swait.ge [sflag:s17], $0x2000  }
0x31: {  	[sflag:s17] =	ssyncset.done $0x0  }
0x32: {  	s22 =	simm.s32 $0x1A0;
	[sflag:s17] =	ssyncadd.s32 $0xFFFFE000  }
0x33: {  	v3 =	vld [tilespmem:s22+$0xFFFFFFF0]  }
0x34: {  	v4 =	vld [tilespmem:s22+$0x10]  }
0x35: {  	v6 =	vld.idx.msk [tilespmem:v1+s15+$0x0], $0xffff  }
0x36: {  	v1 =	vld [tilespmem:s22+$0xFFFFFFE0]  }
0x37: {  	v7 =	vld [tilespmem:s22+$0x0];
	_ =	sdelay $0x3  }
0x38: {  	s24 =	simm.s32 $0x1;
	v2 =	vmul.f32 v1, v6;
	v5 =	vmul.f32 v4, v6  }
0x39: {  	s23 =	simm.s32 $0x2;
	v1 =	vmov s24;
	v4 =	vmul.f32 v3, v6;
	v3 =	vmul.f32 v7, v6;
	s24 =	simm.s32 $0x1A0  }
.LBB2_5:
0x3a: {  	p0 =	sne.s32 s23, $0x7F  }
0x3b: {  	[tilespmem:s22+$0x10] =	vst v5;
	s24 =	sadd.s32 $0x40, s24;
	s25 =	smov.u32 s23;
	s23 =	sadd.s32 $0x1, s23  }
0x3c: {  	[tilespmem:s22+$0xFFFFFFE0] =	vst v2  }
0x3d: {  	v6 =	vld [tilespmem:s24+$0xFFFFFFF0];
	[tilespmem:s22+$0xFFFFFFF0] =	vst v4  }
0x3e: {  	v4 =	vld [tilespmem:s24+$0x10];
	[tilespmem:s22+$0x0] =	vst v3;
	s22 =	smov.u32 s24  }
0x3f: {  	v3 =	vld.idx.msk [tilespmem:v1+s15+$0x0], $0xffff  }
0x40: {  	v1 =	vld [tilespmem:s24+$0xFFFFFFE0]  }
0x41: {  	v7 =	vld [tilespmem:s24+$0x0]  }
.Ltmp1:
0x42: {  	(pc) =	sbr.rel @p0 .LBB2_5-.Ltmp1, $3  }
0x43: {  	_ =	sdelay $0x1  }
0x44: {  	v5 =	vmul.f32 v4, v3;
	v2 =	vmul.f32 v1, v3  }
0x45: {  	v4 =	vmul.f32 v6, v3;
	v1 =	vmov s25;
	v3 =	vmul.f32 v7, v3  }
0x46: {  	[tilespmem:s22+$0x10] =	vst v5  }
0x47: {  	s23 =	sadd.s32 $0x40, s24;
	[tilespmem:s22+$0xFFFFFFE0] =	vst v2  }
0x48: {  	v2 =	vld [tilespmem:s23+$0xFFFFFFF0];
	[tilespmem:s22+$0xFFFFFFF0] =	vst v4  }
0x49: {  	v4 =	vld [tilespmem:s23+$0x10];
	[tilespmem:s22+$0x0] =	vst v3  }
0x4a: {  	v1 =	vld.idx.msk [tilespmem:v1+s15+$0x0], $0xffff  }
0x4b: {  	v3 =	vld [tilespmem:s23+$0xFFFFFFE0];
	_ =	sdelay $0x1  }
0x4c: {  	v5 =	vld [tilespmem:s23+$0x0];
	_ =	sdelay $0x1  }
0x4d: {  	v4 =	vmul.f32 v4, v1  }
0x4e: {  	v3 =	vmul.f32 v3, v1  }
0x4f: {  	v2 =	vmul.f32 v2, v1;
	[tilespmem:s23+$0x10] =	vst v4  }
0x50: {  	s21 =	sadd.s32 $0x1, s21;
	v1 =	vmul.f32 v5, v1;
	[tilespmem:s23+$0xFFFFFFE0] =	vst v3  }
0x51: {  	p0 =	sne.s32 s21, $0x4F;
	[tilespmem:s23+$0xFFFFFFF0] =	vst v2  }
.Ltmp2:
0x52: {  	[tilespmem:s23+$0x0] =	vst v1;
	(pc) =	sbr.rel @p0 .LBB2_4-.Ltmp2, $4  }
0x53: {  	[spmem:s3] =	stream.indirect.scatter.add.f32 [tilespmem:s16], [sflag:$0x2], $0x40, s14, s14, $0xb8;
	[tilespmem:$0x16180] =	vst v63  }
0x54: {  	_ =	swait.ge [sflag:s13], $0x2000  }
0x55: {  	[sflag:s13] =	ssyncset.done $0x0  }
0x56: {  	[sflag:s13] =	ssyncadd.s32 $0xFFFFE000  }
0x57: {  	s4 =	sadd.s32 $0x1, s4  }
0x58: {  	p0 =	sne.s32 s4, s11  }
.Ltmp3:
0x59: {  	[bflag:$0x0] =	sbarrier.arrive $0xFFFF;
	(pc) =	sbr.rel @p0 .LBB2_1-.Ltmp3, $4  }
0x5a: {  	[hbm:s10], [sflag:s18] =	dma.local [spmem:s19], $0x1400  }
0x5b: {  	_ =	swait.ge [sflag:s13], $0x1400  }
0x5c: {  	[sflag:s13] =	ssyncset.done $0x0  }
0x5d: {  	[sflag:s13] =	ssyncadd.s32 $0xFFFFEC00  }
0x5e: {  	_ =	sfence.sel $0x180000  }
0x5f: {  	[bflag:$0x0] =	sbarrier.arrive $0xFFFF  }
0x60: {  	p0 =	sne.s32 s2, $0x0;
	_ =	strace $0x90000056  }
0x61: {  	s0 =	sadd.s32 @!p0 $0x100000, s0;
	[bflag:$0x2] =	sbarrier.arrive $0xFFFF  }
0x62: {  	[sflag:s0] =	ssyncadd.tile.s32 @!p0 $0x1;
	_ =	shalt  }
.Lfunc_end2:
_tile_overlayer_lowered:
.L_overlay_start_2:
0x63: {  	(tag) =	ssettag $0x2  }
0x64: {  	s0 =	rddreg [dreg:$0x0];
	s2 =	stileid.u32  }
0x65: {  	s1 =	rddreg [dreg:$0x1];
	p0 =	sne.s32 s2, $0x0  }
0x66: {  	s3 =	rddreg [dreg:$0x2];
	[bflag:$0x3] =	sbarrier.arrive $0xFFFF;
	s2 =	simm.s32 @!p0 $0x1C02  }
0x67: {  	[timem:s3], [sflag:s2] =	dma.local @!p0 [hbm:s0], s1  }
0x68: {  	s0 =	simm.s32 @!p0 $0x2  }
0x69: {  	_ =	swait.ge @!p0 [sflag:s0], s1  }
0x6a: {  	s1 =	ssub.s32 @!p0 $0x0, s1;
	[sflag:s0] =	ssyncset.done @!p0 $0x0  }
0x6b: {  	[sflag:s0] =	ssyncadd.s32 @!p0 s1  }
0x6c: {  	[bflag:$0x3] =	sbarrier.arrive $0xFFFF  }
0x6d: {  	_ =	shalt  }

// kernel: kernel.41.cloned.1.call-start
scs
__scs_entry_jumppad:
0x0: {  	(pc) =	sbr.rel $0x88, $3  }
0x1: {  	(tag) =	ssettag $0x0;
	lr =	simm.s32 $0x1  }
0x2: {  	[smem:$0x3F99] =	sst lr;
	_ =	strace $0xD0000000  }
0x3: {  	_ = 	snop  }
0x4: {  	_ = 	snop  }
0x5: {  	_ = 	snop  }
0x6: {  	_ = 	snop  }
0x7: {  	_ = 	snop  }
__scs_overlays_trampoline_lowered:
0x8: {  	[smem:$0x3FA8] =	sst s0  }
0x9: {  	[smem:$0x3FA9] =	sst s1  }
0xa: {  	[smem:$0x3FAA] =	sst s2  }
0xb: {  	[smem:$0x3FAB] =	sst s3  }
0xc: {  	[smem:$0x3FAC] =	sst s4  }
0xd: {  	[smem:$0x3FAD] =	sst s5  }
0xe: {  	[smem:$0x3FAE] =	sst s6  }
0xf: {  	[smem:$0x3FAF] =	sst s7  }
0x10: {  	[smem:$0x3FB0] =	sst s8  }
0x11: {  	[smem:$0x3FB1] =	sst s9;
	s0 =	simm.s32 @!p0 $0x0  }
0x12: {  	s1 =	sld [smem:$0x3F97];
	s0 =	simm.s32 @p0 $0x1  }
0x13: {  	[smem:$0x3FB2] =	sst s0;
	s0 =	simm.s32 @!p1 $0x0  }
0x14: {  	s2 =	sld [smem:$0x3F96];
	s0 =	simm.s32 @p1 $0x1  }
0x15: {  	[smem:$0x3FB3] =	sst s0;
	s0 =	simm.s32 @!p2 $0x0  }
0x16: {  	s3 =	sld [smem:$0x3FDB];
	s0 =	simm.s32 @p2 $0x1  }
0x17: {  	s4 =	simm.s32 $0x1BF5;
	[smem:$0x3FB5] =	sst s0  }
0x18: {  	s0 =	sld [smem:$0x3F98];
	_ =	swait.ge [sflag:s4], $0x0  }
0x19: {  	s7 =	sld [smem:$0x3F99]  }
0x1a: {  	s8 =	sadd.s32 $0xFFFFE003, lr  }
0x1b: {  	s9 =	sadd.s32 $0xFFFFFEF7, lr;
	s5 =	simm.s32 $0xFFFFFFFF;
	p2 =	slt.u32 s8, $0xFFFFF086  }
0x1c: {  	p1 =	slt.u32 s9, $0xF7A;
	s5 =	simm.s32 @!p2 $0x0  }
0x1d: {  	s5 =	simm.s32 @p1 $0x1;
	p0 =	seq.s32 s7, s2  }
0x1e: {  	s7 =	smul.u32 @!p0 $0xF7A, s2;
	p2 =	seq.s32 @!p0 s5, $0x0  }
0x1f: {  	s9 =	smul.u32 $0xF7A, s1;
	s8 =	simm.s32 @!p0 $0x1BF5;
	p2 =	por !p2, p0  }
0x20: {  	[sflag:s8] =	ssyncset.s32 @!p0 $0xFFFFF086;
	s6 =	sadd.s32 @!p0 s3, s7;
	s7 =	simm.s32 @!p0 $0x108  }
0x21: {  	s3 =	sadd.s32 s3, s9;
	s6 =	sadd.s32 @!p0 $0x88, s6;
	s7 =	simm.s32 @p2 $0x1082  }
0x22: {  	[simem:s7], [sflag:s8] =	dma.local @!p0 [hbm:s6], $0xF7A  }
0x23: {  	s9 =	sor.u32 $0xD0000000, s2;
	s6 =	simm.s32 $0x108;
	_ =	swait.ge @!p0 [sflag:s8], $0x0  }
0x24: {  	s3 =	sadd.s32 $0x88, s3;
	s6 =	simm.s32 @!p1 $0x1082;
	[sflag:s4] =	ssyncset.s32 $0xFFFFF086  }
0x25: {  	[simem:s6], [sflag:s4] =	dma.local [hbm:s3], $0xF7A  }
0x26: {  	[smem:$0x3F99] =	sst s1;
	(tag) =	ssettag s2;
	_ =	strace s9  }
0x27: {  	s1 =	sld [smem:$0x3FA9]  }
0x28: {  	s2 =	sld [smem:$0x3FAA]  }
0x29: {  	s4 =	sld [smem:$0x3FAC]  }
0x2a: {  	p0 =	seq.s32 s5, $0x0;
	s5 =	sld [smem:$0x3FAD]  }
0x2b: {  	s6 =	sld [smem:$0x3FAE]  }
0x2c: {  	s7 =	sld [smem:$0x3FAF]  }
0x2d: {  	s3 =	simm.s32 $0x108;
	s8 =	sld [smem:$0x3FB0]  }
0x2e: {  	s3 =	simm.s32 @!p0 $0x1082;
	s9 =	sld [smem:$0x3FB1]  }
0x2f: {  	lr =	sadd.s32 s0, s3;
	s0 =	sld [smem:$0x3FA8]  }
0x30: {  	s3 =	sld [smem:$0x3FAB]  }
0x31: {  	[smem:$0x3FB4] =	sst s10  }
0x32: {  	s10 =	sld [smem:$0x3FB2];
	_ =	sdelay $0x3  }
0x33: {  	p0 =	seq.s32 s10, $0x1;
	s10 =	sld [smem:$0x3FB4];
	_ =	sdelay $0x3  }
0x34: {  	[smem:$0x3FB4] =	sst s10  }
0x35: {  	s10 =	sld [smem:$0x3FB3];
	_ =	sdelay $0x3  }
0x36: {  	p1 =	seq.s32 s10, $0x1;
	s10 =	sld [smem:$0x3FB4];
	_ =	sdelay $0x3  }
0x37: {  	[smem:$0x3FB4] =	sst s10  }
0x38: {  	s10 =	sld [smem:$0x3FB5]  }
0x39: {  	_ = 	snop;
	(pc) =	sbr.ind lr, $3  }
0x3a: {  	_ = 	snop  }
0x3b: {  	_ = 	snop  }
0x3c: {  	p2 =	seq.s32 s10, $0x1;
	s10 =	sld [smem:$0x3FB4]  }
0x3d: {  	_ =	shalt  }
0x3e: {  	_ =	shalt  }
0x3f: {  	_ =	shalt  }
0x40: {  	_ =	shalt  }
0x41: {  	_ =	shalt  }
0x42: {  	_ =	shalt  }
0x43: {  	_ =	shalt  }
0x44: {  	_ =	shalt  }
0x45: {  	_ =	shalt  }
0x46: {  	_ =	shalt  }
0x47: {  	_ =	shalt  }
0x48: {  	_ =	shalt  }
0x49: {  	_ =	shalt  }
0x4a: {  	_ =	shalt  }
0x4b: {  	_ =	shalt  }
0x4c: {  	_ =	shalt  }
0x4d: {  	_ =	shalt  }
0x4e: {  	_ =	shalt  }
0x4f: {  	_ =	shalt  }
0x50: {  	_ =	shalt  }
0x51: {  	_ =	shalt  }
0x52: {  	_ =	shalt  }
0x53: {  	_ =	shalt  }
0x54: {  	_ =	shalt  }
0x55: {  	_ =	shalt  }
0x56: {  	_ =	shalt  }
0x57: {  	_ =	shalt  }
0x58: {  	_ =	shalt  }
0x59: {  	_ =	shalt  }
0x5a: {  	_ =	shalt  }
0x5b: {  	_ =	shalt  }
0x5c: {  	_ =	shalt  }
0x5d: {  	_ =	shalt  }
0x5e: {  	_ =	shalt  }
0x5f: {  	_ =	shalt  }
0x60: {  	_ =	shalt  }
0x61: {  	_ =	shalt  }
0x62: {  	_ =	shalt  }
0x63: {  	_ =	shalt  }
0x64: {  	_ =	shalt  }
0x65: {  	_ =	shalt  }
0x66: {  	_ =	shalt  }
0x67: {  	_ =	shalt  }
0x68: {  	_ =	shalt  }
0x69: {  	_ =	shalt  }
0x6a: {  	_ =	shalt  }
0x6b: {  	_ =	shalt  }
0x6c: {  	_ =	shalt  }
0x6d: {  	_ =	shalt  }
0x6e: {  	_ =	shalt  }
0x6f: {  	_ =	shalt  }
0x70: {  	_ =	shalt  }
0x71: {  	_ =	shalt  }
0x72: {  	_ =	shalt  }
0x73: {  	_ =	shalt  }
0x74: {  	_ =	shalt  }
0x75: {  	_ =	shalt  }
0x76: {  	_ =	shalt  }
0x77: {  	_ =	shalt  }
0x78: {  	_ =	shalt  }
0x79: {  	_ =	shalt  }
0x7a: {  	_ =	shalt  }
0x7b: {  	_ =	shalt  }
0x7c: {  	_ =	shalt  }
0x7d: {  	_ =	shalt  }
0x7e: {  	_ =	shalt  }
0x7f: {  	_ =	shalt  }
0x80: {  	_ =	shalt  }
0x81: {  	_ =	shalt  }
0x82: {  	_ =	shalt  }
0x83: {  	_ =	shalt  }
0x84: {  	_ =	shalt  }
0x85: {  	_ =	shalt  }
0x86: {  	_ =	shalt  }
0x87: {  	_ =	shalt  }
.Lfunc_end0:
.L_simem_size_0:
called_computation.6_lowered:
.L_overlay_start_0:
0x88: {  	s2 =	sld [smem:$0x3FD9]  }
0x89: {  	s3 =	sld [smem:$0x3FFE];
	_ =	sdelay $0x1  }
0x8a: {  	s1 =	srdreg.scid  }
0x8b: {  	s0 =	sand.u32 $0x1, s1  }
0x8c: {  	s17 =	sshll.u32 s0, $0xA;
	s2 =	sadd.s32 s3, s2  }
0x8d: {  	s2 =	sadd.s32 s2, s17  }
0x8e: {  	[smem:$0x3FC0] =	sst s2  }
0x8f: {  	_ = 	snop  }
0x90: {  	s2 =	sld [smem:$0x3FD0];
	(tm) =	ssettm $0x1  }
0x91: {  	s18 =	sld [smem:$0x3FFB];
	_ =	sdelay $0x3  }
0x92: {  	_ =	strace s18  }
0x93: {  	s3 =	sld [smem:$0x3FFC];
	_ =	sdelay $0x3  }
0x94: {  	_ =	strace s3  }
0x95: {  	s3 =	sld [smem:$0x3FFD];
	_ =	sdelay $0x3  }
0x96: {  	_ =	strace s3  }
0x97: {  	_ =	strace $0x8FFFFFFF  }
0x98: {  	s19 =	sld [smem:$0x3FDB];
	_ =	sdelay $0x1  }
0x99: {  	s4 =	simm.s32 $_scs_section_size  }
0x9a: {  	s5 =	simm.s32 $_size__tile_overlayer_lowered;
	s6 =	simm.s32 $_tile_overlayer_lowered  }
0x9b: {  	s22 =	simm.s32 $0x1BFF;
	s21 =	sshll.u32 s6, $0x1;
	s3 =	sadd.s32 s4, s19  }
0x9c: {  	s7 =	simm.s32 $0x0;
	s20 =	sshll.u32 s5, $0x1;
	s5 =	sadd.s32 s21, s3  }
0x9d: {  	[timem:s7], [sflag:s22] =	dma.local [hbm:s5], s20  }
0x9e: {  	_ =	swait.ge [sflag:s22], s20  }
0x9f: {  	s4 =	ssub.s32 $0x0, s20;
	[sflag:s22] =	ssyncset.done $0x0  }
0xa0: {  	[sflag:s22] =	ssyncadd.s32 s4;
	_ =	sdelay $0x1  }
0xa1: {  	s23 =	simm.s32 $0x1B8B  }
0xa2: {  	_ =	swait.ge [sflag:s23], $0x1  }
0xa3: {  	[sflag:s23] =	ssyncset.done $0x0  }
0xa4: {  	s25 =	simm.s32 $0x1B8E;
	s24 =	sld [smem:$0x3FFE];
	[sflag:s23] =	ssyncadd.s32 $0xFFFFFFFF  }
0xa5: {  	s26 =	simm.s32 $execute0_lowered;
	[smem:$0x3FD2] =	sst s25  }
0xa6: {  	s5 =	sshll.u32 s26, $0x1;
	_ =	strace $0x80000058;
	[dreg:$0x1] =	wrdreg $0xFFFFFFFF  }
0xa7: {  	s28 =	simm.s32 $_size_execute0_lowered;
	s3 =	sadd.s32 s3, s5;
	[dreg:$0x0] =	wrdreg $0x0  }
0xa8: {  	s5 =	sshll.u32 s28, $0x1;
	[dreg:$0x2] =	wrdreg s3  }
0xa9: {  	[dreg:$0x3] =	wrdreg s5  }
0xaa: {  	[dreg:$0x4] =	wrdreg $0xC0  }
0xab: {  	_ =	task [dreg:s7], $0x5FFFF  }
0xac: {  	[dreg:$0x1] =	wrdreg $0xFFFFFFFF  }
0xad: {  	[dreg:$0x0] =	wrdreg $0x60  }
0xae: {  	[dreg:$0x2] =	wrdreg s2  }
0xaf: {  	[dreg:$0x3] =	wrdreg s24  }
0xb0: {  	[dreg:$0x4] =	wrdreg $0xC1800  }
0xb1: {  	[dreg:$0x5] =	wrdreg $0x9  }
0xb2: {  	_ =	task.clear_ibuf [dreg:s7], $0x6FFFF;
	_ =	strace $0x90000058  }
0xb3: {  	s29 =	simm.s32 $0x9;
	_ =	strace $0x8000005A  }
0xb4: {  	_ =	swait.ge [sflag:s29], $0x1  }
0xb5: {  	[sflag:s29] =	ssyncadd.s32 $0xFFFFFFFF  }
0xb6: {  	_ =	strace $0x9000005A  }
0xb7: {  	_ =	sfence  }
0xb8: {  	s30 =	sld [smem:$0x0];
	_ =	sdelay $0x2  }
0xb9: {  	s31 =	sshll.u32 s1, $0xD;
	s1 =	sshrl.u32 s1, $0x2  }
0xba: {  	s3 =	sand.u32 $0x4000, s31;
	s1 =	sadd.s32 s1, s30  }
0xbb: {  	s0 =	sor.u32 s3, s0;
	s1 =	sshll.u32 s1, $0x11  }
0xbc: {  	s0 =	sor.u32 s1, s0  }
0xbd: {  	s0 =	sadd.s32 $0x8F2B, s0  }
0xbe: {  	[sflag:s0] =	ssyncadd.remote.s32 $0x1  }
0xbf: {  	_ =	sfence.sel $0xFFFF  }
0xc0: {  	[dreg:$0x0] =	wrdreg $0xFFFFFFFF;
	(pc) =	sbr.abs _section_cstart, $3  }
0xc1: {  	[dreg:$0x1] =	wrdreg $0xFFFFFFFF  }
0xc2: {  	_ =	task.clear_ibuf [dreg:s7], $0x2FFFF;
	_ =	strace $0x9FFFFFFF  }
0xc3: {  	(tm) =	ssettm $0x7FFFFFFF  }
tec
execute0_lowered:
.L_overlay_start_1:
0x0: {  	(tag) =	ssettag $0x1  }
0x1: {  	s1 =	rddreg [dreg:$0x0]  }
0x2: {  	s8 =	rddreg [dreg:$0x1]  }
0x3: {  	s3 =	rddreg [dreg:$0x2]  }
0x4: {  	s0 =	rddreg [dreg:$0x3]  }
0x5: {  	s5 =	srdreg.scid;
	s2 =	stileid.u32  }
0x6: {  	s4 =	simm.s32 $0x0;
	s13 =	simm.s32 $0x2;
	s14 =	simm.s32 $0x80  }
0x7: {  	s15 =	simm.s32 $0x100;
	s16 =	simm.s32 $0x180;
	s17 =	simm.s32 $0x1  }
0x8: {  	s9 =	sand.u32 $0x1, s5;
	s10 =	smul.u32 $0xA000, s2;
	[smem:$0x7FF] =	sst s4  }
0x9: {  	s5 =	sadd.s32 $0x11400, s8;
	s6 =	sadd.s32 $0x7600, s8;
	s7 =	smul.u32 $0xA0000, s9  }
0xa: {  	s18 =	sshll.u32 s2, $0x6;
	_ =	strace $0x80000059;
	s12 =	ssub.s32 $0x2, s9  }
0xb: {  	s9 =	sshll.u32 s9, $0x4;
	s18 =	sor.u32 $0x1C02, s18;
	s11 =	sadd.s32 s10, s7  }
0xc: {  	s31 =	sshrl.u32 s12, $0x1;
	s9 =	sor.u32 s2, s9;
	s11 =	sshrl.u32 s11, $0x3  }
0xd: {  	s7 =	sadd.s32 $0x42400, s8;
	s12 =	ssub.s32 s12, s31;
	s11 =	sadd.s32 s11, s8  }
0xe: {  	s9 =	smul.u32 $0x2780, s9;
	s8 =	sadd.s32 s10, s3;
	s10 =	sadd.s32 $0x73400, s11  }
0xf: {  	v0 =	vimm.f32 $0.0e+00;
	s11 =	smax.u32 s12, $0x1;
	s12 =	simm.s32 $0x2180;
	s19 =	sshrl.u32 s8, $0x3  }
.LBB2_1:
0x10: {  	s21 =	simm.s32 $0x100;
	s20 =	simm.s32 $0x0  }
.LBB2_2:
0x11: {  	p0 =	sne.s32 s21, $0x27F00;
	[tilespmem:s20+$0x21B0] =	vst v0;
	s22 =	smov.u32 s21;
	s21 =	sadd.s32 $0x100, s21  }
.Ltmp0:
0x12: {  	[tilespmem:s20+$0x21A0] =	vst v0;
	(pc) =	sbr.rel @p0 .LBB2_2-.Ltmp0, $3  }
0x13: {  	[tilespmem:s20+$0x2180] =	vst v0  }
0x14: {  	[tilespmem:s20+$0x2190] =	vst v0;
	_ =	sdelay $0x1  }
0x15: {  	s20 =	sshra.s32 s22, $0x2  }
0x16: {  	[tilespmem:s20+$0x21B0] =	vst v0  }
0x17: {  	[tilespmem:s20+$0x21A0] =	vst v0  }
0x18: {  	[tilespmem:s20+$0x2180] =	vst v0  }
0x19: {  	[tilespmem:s20+$0x2190] =	vst v0  }
0x1a: {  	[spmem:s8] =	stream.linear.scatter [tilespmem:s12], [sflag:$0x2], $0xA000, $0x38;
	[tilespmem:$0x16180] =	vst v63  }
0x1b: {  	_ =	swait.ge [sflag:s13], $0xA000  }
0x1c: {  	[sflag:s13] =	ssyncset.done $0x0  }
0x1d: {  	[sflag:s13] =	ssyncadd.s32 $0xFFFF6000  }
0x1e: {  	s20 =	simm.s32 $0x0;
	s21 =	simm.s32 $0x0;
	[bflag:$0x0] =	sbarrier.arrive $0xFFFF  }
.LBB2_4:
0x1f: {  	s22 =	sshll.u32 s21, $0x7  }
0x20: {  	s22 =	sadd.s32 s9, s22  }
0x21: {  	s22 =	sshrl.u32 s22, $0x3  }
0x22: {  	s23 =	sadd.s32 s5, s22  }
0x23: {  	[tilespmem:s20], [sflag:$0x2] =	stream.linear.gather [hbm4b:s23+s20], $0x80, $0x38;
	[tilespmem:$0x16180] =	vst v63  }
0x24: {  	_ =	swait.ge [sflag:s13], $0x80  }
0x25: {  	[sflag:s13] =	ssyncset.done $0x0  }
0x26: {  	s31 =	sadd.s32 s6, s22;
	[sflag:s13] =	ssyncadd.s32 $0xFFFFFF80  }
0x27: {  	[tilespmem:s14], [sflag:$0x2] =	stream.linear.gather [hbm4b:s31+s20], $0x80, $0x38;
	[tilespmem:$0x16180] =	vst v63  }
0x28: {  	_ =	swait.ge [sflag:s13], $0x80  }
0x29: {  	[sflag:s13] =	ssyncset.done $0x0  }
0x2a: {  	s22 =	sadd.s32 s7, s22;
	[sflag:s13] =	ssyncadd.s32 $0xFFFFFF80  }
0x2b: {  	[tilespmem:s15], [sflag:$0x2] =	stream.linear.gather [hbm4b:s22+s20], $0x80, $0x38;
	[tilespmem:$0x16180] =	vst v63  }
0x2c: {  	_ =	swait.ge [sflag:s13], $0x80  }
0x2d: {  	[sflag:s13] =	ssyncset.done $0x0  }
0x2e: {  	[sflag:s13] =	ssyncadd.s32 $0xFFFFFF80  }
0x2f: {  	[tilespmem:s16], [sflag:$0x1] =	stream.indirect.gather [hbm4b:s1+s14], $0x40, s20, s14, $0xb8;
	[tilespmem:$0x16180] =	vst v63  }
0x30: {  	v1 =	vmov s20;
	_ =	swait.ge [sflag:s17], $0x2000  }
0x31: {  	[sflag:s17] =	ssyncset.done $0x0  }
0x32: {  	s22 =	simm.s32 $0x1A0;
	[sflag:s17] =	ssyncadd.s32 $0xFFFFE000  }
0x33: {  	v3 =	vld [tilespmem:s22+$0xFFFFFFF0]  }
0x34: {  	v4 =	vld [tilespmem:s22+$0x10]  }
0x35: {  	v6 =	vld.idx.msk [tilespmem:v1+s15+$0x0], $0xffff  }
0x36: {  	v1 =	vld [tilespmem:s22+$0xFFFFFFE0]  }
0x37: {  	v7 =	vld [tilespmem:s22+$0x0];
	_ =	sdelay $0x3  }
0x38: {  	s24 =	simm.s32 $0x1;
	v2 =	vmul.f32 v1, v6;
	v5 =	vmul.f32 v4, v6  }
0x39: {  	s23 =	simm.s32 $0x2;
	v1 =	vmov s24;
	v4 =	vmul.f32 v3, v6;
	v3 =	vmul.f32 v7, v6;
	s24 =	simm.s32 $0x1A0  }
.LBB2_5:
0x3a: {  	p0 =	sne.s32 s23, $0x7F  }
0x3b: {  	[tilespmem:s22+$0x10] =	vst v5;
	s24 =	sadd.s32 $0x40, s24;
	s25 =	smov.u32 s23;
	s23 =	sadd.s32 $0x1, s23  }
0x3c: {  	[tilespmem:s22+$0xFFFFFFE0] =	vst v2  }
0x3d: {  	v6 =	vld [tilespmem:s24+$0xFFFFFFF0];
	[tilespmem:s22+$0xFFFFFFF0] =	vst v4  }
0x3e: {  	v4 =	vld [tilespmem:s24+$0x10];
	[tilespmem:s22+$0x0] =	vst v3;
	s22 =	smov.u32 s24  }
0x3f: {  	v3 =	vld.idx.msk [tilespmem:v1+s15+$0x0], $0xffff  }
0x40: {  	v1 =	vld [tilespmem:s24+$0xFFFFFFE0]  }
0x41: {  	v7 =	vld [tilespmem:s24+$0x0]  }
.Ltmp1:
0x42: {  	(pc) =	sbr.rel @p0 .LBB2_5-.Ltmp1, $3  }
0x43: {  	_ =	sdelay $0x1  }
0x44: {  	v5 =	vmul.f32 v4, v3;
	v2 =	vmul.f32 v1, v3  }
0x45: {  	v4 =	vmul.f32 v6, v3;
	v1 =	vmov s25;
	v3 =	vmul.f32 v7, v3  }
0x46: {  	[tilespmem:s22+$0x10] =	vst v5  }
0x47: {  	s23 =	sadd.s32 $0x40, s24;
	[tilespmem:s22+$0xFFFFFFE0] =	vst v2  }
0x48: {  	v2 =	vld [tilespmem:s23+$0xFFFFFFF0];
	[tilespmem:s22+$0xFFFFFFF0] =	vst v4  }
0x49: {  	v4 =	vld [tilespmem:s23+$0x10];
	[tilespmem:s22+$0x0] =	vst v3  }
0x4a: {  	v1 =	vld.idx.msk [tilespmem:v1+s15+$0x0], $0xffff  }
0x4b: {  	v3 =	vld [tilespmem:s23+$0xFFFFFFE0];
	_ =	sdelay $0x1  }
0x4c: {  	v5 =	vld [tilespmem:s23+$0x0];
	_ =	sdelay $0x1  }
0x4d: {  	v4 =	vmul.f32 v4, v1  }
0x4e: {  	v3 =	vmul.f32 v3, v1  }
0x4f: {  	v2 =	vmul.f32 v2, v1;
	[tilespmem:s23+$0x10] =	vst v4  }
0x50: {  	s21 =	sadd.s32 $0x1, s21;
	v1 =	vmul.f32 v5, v1;
	[tilespmem:s23+$0xFFFFFFE0] =	vst v3  }
0x51: {  	p0 =	sne.s32 s21, $0x4F;
	[tilespmem:s23+$0xFFFFFFF0] =	vst v2  }
.Ltmp2:
0x52: {  	[tilespmem:s23+$0x0] =	vst v1;
	(pc) =	sbr.rel @p0 .LBB2_4-.Ltmp2, $4  }
0x53: {  	[spmem:s3] =	stream.indirect.scatter.add.f32 [tilespmem:s16], [sflag:$0x2], $0x40, s14, s14, $0xb8;
	[tilespmem:$0x16180] =	vst v63  }
0x54: {  	_ =	swait.ge [sflag:s13], $0x2000  }
0x55: {  	[sflag:s13] =	ssyncset.done $0x0  }
0x56: {  	[sflag:s13] =	ssyncadd.s32 $0xFFFFE000  }
0x57: {  	s4 =	sadd.s32 $0x1, s4  }
0x58: {  	p0 =	sne.s32 s4, s11  }
.Ltmp3:
0x59: {  	[bflag:$0x0] =	sbarrier.arrive $0xFFFF;
	(pc) =	sbr.rel @p0 .LBB2_1-.Ltmp3, $4  }
0x5a: {  	[hbm:s10], [sflag:s18] =	dma.local [spmem:s19], $0x1400  }
0x5b: {  	_ =	swait.ge [sflag:s13], $0x1400  }
0x5c: {  	[sflag:s13] =	ssyncset.done $0x0  }
0x5d: {  	[sflag:s13] =	ssyncadd.s32 $0xFFFFEC00  }
0x5e: {  	_ =	sfence.sel $0x180000  }
0x5f: {  	[bflag:$0x0] =	sbarrier.arrive $0xFFFF  }
0x60: {  	p0 =	sne.s32 s2, $0x0;
	_ =	strace $0x90000059  }
0x61: {  	s0 =	sadd.s32 @!p0 $0x100000, s0;
	[bflag:$0x2] =	sbarrier.arrive $0xFFFF  }
0x62: {  	[sflag:s0] =	ssyncadd.tile.s32 @!p0 $0x1;
	_ =	shalt  }
.Lfunc_end2:
_tile_overlayer_lowered:
.L_overlay_start_2:
0x63: {  	(tag) =	ssettag $0x2  }
0x64: {  	s0 =	rddreg [dreg:$0x0];
	s2 =	stileid.u32  }
0x65: {  	s1 =	rddreg [dreg:$0x1];
	p0 =	sne.s32 s2, $0x0  }
0x66: {  	s3 =	rddreg [dreg:$0x2];
	[bflag:$0x3] =	sbarrier.arrive $0xFFFF;
	s2 =	simm.s32 @!p0 $0x1C02  }
0x67: {  	[timem:s3], [sflag:s2] =	dma.local @!p0 [hbm:s0], s1  }
0x68: {  	s0 =	simm.s32 @!p0 $0x2  }
0x69: {  	_ =	swait.ge @!p0 [sflag:s0], s1  }
0x6a: {  	s1 =	ssub.s32 @!p0 $0x0, s1;
	[sflag:s0] =	ssyncset.done @!p0 $0x0  }
0x6b: {  	[sflag:s0] =	ssyncadd.s32 @!p0 s1  }
0x6c: {  	[bflag:$0x3] =	sbarrier.arrive $0xFFFF  }
0x6d: {  	_ =	shalt  }

// kernel: kernel.44.cloned.1.call-start
scs
__scs_entry_jumppad:
0x0: {  	(pc) =	sbr.rel $0x88, $3  }
0x1: {  	(tag) =	ssettag $0x0;
	lr =	simm.s32 $0x1  }
0x2: {  	[smem:$0x3F99] =	sst lr;
	_ =	strace $0xD0000000  }
0x3: {  	_ = 	snop  }
0x4: {  	_ = 	snop  }
0x5: {  	_ = 	snop  }
0x6: {  	_ = 	snop  }
0x7: {  	_ = 	snop  }
__scs_overlays_trampoline_lowered:
0x8: {  	[smem:$0x3FA8] =	sst s0  }
0x9: {  	[smem:$0x3FA9] =	sst s1  }
0xa: {  	[smem:$0x3FAA] =	sst s2  }
0xb: {  	[smem:$0x3FAB] =	sst s3  }
0xc: {  	[smem:$0x3FAC] =	sst s4  }
0xd: {  	[smem:$0x3FAD] =	sst s5  }
0xe: {  	[smem:$0x3FAE] =	sst s6  }
0xf: {  	[smem:$0x3FAF] =	sst s7  }
0x10: {  	[smem:$0x3FB0] =	sst s8  }
0x11: {  	[smem:$0x3FB1] =	sst s9;
	s0 =	simm.s32 @!p0 $0x0  }
0x12: {  	s1 =	sld [smem:$0x3F97];
	s0 =	simm.s32 @p0 $0x1  }
0x13: {  	[smem:$0x3FB2] =	sst s0;
	s0 =	simm.s32 @!p1 $0x0  }
0x14: {  	s2 =	sld [smem:$0x3F96];
	s0 =	simm.s32 @p1 $0x1  }
0x15: {  	[smem:$0x3FB3] =	sst s0;
	s0 =	simm.s32 @!p2 $0x0  }
0x16: {  	s3 =	sld [smem:$0x3FDB];
	s0 =	simm.s32 @p2 $0x1  }
0x17: {  	s4 =	simm.s32 $0x1BF5;
	[smem:$0x3FB5] =	sst s0  }
0x18: {  	s0 =	sld [smem:$0x3F98];
	_ =	swait.ge [sflag:s4], $0x0  }
0x19: {  	s7 =	sld [smem:$0x3F99]  }
0x1a: {  	s8 =	sadd.s32 $0xFFFFE003, lr  }
0x1b: {  	s9 =	sadd.s32 $0xFFFFFEF7, lr;
	s5 =	simm.s32 $0xFFFFFFFF;
	p2 =	slt.u32 s8, $0xFFFFF086  }
0x1c: {  	p1 =	slt.u32 s9, $0xF7A;
	s5 =	simm.s32 @!p2 $0x0  }
0x1d: {  	s5 =	simm.s32 @p1 $0x1;
	p0 =	seq.s32 s7, s2  }
0x1e: {  	s7 =	smul.u32 @!p0 $0xF7A, s2;
	p2 =	seq.s32 @!p0 s5, $0x0  }
0x1f: {  	s9 =	smul.u32 $0xF7A, s1;
	s8 =	simm.s32 @!p0 $0x1BF5;
	p2 =	por !p2, p0  }
0x20: {  	[sflag:s8] =	ssyncset.s32 @!p0 $0xFFFFF086;
	s6 =	sadd.s32 @!p0 s3, s7;
	s7 =	simm.s32 @!p0 $0x108  }
0x21: {  	s3 =	sadd.s32 s3, s9;
	s6 =	sadd.s32 @!p0 $0x88, s6;
	s7 =	simm.s32 @p2 $0x1082  }
0x22: {  	[simem:s7], [sflag:s8] =	dma.local @!p0 [hbm:s6], $0xF7A  }
0x23: {  	s9 =	sor.u32 $0xD0000000, s2;
	s6 =	simm.s32 $0x108;
	_ =	swait.ge @!p0 [sflag:s8], $0x0  }
0x24: {  	s3 =	sadd.s32 $0x88, s3;
	s6 =	simm.s32 @!p1 $0x1082;
	[sflag:s4] =	ssyncset.s32 $0xFFFFF086  }
0x25: {  	[simem:s6], [sflag:s4] =	dma.local [hbm:s3], $0xF7A  }
0x26: {  	[smem:$0x3F99] =	sst s1;
	(tag) =	ssettag s2;
	_ =	strace s9  }
0x27: {  	s1 =	sld [smem:$0x3FA9]  }
0x28: {  	s2 =	sld [smem:$0x3FAA]  }
0x29: {  	s4 =	sld [smem:$0x3FAC]  }
0x2a: {  	p0 =	seq.s32 s5, $0x0;
	s5 =	sld [smem:$0x3FAD]  }
0x2b: {  	s6 =	sld [smem:$0x3FAE]  }
0x2c: {  	s7 =	sld [smem:$0x3FAF]  }
0x2d: {  	s3 =	simm.s32 $0x108;
	s8 =	sld [smem:$0x3FB0]  }
0x2e: {  	s3 =	simm.s32 @!p0 $0x1082;
	s9 =	sld [smem:$0x3FB1]  }
0x2f: {  	lr =	sadd.s32 s0, s3;
	s0 =	sld [smem:$0x3FA8]  }
0x30: {  	s3 =	sld [smem:$0x3FAB]  }
0x31: {  	[smem:$0x3FB4] =	sst s10  }
0x32: {  	s10 =	sld [smem:$0x3FB2];
	_ =	sdelay $0x3  }
0x33: {  	p0 =	seq.s32 s10, $0x1;
	s10 =	sld [smem:$0x3FB4];
	_ =	sdelay $0x3  }
0x34: {  	[smem:$0x3FB4] =	sst s10  }
0x35: {  	s10 =	sld [smem:$0x3FB3];
	_ =	sdelay $0x3  }
0x36: {  	p1 =	seq.s32 s10, $0x1;
	s10 =	sld [smem:$0x3FB4];
	_ =	sdelay $0x3  }
0x37: {  	[smem:$0x3FB4] =	sst s10  }
0x38: {  	s10 =	sld [smem:$0x3FB5]  }
0x39: {  	_ = 	snop;
	(pc) =	sbr.ind lr, $3  }
0x3a: {  	_ = 	snop  }
0x3b: {  	_ = 	snop  }
0x3c: {  	p2 =	seq.s32 s10, $0x1;
	s10 =	sld [smem:$0x3FB4]  }
0x3d: {  	_ =	shalt  }
0x3e: {  	_ =	shalt  }
0x3f: {  	_ =	shalt  }
0x40: {  	_ =	shalt  }
0x41: {  	_ =	shalt  }
0x42: {  	_ =	shalt  }
0x43: {  	_ =	shalt  }
0x44: {  	_ =	shalt  }
0x45: {  	_ =	shalt  }
0x46: {  	_ =	shalt  }
0x47: {  	_ =	shalt  }
0x48: {  	_ =	shalt  }
0x49: {  	_ =	shalt  }
0x4a: {  	_ =	shalt  }
0x4b: {  	_ =	shalt  }
0x4c: {  	_ =	shalt  }
0x4d: {  	_ =	shalt  }
0x4e: {  	_ =	shalt  }
0x4f: {  	_ =	shalt  }
0x50: {  	_ =	shalt  }
0x51: {  	_ =	shalt  }
0x52: {  	_ =	shalt  }
0x53: {  	_ =	shalt  }
0x54: {  	_ =	shalt  }
0x55: {  	_ =	shalt  }
0x56: {  	_ =	shalt  }
0x57: {  	_ =	shalt  }
0x58: {  	_ =	shalt  }
0x59: {  	_ =	shalt  }
0x5a: {  	_ =	shalt  }
0x5b: {  	_ =	shalt  }
0x5c: {  	_ =	shalt  }
0x5d: {  	_ =	shalt  }
0x5e: {  	_ =	shalt  }
0x5f: {  	_ =	shalt  }
0x60: {  	_ =	shalt  }
0x61: {  	_ =	shalt  }
0x62: {  	_ =	shalt  }
0x63: {  	_ =	shalt  }
0x64: {  	_ =	shalt  }
0x65: {  	_ =	shalt  }
0x66: {  	_ =	shalt  }
0x67: {  	_ =	shalt  }
0x68: {  	_ =	shalt  }
0x69: {  	_ =	shalt  }
0x6a: {  	_ =	shalt  }
0x6b: {  	_ =	shalt  }
0x6c: {  	_ =	shalt  }
0x6d: {  	_ =	shalt  }
0x6e: {  	_ =	shalt  }
0x6f: {  	_ =	shalt  }
0x70: {  	_ =	shalt  }
0x71: {  	_ =	shalt  }
0x72: {  	_ =	shalt  }
0x73: {  	_ =	shalt  }
0x74: {  	_ =	shalt  }
0x75: {  	_ =	shalt  }
0x76: {  	_ =	shalt  }
0x77: {  	_ =	shalt  }
0x78: {  	_ =	shalt  }
0x79: {  	_ =	shalt  }
0x7a: {  	_ =	shalt  }
0x7b: {  	_ =	shalt  }
0x7c: {  	_ =	shalt  }
0x7d: {  	_ =	shalt  }
0x7e: {  	_ =	shalt  }
0x7f: {  	_ =	shalt  }
0x80: {  	_ =	shalt  }
0x81: {  	_ =	shalt  }
0x82: {  	_ =	shalt  }
0x83: {  	_ =	shalt  }
0x84: {  	_ =	shalt  }
0x85: {  	_ =	shalt  }
0x86: {  	_ =	shalt  }
0x87: {  	_ =	shalt  }
.Lfunc_end0:
.L_simem_size_0:
called_computation.7_lowered:
.L_overlay_start_0:
0x88: {  	s2 =	sld [smem:$0x3FD9]  }
0x89: {  	s3 =	sld [smem:$0x3FFE];
	_ =	sdelay $0x1  }
0x8a: {  	s1 =	srdreg.scid  }
0x8b: {  	s0 =	sand.u32 $0x1, s1  }
0x8c: {  	s17 =	sshll.u32 s0, $0xA;
	s2 =	sadd.s32 s3, s2  }
0x8d: {  	s2 =	sadd.s32 s2, s17  }
0x8e: {  	[smem:$0x3FC0] =	sst s2  }
0x8f: {  	_ = 	snop  }
0x90: {  	s2 =	sld [smem:$0x3FD0];
	(tm) =	ssettm $0x1  }
0x91: {  	s18 =	sld [smem:$0x3FFB];
	_ =	sdelay $0x3  }
0x92: {  	_ =	strace s18  }
0x93: {  	s3 =	sld [smem:$0x3FFC];
	_ =	sdelay $0x3  }
0x94: {  	_ =	strace s3  }
0x95: {  	s3 =	sld [smem:$0x3FFD];
	_ =	sdelay $0x3  }
0x96: {  	_ =	strace s3  }
0x97: {  	_ =	strace $0x8FFFFFFF  }
0x98: {  	s19 =	sld [smem:$0x3FDB];
	_ =	sdelay $0x1  }
0x99: {  	s4 =	simm.s32 $_scs_section_size  }
0x9a: {  	s5 =	simm.s32 $_size__tile_overlayer_lowered;
	s6 =	simm.s32 $_tile_overlayer_lowered  }
0x9b: {  	s22 =	simm.s32 $0x1BFF;
	s21 =	sshll.u32 s6, $0x1;
	s3 =	sadd.s32 s4, s19  }
0x9c: {  	s7 =	simm.s32 $0x0;
	s20 =	sshll.u32 s5, $0x1;
	s5 =	sadd.s32 s21, s3  }
0x9d: {  	[timem:s7], [sflag:s22] =	dma.local [hbm:s5], s20  }
0x9e: {  	_ =	swait.ge [sflag:s22], s20  }
0x9f: {  	s4 =	ssub.s32 $0x0, s20;
	[sflag:s22] =	ssyncset.done $0x0  }
0xa0: {  	[sflag:s22] =	ssyncadd.s32 s4;
	_ =	sdelay $0x1  }
0xa1: {  	s23 =	simm.s32 $0x1B8B  }
0xa2: {  	_ =	swait.ge [sflag:s23], $0x1  }
0xa3: {  	[sflag:s23] =	ssyncset.done $0x0  }
0xa4: {  	s25 =	simm.s32 $0x1B8E;
	s24 =	sld [smem:$0x3FFE];
	[sflag:s23] =	ssyncadd.s32 $0xFFFFFFFF  }
0xa5: {  	s26 =	simm.s32 $execute0_lowered;
	[smem:$0x3FD2] =	sst s25  }
0xa6: {  	s5 =	sshll.u32 s26, $0x1;
	_ =	strace $0x8000005B;
	[dreg:$0x1] =	wrdreg $0xFFFFFFFF  }
0xa7: {  	s28 =	simm.s32 $_size_execute0_lowered;
	s3 =	sadd.s32 s3, s5;
	[dreg:$0x0] =	wrdreg $0x0  }
0xa8: {  	s5 =	sshll.u32 s28, $0x1;
	[dreg:$0x2] =	wrdreg s3  }
0xa9: {  	[dreg:$0x3] =	wrdreg s5  }
0xaa: {  	[dreg:$0x4] =	wrdreg $0xC0  }
0xab: {  	_ =	task [dreg:s7], $0x5FFFF  }
0xac: {  	[dreg:$0x1] =	wrdreg $0xFFFFFFFF  }
0xad: {  	[dreg:$0x0] =	wrdreg $0x60  }
0xae: {  	[dreg:$0x2] =	wrdreg s2  }
0xaf: {  	[dreg:$0x3] =	wrdreg s24  }
0xb0: {  	[dreg:$0x4] =	wrdreg $0xC1800  }
0xb1: {  	[dreg:$0x5] =	wrdreg $0x9  }
0xb2: {  	_ =	task.clear_ibuf [dreg:s7], $0x6FFFF;
	_ =	strace $0x9000005B  }
0xb3: {  	s29 =	simm.s32 $0x9;
	_ =	strace $0x8000005D  }
0xb4: {  	_ =	swait.ge [sflag:s29], $0x1  }
0xb5: {  	[sflag:s29] =	ssyncadd.s32 $0xFFFFFFFF  }
0xb6: {  	_ =	strace $0x9000005D  }
0xb7: {  	_ =	sfence  }
0xb8: {  	s30 =	sld [smem:$0x0];
	_ =	sdelay $0x2  }
0xb9: {  	s31 =	sshll.u32 s1, $0xD;
	s1 =	sshrl.u32 s1, $0x2  }
0xba: {  	s3 =	sand.u32 $0x4000, s31;
	s1 =	sadd.s32 s1, s30  }
0xbb: {  	s0 =	sor.u32 s3, s0;
	s1 =	sshll.u32 s1, $0x11  }
0xbc: {  	s0 =	sor.u32 s1, s0  }
0xbd: {  	s0 =	sadd.s32 $0x8F2B, s0  }
0xbe: {  	[sflag:s0] =	ssyncadd.remote.s32 $0x1  }
0xbf: {  	_ =	sfence.sel $0xFFFF  }
0xc0: {  	[dreg:$0x0] =	wrdreg $0xFFFFFFFF;
	(pc) =	sbr.abs _section_cstart, $3  }
0xc1: {  	[dreg:$0x1] =	wrdreg $0xFFFFFFFF  }
0xc2: {  	_ =	task.clear_ibuf [dreg:s7], $0x2FFFF;
	_ =	strace $0x9FFFFFFF  }
0xc3: {  	(tm) =	ssettm $0x7FFFFFFF  }
tec
execute0_lowered:
.L_overlay_start_1:
0x0: {  	(tag) =	ssettag $0x1  }
0x1: {  	s1 =	rddreg [dreg:$0x0]  }
0x2: {  	s8 =	rddreg [dreg:$0x1]  }
0x3: {  	s3 =	rddreg [dreg:$0x2]  }
0x4: {  	s0 =	rddreg [dreg:$0x3]  }
0x5: {  	s5 =	srdreg.scid;
	s2 =	stileid.u32  }
0x6: {  	s4 =	simm.s32 $0x0;
	s13 =	simm.s32 $0x2;
	s14 =	simm.s32 $0x80  }
0x7: {  	s15 =	simm.s32 $0x100;
	s16 =	simm.s32 $0x180;
	s17 =	simm.s32 $0x1  }
0x8: {  	s9 =	sand.u32 $0x1, s5;
	s10 =	smul.u32 $0xA000, s2;
	[smem:$0x7FF] =	sst s4  }
0x9: {  	s5 =	sadd.s32 $0x11400, s8;
	s6 =	sadd.s32 $0x7600, s8;
	s7 =	smul.u32 $0xA0000, s9  }
0xa: {  	s18 =	sshll.u32 s2, $0x6;
	_ =	strace $0x8000005C;
	s12 =	ssub.s32 $0x2, s9  }
0xb: {  	s9 =	sshll.u32 s9, $0x4;
	s18 =	sor.u32 $0x1C02, s18;
	s11 =	sadd.s32 s10, s7  }
0xc: {  	s31 =	sshrl.u32 s12, $0x1;
	s9 =	sor.u32 s2, s9;
	s11 =	sshrl.u32 s11, $0x3  }
0xd: {  	s7 =	sadd.s32 $0x42400, s8;
	s12 =	ssub.s32 s12, s31;
	s11 =	sadd.s32 s11, s8  }
0xe: {  	s9 =	smul.u32 $0x2780, s9;
	s8 =	sadd.s32 s10, s3;
	s10 =	sadd.s32 $0x73400, s11  }
0xf: {  	v0 =	vimm.f32 $0.0e+00;
	s11 =	smax.u32 s12, $0x1;
	s12 =	simm.s32 $0x2180;
	s19 =	sshrl.u32 s8, $0x3  }
.LBB2_1:
0x10: {  	s21 =	simm.s32 $0x100;
	s20 =	simm.s32 $0x0  }
.LBB2_2:
0x11: {  	p0 =	sne.s32 s21, $0x27F00;
	[tilespmem:s20+$0x21B0] =	vst v0;
	s22 =	smov.u32 s21;
	s21 =	sadd.s32 $0x100, s21  }
.Ltmp0:
0x12: {  	[tilespmem:s20+$0x21A0] =	vst v0;
	(pc) =	sbr.rel @p0 .LBB2_2-.Ltmp0, $3  }
0x13: {  	[tilespmem:s20+$0x2180] =	vst v0  }
0x14: {  	[tilespmem:s20+$0x2190] =	vst v0;
	_ =	sdelay $0x1  }
0x15: {  	s20 =	sshra.s32 s22, $0x2  }
0x16: {  	[tilespmem:s20+$0x21B0] =	vst v0  }
0x17: {  	[tilespmem:s20+$0x21A0] =	vst v0  }
0x18: {  	[tilespmem:s20+$0x2180] =	vst v0  }
0x19: {  	[tilespmem:s20+$0x2190] =	vst v0  }
0x1a: {  	[spmem:s8] =	stream.linear.scatter [tilespmem:s12], [sflag:$0x2], $0xA000, $0x38;
	[tilespmem:$0x16180] =	vst v63  }
0x1b: {  	_ =	swait.ge [sflag:s13], $0xA000  }
0x1c: {  	[sflag:s13] =	ssyncset.done $0x0  }
0x1d: {  	[sflag:s13] =	ssyncadd.s32 $0xFFFF6000  }
0x1e: {  	s20 =	simm.s32 $0x0;
	s21 =	simm.s32 $0x0;
	[bflag:$0x0] =	sbarrier.arrive $0xFFFF  }
.LBB2_4:
0x1f: {  	s22 =	sshll.u32 s21, $0x7  }
0x20: {  	s22 =	sadd.s32 s9, s22  }
0x21: {  	s22 =	sshrl.u32 s22, $0x3  }
0x22: {  	s23 =	sadd.s32 s5, s22  }
0x23: {  	[tilespmem:s20], [sflag:$0x2] =	stream.linear.gather [hbm4b:s23+s20], $0x80, $0x38;
	[tilespmem:$0x16180] =	vst v63  }
0x24: {  	_ =	swait.ge [sflag:s13], $0x80  }
0x25: {  	[sflag:s13] =	ssyncset.done $0x0  }
0x26: {  	s31 =	sadd.s32 s6, s22;
	[sflag:s13] =	ssyncadd.s32 $0xFFFFFF80  }
0x27: {  	[tilespmem:s14], [sflag:$0x2] =	stream.linear.gather [hbm4b:s31+s20], $0x80, $0x38;
	[tilespmem:$0x16180] =	vst v63  }
0x28: {  	_ =	swait.ge [sflag:s13], $0x80  }
0x29: {  	[sflag:s13] =	ssyncset.done $0x0  }
0x2a: {  	s22 =	sadd.s32 s7, s22;
	[sflag:s13] =	ssyncadd.s32 $0xFFFFFF80  }
0x2b: {  	[tilespmem:s15], [sflag:$0x2] =	stream.linear.gather [hbm4b:s22+s20], $0x80, $0x38;
	[tilespmem:$0x16180] =	vst v63  }
0x2c: {  	_ =	swait.ge [sflag:s13], $0x80  }
0x2d: {  	[sflag:s13] =	ssyncset.done $0x0  }
0x2e: {  	[sflag:s13] =	ssyncadd.s32 $0xFFFFFF80  }
0x2f: {  	[tilespmem:s16], [sflag:$0x1] =	stream.indirect.gather [hbm4b:s1+s14], $0x40, s20, s14, $0xb8;
	[tilespmem:$0x16180] =	vst v63  }
0x30: {  	v1 =	vmov s20;
	_ =	swait.ge [sflag:s17], $0x2000  }
0x31: {  	[sflag:s17] =	ssyncset.done $0x0  }
0x32: {  	s22 =	simm.s32 $0x1A0;
	[sflag:s17] =	ssyncadd.s32 $0xFFFFE000  }
0x33: {  	v3 =	vld [tilespmem:s22+$0xFFFFFFF0]  }
0x34: {  	v4 =	vld [tilespmem:s22+$0x10]  }
0x35: {  	v6 =	vld.idx.msk [tilespmem:v1+s15+$0x0], $0xffff  }
0x36: {  	v1 =	vld [tilespmem:s22+$0xFFFFFFE0]  }
0x37: {  	v7 =	vld [tilespmem:s22+$0x0];
	_ =	sdelay $0x3  }
0x38: {  	s24 =	simm.s32 $0x1;
	v2 =	vmul.f32 v1, v6;
	v5 =	vmul.f32 v4, v6  }
0x39: {  	s23 =	simm.s32 $0x2;
	v1 =	vmov s24;
	v4 =	vmul.f32 v3, v6;
	v3 =	vmul.f32 v7, v6;
	s24 =	simm.s32 $0x1A0  }
.LBB2_5:
0x3a: {  	p0 =	sne.s32 s23, $0x7F  }
0x3b: {  	[tilespmem:s22+$0x10] =	vst v5;
	s24 =	sadd.s32 $0x40, s24;
	s25 =	smov.u32 s23;
	s23 =	sadd.s32 $0x1, s23  }
0x3c: {  	[tilespmem:s22+$0xFFFFFFE0] =	vst v2  }
0x3d: {  	v6 =	vld [tilespmem:s24+$0xFFFFFFF0];
	[tilespmem:s22+$0xFFFFFFF0] =	vst v4  }
0x3e: {  	v4 =	vld [tilespmem:s24+$0x10];
	[tilespmem:s22+$0x0] =	vst v3;
	s22 =	smov.u32 s24  }
0x3f: {  	v3 =	vld.idx.msk [tilespmem:v1+s15+$0x0], $0xffff  }
0x40: {  	v1 =	vld [tilespmem:s24+$0xFFFFFFE0]  }
0x41: {  	v7 =	vld [tilespmem:s24+$0x0]  }
.Ltmp1:
0x42: {  	(pc) =	sbr.rel @p0 .LBB2_5-.Ltmp1, $3  }
0x43: {  	_ =	sdelay $0x1  }
0x44: {  	v5 =	vmul.f32 v4, v3;
	v2 =	vmul.f32 v1, v3  }
0x45: {  	v4 =	vmul.f32 v6, v3;
	v1 =	vmov s25;
	v3 =	vmul.f32 v7, v3  }
0x46: {  	[tilespmem:s22+$0x10] =	vst v5  }
0x47: {  	s23 =	sadd.s32 $0x40, s24;
	[tilespmem:s22+$0xFFFFFFE0] =	vst v2  }
0x48: {  	v2 =	vld [tilespmem:s23+$0xFFFFFFF0];
	[tilespmem:s22+$0xFFFFFFF0] =	vst v4  }
0x49: {  	v4 =	vld [tilespmem:s23+$0x10];
	[tilespmem:s22+$0x0] =	vst v3  }
0x4a: {  	v1 =	vld.idx.msk [tilespmem:v1+s15+$0x0], $0xffff  }
0x4b: {  	v3 =	vld [tilespmem:s23+$0xFFFFFFE0];
	_ =	sdelay $0x1  }
0x4c: {  	v5 =	vld [tilespmem:s23+$0x0];
	_ =	sdelay $0x1  }
0x4d: {  	v4 =	vmul.f32 v4, v1  }
0x4e: {  	v3 =	vmul.f32 v3, v1  }
0x4f: {  	v2 =	vmul.f32 v2, v1;
	[tilespmem:s23+$0x10] =	vst v4  }
0x50: {  	s21 =	sadd.s32 $0x1, s21;
	v1 =	vmul.f32 v5, v1;
	[tilespmem:s23+$0xFFFFFFE0] =	vst v3  }
0x51: {  	p0 =	sne.s32 s21, $0x4F;
	[tilespmem:s23+$0xFFFFFFF0] =	vst v2  }
.Ltmp2:
0x52: {  	[tilespmem:s23+$0x0] =	vst v1;
	(pc) =	sbr.rel @p0 .LBB2_4-.Ltmp2, $4  }
0x53: {  	[spmem:s3] =	stream.indirect.scatter.add.f32 [tilespmem:s16], [sflag:$0x2], $0x40, s14, s14, $0xb8;
	[tilespmem:$0x16180] =	vst v63  }
0x54: {  	_ =	swait.ge [sflag:s13], $0x2000  }
0x55: {  	[sflag:s13] =	ssyncset.done $0x0  }
0x56: {  	[sflag:s13] =	ssyncadd.s32 $0xFFFFE000  }
0x57: {  	s4 =	sadd.s32 $0x1, s4  }
0x58: {  	p0 =	sne.s32 s4, s11  }
.Ltmp3:
0x59: {  	[bflag:$0x0] =	sbarrier.arrive $0xFFFF;
	(pc) =	sbr.rel @p0 .LBB2_1-.Ltmp3, $4  }
0x5a: {  	[hbm:s10], [sflag:s18] =	dma.local [spmem:s19], $0x1400  }
0x5b: {  	_ =	swait.ge [sflag:s13], $0x1400  }
0x5c: {  	[sflag:s13] =	ssyncset.done $0x0  }
0x5d: {  	[sflag:s13] =	ssyncadd.s32 $0xFFFFEC00  }
0x5e: {  	_ =	sfence.sel $0x180000  }
0x5f: {  	[bflag:$0x0] =	sbarrier.arrive $0xFFFF  }
0x60: {  	p0 =	sne.s32 s2, $0x0;
	_ =	strace $0x9000005C  }
0x61: {  	s0 =	sadd.s32 @!p0 $0x100000, s0;
	[bflag:$0x2] =	sbarrier.arrive $0xFFFF  }
0x62: {  	[sflag:s0] =	ssyncadd.tile.s32 @!p0 $0x1;
	_ =	shalt  }
.Lfunc_end2:
_tile_overlayer_lowered:
.L_overlay_start_2:
0x63: {  	(tag) =	ssettag $0x2  }
0x64: {  	s0 =	rddreg [dreg:$0x0];
	s2 =	stileid.u32  }
0x65: {  	s1 =	rddreg [dreg:$0x1];
	p0 =	sne.s32 s2, $0x0  }
0x66: {  	s3 =	rddreg [dreg:$0x2];
	[bflag:$0x3] =	sbarrier.arrive $0xFFFF;
	s2 =	simm.s32 @!p0 $0x1C02  }
0x67: {  	[timem:s3], [sflag:s2] =	dma.local @!p0 [hbm:s0], s1  }
0x68: {  	s0 =	simm.s32 @!p0 $0x2  }
0x69: {  	_ =	swait.ge @!p0 [sflag:s0], s1  }
0x6a: {  	s1 =	ssub.s32 @!p0 $0x0, s1;
	[sflag:s0] =	ssyncset.done @!p0 $0x0  }
0x6b: {  	[sflag:s0] =	ssyncadd.s32 @!p0 s1  }
0x6c: {  	[bflag:$0x3] =	sbarrier.arrive $0xFFFF  }
0x6d: {  	_ =	shalt  }

// kernel: kernel.47.cloned.1.call-start
scs
__scs_entry_jumppad:
0x0: {  	(pc) =	sbr.rel $0x88, $3  }
0x1: {  	(tag) =	ssettag $0x0;
	lr =	simm.s32 $0x1  }
0x2: {  	[smem:$0x3F99] =	sst lr;
	_ =	strace $0xD0000000  }
0x3: {  	_ = 	snop  }
0x4: {  	_ = 	snop  }
0x5: {  	_ = 	snop  }
0x6: {  	_ = 	snop  }
0x7: {  	_ = 	snop  }
__scs_overlays_trampoline_lowered:
0x8: {  	[smem:$0x3FA8] =	sst s0  }
0x9: {  	[smem:$0x3FA9] =	sst s1  }
0xa: {  	[smem:$0x3FAA] =	sst s2  }
0xb: {  	[smem:$0x3FAB] =	sst s3  }
0xc: {  	[smem:$0x3FAC] =	sst s4  }
0xd: {  	[smem:$0x3FAD] =	sst s5  }
0xe: {  	[smem:$0x3FAE] =	sst s6  }
0xf: {  	[smem:$0x3FAF] =	sst s7  }
0x10: {  	[smem:$0x3FB0] =	sst s8  }
0x11: {  	[smem:$0x3FB1] =	sst s9;
	s0 =	simm.s32 @!p0 $0x0  }
0x12: {  	s1 =	sld [smem:$0x3F97];
	s0 =	simm.s32 @p0 $0x1  }
0x13: {  	[smem:$0x3FB2] =	sst s0;
	s0 =	simm.s32 @!p1 $0x0  }
0x14: {  	s2 =	sld [smem:$0x3F96];
	s0 =	simm.s32 @p1 $0x1  }
0x15: {  	[smem:$0x3FB3] =	sst s0;
	s0 =	simm.s32 @!p2 $0x0  }
0x16: {  	s3 =	sld [smem:$0x3FDB];
	s0 =	simm.s32 @p2 $0x1  }
0x17: {  	s4 =	simm.s32 $0x1BF5;
	[smem:$0x3FB5] =	sst s0  }
0x18: {  	s0 =	sld [smem:$0x3F98];
	_ =	swait.ge [sflag:s4], $0x0  }
0x19: {  	s7 =	sld [smem:$0x3F99]  }
0x1a: {  	s8 =	sadd.s32 $0xFFFFE003, lr  }
0x1b: {  	s9 =	sadd.s32 $0xFFFFFEF7, lr;
	s5 =	simm.s32 $0xFFFFFFFF;
	p2 =	slt.u32 s8, $0xFFFFF086  }
0x1c: {  	p1 =	slt.u32 s9, $0xF7A;
	s5 =	simm.s32 @!p2 $0x0  }
0x1d: {  	s5 =	simm.s32 @p1 $0x1;
	p0 =	seq.s32 s7, s2  }
0x1e: {  	s7 =	smul.u32 @!p0 $0xF7A, s2;
	p2 =	seq.s32 @!p0 s5, $0x0  }
0x1f: {  	s9 =	smul.u32 $0xF7A, s1;
	s8 =	simm.s32 @!p0 $0x1BF5;
	p2 =	por !p2, p0  }
0x20: {  	[sflag:s8] =	ssyncset.s32 @!p0 $0xFFFFF086;
	s6 =	sadd.s32 @!p0 s3, s7;
	s7 =	simm.s32 @!p0 $0x108  }
0x21: {  	s3 =	sadd.s32 s3, s9;
	s6 =	sadd.s32 @!p0 $0x88, s6;
	s7 =	simm.s32 @p2 $0x1082  }
0x22: {  	[simem:s7], [sflag:s8] =	dma.local @!p0 [hbm:s6], $0xF7A  }
0x23: {  	s9 =	sor.u32 $0xD0000000, s2;
	s6 =	simm.s32 $0x108;
	_ =	swait.ge @!p0 [sflag:s8], $0x0  }
0x24: {  	s3 =	sadd.s32 $0x88, s3;
	s6 =	simm.s32 @!p1 $0x1082;
	[sflag:s4] =	ssyncset.s32 $0xFFFFF086  }
0x25: {  	[simem:s6], [sflag:s4] =	dma.local [hbm:s3], $0xF7A  }
0x26: {  	[smem:$0x3F99] =	sst s1;
	(tag) =	ssettag s2;
	_ =	strace s9  }
0x27: {  	s1 =	sld [smem:$0x3FA9]  }
0x28: {  	s2 =	sld [smem:$0x3FAA]  }
0x29: {  	s4 =	sld [smem:$0x3FAC]  }
0x2a: {  	p0 =	seq.s32 s5, $0x0;
	s5 =	sld [smem:$0x3FAD]  }
0x2b: {  	s6 =	sld [smem:$0x3FAE]  }
0x2c: {  	s7 =	sld [smem:$0x3FAF]  }
0x2d: {  	s3 =	simm.s32 $0x108;
	s8 =	sld [smem:$0x3FB0]  }
0x2e: {  	s3 =	simm.s32 @!p0 $0x1082;
	s9 =	sld [smem:$0x3FB1]  }
0x2f: {  	lr =	sadd.s32 s0, s3;
	s0 =	sld [smem:$0x3FA8]  }
0x30: {  	s3 =	sld [smem:$0x3FAB]  }
0x31: {  	[smem:$0x3FB4] =	sst s10  }
0x32: {  	s10 =	sld [smem:$0x3FB2];
	_ =	sdelay $0x3  }
0x33: {  	p0 =	seq.s32 s10, $0x1;
	s10 =	sld [smem:$0x3FB4];
	_ =	sdelay $0x3  }
0x34: {  	[smem:$0x3FB4] =	sst s10  }
0x35: {  	s10 =	sld [smem:$0x3FB3];
	_ =	sdelay $0x3  }
0x36: {  	p1 =	seq.s32 s10, $0x1;
	s10 =	sld [smem:$0x3FB4];
	_ =	sdelay $0x3  }
0x37: {  	[smem:$0x3FB4] =	sst s10  }
0x38: {  	s10 =	sld [smem:$0x3FB5]  }
0x39: {  	_ = 	snop;
	(pc) =	sbr.ind lr, $3  }
0x3a: {  	_ = 	snop  }
0x3b: {  	_ = 	snop  }
0x3c: {  	p2 =	seq.s32 s10, $0x1;
	s10 =	sld [smem:$0x3FB4]  }
0x3d: {  	_ =	shalt  }
0x3e: {  	_ =	shalt  }
0x3f: {  	_ =	shalt  }
0x40: {  	_ =	shalt  }
0x41: {  	_ =	shalt  }
0x42: {  	_ =	shalt  }
0x43: {  	_ =	shalt  }
0x44: {  	_ =	shalt  }
0x45: {  	_ =	shalt  }
0x46: {  	_ =	shalt  }
0x47: {  	_ =	shalt  }
0x48: {  	_ =	shalt  }
0x49: {  	_ =	shalt  }
0x4a: {  	_ =	shalt  }
0x4b: {  	_ =	shalt  }
0x4c: {  	_ =	shalt  }
0x4d: {  	_ =	shalt  }
0x4e: {  	_ =	shalt  }
0x4f: {  	_ =	shalt  }
0x50: {  	_ =	shalt  }
0x51: {  	_ =	shalt  }
0x52: {  	_ =	shalt  }
0x53: {  	_ =	shalt  }
0x54: {  	_ =	shalt  }
0x55: {  	_ =	shalt  }
0x56: {  	_ =	shalt  }
0x57: {  	_ =	shalt  }
0x58: {  	_ =	shalt  }
0x59: {  	_ =	shalt  }
0x5a: {  	_ =	shalt  }
0x5b: {  	_ =	shalt  }
0x5c: {  	_ =	shalt  }
0x5d: {  	_ =	shalt  }
0x5e: {  	_ =	shalt  }
0x5f: {  	_ =	shalt  }
0x60: {  	_ =	shalt  }
0x61: {  	_ =	shalt  }
0x62: {  	_ =	shalt  }
0x63: {  	_ =	shalt  }
0x64: {  	_ =	shalt  }
0x65: {  	_ =	shalt  }
0x66: {  	_ =	shalt  }
0x67: {  	_ =	shalt  }
0x68: {  	_ =	shalt  }
0x69: {  	_ =	shalt  }
0x6a: {  	_ =	shalt  }
0x6b: {  	_ =	shalt  }
0x6c: {  	_ =	shalt  }
0x6d: {  	_ =	shalt  }
0x6e: {  	_ =	shalt  }
0x6f: {  	_ =	shalt  }
0x70: {  	_ =	shalt  }
0x71: {  	_ =	shalt  }
0x72: {  	_ =	shalt  }
0x73: {  	_ =	shalt  }
0x74: {  	_ =	shalt  }
0x75: {  	_ =	shalt  }
0x76: {  	_ =	shalt  }
0x77: {  	_ =	shalt  }
0x78: {  	_ =	shalt  }
0x79: {  	_ =	shalt  }
0x7a: {  	_ =	shalt  }
0x7b: {  	_ =	shalt  }
0x7c: {  	_ =	shalt  }
0x7d: {  	_ =	shalt  }
0x7e: {  	_ =	shalt  }
0x7f: {  	_ =	shalt  }
0x80: {  	_ =	shalt  }
0x81: {  	_ =	shalt  }
0x82: {  	_ =	shalt  }
0x83: {  	_ =	shalt  }
0x84: {  	_ =	shalt  }
0x85: {  	_ =	shalt  }
0x86: {  	_ =	shalt  }
0x87: {  	_ =	shalt  }
.Lfunc_end0:
.L_simem_size_0:
called_computation.8_lowered:
.L_overlay_start_0:
0x88: {  	s2 =	sld [smem:$0x3FD9]  }
0x89: {  	s3 =	sld [smem:$0x3FFE];
	_ =	sdelay $0x1  }
0x8a: {  	s1 =	srdreg.scid  }
0x8b: {  	s0 =	sand.u32 $0x1, s1  }
0x8c: {  	s17 =	sshll.u32 s0, $0xA;
	s2 =	sadd.s32 s3, s2  }
0x8d: {  	s2 =	sadd.s32 s2, s17  }
0x8e: {  	[smem:$0x3FC0] =	sst s2  }
0x8f: {  	_ = 	snop  }
0x90: {  	s2 =	sld [smem:$0x3FD0];
	(tm) =	ssettm $0x1  }
0x91: {  	s18 =	sld [smem:$0x3FFB];
	_ =	sdelay $0x3  }
0x92: {  	_ =	strace s18  }
0x93: {  	s3 =	sld [smem:$0x3FFC];
	_ =	sdelay $0x3  }
0x94: {  	_ =	strace s3  }
0x95: {  	s3 =	sld [smem:$0x3FFD];
	_ =	sdelay $0x3  }
0x96: {  	_ =	strace s3  }
0x97: {  	_ =	strace $0x8FFFFFFF  }
0x98: {  	s19 =	sld [smem:$0x3FDB];
	_ =	sdelay $0x1  }
0x99: {  	s4 =	simm.s32 $_scs_section_size  }
0x9a: {  	s5 =	simm.s32 $_size__tile_overlayer_lowered;
	s6 =	simm.s32 $_tile_overlayer_lowered  }
0x9b: {  	s22 =	simm.s32 $0x1BFF;
	s21 =	sshll.u32 s6, $0x1;
	s3 =	sadd.s32 s4, s19  }
0x9c: {  	s7 =	simm.s32 $0x0;
	s20 =	sshll.u32 s5, $0x1;
	s5 =	sadd.s32 s21, s3  }
0x9d: {  	[timem:s7], [sflag:s22] =	dma.local [hbm:s5], s20  }
0x9e: {  	_ =	swait.ge [sflag:s22], s20  }
0x9f: {  	s4 =	ssub.s32 $0x0, s20;
	[sflag:s22] =	ssyncset.done $0x0  }
0xa0: {  	[sflag:s22] =	ssyncadd.s32 s4;
	_ =	sdelay $0x1  }
0xa1: {  	s23 =	simm.s32 $0x1B8B  }
0xa2: {  	_ =	swait.ge [sflag:s23], $0x1  }
0xa3: {  	[sflag:s23] =	ssyncset.done $0x0  }
0xa4: {  	s25 =	simm.s32 $0x1B8E;
	s24 =	sld [smem:$0x3FFE];
	[sflag:s23] =	ssyncadd.s32 $0xFFFFFFFF  }
0xa5: {  	s26 =	simm.s32 $execute0_lowered;
	[smem:$0x3FD2] =	sst s25  }
0xa6: {  	s5 =	sshll.u32 s26, $0x1;
	_ =	strace $0x8000005E;
	[dreg:$0x1] =	wrdreg $0xFFFFFFFF  }
0xa7: {  	s28 =	simm.s32 $_size_execute0_lowered;
	s3 =	sadd.s32 s3, s5;
	[dreg:$0x0] =	wrdreg $0x0  }
0xa8: {  	s5 =	sshll.u32 s28, $0x1;
	[dreg:$0x2] =	wrdreg s3  }
0xa9: {  	[dreg:$0x3] =	wrdreg s5  }
0xaa: {  	[dreg:$0x4] =	wrdreg $0xC0  }
0xab: {  	_ =	task [dreg:s7], $0x5FFFF  }
0xac: {  	[dreg:$0x1] =	wrdreg $0xFFFFFFFF  }
0xad: {  	[dreg:$0x0] =	wrdreg $0x60  }
0xae: {  	[dreg:$0x2] =	wrdreg s2  }
0xaf: {  	[dreg:$0x3] =	wrdreg s24  }
0xb0: {  	[dreg:$0x4] =	wrdreg $0xC1800  }
0xb1: {  	[dreg:$0x5] =	wrdreg $0x9  }
0xb2: {  	_ =	task.clear_ibuf [dreg:s7], $0x6FFFF;
	_ =	strace $0x9000005E  }
0xb3: {  	s29 =	simm.s32 $0x9;
	_ =	strace $0x80000060  }
0xb4: {  	_ =	swait.ge [sflag:s29], $0x1  }
0xb5: {  	[sflag:s29] =	ssyncadd.s32 $0xFFFFFFFF  }
0xb6: {  	_ =	strace $0x90000060  }
0xb7: {  	_ =	sfence  }
0xb8: {  	s30 =	sld [smem:$0x0];
	_ =	sdelay $0x2  }
0xb9: {  	s31 =	sshll.u32 s1, $0xD;
	s1 =	sshrl.u32 s1, $0x2  }
0xba: {  	s3 =	sand.u32 $0x4000, s31;
	s1 =	sadd.s32 s1, s30  }
0xbb: {  	s0 =	sor.u32 s3, s0;
	s1 =	sshll.u32 s1, $0x11  }
0xbc: {  	s0 =	sor.u32 s1, s0  }
0xbd: {  	s0 =	sadd.s32 $0x8F2B, s0  }
0xbe: {  	[sflag:s0] =	ssyncadd.remote.s32 $0x1  }
0xbf: {  	_ =	sfence.sel $0xFFFF  }
0xc0: {  	[dreg:$0x0] =	wrdreg $0xFFFFFFFF;
	(pc) =	sbr.abs _section_cstart, $3  }
0xc1: {  	[dreg:$0x1] =	wrdreg $0xFFFFFFFF  }
0xc2: {  	_ =	task.clear_ibuf [dreg:s7], $0x2FFFF;
	_ =	strace $0x9FFFFFFF  }
0xc3: {  	(tm) =	ssettm $0x7FFFFFFF  }
tec
execute0_lowered:
.L_overlay_start_1:
0x0: {  	(tag) =	ssettag $0x1  }
0x1: {  	s1 =	rddreg [dreg:$0x0]  }
0x2: {  	s8 =	rddreg [dreg:$0x1]  }
0x3: {  	s3 =	rddreg [dreg:$0x2]  }
0x4: {  	s0 =	rddreg [dreg:$0x3]  }
0x5: {  	s5 =	srdreg.scid;
	s2 =	stileid.u32  }
0x6: {  	s4 =	simm.s32 $0x0;
	s13 =	simm.s32 $0x2;
	s14 =	simm.s32 $0x80  }
0x7: {  	s15 =	simm.s32 $0x100;
	s16 =	simm.s32 $0x180;
	s17 =	simm.s32 $0x1  }
0x8: {  	s9 =	sand.u32 $0x1, s5;
	s10 =	smul.u32 $0xA000, s2;
	[smem:$0x7FF] =	sst s4  }
0x9: {  	s5 =	sadd.s32 $0x11400, s8;
	s6 =	sadd.s32 $0x7600, s8;
	s7 =	smul.u32 $0xA0000, s9  }
0xa: {  	s18 =	sshll.u32 s2, $0x6;
	_ =	strace $0x8000005F;
	s12 =	ssub.s32 $0x2, s9  }
0xb: {  	s9 =	sshll.u32 s9, $0x4;
	s18 =	sor.u32 $0x1C02, s18;
	s11 =	sadd.s32 s10, s7  }
0xc: {  	s31 =	sshrl.u32 s12, $0x1;
	s9 =	sor.u32 s2, s9;
	s11 =	sshrl.u32 s11, $0x3  }
0xd: {  	s7 =	sadd.s32 $0x42400, s8;
	s12 =	ssub.s32 s12, s31;
	s11 =	sadd.s32 s11, s8  }
0xe: {  	s9 =	smul.u32 $0x2780, s9;
	s8 =	sadd.s32 s10, s3;
	s10 =	sadd.s32 $0x4C200, s11  }
0xf: {  	v0 =	vimm.f32 $0.0e+00;
	s11 =	smax.u32 s12, $0x1;
	s12 =	simm.s32 $0x2180;
	s19 =	sshrl.u32 s8, $0x3  }
.LBB2_1:
0x10: {  	s21 =	simm.s32 $0x100;
	s20 =	simm.s32 $0x0  }
.LBB2_2:
0x11: {  	p0 =	sne.s32 s21, $0x27F00;
	[tilespmem:s20+$0x21B0] =	vst v0;
	s22 =	smov.u32 s21;
	s21 =	sadd.s32 $0x100, s21  }
.Ltmp0:
0x12: {  	[tilespmem:s20+$0x21A0] =	vst v0;
	(pc) =	sbr.rel @p0 .LBB2_2-.Ltmp0, $3  }
0x13: {  	[tilespmem:s20+$0x2180] =	vst v0  }
0x14: {  	[tilespmem:s20+$0x2190] =	vst v0;
	_ =	sdelay $0x1  }
0x15: {  	s20 =	sshra.s32 s22, $0x2  }
0x16: {  	[tilespmem:s20+$0x21B0] =	vst v0  }
0x17: {  	[tilespmem:s20+$0x21A0] =	vst v0  }
0x18: {  	[tilespmem:s20+$0x2180] =	vst v0  }
0x19: {  	[tilespmem:s20+$0x2190] =	vst v0  }
0x1a: {  	[spmem:s8] =	stream.linear.scatter [tilespmem:s12], [sflag:$0x2], $0xA000, $0x38;
	[tilespmem:$0x16180] =	vst v63  }
0x1b: {  	_ =	swait.ge [sflag:s13], $0xA000  }
0x1c: {  	[sflag:s13] =	ssyncset.done $0x0  }
0x1d: {  	[sflag:s13] =	ssyncadd.s32 $0xFFFF6000  }
0x1e: {  	s20 =	simm.s32 $0x0;
	s21 =	simm.s32 $0x0;
	[bflag:$0x0] =	sbarrier.arrive $0xFFFF  }
.LBB2_4:
0x1f: {  	s22 =	sshll.u32 s21, $0x7  }
0x20: {  	s22 =	sadd.s32 s9, s22  }
0x21: {  	s22 =	sshrl.u32 s22, $0x3  }
0x22: {  	s23 =	sadd.s32 s5, s22  }
0x23: {  	[tilespmem:s20], [sflag:$0x2] =	stream.linear.gather [hbm4b:s23+s20], $0x80, $0x38;
	[tilespmem:$0x16180] =	vst v63  }
0x24: {  	_ =	swait.ge [sflag:s13], $0x80  }
0x25: {  	[sflag:s13] =	ssyncset.done $0x0  }
0x26: {  	s31 =	sadd.s32 s6, s22;
	[sflag:s13] =	ssyncadd.s32 $0xFFFFFF80  }
0x27: {  	[tilespmem:s14], [sflag:$0x2] =	stream.linear.gather [hbm4b:s31+s20], $0x80, $0x38;
	[tilespmem:$0x16180] =	vst v63  }
0x28: {  	_ =	swait.ge [sflag:s13], $0x80  }
0x29: {  	[sflag:s13] =	ssyncset.done $0x0  }
0x2a: {  	s22 =	sadd.s32 s7, s22;
	[sflag:s13] =	ssyncadd.s32 $0xFFFFFF80  }
0x2b: {  	[tilespmem:s15], [sflag:$0x2] =	stream.linear.gather [hbm4b:s22+s20], $0x80, $0x38;
	[tilespmem:$0x16180] =	vst v63  }
0x2c: {  	_ =	swait.ge [sflag:s13], $0x80  }
0x2d: {  	[sflag:s13] =	ssyncset.done $0x0  }
0x2e: {  	[sflag:s13] =	ssyncadd.s32 $0xFFFFFF80  }
0x2f: {  	[tilespmem:s16], [sflag:$0x1] =	stream.indirect.gather [hbm4b:s1+s14], $0x40, s20, s14, $0xb8;
	[tilespmem:$0x16180] =	vst v63  }
0x30: {  	v1 =	vmov s20;
	_ =	swait.ge [sflag:s17], $0x2000  }
0x31: {  	[sflag:s17] =	ssyncset.done $0x0  }
0x32: {  	s22 =	simm.s32 $0x1A0;
	[sflag:s17] =	ssyncadd.s32 $0xFFFFE000  }
0x33: {  	v3 =	vld [tilespmem:s22+$0xFFFFFFF0]  }
0x34: {  	v4 =	vld [tilespmem:s22+$0x10]  }
0x35: {  	v6 =	vld.idx.msk [tilespmem:v1+s15+$0x0], $0xffff  }
0x36: {  	v1 =	vld [tilespmem:s22+$0xFFFFFFE0]  }
0x37: {  	v7 =	vld [tilespmem:s22+$0x0];
	_ =	sdelay $0x3  }
0x38: {  	s24 =	simm.s32 $0x1;
	v2 =	vmul.f32 v1, v6;
	v5 =	vmul.f32 v4, v6  }
0x39: {  	s23 =	simm.s32 $0x2;
	v1 =	vmov s24;
	v4 =	vmul.f32 v3, v6;
	v3 =	vmul.f32 v7, v6;
	s24 =	simm.s32 $0x1A0  }
.LBB2_5:
0x3a: {  	p0 =	sne.s32 s23, $0x7F  }
0x3b: {  	[tilespmem:s22+$0x10] =	vst v5;
	s24 =	sadd.s32 $0x40, s24;
	s25 =	smov.u32 s23;
	s23 =	sadd.s32 $0x1, s23  }
0x3c: {  	[tilespmem:s22+$0xFFFFFFE0] =	vst v2  }
0x3d: {  	v6 =	vld [tilespmem:s24+$0xFFFFFFF0];
	[tilespmem:s22+$0xFFFFFFF0] =	vst v4  }
0x3e: {  	v4 =	vld [tilespmem:s24+$0x10];
	[tilespmem:s22+$0x0] =	vst v3;
	s22 =	smov.u32 s24  }
0x3f: {  	v3 =	vld.idx.msk [tilespmem:v1+s15+$0x0], $0xffff  }
0x40: {  	v1 =	vld [tilespmem:s24+$0xFFFFFFE0]  }
0x41: {  	v7 =	vld [tilespmem:s24+$0x0]  }
.Ltmp1:
0x42: {  	(pc) =	sbr.rel @p0 .LBB2_5-.Ltmp1, $3  }
0x43: {  	_ =	sdelay $0x1  }
0x44: {  	v5 =	vmul.f32 v4, v3;
	v2 =	vmul.f32 v1, v3  }
0x45: {  	v4 =	vmul.f32 v6, v3;
	v1 =	vmov s25;
	v3 =	vmul.f32 v7, v3  }
0x46: {  	[tilespmem:s22+$0x10] =	vst v5  }
0x47: {  	s23 =	sadd.s32 $0x40, s24;
	[tilespmem:s22+$0xFFFFFFE0] =	vst v2  }
0x48: {  	v2 =	vld [tilespmem:s23+$0xFFFFFFF0];
	[tilespmem:s22+$0xFFFFFFF0] =	vst v4  }
0x49: {  	v4 =	vld [tilespmem:s23+$0x10];
	[tilespmem:s22+$0x0] =	vst v3  }
0x4a: {  	v1 =	vld.idx.msk [tilespmem:v1+s15+$0x0], $0xffff  }
0x4b: {  	v3 =	vld [tilespmem:s23+$0xFFFFFFE0];
	_ =	sdelay $0x1  }
0x4c: {  	v5 =	vld [tilespmem:s23+$0x0];
	_ =	sdelay $0x1  }
0x4d: {  	v4 =	vmul.f32 v4, v1  }
0x4e: {  	v3 =	vmul.f32 v3, v1  }
0x4f: {  	v2 =	vmul.f32 v2, v1;
	[tilespmem:s23+$0x10] =	vst v4  }
0x50: {  	s21 =	sadd.s32 $0x1, s21;
	v1 =	vmul.f32 v5, v1;
	[tilespmem:s23+$0xFFFFFFE0] =	vst v3  }
0x51: {  	p0 =	sne.s32 s21, $0x4F;
	[tilespmem:s23+$0xFFFFFFF0] =	vst v2  }
.Ltmp2:
0x52: {  	[tilespmem:s23+$0x0] =	vst v1;
	(pc) =	sbr.rel @p0 .LBB2_4-.Ltmp2, $4  }
0x53: {  	[spmem:s3] =	stream.indirect.scatter.add.f32 [tilespmem:s16], [sflag:$0x2], $0x40, s14, s14, $0xb8;
	[tilespmem:$0x16180] =	vst v63  }
0x54: {  	_ =	swait.ge [sflag:s13], $0x2000  }
0x55: {  	[sflag:s13] =	ssyncset.done $0x0  }
0x56: {  	[sflag:s13] =	ssyncadd.s32 $0xFFFFE000  }
0x57: {  	s4 =	sadd.s32 $0x1, s4  }
0x58: {  	p0 =	sne.s32 s4, s11  }
.Ltmp3:
0x59: {  	[bflag:$0x0] =	sbarrier.arrive $0xFFFF;
	(pc) =	sbr.rel @p0 .LBB2_1-.Ltmp3, $4  }
0x5a: {  	[hbm:s10], [sflag:s18] =	dma.local [spmem:s19], $0x1400  }
0x5b: {  	_ =	swait.ge [sflag:s13], $0x1400  }
0x5c: {  	[sflag:s13] =	ssyncset.done $0x0  }
0x5d: {  	[sflag:s13] =	ssyncadd.s32 $0xFFFFEC00  }
0x5e: {  	_ =	sfence.sel $0x180000  }
0x5f: {  	[bflag:$0x0] =	sbarrier.arrive $0xFFFF  }
0x60: {  	p0 =	sne.s32 s2, $0x0;
	_ =	strace $0x9000005F  }
0x61: {  	s0 =	sadd.s32 @!p0 $0x100000, s0;
	[bflag:$0x2] =	sbarrier.arrive $0xFFFF  }
0x62: {  	[sflag:s0] =	ssyncadd.tile.s32 @!p0 $0x1;
	_ =	shalt  }
.Lfunc_end2:
_tile_overlayer_lowered:
.L_overlay_start_2:
0x63: {  	(tag) =	ssettag $0x2  }
0x64: {  	s0 =	rddreg [dreg:$0x0];
	s2 =	stileid.u32  }
0x65: {  	s1 =	rddreg [dreg:$0x1];
	p0 =	sne.s32 s2, $0x0  }
0x66: {  	s3 =	rddreg [dreg:$0x2];
	[bflag:$0x3] =	sbarrier.arrive $0xFFFF;
	s2 =	simm.s32 @!p0 $0x1C02  }
0x67: {  	[timem:s3], [sflag:s2] =	dma.local @!p0 [hbm:s0], s1  }
0x68: {  	s0 =	simm.s32 @!p0 $0x2  }
0x69: {  	_ =	swait.ge @!p0 [sflag:s0], s1  }
0x6a: {  	s1 =	ssub.s32 @!p0 $0x0, s1;
	[sflag:s0] =	ssyncset.done @!p0 $0x0  }
0x6b: {  	[sflag:s0] =	ssyncadd.s32 @!p0 s1  }
0x6c: {  	[bflag:$0x3] =	sbarrier.arrive $0xFFFF  }
0x6d: {  	_ =	shalt  }

// kernel: kernel.50.cloned.1.call-start
scs
__scs_entry_jumppad:
0x0: {  	(pc) =	sbr.rel $0x88, $3  }
0x1: {  	(tag) =	ssettag $0x0;
	lr =	simm.s32 $0x1  }
0x2: {  	[smem:$0x3F99] =	sst lr;
	_ =	strace $0xD0000000  }
0x3: {  	_ = 	snop  }
0x4: {  	_ = 	snop  }
0x5: {  	_ = 	snop  }
0x6: {  	_ = 	snop  }
0x7: {  	_ = 	snop  }
__scs_overlays_trampoline_lowered:
0x8: {  	[smem:$0x3FA8] =	sst s0  }
0x9: {  	[smem:$0x3FA9] =	sst s1  }
0xa: {  	[smem:$0x3FAA] =	sst s2  }
0xb: {  	[smem:$0x3FAB] =	sst s3  }
0xc: {  	[smem:$0x3FAC] =	sst s4  }
0xd: {  	[smem:$0x3FAD] =	sst s5  }
0xe: {  	[smem:$0x3FAE] =	sst s6  }
0xf: {  	[smem:$0x3FAF] =	sst s7  }
0x10: {  	[smem:$0x3FB0] =	sst s8  }
0x11: {  	[smem:$0x3FB1] =	sst s9;
	s0 =	simm.s32 @!p0 $0x0  }
0x12: {  	s1 =	sld [smem:$0x3F97];
	s0 =	simm.s32 @p0 $0x1  }
0x13: {  	[smem:$0x3FB2] =	sst s0;
	s0 =	simm.s32 @!p1 $0x0  }
0x14: {  	s2 =	sld [smem:$0x3F96];
	s0 =	simm.s32 @p1 $0x1  }
0x15: {  	[smem:$0x3FB3] =	sst s0;
	s0 =	simm.s32 @!p2 $0x0  }
0x16: {  	s3 =	sld [smem:$0x3FDB];
	s0 =	simm.s32 @p2 $0x1  }
0x17: {  	s4 =	simm.s32 $0x1BF5;
	[smem:$0x3FB5] =	sst s0  }
0x18: {  	s0 =	sld [smem:$0x3F98];
	_ =	swait.ge [sflag:s4], $0x0  }
0x19: {  	s7 =	sld [smem:$0x3F99]  }
0x1a: {  	s8 =	sadd.s32 $0xFFFFE003, lr  }
0x1b: {  	s9 =	sadd.s32 $0xFFFFFEF7, lr;
	s5 =	simm.s32 $0xFFFFFFFF;
	p2 =	slt.u32 s8, $0xFFFFF086  }
0x1c: {  	p1 =	slt.u32 s9, $0xF7A;
	s5 =	simm.s32 @!p2 $0x0  }
0x1d: {  	s5 =	simm.s32 @p1 $0x1;
	p0 =	seq.s32 s7, s2  }
0x1e: {  	s7 =	smul.u32 @!p0 $0xF7A, s2;
	p2 =	seq.s32 @!p0 s5, $0x0  }
0x1f: {  	s9 =	smul.u32 $0xF7A, s1;
	s8 =	simm.s32 @!p0 $0x1BF5;
	p2 =	por !p2, p0  }
0x20: {  	[sflag:s8] =	ssyncset.s32 @!p0 $0xFFFFF086;
	s6 =	sadd.s32 @!p0 s3, s7;
	s7 =	simm.s32 @!p0 $0x108  }
0x21: {  	s3 =	sadd.s32 s3, s9;
	s6 =	sadd.s32 @!p0 $0x88, s6;
	s7 =	simm.s32 @p2 $0x1082  }
0x22: {  	[simem:s7], [sflag:s8] =	dma.local @!p0 [hbm:s6], $0xF7A  }
0x23: {  	s9 =	sor.u32 $0xD0000000, s2;
	s6 =	simm.s32 $0x108;
	_ =	swait.ge @!p0 [sflag:s8], $0x0  }
0x24: {  	s3 =	sadd.s32 $0x88, s3;
	s6 =	simm.s32 @!p1 $0x1082;
	[sflag:s4] =	ssyncset.s32 $0xFFFFF086  }
0x25: {  	[simem:s6], [sflag:s4] =	dma.local [hbm:s3], $0xF7A  }
0x26: {  	[smem:$0x3F99] =	sst s1;
	(tag) =	ssettag s2;
	_ =	strace s9  }
0x27: {  	s1 =	sld [smem:$0x3FA9]  }
0x28: {  	s2 =	sld [smem:$0x3FAA]  }
0x29: {  	s4 =	sld [smem:$0x3FAC]  }
0x2a: {  	p0 =	seq.s32 s5, $0x0;
	s5 =	sld [smem:$0x3FAD]  }
0x2b: {  	s6 =	sld [smem:$0x3FAE]  }
0x2c: {  	s7 =	sld [smem:$0x3FAF]  }
0x2d: {  	s3 =	simm.s32 $0x108;
	s8 =	sld [smem:$0x3FB0]  }
0x2e: {  	s3 =	simm.s32 @!p0 $0x1082;
	s9 =	sld [smem:$0x3FB1]  }
0x2f: {  	lr =	sadd.s32 s0, s3;
	s0 =	sld [smem:$0x3FA8]  }
0x30: {  	s3 =	sld [smem:$0x3FAB]  }
0x31: {  	[smem:$0x3FB4] =	sst s10  }
0x32: {  	s10 =	sld [smem:$0x3FB2];
	_ =	sdelay $0x3  }
0x33: {  	p0 =	seq.s32 s10, $0x1;
	s10 =	sld [smem:$0x3FB4];
	_ =	sdelay $0x3  }
0x34: {  	[smem:$0x3FB4] =	sst s10  }
0x35: {  	s10 =	sld [smem:$0x3FB3];
	_ =	sdelay $0x3  }
0x36: {  	p1 =	seq.s32 s10, $0x1;
	s10 =	sld [smem:$0x3FB4];
	_ =	sdelay $0x3  }
0x37: {  	[smem:$0x3FB4] =	sst s10  }
0x38: {  	s10 =	sld [smem:$0x3FB5]  }
0x39: {  	_ = 	snop;
	(pc) =	sbr.ind lr, $3  }
0x3a: {  	_ = 	snop  }
0x3b: {  	_ = 	snop  }
0x3c: {  	p2 =	seq.s32 s10, $0x1;
	s10 =	sld [smem:$0x3FB4]  }
0x3d: {  	_ =	shalt  }
0x3e: {  	_ =	shalt  }
0x3f: {  	_ =	shalt  }
0x40: {  	_ =	shalt  }
0x41: {  	_ =	shalt  }
0x42: {  	_ =	shalt  }
0x43: {  	_ =	shalt  }
0x44: {  	_ =	shalt  }
0x45: {  	_ =	shalt  }
0x46: {  	_ =	shalt  }
0x47: {  	_ =	shalt  }
0x48: {  	_ =	shalt  }
0x49: {  	_ =	shalt  }
0x4a: {  	_ =	shalt  }
0x4b: {  	_ =	shalt  }
0x4c: {  	_ =	shalt  }
0x4d: {  	_ =	shalt  }
0x4e: {  	_ =	shalt  }
0x4f: {  	_ =	shalt  }
0x50: {  	_ =	shalt  }
0x51: {  	_ =	shalt  }
0x52: {  	_ =	shalt  }
0x53: {  	_ =	shalt  }
0x54: {  	_ =	shalt  }
0x55: {  	_ =	shalt  }
0x56: {  	_ =	shalt  }
0x57: {  	_ =	shalt  }
0x58: {  	_ =	shalt  }
0x59: {  	_ =	shalt  }
0x5a: {  	_ =	shalt  }
0x5b: {  	_ =	shalt  }
0x5c: {  	_ =	shalt  }
0x5d: {  	_ =	shalt  }
0x5e: {  	_ =	shalt  }
0x5f: {  	_ =	shalt  }
0x60: {  	_ =	shalt  }
0x61: {  	_ =	shalt  }
0x62: {  	_ =	shalt  }
0x63: {  	_ =	shalt  }
0x64: {  	_ =	shalt  }
0x65: {  	_ =	shalt  }
0x66: {  	_ =	shalt  }
0x67: {  	_ =	shalt  }
0x68: {  	_ =	shalt  }
0x69: {  	_ =	shalt  }
0x6a: {  	_ =	shalt  }
0x6b: {  	_ =	shalt  }
0x6c: {  	_ =	shalt  }
0x6d: {  	_ =	shalt  }
0x6e: {  	_ =	shalt  }
0x6f: {  	_ =	shalt  }
0x70: {  	_ =	shalt  }
0x71: {  	_ =	shalt  }
0x72: {  	_ =	shalt  }
0x73: {  	_ =	shalt  }
0x74: {  	_ =	shalt  }
0x75: {  	_ =	shalt  }
0x76: {  	_ =	shalt  }
0x77: {  	_ =	shalt  }
0x78: {  	_ =	shalt  }
0x79: {  	_ =	shalt  }
0x7a: {  	_ =	shalt  }
0x7b: {  	_ =	shalt  }
0x7c: {  	_ =	shalt  }
0x7d: {  	_ =	shalt  }
0x7e: {  	_ =	shalt  }
0x7f: {  	_ =	shalt  }
0x80: {  	_ =	shalt  }
0x81: {  	_ =	shalt  }
0x82: {  	_ =	shalt  }
0x83: {  	_ =	shalt  }
0x84: {  	_ =	shalt  }
0x85: {  	_ =	shalt  }
0x86: {  	_ =	shalt  }
0x87: {  	_ =	shalt  }
.Lfunc_end0:
.L_simem_size_0:
called_computation.9_lowered:
.L_overlay_start_0:
0x88: {  	s2 =	sld [smem:$0x3FD9]  }
0x89: {  	s3 =	sld [smem:$0x3FFE];
	_ =	sdelay $0x1  }
0x8a: {  	s1 =	srdreg.scid  }
0x8b: {  	s0 =	sand.u32 $0x1, s1  }
0x8c: {  	s17 =	sshll.u32 s0, $0xA;
	s2 =	sadd.s32 s3, s2  }
0x8d: {  	s2 =	sadd.s32 s2, s17  }
0x8e: {  	[smem:$0x3FC0] =	sst s2  }
0x8f: {  	_ = 	snop  }
0x90: {  	s2 =	sld [smem:$0x3FD0];
	(tm) =	ssettm $0x1  }
0x91: {  	s18 =	sld [smem:$0x3FFB];
	_ =	sdelay $0x3  }
0x92: {  	_ =	strace s18  }
0x93: {  	s3 =	sld [smem:$0x3FFC];
	_ =	sdelay $0x3  }
0x94: {  	_ =	strace s3  }
0x95: {  	s3 =	sld [smem:$0x3FFD];
	_ =	sdelay $0x3  }
0x96: {  	_ =	strace s3  }
0x97: {  	_ =	strace $0x8FFFFFFF  }
0x98: {  	s19 =	sld [smem:$0x3FDB];
	_ =	sdelay $0x1  }
0x99: {  	s4 =	simm.s32 $_scs_section_size  }
0x9a: {  	s5 =	simm.s32 $_size__tile_overlayer_lowered;
	s6 =	simm.s32 $_tile_overlayer_lowered  }
0x9b: {  	s22 =	simm.s32 $0x1BFF;
	s21 =	sshll.u32 s6, $0x1;
	s3 =	sadd.s32 s4, s19  }
0x9c: {  	s7 =	simm.s32 $0x0;
	s20 =	sshll.u32 s5, $0x1;
	s5 =	sadd.s32 s21, s3  }
0x9d: {  	[timem:s7], [sflag:s22] =	dma.local [hbm:s5], s20  }
0x9e: {  	_ =	swait.ge [sflag:s22], s20  }
0x9f: {  	s4 =	ssub.s32 $0x0, s20;
	[sflag:s22] =	ssyncset.done $0x0  }
0xa0: {  	[sflag:s22] =	ssyncadd.s32 s4;
	_ =	sdelay $0x1  }
0xa1: {  	s23 =	simm.s32 $0x1B8B  }
0xa2: {  	_ =	swait.ge [sflag:s23], $0x1  }
0xa3: {  	[sflag:s23] =	ssyncset.done $0x0  }
0xa4: {  	s25 =	simm.s32 $0x1B8E;
	s24 =	sld [smem:$0x3FFE];
	[sflag:s23] =	ssyncadd.s32 $0xFFFFFFFF  }
0xa5: {  	s26 =	simm.s32 $execute0_lowered;
	[smem:$0x3FD2] =	sst s25  }
0xa6: {  	s5 =	sshll.u32 s26, $0x1;
	_ =	strace $0x80000061;
	[dreg:$0x1] =	wrdreg $0xFFFFFFFF  }
0xa7: {  	s28 =	simm.s32 $_size_execute0_lowered;
	s3 =	sadd.s32 s3, s5;
	[dreg:$0x0] =	wrdreg $0x0  }
0xa8: {  	s5 =	sshll.u32 s28, $0x1;
	[dreg:$0x2] =	wrdreg s3  }
0xa9: {  	[dreg:$0x3] =	wrdreg s5  }
0xaa: {  	[dreg:$0x4] =	wrdreg $0xC0  }
0xab: {  	_ =	task [dreg:s7], $0x5FFFF  }
0xac: {  	[dreg:$0x1] =	wrdreg $0xFFFFFFFF  }
0xad: {  	[dreg:$0x0] =	wrdreg $0x60  }
0xae: {  	[dreg:$0x2] =	wrdreg s2  }
0xaf: {  	[dreg:$0x3] =	wrdreg s24  }
0xb0: {  	[dreg:$0x4] =	wrdreg $0xC1800  }
0xb1: {  	[dreg:$0x5] =	wrdreg $0x9  }
0xb2: {  	_ =	task.clear_ibuf [dreg:s7], $0x6FFFF;
	_ =	strace $0x90000061  }
0xb3: {  	s29 =	simm.s32 $0x9;
	_ =	strace $0x80000063  }
0xb4: {  	_ =	swait.ge [sflag:s29], $0x1  }
0xb5: {  	[sflag:s29] =	ssyncadd.s32 $0xFFFFFFFF  }
0xb6: {  	_ =	strace $0x90000063  }
0xb7: {  	_ =	sfence  }
0xb8: {  	s30 =	sld [smem:$0x0];
	_ =	sdelay $0x2  }
0xb9: {  	s31 =	sshll.u32 s1, $0xD;
	s1 =	sshrl.u32 s1, $0x2  }
0xba: {  	s3 =	sand.u32 $0x4000, s31;
	s1 =	sadd.s32 s1, s30  }
0xbb: {  	s0 =	sor.u32 s3, s0;
	s1 =	sshll.u32 s1, $0x11  }
0xbc: {  	s0 =	sor.u32 s1, s0  }
0xbd: {  	s0 =	sadd.s32 $0x8F2B, s0  }
0xbe: {  	[sflag:s0] =	ssyncadd.remote.s32 $0x1  }
0xbf: {  	_ =	sfence.sel $0xFFFF  }
0xc0: {  	[dreg:$0x0] =	wrdreg $0xFFFFFFFF;
	(pc) =	sbr.abs _section_cstart, $3  }
0xc1: {  	[dreg:$0x1] =	wrdreg $0xFFFFFFFF  }
0xc2: {  	_ =	task.clear_ibuf [dreg:s7], $0x2FFFF;
	_ =	strace $0x9FFFFFFF  }
0xc3: {  	(tm) =	ssettm $0x7FFFFFFF  }
tec
execute0_lowered:
.L_overlay_start_1:
0x0: {  	(tag) =	ssettag $0x1  }
0x1: {  	s1 =	rddreg [dreg:$0x0]  }
0x2: {  	s8 =	rddreg [dreg:$0x1]  }
0x3: {  	s3 =	rddreg [dreg:$0x2]  }
0x4: {  	s0 =	rddreg [dreg:$0x3]  }
0x5: {  	s5 =	srdreg.scid;
	s2 =	stileid.u32  }
0x6: {  	s4 =	simm.s32 $0x0;
	s13 =	simm.s32 $0x2;
	s14 =	simm.s32 $0x80  }
0x7: {  	s15 =	simm.s32 $0x100;
	s16 =	simm.s32 $0x180;
	s17 =	simm.s32 $0x1  }
0x8: {  	s9 =	sand.u32 $0x1, s5;
	s10 =	smul.u32 $0xA000, s2;
	[smem:$0x7FF] =	sst s4  }
0x9: {  	s5 =	sadd.s32 $0x11400, s8;
	s6 =	sadd.s32 $0x7600, s8;
	s7 =	smul.u32 $0xA0000, s9  }
0xa: {  	s18 =	sshll.u32 s2, $0x6;
	_ =	strace $0x80000062;
	s12 =	ssub.s32 $0x2, s9  }
0xb: {  	s9 =	sshll.u32 s9, $0x4;
	s18 =	sor.u32 $0x1C02, s18;
	s11 =	sadd.s32 s10, s7  }
0xc: {  	s31 =	sshrl.u32 s12, $0x1;
	s9 =	sor.u32 s2, s9;
	s11 =	sshrl.u32 s11, $0x3  }
0xd: {  	s7 =	sadd.s32 $0x42400, s8;
	s12 =	ssub.s32 s12, s31;
	s11 =	sadd.s32 s11, s8  }
0xe: {  	s9 =	smul.u32 $0x2780, s9;
	s8 =	sadd.s32 s10, s3;
	s10 =	sadd.s32 $0x4C200, s11  }
0xf: {  	v0 =	vimm.f32 $0.0e+00;
	s11 =	smax.u32 s12, $0x1;
	s12 =	simm.s32 $0x2180;
	s19 =	sshrl.u32 s8, $0x3  }
.LBB2_1:
0x10: {  	s21 =	simm.s32 $0x100;
	s20 =	simm.s32 $0x0  }
.LBB2_2:
0x11: {  	p0 =	sne.s32 s21, $0x27F00;
	[tilespmem:s20+$0x21B0] =	vst v0;
	s22 =	smov.u32 s21;
	s21 =	sadd.s32 $0x100, s21  }
.Ltmp0:
0x12: {  	[tilespmem:s20+$0x21A0] =	vst v0;
	(pc) =	sbr.rel @p0 .LBB2_2-.Ltmp0, $3  }
0x13: {  	[tilespmem:s20+$0x2180] =	vst v0  }
0x14: {  	[tilespmem:s20+$0x2190] =	vst v0;
	_ =	sdelay $0x1  }
0x15: {  	s20 =	sshra.s32 s22, $0x2  }
0x16: {  	[tilespmem:s20+$0x21B0] =	vst v0  }
0x17: {  	[tilespmem:s20+$0x21A0] =	vst v0  }
0x18: {  	[tilespmem:s20+$0x2180] =	vst v0  }
0x19: {  	[tilespmem:s20+$0x2190] =	vst v0  }
0x1a: {  	[spmem:s8] =	stream.linear.scatter [tilespmem:s12], [sflag:$0x2], $0xA000, $0x38;
	[tilespmem:$0x16180] =	vst v63  }
0x1b: {  	_ =	swait.ge [sflag:s13], $0xA000  }
0x1c: {  	[sflag:s13] =	ssyncset.done $0x0  }
0x1d: {  	[sflag:s13] =	ssyncadd.s32 $0xFFFF6000  }
0x1e: {  	s20 =	simm.s32 $0x0;
	s21 =	simm.s32 $0x0;
	[bflag:$0x0] =	sbarrier.arrive $0xFFFF  }
.LBB2_4:
0x1f: {  	s22 =	sshll.u32 s21, $0x7  }
0x20: {  	s22 =	sadd.s32 s9, s22  }
0x21: {  	s22 =	sshrl.u32 s22, $0x3  }
0x22: {  	s23 =	sadd.s32 s5, s22  }
0x23: {  	[tilespmem:s20], [sflag:$0x2] =	stream.linear.gather [hbm4b:s23+s20], $0x80, $0x38;
	[tilespmem:$0x16180] =	vst v63  }
0x24: {  	_ =	swait.ge [sflag:s13], $0x80  }
0x25: {  	[sflag:s13] =	ssyncset.done $0x0  }
0x26: {  	s31 =	sadd.s32 s6, s22;
	[sflag:s13] =	ssyncadd.s32 $0xFFFFFF80  }
0x27: {  	[tilespmem:s14], [sflag:$0x2] =	stream.linear.gather [hbm4b:s31+s20], $0x80, $0x38;
	[tilespmem:$0x16180] =	vst v63  }
0x28: {  	_ =	swait.ge [sflag:s13], $0x80  }
0x29: {  	[sflag:s13] =	ssyncset.done $0x0  }
0x2a: {  	s22 =	sadd.s32 s7, s22;
	[sflag:s13] =	ssyncadd.s32 $0xFFFFFF80  }
0x2b: {  	[tilespmem:s15], [sflag:$0x2] =	stream.linear.gather [hbm4b:s22+s20], $0x80, $0x38;
	[tilespmem:$0x16180] =	vst v63  }
0x2c: {  	_ =	swait.ge [sflag:s13], $0x80  }
0x2d: {  	[sflag:s13] =	ssyncset.done $0x0  }
0x2e: {  	[sflag:s13] =	ssyncadd.s32 $0xFFFFFF80  }
0x2f: {  	[tilespmem:s16], [sflag:$0x1] =	stream.indirect.gather [hbm4b:s1+s14], $0x40, s20, s14, $0xb8;
	[tilespmem:$0x16180] =	vst v63  }
0x30: {  	v1 =	vmov s20;
	_ =	swait.ge [sflag:s17], $0x2000  }
0x31: {  	[sflag:s17] =	ssyncset.done $0x0  }
0x32: {  	s22 =	simm.s32 $0x1A0;
	[sflag:s17] =	ssyncadd.s32 $0xFFFFE000  }
0x33: {  	v3 =	vld [tilespmem:s22+$0xFFFFFFF0]  }
0x34: {  	v4 =	vld [tilespmem:s22+$0x10]  }
0x35: {  	v6 =	vld.idx.msk [tilespmem:v1+s15+$0x0], $0xffff  }
0x36: {  	v1 =	vld [tilespmem:s22+$0xFFFFFFE0]  }
0x37: {  	v7 =	vld [tilespmem:s22+$0x0];
	_ =	sdelay $0x3  }
0x38: {  	s24 =	simm.s32 $0x1;
	v2 =	vmul.f32 v1, v6;
	v5 =	vmul.f32 v4, v6  }
0x39: {  	s23 =	simm.s32 $0x2;
	v1 =	vmov s24;
	v4 =	vmul.f32 v3, v6;
	v3 =	vmul.f32 v7, v6;
	s24 =	simm.s32 $0x1A0  }
.LBB2_5:
0x3a: {  	p0 =	sne.s32 s23, $0x7F  }
0x3b: {  	[tilespmem:s22+$0x10] =	vst v5;
	s24 =	sadd.s32 $0x40, s24;
	s25 =	smov.u32 s23;
	s23 =	sadd.s32 $0x1, s23  }
0x3c: {  	[tilespmem:s22+$0xFFFFFFE0] =	vst v2  }
0x3d: {  	v6 =	vld [tilespmem:s24+$0xFFFFFFF0];
	[tilespmem:s22+$0xFFFFFFF0] =	vst v4  }
0x3e: {  	v4 =	vld [tilespmem:s24+$0x10];
	[tilespmem:s22+$0x0] =	vst v3;
	s22 =	smov.u32 s24  }
0x3f: {  	v3 =	vld.idx.msk [tilespmem:v1+s15+$0x0], $0xffff  }
0x40: {  	v1 =	vld [tilespmem:s24+$0xFFFFFFE0]  }
0x41: {  	v7 =	vld [tilespmem:s24+$0x0]  }
.Ltmp1:
0x42: {  	(pc) =	sbr.rel @p0 .LBB2_5-.Ltmp1, $3  }
0x43: {  	_ =	sdelay $0x1  }
0x44: {  	v5 =	vmul.f32 v4, v3;
	v2 =	vmul.f32 v1, v3  }
0x45: {  	v4 =	vmul.f32 v6, v3;
	v1 =	vmov s25;
	v3 =	vmul.f32 v7, v3  }
0x46: {  	[tilespmem:s22+$0x10] =	vst v5  }
0x47: {  	s23 =	sadd.s32 $0x40, s24;
	[tilespmem:s22+$0xFFFFFFE0] =	vst v2  }
0x48: {  	v2 =	vld [tilespmem:s23+$0xFFFFFFF0];
	[tilespmem:s22+$0xFFFFFFF0] =	vst v4  }
0x49: {  	v4 =	vld [tilespmem:s23+$0x10];
	[tilespmem:s22+$0x0] =	vst v3  }
0x4a: {  	v1 =	vld.idx.msk [tilespmem:v1+s15+$0x0], $0xffff  }
0x4b: {  	v3 =	vld [tilespmem:s23+$0xFFFFFFE0];
	_ =	sdelay $0x1  }
0x4c: {  	v5 =	vld [tilespmem:s23+$0x0];
	_ =	sdelay $0x1  }
0x4d: {  	v4 =	vmul.f32 v4, v1  }
0x4e: {  	v3 =	vmul.f32 v3, v1  }
0x4f: {  	v2 =	vmul.f32 v2, v1;
	[tilespmem:s23+$0x10] =	vst v4  }
0x50: {  	s21 =	sadd.s32 $0x1, s21;
	v1 =	vmul.f32 v5, v1;
	[tilespmem:s23+$0xFFFFFFE0] =	vst v3  }
0x51: {  	p0 =	sne.s32 s21, $0x4F;
	[tilespmem:s23+$0xFFFFFFF0] =	vst v2  }
.Ltmp2:
0x52: {  	[tilespmem:s23+$0x0] =	vst v1;
	(pc) =	sbr.rel @p0 .LBB2_4-.Ltmp2, $4  }
0x53: {  	[spmem:s3] =	stream.indirect.scatter.add.f32 [tilespmem:s16], [sflag:$0x2], $0x40, s14, s14, $0xb8;
	[tilespmem:$0x16180] =	vst v63  }
0x54: {  	_ =	swait.ge [sflag:s13], $0x2000  }
0x55: {  	[sflag:s13] =	ssyncset.done $0x0  }
0x56: {  	[sflag:s13] =	ssyncadd.s32 $0xFFFFE000  }
0x57: {  	s4 =	sadd.s32 $0x1, s4  }
0x58: {  	p0 =	sne.s32 s4, s11  }
.Ltmp3:
0x59: {  	[bflag:$0x0] =	sbarrier.arrive $0xFFFF;
	(pc) =	sbr.rel @p0 .LBB2_1-.Ltmp3, $4  }
0x5a: {  	[hbm:s10], [sflag:s18] =	dma.local [spmem:s19], $0x1400  }
0x5b: {  	_ =	swait.ge [sflag:s13], $0x1400  }
0x5c: {  	[sflag:s13] =	ssyncset.done $0x0  }
0x5d: {  	[sflag:s13] =	ssyncadd.s32 $0xFFFFEC00  }
0x5e: {  	_ =	sfence.sel $0x180000  }
0x5f: {  	[bflag:$0x0] =	sbarrier.arrive $0xFFFF  }
0x60: {  	p0 =	sne.s32 s2, $0x0;
	_ =	strace $0x90000062  }
0x61: {  	s0 =	sadd.s32 @!p0 $0x100000, s0;
	[bflag:$0x2] =	sbarrier.arrive $0xFFFF  }
0x62: {  	[sflag:s0] =	ssyncadd.tile.s32 @!p0 $0x1;
	_ =	shalt  }
.Lfunc_end2:
_tile_overlayer_lowered:
.L_overlay_start_2:
0x63: {  	(tag) =	ssettag $0x2  }
0x64: {  	s0 =	rddreg [dreg:$0x0];
	s2 =	stileid.u32  }
0x65: {  	s1 =	rddreg [dreg:$0x1];
	p0 =	sne.s32 s2, $0x0  }
0x66: {  	s3 =	rddreg [dreg:$0x2];
	[bflag:$0x3] =	sbarrier.arrive $0xFFFF;
	s2 =	simm.s32 @!p0 $0x1C02  }
0x67: {  	[timem:s3], [sflag:s2] =	dma.local @!p0 [hbm:s0], s1  }
0x68: {  	s0 =	simm.s32 @!p0 $0x2  }
0x69: {  	_ =	swait.ge @!p0 [sflag:s0], s1  }
0x6a: {  	s1 =	ssub.s32 @!p0 $0x0, s1;
	[sflag:s0] =	ssyncset.done @!p0 $0x0  }
0x6b: {  	[sflag:s0] =	ssyncadd.s32 @!p0 s1  }
0x6c: {  	[bflag:$0x3] =	sbarrier.arrive $0xFFFF  }
0x6d: {  	_ =	shalt  }

</sc_bundles>
